<compile_context>
chip_gen: v7x
topology: tpu7x:2x2x1
jax: 0.10.2.dev20260603
libtpu: 0.0.44.dev20260713+nightly
codegen_flags: <defaults>
</compile_context>

<pallas_src>
import functools

import jax
import jax.numpy as jnp
from jax import lax
from jax.experimental import pallas as pl
from jax.experimental.pallas import tpu as pltpu
from jax.experimental.pallas import tpu_sc as plsc

B, N, M, C, K, F = 4, 8192, 2048, 128, 32, 128
H = F // 2
MB = 128
NSC = 32
APB = M // NSC
NB1 = 256
NCAND = N + 32
def _pcnt(mask):
    return jnp.max(plsc.all_reduce_population_count(mask))


def _cstore(buf, base, vals, mask):
    c = plsc.cumsum(jnp.where(mask, 1, 0))
    plsc.store_scatter(buf, [base + c - 1], vals, mask=mask)


def _bf16r(x):
    u = plsc.bitcast(x, jnp.int32)
    r = u + 0x7FFF + (lax.shift_right_logical(u, 16) & 1)
    return plsc.bitcast(r & jnp.int32(-65536), jnp.float32)


def _monomap(d2v):
    u = plsc.bitcast(d2v, jnp.int32)
    return u ^ ((u >> 31) | jnp.int32(-2147483648))


def _sc_body(cxa, cya, cza, axa, aya, aza, feat2, kfeat_out, delta_out, mx_out,
             cx, cy, cz, cxb, cyb, czb, c2r, axr, ayr, azr, ubuf, hist, sel,
             gsel, cai, cbi, dbuf, rows, m2buf, sem):
    lane = lax.iota(jnp.int32, 16)
    zeros16 = jnp.zeros((16,), jnp.int32)
    ones16 = jnp.ones((16,), jnp.int32)
    wid = lax.axis_index("s") * 2 + lax.axis_index("c")

    def batch_body(b, _):
        pltpu.sync_copy(cxa.at[pl.ds(b * N, N)], cx)
        pltpu.sync_copy(cya.at[pl.ds(b * N, N)], cy)
        pltpu.sync_copy(cza.at[pl.ds(b * N, N)], cz)
        abase = b * M + wid * APB
        pltpu.sync_copy(axa.at[pl.ds(abase, APB)], axr)
        pltpu.sync_copy(aya.at[pl.ds(abase, APB)], ayr)
        pltpu.sync_copy(aza.at[pl.ds(abase, APB)], azr)

        def prep(j, _c):
            for s in range(2):
                off = j * 32 + s * 16
                x = cx[pl.ds(off, 16)]
                y = cy[pl.ds(off, 16)]
                z = cz[pl.ds(off, 16)]
                c2r[pl.ds(off, 16)] = x * x + y * y + z * z
                cxb[pl.ds(off, 16)] = _bf16r(x)
                cyb[pl.ds(off, 16)] = _bf16r(y)
                czb[pl.ds(off, 16)] = _bf16r(z)
            return 0
        lax.fori_loop(0, N // 32, prep, 0)

        def anchor_body(a, m2acc):
            av = jnp.full((16,), a, jnp.int32)
            axv = plsc.load_gather(axr, [av])
            ayv = plsc.load_gather(ayr, [av])
            azv = plsc.load_gather(azr, [av])
            a2v = axv * axv + ayv * ayv + azv * azv
            axb = _bf16r(axv)
            ayb = _bf16r(ayv)
            azb = _bf16r(azv)

            def clr(i, _c):
                hist[pl.ds(i * 16, 16)] = zeros16
                return 0
            lax.fori_loop(0, NB1, clr, 0)

            def pa(j, _c):
                for s in range(4):
                    off = j * 64 + s * 16
                    e = (cxb[pl.ds(off, 16)] * axb
                         + cyb[pl.ds(off, 16)] * ayb
                         + czb[pl.ds(off, 16)] * azb)
                    d2v = (a2v + c2r[pl.ds(off, 16)]) - 2.0 * e
                    u = _monomap(d2v)
                    ubuf[pl.ds(off, 16)] = u
                    slot = lax.shift_right_logical(u, 24) * 16 + lane
                    plsc.addupdate_scatter(hist, [slot], ones16)
                return 0
            lax.fori_loop(0, N // 64, pa, 0)

            def grp(g, st):
                t_acc, carry = st
                bidx = (jnp.full((16,), g * 16, jnp.int32) + lane) * 16
                tot = zeros16
                for l in range(16):
                    tot = tot + plsc.load_gather(hist, [bidx + l])
                cum = plsc.cumsum(tot) + carry
                t_acc = t_acc + jnp.sum(jnp.where(cum < 32, 1, 0))
                return (t_acc, jnp.max(cum))
            t, _tot = lax.fori_loop(0, NB1 // 16, grp,
                                    (jnp.int32(0), jnp.int32(0)))

            def pc(j, st):
                ps, pc2 = st
                for s in range(2):
                    off = j * 32 + s * 16
                    u = ubuf[pl.ds(off, 16)]
                    bkt = lax.shift_right_logical(u, 24)
                    idxv = jnp.full((16,), off, jnp.int32) + lane
                    m_lt = bkt < t
                    m_eq = bkt == t
                    _cstore(sel, ps, idxv, m_lt)
                    ps = ps + _pcnt(m_lt)
                    _cstore(cai, pc2, idxv, m_eq)
                    pc2 = pc2 + _pcnt(m_eq)
                return (ps, pc2)
            p_sel, nc = lax.fori_loop(0, N // 32, pc,
                                      (jnp.int32(0), jnp.int32(0)))
            need = 32 - p_sel

            def digit_pass(shift, si, di, p_sel, nc, need):
                for i in range(16):
                    hist[pl.ds(i * 16, 16)] = zeros16

                def ph(j, _c):
                    off = j * 16
                    valid = (jnp.full((16,), off, jnp.int32) + lane) < nc
                    iv = jnp.where(valid, si[pl.ds(off, 16)], zeros16)
                    u = plsc.load_gather(ubuf, [iv])
                    d = lax.shift_right_logical(u, shift) & 0xF
                    plsc.addupdate_scatter(hist, [d * 16 + lane], ones16,
                                           mask=valid)
                    return 0
                trips = (nc + 15) // 16
                lax.fori_loop(0, trips, ph, 0)

                tot = zeros16
                for l in range(16):
                    tot = tot + plsc.load_gather(hist, [lane * 16 + l])
                cum = plsc.cumsum(tot)
                ltm = cum < need
                tb = jnp.sum(jnp.where(ltm, 1, 0))
                n_below = jnp.max(jnp.where(ltm, cum, 0))

                def pcm(j, st):
                    ps, pc2 = st
                    off = j * 16
                    valid = (jnp.full((16,), off, jnp.int32) + lane) < nc
                    iv = jnp.where(valid, si[pl.ds(off, 16)], zeros16)
                    u = plsc.load_gather(ubuf, [iv])
                    d = lax.shift_right_logical(u, shift) & 0xF
                    m_lt = (d < tb) & valid
                    m_eq = (d == tb) & valid
                    _cstore(sel, ps, iv, m_lt)
                    ps = ps + _pcnt(m_lt)
                    _cstore(di, pc2, iv, m_eq)
                    pc2 = pc2 + _pcnt(m_eq)
                    return (ps, pc2)
                p_sel, nc2 = lax.fori_loop(0, trips, pcm, (p_sel, jnp.int32(0)))
                return p_sel, nc2, need - n_below

            p_sel, nc, need = digit_pass(20, cai, cbi, p_sel, nc, need)
            p_sel, nc, need = digit_pass(16, cbi, cai, p_sel, nc, need)
            p_sel, nc, need = digit_pass(12, cai, cbi, p_sel, nc, need)
            p_sel, nc, need = digit_pass(8, cbi, cai, p_sel, nc, need)
            p_sel, nc, need = digit_pass(4, cai, cbi, p_sel, nc, need)
            p_sel, nc, need = digit_pass(0, cbi, cai, p_sel, nc, need)

            def fin(j, ps):
                off = j * 16
                iv = cai[pl.ds(off, 16)]
                m = (jnp.full((16,), off, jnp.int32) + lane) < need
                _cstore(sel, ps, iv, m)
                return ps + _pcnt(m)
            p_sel = lax.fori_loop(0, (need + 15) // 16, fin, p_sel)

            bN = b * N
            s0 = sel[pl.ds(0, 16)]
            s1 = sel[pl.ds(16, 16)]
            mglob = wid * APB + a
            row0 = (b * M + mglob) * K
            gsel[pl.ds(0, 16)] = s0 + bN
            gsel[pl.ds(16, 16)] = s1 + bN
            cp = pltpu.async_copy(feat2.at[gsel], rows, sem)
            for h, iv in ((0, s0), (1, s1)):
                gx = plsc.load_gather(cx, [iv])
                gy = plsc.load_gather(cy, [iv])
                gz = plsc.load_gather(cz, [iv])
                dx = gx - axv
                dy = gy - ayv
                dz = gz - azv
                m2acc = jnp.maximum(m2acc, dx * dx + dy * dy + dz * dz)
                pos = (lane + h * 16) * 3
                plsc.store_scatter(dbuf, [pos], dx)
                plsc.store_scatter(dbuf, [pos + 1], dy)
                plsc.store_scatter(dbuf, [pos + 2], dz)
            cp.wait()
            pltpu.sync_copy(rows, kfeat_out.at[pl.ds(row0, K)])
            pltpu.sync_copy(dbuf, delta_out.at[pl.ds((b * M + mglob) * 3 * K, 3 * K)])
            return m2acc

        m2 = lax.fori_loop(0, APB, anchor_body, jnp.zeros((16,), jnp.float32))
        m2buf[...] = m2
        pltpu.sync_copy(m2buf, mx_out.at[pl.ds((b * NSC + wid) * 16, 16)])
        return 0

    lax.fori_loop(0, B, batch_body, 0)


def _run_sc(cxa, cya, cza, axa, aya, aza, feat2):
    mesh = plsc.VectorSubcoreMesh(core_axis_name="c", subcore_axis_name="s")
    fn = functools.partial(
        pl.kernel, mesh=mesh,
        compiler_params=pltpu.CompilerParams(needs_layout_passes=False),
        out_type=[
            jax.ShapeDtypeStruct((B * M * K, C), jnp.float32),
            jax.ShapeDtypeStruct((B * M * 3 * K,), jnp.float32),
            jax.ShapeDtypeStruct((B * NSC * 16,), jnp.float32),
        ],
        scratch_types=[
            pltpu.VMEM((N,), jnp.float32),
            pltpu.VMEM((N,), jnp.float32),
            pltpu.VMEM((N,), jnp.float32),
            pltpu.VMEM((N,), jnp.float32),
            pltpu.VMEM((N,), jnp.float32),
            pltpu.VMEM((N,), jnp.float32),
            pltpu.VMEM((N,), jnp.float32),
            pltpu.VMEM((APB,), jnp.float32),
            pltpu.VMEM((APB,), jnp.float32),
            pltpu.VMEM((APB,), jnp.float32),
            pltpu.VMEM((N,), jnp.int32),
            pltpu.VMEM((NB1 * 16,), jnp.int32),
            pltpu.VMEM((64,), jnp.int32),
            pltpu.VMEM((K,), jnp.int32),
            pltpu.VMEM((NCAND,), jnp.int32),
            pltpu.VMEM((NCAND,), jnp.int32),
            pltpu.VMEM((3 * K,), jnp.float32),
            pltpu.VMEM((K, C), jnp.float32),
            pltpu.VMEM((16,), jnp.float32),
            pltpu.SemaphoreType.DMA,
        ],
    )(_sc_body)
    return fn(cxa, cya, cza, axa, aya, aza, feat2)


def _mlp_body(kfeat_ref, delta_ref, af_ref, mx_ref,
              w1d_ref, w1f_ref, b1_ref, s1_ref, t1_ref,
              w2_ref, b2_ref, s2_ref, t2_ref, out_ref):
    b = pl.program_id(0)
    mx2 = jnp.max(mx_ref[b, :])
    inv = 1.0 / jnp.sqrt(mx2)

    kfeat = kfeat_ref[0]
    delta = delta_ref[0] * inv
    af = af_ref[0]

    x1 = jnp.dot(delta, w1d_ref[...], preferred_element_type=jnp.float32)
    x1 = x1 + jnp.dot(kfeat, w1f_ref[...], preferred_element_type=jnp.float32)
    af1 = jnp.dot(af, w1f_ref[...], preferred_element_type=jnp.float32)
    x1 = x1 - jnp.repeat(af1, K, axis=0)
    x1 = x1 + b1_ref[...]
    mean = jnp.mean(x1, axis=-1, keepdims=True)
    var = jnp.mean((x1 - mean) ** 2, axis=-1, keepdims=True)
    x1 = (x1 - mean) / jnp.sqrt(var + 1e-6) * s1_ref[...] + t1_ref[...]
    x1 = jnp.maximum(x1, 0.0)
    x2 = jnp.dot(x1, w2_ref[...], preferred_element_type=jnp.float32) + b2_ref[...]
    mean = jnp.mean(x2, axis=-1, keepdims=True)
    var = jnp.mean((x2 - mean) ** 2, axis=-1, keepdims=True)
    x2 = (x2 - mean) / jnp.sqrt(var + 1e-6) * s2_ref[...] + t2_ref[...]
    x2 = jnp.maximum(x2, 0.0)
    out_ref[0] = jnp.max(x2.reshape(MB, K, F), axis=1)


def _run_mlp(kfeat_g, delta, anchor_feat, maxn2,
             W1, b1, ln1_scale, ln1_bias, W2, b2, ln2_scale, ln2_bias):
    W1d = W1[:3]
    W1f = W1[3:]
    P = maxn2.shape[1]
    grid = (B, M // MB)
    kernel_fn = pl.pallas_call(
        _mlp_body,
        grid=grid,
        in_specs=[
            pl.BlockSpec((1, MB * K, C), lambda b, i: (b, i, 0)),
            pl.BlockSpec((1, MB * K, 3), lambda b, i: (b, i, 0)),
            pl.BlockSpec((1, MB, C), lambda b, i: (b, i, 0)),
            pl.BlockSpec((B, P), lambda b, i: (0, 0)),
            pl.BlockSpec((3, H), lambda b, i: (0, 0)),
            pl.BlockSpec((C, H), lambda b, i: (0, 0)),
            pl.BlockSpec((H,), lambda b, i: (0,)),
            pl.BlockSpec((H,), lambda b, i: (0,)),
            pl.BlockSpec((H,), lambda b, i: (0,)),
            pl.BlockSpec((H, F), lambda b, i: (0, 0)),
            pl.BlockSpec((F,), lambda b, i: (0,)),
            pl.BlockSpec((F,), lambda b, i: (0,)),
            pl.BlockSpec((F,), lambda b, i: (0,)),
        ],
        out_specs=pl.BlockSpec((1, MB, F), lambda b, i: (b, i, 0)),
        out_shape=jax.ShapeDtypeStruct((B, M, F), jnp.float32),
    )
    return kernel_fn(kfeat_g, delta, anchor_feat, maxn2,
                     W1d, W1f, b1, ln1_scale, ln1_bias,
                     W2, b2, ln2_scale, ln2_bias)


def kernel(feat, coord, anchor_feat, anchor_coord,
           W1, b1, ln1_scale, ln1_bias, W2, b2, ln2_scale, ln2_bias):
    cxa = coord[:, :, 0].reshape(B * N)
    cya = coord[:, :, 1].reshape(B * N)
    cza = coord[:, :, 2].reshape(B * N)
    axa = anchor_coord[:, :, 0].reshape(B * M)
    aya = anchor_coord[:, :, 1].reshape(B * M)
    aza = anchor_coord[:, :, 2].reshape(B * M)
    feat2 = feat.reshape(B * N, C)
    kfeat_g, delta, maxn2 = _run_sc(cxa, cya, cza, axa, aya, aza, feat2)
    return _run_mlp(kfeat_g.reshape(B, M * K, C), delta.reshape(B, M * K, 3),
                    anchor_feat, maxn2.reshape(B, NSC * 16),
                    W1, b1, ln1_scale, ln1_bias, W2, b2, ln2_scale, ln2_bias)

# --- scband reference (transcript-rebuilt; emitter-appended) ---
"""Pipeline reference for scband-local-aggregation-65773129171303 (READ-ONLY COPY).

The authoritative reference and input builder live on the scoring server;
editing this copy changes nothing except your own understanding.
"""

import jax, jax.numpy as jnp
import numpy as np

B, N, M, C, K, F = 4, 8192, 2048, 128, 32, 128
CIN = 3 + C  # delta_coord (3) concat k_feat (C)


def setup_inputs(seed: int = 0) -> dict:
    key = jax.random.key(seed)
    ks = jax.random.split(key, 8)
    feat = jax.random.normal(ks[0], (B, N, C), dtype=jnp.float32)
    coord = jax.random.uniform(ks[1], (B, N, 3), dtype=jnp.float32)
    anchor_feat = jax.random.normal(ks[2], (B, M, C), dtype=jnp.float32)
    anchor_coord = jax.random.uniform(ks[3], (B, M, 3), dtype=jnp.float32)
    # GroupMLP params: Dense(F//2) -> LN -> relu -> Dense(F) -> LN -> relu -> max pool
    W1 = jax.random.normal(ks[4], (CIN, F // 2), dtype=jnp.float32) / np.sqrt(CIN)
    b1 = jnp.zeros((F // 2,), dtype=jnp.float32)
    ln1_scale = jnp.ones((F // 2,), dtype=jnp.float32)
    ln1_bias = jnp.zeros((F // 2,), dtype=jnp.float32)
    W2 = jax.random.normal(ks[5], (F // 2, F), dtype=jnp.float32) / np.sqrt(F // 2)
    b2 = jnp.zeros((F,), dtype=jnp.float32)
    ln2_scale = jnp.ones((F,), dtype=jnp.float32)
    ln2_bias = jnp.zeros((F,), dtype=jnp.float32)
    return {
        'feat': feat, 'coord': coord,
        'anchor_feat': anchor_feat, 'anchor_coord': anchor_coord,
        'W1': W1, 'b1': b1, 'ln1_scale': ln1_scale, 'ln1_bias': ln1_bias,
        'W2': W2, 'b2': b2, 'ln2_scale': ln2_scale, 'ln2_bias': ln2_bias,
    }


def _layer_norm(x, scale, bias, eps=1e-6):
    mean = jnp.mean(x, axis=-1, keepdims=True)
    var = jnp.mean((x - mean) ** 2, axis=-1, keepdims=True)
    return (x - mean) / jnp.sqrt(var + eps) * scale + bias


def _batch_lookup(x, idx):
    # x: [b, n, c], idx: [b, m, k] -> [b, m, k, c]
    return jax.vmap(lambda xb, ib: xb[ib])(x, idx)


def reference(feat, coord, anchor_feat, anchor_coord,
              W1, b1, ln1_scale, ln1_bias, W2, b2, ln2_scale, ln2_bias):
    # brute-force kNN on squared L2 distances (spatial.KNN(k))
    a2 = jnp.sum(anchor_coord ** 2, axis=-1, keepdims=True)        # [B, M, 1]
    c2 = jnp.sum(coord ** 2, axis=-1)[:, None, :]                  # [B, 1, N]
    d2 = a2 + c2 - 2.0 * jnp.einsum('bmd,bnd->bmn', anchor_coord, coord)
    _, k_idx = jax.lax.top_k(-d2, K)                               # [B, M, K]
    # gather neighbor features / coords
    k_feat = _batch_lookup(feat, k_idx)
    k_feat = k_feat - anchor_feat[..., None, :]                    # anchor_feat_offset
    k_coord = _batch_lookup(coord, k_idx)
    delta_coord = k_coord - anchor_coord[..., None, :]
    nrm = jnp.linalg.norm(delta_coord, axis=-1, keepdims=True)     # [B, M, K, 1]
    delta_coord = delta_coord / jnp.max(nrm, axis=(-1, -2, -3), keepdims=True)
    new_feat = jnp.concatenate([delta_coord, k_feat], axis=-1)     # [B, M, K, 3+C]
    # GroupMLP (num_layers=2, normalizer='layer', cond=None -> plain LayerNorm)
    x = new_feat @ W1 + b1
    x = jax.nn.relu(_layer_norm(x, ln1_scale, ln1_bias))
    x = x @ W2 + b2
    x = jax.nn.relu(_layer_norm(x, ln2_scale, ln2_bias))
    # max pool over the k neighbors
    return jnp.max(x, axis=-2)                                     # [B, M, F]

if __name__ == "__main__":
    import jax
    _d = setup_inputs()
    print(jax.jit(kernel)(*tuple(_d.values())))

</pallas_src>

<mosaic_0001>
#map = affine_map<(d0, d1) -> (0)>
#map1 = affine_map<(d0, d1) -> (0, 0)>
module attributes {stable_mosaic.version = 14 : i64} {
  func.func @_sc_body(%arg0: i32, %arg1: i32, %arg2: memref<32768xf32, #tpu.memory_space<hbm>>, %arg3: memref<32768xf32, #tpu.memory_space<hbm>>, %arg4: memref<32768xf32, #tpu.memory_space<hbm>>, %arg5: memref<8192xf32, #tpu.memory_space<hbm>>, %arg6: memref<8192xf32, #tpu.memory_space<hbm>>, %arg7: memref<8192xf32, #tpu.memory_space<hbm>>, %arg8: memref<32768x128xf32, #tpu.memory_space<hbm>>, %arg9: memref<262144x128xf32, #tpu.memory_space<hbm>>, %arg10: memref<786432xf32, #tpu.memory_space<hbm>>, %arg11: memref<2048xf32, #tpu.memory_space<hbm>>, %arg12: memref<8192xf32, #tpu.memory_space<vmem>>, %arg13: memref<8192xf32, #tpu.memory_space<vmem>>, %arg14: memref<8192xf32, #tpu.memory_space<vmem>>, %arg15: memref<8192xf32, #tpu.memory_space<vmem>>, %arg16: memref<8192xf32, #tpu.memory_space<vmem>>, %arg17: memref<8192xf32, #tpu.memory_space<vmem>>, %arg18: memref<8192xf32, #tpu.memory_space<vmem>>, %arg19: memref<64xf32, #tpu.memory_space<vmem>>, %arg20: memref<64xf32, #tpu.memory_space<vmem>>, %arg21: memref<64xf32, #tpu.memory_space<vmem>>, %arg22: memref<8192xi32, #tpu.memory_space<vmem>>, %arg23: memref<4096xi32, #tpu.memory_space<vmem>>, %arg24: memref<64xi32, #tpu.memory_space<vmem>>, %arg25: memref<32xi32, #tpu.memory_space<vmem>>, %arg26: memref<8224xi32, #tpu.memory_space<vmem>>, %arg27: memref<8224xi32, #tpu.memory_space<vmem>>, %arg28: memref<96xf32, #tpu.memory_space<vmem>>, %arg29: memref<32x128xf32, #tpu.memory_space<vmem>>, %arg30: memref<16xf32, #tpu.memory_space<vmem>>, %arg31: memref<!tpu.dma_semaphore, #tpu.memory_space<semaphore_mem>>) attributes {dimension_semantics = [#tpu.dimension_semantics<core_parallel>, #tpu.dimension_semantics<subcore_parallel>], iteration_bounds = array<i64: 2, 16>, scalar_prefetch = 0 : i64, scratch_operands = 20 : i64, tpu.core_type = #tpu.core_type<sc_vector_subcore>, window_params = [{transform_indices = #map}, {transform_indices = #map}, {transform_indices = #map}, {transform_indices = #map}, {transform_indices = #map}, {transform_indices = #map}, {transform_indices = #map1}, {transform_indices = #map1}, {transform_indices = #map}, {transform_indices = #map}]} {
    %iota3A = tpu.iota {dimensions = array<i32: 0>} : vector<16xi32>
    %broadcast_in_dim3A = arith.constant 0 : i32
    %broadcast_in_dim3A_0 = vector.broadcast %broadcast_in_dim3A : i32 to vector<16xi32>
    %broadcast_in_dim3A_1 = arith.constant 1 : i32
    %broadcast_in_dim3A_2 = vector.broadcast %broadcast_in_dim3A_1 : i32 to vector<16xi32>
    %mul3A = arith.constant 2 : i32
    %mul3A_3 = arith.muli %arg1, %mul3A : i32
    %add3A = arith.addi %mul3A_3, %arg0 : i32
    %scan3A = arith.constant 0 : i32
    %scan3A_4 = arith.constant 0 : i32
    %scan3A_5 = arith.constant 4 : i32
    %scan3A_6 = arith.addi %scan3A_4, %scan3A_5 : i32
    %scan3A_7 = arith.constant 1 : i32
    %scan3A_8 = scf.for %scan3A_10 = %scan3A_4 to %scan3A_6 step %scan3A_7 iter_args(%scan3A_11 = %scan3A) -> (i32)  : i32 {
      %mul3A_12 = arith.constant 8192 : i32
      %mul3A_13 = arith.muli %scan3A_10, %mul3A_12 : i32
      "tpu.region"() ({
        %run_scoped3A = tpu.sem_alloc : memref<!tpu.dma_semaphore, #tpu.memory_space<semaphore_mem>>
        %dma_start3A = tpu.memref_slice %arg2[%mul3A_13] : memref<32768xf32, #tpu.memory_space<hbm>> -> memref<8192xf32, #tpu.memory_space<hbm>>
        %dma_start3A_45 = tpu.memref_slice %arg2[%mul3A_13] : memref<32768xf32, #tpu.memory_space<hbm>> -> memref<8192xf32, #tpu.memory_space<hbm>>
        tpu.enqueue_dma source(%dma_start3A_45 : memref<8192xf32, #tpu.memory_space<hbm>>) target(%arg12 : memref<8192xf32, #tpu.memory_space<vmem>>) target_semaphore(%run_scoped3A : memref<!tpu.dma_semaphore, #tpu.memory_space<semaphore_mem>>)
        %dma_wait3A = tpu.memref_slice %arg2[%mul3A_13] : memref<32768xf32, #tpu.memory_space<hbm>> -> memref<8192xf32, #tpu.memory_space<hbm>>
        %dma_wait3A_46 = tpu.memref_slice %arg2[%mul3A_13] : memref<32768xf32, #tpu.memory_space<hbm>> -> memref<8192xf32, #tpu.memory_space<hbm>>
        tpu.wait_dma2 semaphore(%run_scoped3A : memref<!tpu.dma_semaphore, #tpu.memory_space<semaphore_mem>>) src(%dma_wait3A_46 : memref<8192xf32, #tpu.memory_space<hbm>>) dst(%arg12 : memref<8192xf32, #tpu.memory_space<vmem>>)
        tpu.yield
      }) : () -> ()
      %mul3A_14 = arith.constant 8192 : i32
      %mul3A_15 = arith.muli %scan3A_10, %mul3A_14 : i32
      "tpu.region"() ({
        %run_scoped3A = tpu.sem_alloc : memref<!tpu.dma_semaphore, #tpu.memory_space<semaphore_mem>>
        %dma_start3A = tpu.memref_slice %arg3[%mul3A_15] : memref<32768xf32, #tpu.memory_space<hbm>> -> memref<8192xf32, #tpu.memory_space<hbm>>
        %dma_start3A_45 = tpu.memref_slice %arg3[%mul3A_15] : memref<32768xf32, #tpu.memory_space<hbm>> -> memref<8192xf32, #tpu.memory_space<hbm>>
        tpu.enqueue_dma source(%dma_start3A_45 : memref<8192xf32, #tpu.memory_space<hbm>>) target(%arg13 : memref<8192xf32, #tpu.memory_space<vmem>>) target_semaphore(%run_scoped3A : memref<!tpu.dma_semaphore, #tpu.memory_space<semaphore_mem>>)
        %dma_wait3A = tpu.memref_slice %arg3[%mul3A_15] : memref<32768xf32, #tpu.memory_space<hbm>> -> memref<8192xf32, #tpu.memory_space<hbm>>
        %dma_wait3A_46 = tpu.memref_slice %arg3[%mul3A_15] : memref<32768xf32, #tpu.memory_space<hbm>> -> memref<8192xf32, #tpu.memory_space<hbm>>
        tpu.wait_dma2 semaphore(%run_scoped3A : memref<!tpu.dma_semaphore, #tpu.memory_space<semaphore_mem>>) src(%dma_wait3A_46 : memref<8192xf32, #tpu.memory_space<hbm>>) dst(%arg13 : memref<8192xf32, #tpu.memory_space<vmem>>)
        tpu.yield
      }) : () -> ()
      %mul3A_16 = arith.constant 8192 : i32
      %mul3A_17 = arith.muli %scan3A_10, %mul3A_16 : i32
      "tpu.region"() ({
        %run_scoped3A = tpu.sem_alloc : memref<!tpu.dma_semaphore, #tpu.memory_space<semaphore_mem>>
        %dma_start3A = tpu.memref_slice %arg4[%mul3A_17] : memref<32768xf32, #tpu.memory_space<hbm>> -> memref<8192xf32, #tpu.memory_space<hbm>>
        %dma_start3A_45 = tpu.memref_slice %arg4[%mul3A_17] : memref<32768xf32, #tpu.memory_space<hbm>> -> memref<8192xf32, #tpu.memory_space<hbm>>
        tpu.enqueue_dma source(%dma_start3A_45 : memref<8192xf32, #tpu.memory_space<hbm>>) target(%arg14 : memref<8192xf32, #tpu.memory_space<vmem>>) target_semaphore(%run_scoped3A : memref<!tpu.dma_semaphore, #tpu.memory_space<semaphore_mem>>)
        %dma_wait3A = tpu.memref_slice %arg4[%mul3A_17] : memref<32768xf32, #tpu.memory_space<hbm>> -> memref<8192xf32, #tpu.memory_space<hbm>>
        %dma_wait3A_46 = tpu.memref_slice %arg4[%mul3A_17] : memref<32768xf32, #tpu.memory_space<hbm>> -> memref<8192xf32, #tpu.memory_space<hbm>>
        tpu.wait_dma2 semaphore(%run_scoped3A : memref<!tpu.dma_semaphore, #tpu.memory_space<semaphore_mem>>) src(%dma_wait3A_46 : memref<8192xf32, #tpu.memory_space<hbm>>) dst(%arg14 : memref<8192xf32, #tpu.memory_space<vmem>>)
        tpu.yield
      }) : () -> ()
      %mul3A_18 = arith.constant 2048 : i32
      %mul3A_19 = arith.muli %scan3A_10, %mul3A_18 : i32
      %mul3A_20 = arith.constant 64 : i32
      %mul3A_21 = arith.muli %add3A, %mul3A_20 : i32
      %add3A_22 = arith.addi %mul3A_19, %mul3A_21 : i32
      "tpu.region"() ({
        %run_scoped3A = tpu.sem_alloc : memref<!tpu.dma_semaphore, #tpu.memory_space<semaphore_mem>>
        %dma_start3A = tpu.memref_slice %arg5[%add3A_22] : memref<8192xf32, #tpu.memory_space<hbm>> -> memref<64xf32, #tpu.memory_space<hbm>>
        %dma_start3A_45 = tpu.memref_slice %arg5[%add3A_22] : memref<8192xf32, #tpu.memory_space<hbm>> -> memref<64xf32, #tpu.memory_space<hbm>>
        tpu.enqueue_dma source(%dma_start3A_45 : memref<64xf32, #tpu.memory_space<hbm>>) target(%arg19 : memref<64xf32, #tpu.memory_space<vmem>>) target_semaphore(%run_scoped3A : memref<!tpu.dma_semaphore, #tpu.memory_space<semaphore_mem>>)
        %dma_wait3A = tpu.memref_slice %arg5[%add3A_22] : memref<8192xf32, #tpu.memory_space<hbm>> -> memref<64xf32, #tpu.memory_space<hbm>>
        %dma_wait3A_46 = tpu.memref_slice %arg5[%add3A_22] : memref<8192xf32, #tpu.memory_space<hbm>> -> memref<64xf32, #tpu.memory_space<hbm>>
        tpu.wait_dma2 semaphore(%run_scoped3A : memref<!tpu.dma_semaphore, #tpu.memory_space<semaphore_mem>>) src(%dma_wait3A_46 : memref<64xf32, #tpu.memory_space<hbm>>) dst(%arg19 : memref<64xf32, #tpu.memory_space<vmem>>)
        tpu.yield
      }) : () -> ()
      "tpu.region"() ({
        %run_scoped3A = tpu.sem_alloc : memref<!tpu.dma_semaphore, #tpu.memory_space<semaphore_mem>>
        %dma_start3A = tpu.memref_slice %arg6[%add3A_22] : memref<8192xf32, #tpu.memory_space<hbm>> -> memref<64xf32, #tpu.memory_space<hbm>>
        %dma_start3A_45 = tpu.memref_slice %arg6[%add3A_22] : memref<8192xf32, #tpu.memory_space<hbm>> -> memref<64xf32, #tpu.memory_space<hbm>>
        tpu.enqueue_dma source(%dma_start3A_45 : memref<64xf32, #tpu.memory_space<hbm>>) target(%arg20 : memref<64xf32, #tpu.memory_space<vmem>>) target_semaphore(%run_scoped3A : memref<!tpu.dma_semaphore, #tpu.memory_space<semaphore_mem>>)
        %dma_wait3A = tpu.memref_slice %arg6[%add3A_22] : memref<8192xf32, #tpu.memory_space<hbm>> -> memref<64xf32, #tpu.memory_space<hbm>>
        %dma_wait3A_46 = tpu.memref_slice %arg6[%add3A_22] : memref<8192xf32, #tpu.memory_space<hbm>> -> memref<64xf32, #tpu.memory_space<hbm>>
        tpu.wait_dma2 semaphore(%run_scoped3A : memref<!tpu.dma_semaphore, #tpu.memory_space<semaphore_mem>>) src(%dma_wait3A_46 : memref<64xf32, #tpu.memory_space<hbm>>) dst(%arg20 : memref<64xf32, #tpu.memory_space<vmem>>)
        tpu.yield
      }) : () -> ()
      "tpu.region"() ({
        %run_scoped3A = tpu.sem_alloc : memref<!tpu.dma_semaphore, #tpu.memory_space<semaphore_mem>>
        %dma_start3A = tpu.memref_slice %arg7[%add3A_22] : memref<8192xf32, #tpu.memory_space<hbm>> -> memref<64xf32, #tpu.memory_space<hbm>>
        %dma_start3A_45 = tpu.memref_slice %arg7[%add3A_22] : memref<8192xf32, #tpu.memory_space<hbm>> -> memref<64xf32, #tpu.memory_space<hbm>>
        tpu.enqueue_dma source(%dma_start3A_45 : memref<64xf32, #tpu.memory_space<hbm>>) target(%arg21 : memref<64xf32, #tpu.memory_space<vmem>>) target_semaphore(%run_scoped3A : memref<!tpu.dma_semaphore, #tpu.memory_space<semaphore_mem>>)
        %dma_wait3A = tpu.memref_slice %arg7[%add3A_22] : memref<8192xf32, #tpu.memory_space<hbm>> -> memref<64xf32, #tpu.memory_space<hbm>>
        %dma_wait3A_46 = tpu.memref_slice %arg7[%add3A_22] : memref<8192xf32, #tpu.memory_space<hbm>> -> memref<64xf32, #tpu.memory_space<hbm>>
        tpu.wait_dma2 semaphore(%run_scoped3A : memref<!tpu.dma_semaphore, #tpu.memory_space<semaphore_mem>>) src(%dma_wait3A_46 : memref<64xf32, #tpu.memory_space<hbm>>) dst(%arg21 : memref<64xf32, #tpu.memory_space<vmem>>)
        tpu.yield
      }) : () -> ()
      %scan3A_23 = arith.constant 0 : i32
      %scan3A_24 = arith.constant 0 : i32
      %scan3A_25 = arith.constant 256 : i32
      %scan3A_26 = arith.addi %scan3A_24, %scan3A_25 : i32
      %scan3A_27 = arith.constant 1 : i32
      %scan3A_28 = scf.for %scan3A_45 = %scan3A_24 to %scan3A_26 step %scan3A_27 iter_args(%scan3A_46 = %scan3A_23) -> (i32)  : i32 {
        %mul3A_47 = arith.constant 32 : i32
        %mul3A_48 = arith.muli %scan3A_45, %mul3A_47 : i32
        %add3A_49 = arith.constant 0 : i32
        %add3A_50 = arith.addi %mul3A_48, %add3A_49 : i32
        %get3A = arith.index_cast %add3A_50 : i32 to index
        %get3A_51 = tpu.vector_load %arg12[%get3A] {strides = array<i32>} : memref<8192xf32, #tpu.memory_space<vmem>>, vector<16xf32>,
        %get3A_52 = arith.index_cast %add3A_50 : i32 to index
        %get3A_53 = tpu.vector_load %arg13[%get3A_52] {strides = array<i32>} : memref<8192xf32, #tpu.memory_space<vmem>>, vector<16xf32>,
        %get3A_54 = arith.index_cast %add3A_50 : i32 to index
        %get3A_55 = tpu.vector_load %arg14[%get3A_54] {strides = array<i32>} : memref<8192xf32, #tpu.memory_space<vmem>>, vector<16xf32>,
        %mul3A_56 = arith.mulf %get3A_51, %get3A_51 : vector<16xf32>
        %mul3A_57 = arith.mulf %get3A_53, %get3A_53 : vector<16xf32>
        %add3A_58 = arith.addf %mul3A_56, %mul3A_57 : vector<16xf32>
        %mul3A_59 = arith.mulf %get3A_55, %get3A_55 : vector<16xf32>
        %add3A_60 = arith.addf %add3A_58, %mul3A_59 : vector<16xf32>
        %swap3A_61 = arith.index_cast %add3A_50 : i32 to index
        %swap3A_62 = tpu.vector_load %arg18[%swap3A_61] {strides = array<i32>} : memref<8192xf32, #tpu.memory_space<vmem>>, vector<16xf32>,
        tpu.vector_store %arg18[%swap3A_61], %add3A_60 {strides = array<i32>} : memref<8192xf32, #tpu.memory_space<vmem>>, vector<16xf32>,
        %bitcast3A = vector.bitcast %get3A_51 : vector<16xf32> to vector<16xi32>
        %add3A_63 = arith.constant 32767 : i32
        %add3A_64 = vector.broadcast %add3A_63 : i32 to vector<16xi32>
        %add3A_65 = arith.addi %bitcast3A, %add3A_64 : vector<16xi32>
        %shift_right_logical3A = arith.constant 16 : i32
        %shift_right_logical3A_66 = vector.broadcast %shift_right_logical3A : i32 to vector<16xi32>
        %shift_right_logical3A_67 = arith.shrui %bitcast3A, %shift_right_logical3A_66 : vector<16xi32>
        %and3A = arith.constant 1 : i32
        %and3A_68 = vector.broadcast %and3A : i32 to vector<16xi32>
        %and3A_69 = arith.andi %shift_right_logical3A_67, %and3A_68 : vector<16xi32>
        %add3A_70 = arith.addi %add3A_65, %and3A_69 : vector<16xi32>
        %and3A_71 = arith.constant -65536 : i32
        %and3A_72 = vector.broadcast %and3A_71 : i32 to vector<16xi32>
        %and3A_73 = arith.andi %add3A_70, %and3A_72 : vector<16xi32>
        %bitcast3A_74 = vector.bitcast %and3A_73 : vector<16xi32> to vector<16xf32>
        %swap3A_75 = arith.index_cast %add3A_50 : i32 to index
        %swap3A_76 = tpu.vector_load %arg15[%swap3A_75] {strides = array<i32>} : memref<8192xf32, #tpu.memory_space<vmem>>, vector<16xf32>,
        tpu.vector_store %arg15[%swap3A_75], %bitcast3A_74 {strides = array<i32>} : memref<8192xf32, #tpu.memory_space<vmem>>, vector<16xf32>,
        %bitcast3A_77 = vector.bitcast %get3A_53 : vector<16xf32> to vector<16xi32>
        %add3A_78 = arith.constant 32767 : i32
        %add3A_79 = vector.broadcast %add3A_78 : i32 to vector<16xi32>
        %add3A_80 = arith.addi %bitcast3A_77, %add3A_79 : vector<16xi32>
        %shift_right_logical3A_81 = arith.constant 16 : i32
        %shift_right_logical3A_82 = vector.broadcast %shift_right_logical3A_81 : i32 to vector<16xi32>
        %shift_right_logical3A_83 = arith.shrui %bitcast3A_77, %shift_right_logical3A_82 : vector<16xi32>
        %and3A_84 = arith.constant 1 : i32
        %and3A_85 = vector.broadcast %and3A_84 : i32 to vector<16xi32>
        %and3A_86 = arith.andi %shift_right_logical3A_83, %and3A_85 : vector<16xi32>
        %add3A_87 = arith.addi %add3A_80, %and3A_86 : vector<16xi32>
        %and3A_88 = arith.constant -65536 : i32
        %and3A_89 = vector.broadcast %and3A_88 : i32 to vector<16xi32>
        %and3A_90 = arith.andi %add3A_87, %and3A_89 : vector<16xi32>
        %bitcast3A_91 = vector.bitcast %and3A_90 : vector<16xi32> to vector<16xf32>
        %swap3A_92 = arith.index_cast %add3A_50 : i32 to index
        %swap3A_93 = tpu.vector_load %arg16[%swap3A_92] {strides = array<i32>} : memref<8192xf32, #tpu.memory_space<vmem>>, vector<16xf32>,
        tpu.vector_store %arg16[%swap3A_92], %bitcast3A_91 {strides = array<i32>} : memref<8192xf32, #tpu.memory_space<vmem>>, vector<16xf32>,
        %bitcast3A_94 = vector.bitcast %get3A_55 : vector<16xf32> to vector<16xi32>
        %add3A_95 = arith.constant 32767 : i32
        %add3A_96 = vector.broadcast %add3A_95 : i32 to vector<16xi32>
        %add3A_97 = arith.addi %bitcast3A_94, %add3A_96 : vector<16xi32>
        %shift_right_logical3A_98 = arith.constant 16 : i32
        %shift_right_logical3A_99 = vector.broadcast %shift_right_logical3A_98 : i32 to vector<16xi32>
        %shift_right_logical3A_100 = arith.shrui %bitcast3A_94, %shift_right_logical3A_99 : vector<16xi32>
        %and3A_101 = arith.constant 1 : i32
        %and3A_102 = vector.broadcast %and3A_101 : i32 to vector<16xi32>
        %and3A_103 = arith.andi %shift_right_logical3A_100, %and3A_102 : vector<16xi32>
        %add3A_104 = arith.addi %add3A_97, %and3A_103 : vector<16xi32>
        %and3A_105 = arith.constant -65536 : i32
        %and3A_106 = vector.broadcast %and3A_105 : i32 to vector<16xi32>
        %and3A_107 = arith.andi %add3A_104, %and3A_106 : vector<16xi32>
        %bitcast3A_108 = vector.bitcast %and3A_107 : vector<16xi32> to vector<16xf32>
        %swap3A_109 = arith.index_cast %add3A_50 : i32 to index
        %swap3A_110 = tpu.vector_load %arg17[%swap3A_109] {strides = array<i32>} : memref<8192xf32, #tpu.memory_space<vmem>>, vector<16xf32>,
        tpu.vector_store %arg17[%swap3A_109], %bitcast3A_108 {strides = array<i32>} : memref<8192xf32, #tpu.memory_space<vmem>>, vector<16xf32>,
        %mul3A_111 = arith.constant 32 : i32
        %mul3A_112 = arith.muli %scan3A_45, %mul3A_111 : i32
        %add3A_113 = arith.constant 16 : i32
        %add3A_114 = arith.addi %mul3A_112, %add3A_113 : i32
        %get3A_115 = arith.index_cast %add3A_114 : i32 to index
        %get3A_116 = tpu.vector_load %arg12[%get3A_115] {strides = array<i32>} : memref<8192xf32, #tpu.memory_space<vmem>>, vector<16xf32>,
        %get3A_117 = arith.index_cast %add3A_114 : i32 to index
        %get3A_118 = tpu.vector_load %arg13[%get3A_117] {strides = array<i32>} : memref<8192xf32, #tpu.memory_space<vmem>>, vector<16xf32>,
        %get3A_119 = arith.index_cast %add3A_114 : i32 to index
        %get3A_120 = tpu.vector_load %arg14[%get3A_119] {strides = array<i32>} : memref<8192xf32, #tpu.memory_space<vmem>>, vector<16xf32>,
        %mul3A_121 = arith.mulf %get3A_116, %get3A_116 : vector<16xf32>
        %mul3A_122 = arith.mulf %get3A_118, %get3A_118 : vector<16xf32>
        %add3A_123 = arith.addf %mul3A_121, %mul3A_122 : vector<16xf32>
        %mul3A_124 = arith.mulf %get3A_120, %get3A_120 : vector<16xf32>
        %add3A_125 = arith.addf %add3A_123, %mul3A_124 : vector<16xf32>
        %swap3A_126 = arith.index_cast %add3A_114 : i32 to index
        %swap3A_127 = tpu.vector_load %arg18[%swap3A_126] {strides = array<i32>} : memref<8192xf32, #tpu.memory_space<vmem>>, vector<16xf32>,
        tpu.vector_store %arg18[%swap3A_126], %add3A_125 {strides = array<i32>} : memref<8192xf32, #tpu.memory_space<vmem>>, vector<16xf32>,
        %bitcast3A_128 = vector.bitcast %get3A_116 : vector<16xf32> to vector<16xi32>
        %add3A_129 = arith.constant 32767 : i32
        %add3A_130 = vector.broadcast %add3A_129 : i32 to vector<16xi32>
        %add3A_131 = arith.addi %bitcast3A_128, %add3A_130 : vector<16xi32>
        %shift_right_logical3A_132 = arith.constant 16 : i32
        %shift_right_logical3A_133 = vector.broadcast %shift_right_logical3A_132 : i32 to vector<16xi32>
        %shift_right_logical3A_134 = arith.shrui %bitcast3A_128, %shift_right_logical3A_133 : vector<16xi32>
        %and3A_135 = arith.constant 1 : i32
        %and3A_136 = vector.broadcast %and3A_135 : i32 to vector<16xi32>
        %and3A_137 = arith.andi %shift_right_logical3A_134, %and3A_136 : vector<16xi32>
        %add3A_138 = arith.addi %add3A_131, %and3A_137 : vector<16xi32>
        %and3A_139 = arith.constant -65536 : i32
        %and3A_140 = vector.broadcast %and3A_139 : i32 to vector<16xi32>
        %and3A_141 = arith.andi %add3A_138, %and3A_140 : vector<16xi32>
        %bitcast3A_142 = vector.bitcast %and3A_141 : vector<16xi32> to vector<16xf32>
        %swap3A_143 = arith.index_cast %add3A_114 : i32 to index
        %swap3A_144 = tpu.vector_load %arg15[%swap3A_143] {strides = array<i32>} : memref<8192xf32, #tpu.memory_space<vmem>>, vector<16xf32>,
        tpu.vector_store %arg15[%swap3A_143], %bitcast3A_142 {strides = array<i32>} : memref<8192xf32, #tpu.memory_space<vmem>>, vector<16xf32>,
        %bitcast3A_145 = vector.bitcast %get3A_118 : vector<16xf32> to vector<16xi32>
        %add3A_146 = arith.constant 32767 : i32
        %add3A_147 = vector.broadcast %add3A_146 : i32 to vector<16xi32>
        %add3A_148 = arith.addi %bitcast3A_145, %add3A_147 : vector<16xi32>
        %shift_right_logical3A_149 = arith.constant 16 : i32
        %shift_right_logical3A_150 = vector.broadcast %shift_right_logical3A_149 : i32 to vector<16xi32>
        %shift_right_logical3A_151 = arith.shrui %bitcast3A_145, %shift_right_logical3A_150 : vector<16xi32>
        %and3A_152 = arith.constant 1 : i32
        %and3A_153 = vector.broadcast %and3A_152 : i32 to vector<16xi32>
        %and3A_154 = arith.andi %shift_right_logical3A_151, %and3A_153 : vector<16xi32>
        %add3A_155 = arith.addi %add3A_148, %and3A_154 : vector<16xi32>
        %and3A_156 = arith.constant -65536 : i32
        %and3A_157 = vector.broadcast %and3A_156 : i32 to vector<16xi32>
        %and3A_158 = arith.andi %add3A_155, %and3A_157 : vector<16xi32>
        %bitcast3A_159 = vector.bitcast %and3A_158 : vector<16xi32> to vector<16xf32>
        %swap3A_160 = arith.index_cast %add3A_114 : i32 to index
        %swap3A_161 = tpu.vector_load %arg16[%swap3A_160] {strides = array<i32>} : memref<8192xf32, #tpu.memory_space<vmem>>, vector<16xf32>,
        tpu.vector_store %arg16[%swap3A_160], %bitcast3A_159 {strides = array<i32>} : memref<8192xf32, #tpu.memory_space<vmem>>, vector<16xf32>,
        %bitcast3A_162 = vector.bitcast %get3A_120 : vector<16xf32> to vector<16xi32>
        %add3A_163 = arith.constant 32767 : i32
        %add3A_164 = vector.broadcast %add3A_163 : i32 to vector<16xi32>
        %add3A_165 = arith.addi %bitcast3A_162, %add3A_164 : vector<16xi32>
        %shift_right_logical3A_166 = arith.constant 16 : i32
        %shift_right_logical3A_167 = vector.broadcast %shift_right_logical3A_166 : i32 to vector<16xi32>
        %shift_right_logical3A_168 = arith.shrui %bitcast3A_162, %shift_right_logical3A_167 : vector<16xi32>
        %and3A_169 = arith.constant 1 : i32
        %and3A_170 = vector.broadcast %and3A_169 : i32 to vector<16xi32>
        %and3A_171 = arith.andi %shift_right_logical3A_168, %and3A_170 : vector<16xi32>
        %add3A_172 = arith.addi %add3A_165, %and3A_171 : vector<16xi32>
        %and3A_173 = arith.constant -65536 : i32
        %and3A_174 = vector.broadcast %and3A_173 : i32 to vector<16xi32>
        %and3A_175 = arith.andi %add3A_172, %and3A_174 : vector<16xi32>
        %bitcast3A_176 = vector.bitcast %and3A_175 : vector<16xi32> to vector<16xf32>
        %swap3A_177 = arith.index_cast %add3A_114 : i32 to index
        %swap3A_178 = tpu.vector_load %arg17[%swap3A_177] {strides = array<i32>} : memref<8192xf32, #tpu.memory_space<vmem>>, vector<16xf32>,
        tpu.vector_store %arg17[%swap3A_177], %bitcast3A_176 {strides = array<i32>} : memref<8192xf32, #tpu.memory_space<vmem>>, vector<16xf32>,
        %scan3A_179 = arith.constant 0 : i32
        scf.yield %scan3A_179 : i32
      }
      %scan3A_29 = arith.constant 256 : i32
      %broadcast_in_dim3A_30 = arith.constant 0.000000e+00 : f32
      %broadcast_in_dim3A_31 = vector.broadcast %broadcast_in_dim3A_30 : f32 to vector<16xf32>
      %scan3A_32 = arith.constant 0 : i32
      %scan3A_33 = arith.constant 64 : i32
      %scan3A_34 = arith.addi %scan3A_32, %scan3A_33 : i32
      %scan3A_35 = arith.constant 1 : i32
      %scan3A_36 = scf.for %scan3A_45 = %scan3A_32 to %scan3A_34 step %scan3A_35 iter_args(%scan3A_46 = %broadcast_in_dim3A_31) -> (vector<16xf32>)  : i32 {
        %broadcast_in_dim3A_47 = vector.broadcast %scan3A_45 : i32 to vector<16xi32>
        %gather3A = tpu.vector_load_idx %arg19[%broadcast_in_dim3A_47] : memref<64xf32, #tpu.memory_space<vmem>>[vector<16xi32>], vector<16xf32>,
        %gather3A_48 = tpu.vector_load_idx %arg20[%broadcast_in_dim3A_47] : memref<64xf32, #tpu.memory_space<vmem>>[vector<16xi32>], vector<16xf32>,
        %gather3A_49 = tpu.vector_load_idx %arg21[%broadcast_in_dim3A_47] : memref<64xf32, #tpu.memory_space<vmem>>[vector<16xi32>], vector<16xf32>,
        %mul3A_50 = arith.mulf %gather3A, %gather3A : vector<16xf32>
        %mul3A_51 = arith.mulf %gather3A_48, %gather3A_48 : vector<16xf32>
        %add3A_52 = arith.addf %mul3A_50, %mul3A_51 : vector<16xf32>
        %mul3A_53 = arith.mulf %gather3A_49, %gather3A_49 : vector<16xf32>
        %add3A_54 = arith.addf %add3A_52, %mul3A_53 : vector<16xf32>
        %bitcast3A = vector.bitcast %gather3A : vector<16xf32> to vector<16xi32>
        %add3A_55 = arith.constant 32767 : i32
        %add3A_56 = vector.broadcast %add3A_55 : i32 to vector<16xi32>
        %add3A_57 = arith.addi %bitcast3A, %add3A_56 : vector<16xi32>
        %shift_right_logical3A = arith.constant 16 : i32
        %shift_right_logical3A_58 = vector.broadcast %shift_right_logical3A : i32 to vector<16xi32>
        %shift_right_logical3A_59 = arith.shrui %bitcast3A, %shift_right_logical3A_58 : vector<16xi32>
        %and3A = arith.constant 1 : i32
        %and3A_60 = vector.broadcast %and3A : i32 to vector<16xi32>
        %and3A_61 = arith.andi %shift_right_logical3A_59, %and3A_60 : vector<16xi32>
        %add3A_62 = arith.addi %add3A_57, %and3A_61 : vector<16xi32>
        %and3A_63 = arith.constant -65536 : i32
        %and3A_64 = vector.broadcast %and3A_63 : i32 to vector<16xi32>
        %and3A_65 = arith.andi %add3A_62, %and3A_64 : vector<16xi32>
        %bitcast3A_66 = vector.bitcast %and3A_65 : vector<16xi32> to vector<16xf32>
        %bitcast3A_67 = vector.bitcast %gather3A_48 : vector<16xf32> to vector<16xi32>
        %add3A_68 = arith.constant 32767 : i32
        %add3A_69 = vector.broadcast %add3A_68 : i32 to vector<16xi32>
        %add3A_70 = arith.addi %bitcast3A_67, %add3A_69 : vector<16xi32>
        %shift_right_logical3A_71 = arith.constant 16 : i32
        %shift_right_logical3A_72 = vector.broadcast %shift_right_logical3A_71 : i32 to vector<16xi32>
        %shift_right_logical3A_73 = arith.shrui %bitcast3A_67, %shift_right_logical3A_72 : vector<16xi32>
        %and3A_74 = arith.constant 1 : i32
        %and3A_75 = vector.broadcast %and3A_74 : i32 to vector<16xi32>
        %and3A_76 = arith.andi %shift_right_logical3A_73, %and3A_75 : vector<16xi32>
        %add3A_77 = arith.addi %add3A_70, %and3A_76 : vector<16xi32>
        %and3A_78 = arith.constant -65536 : i32
        %and3A_79 = vector.broadcast %and3A_78 : i32 to vector<16xi32>
        %and3A_80 = arith.andi %add3A_77, %and3A_79 : vector<16xi32>
        %bitcast3A_81 = vector.bitcast %and3A_80 : vector<16xi32> to vector<16xf32>
        %bitcast3A_82 = vector.bitcast %gather3A_49 : vector<16xf32> to vector<16xi32>
        %add3A_83 = arith.constant 32767 : i32
        %add3A_84 = vector.broadcast %add3A_83 : i32 to vector<16xi32>
        %add3A_85 = arith.addi %bitcast3A_82, %add3A_84 : vector<16xi32>
        %shift_right_logical3A_86 = arith.constant 16 : i32
        %shift_right_logical3A_87 = vector.broadcast %shift_right_logical3A_86 : i32 to vector<16xi32>
        %shift_right_logical3A_88 = arith.shrui %bitcast3A_82, %shift_right_logical3A_87 : vector<16xi32>
        %and3A_89 = arith.constant 1 : i32
        %and3A_90 = vector.broadcast %and3A_89 : i32 to vector<16xi32>
        %and3A_91 = arith.andi %shift_right_logical3A_88, %and3A_90 : vector<16xi32>
        %add3A_92 = arith.addi %add3A_85, %and3A_91 : vector<16xi32>
        %and3A_93 = arith.constant -65536 : i32
        %and3A_94 = vector.broadcast %and3A_93 : i32 to vector<16xi32>
        %and3A_95 = arith.andi %add3A_92, %and3A_94 : vector<16xi32>
        %bitcast3A_96 = vector.bitcast %and3A_95 : vector<16xi32> to vector<16xf32>
        %scan3A_97 = arith.constant 0 : i32
        %scan3A_98 = arith.constant 0 : i32
        %scan3A_99 = arith.constant 256 : i32
        %scan3A_100 = arith.addi %scan3A_98, %scan3A_99 : i32
        %scan3A_101 = arith.constant 1 : i32
        %scan3A_102 = scf.for %scan3A_1649 = %scan3A_98 to %scan3A_100 step %scan3A_101 iter_args(%scan3A_1650 = %scan3A_97) -> (i32)  : i32 {
          %mul3A_1651 = arith.constant 16 : i32
          %mul3A_1652 = arith.muli %scan3A_1649, %mul3A_1651 : i32
          %swap3A_1653 = arith.index_cast %mul3A_1652 : i32 to index
          %swap3A_1654 = tpu.vector_load %arg23[%swap3A_1653] {strides = array<i32>} : memref<4096xi32, #tpu.memory_space<vmem>>, vector<16xi32>,
          tpu.vector_store %arg23[%swap3A_1653], %broadcast_in_dim3A_0 {strides = array<i32>} : memref<4096xi32, #tpu.memory_space<vmem>>, vector<16xi32>,
          %scan3A_1655 = arith.constant 0 : i32
          scf.yield %scan3A_1655 : i32
        }
        %scan3A_103 = arith.constant 256 : i32
        %scan3A_104 = arith.constant 0 : i32
        %scan3A_105 = arith.constant 0 : i32
        %scan3A_106 = arith.constant 128 : i32
        %scan3A_107 = arith.addi %scan3A_105, %scan3A_106 : i32
        %scan3A_108 = arith.constant 1 : i32
        %scan3A_109 = scf.for %scan3A_1649 = %scan3A_105 to %scan3A_107 step %scan3A_108 iter_args(%scan3A_1650 = %scan3A_104) -> (i32)  : i32 {
          %mul3A_1651 = arith.constant 64 : i32
          %mul3A_1652 = arith.muli %scan3A_1649, %mul3A_1651 : i32
          %add3A_1653 = arith.constant 0 : i32
          %add3A_1654 = arith.addi %mul3A_1652, %add3A_1653 : i32
          %get3A_1655 = arith.index_cast %add3A_1654 : i32 to index
          %get3A_1656 = tpu.vector_load %arg15[%get3A_1655] {strides = array<i32>} : memref<8192xf32, #tpu.memory_space<vmem>>, vector<16xf32>,
          %mul3A_1657 = arith.mulf %get3A_1656, %bitcast3A_66 : vector<16xf32>
          %get3A_1658 = arith.index_cast %add3A_1654 : i32 to index
          %get3A_1659 = tpu.vector_load %arg16[%get3A_1658] {strides = array<i32>} : memref<8192xf32, #tpu.memory_space<vmem>>, vector<16xf32>,
          %mul3A_1660 = arith.mulf %get3A_1659, %bitcast3A_81 : vector<16xf32>
          %add3A_1661 = arith.addf %mul3A_1657, %mul3A_1660 : vector<16xf32>
          %get3A_1662 = arith.index_cast %add3A_1654 : i32 to index
          %get3A_1663 = tpu.vector_load %arg17[%get3A_1662] {strides = array<i32>} : memref<8192xf32, #tpu.memory_space<vmem>>, vector<16xf32>,
          %mul3A_1664 = arith.mulf %get3A_1663, %bitcast3A_96 : vector<16xf32>
          %add3A_1665 = arith.addf %add3A_1661, %mul3A_1664 : vector<16xf32>
          %get3A_1666 = arith.index_cast %add3A_1654 : i32 to index
          %get3A_1667 = tpu.vector_load %arg18[%get3A_1666] {strides = array<i32>} : memref<8192xf32, #tpu.memory_space<vmem>>, vector<16xf32>,
          %add3A_1668 = arith.addf %add3A_54, %get3A_1667 : vector<16xf32>
          %mul3A_1669 = arith.constant 2.000000e+00 : f32
          %mul3A_1670 = vector.broadcast %mul3A_1669 : f32 to vector<16xf32>
          %mul3A_1671 = arith.mulf %mul3A_1670, %add3A_1665 : vector<16xf32>
          %sub3A_1672 = arith.subf %add3A_1668, %mul3A_1671 : vector<16xf32>
          %bitcast3A_1673 = vector.bitcast %sub3A_1672 : vector<16xf32> to vector<16xi32>
          %shift_right_arithmetic3A = arith.constant 31 : i32
          %shift_right_arithmetic3A_1674 = vector.broadcast %shift_right_arithmetic3A : i32 to vector<16xi32>
          %shift_right_arithmetic3A_1675 = arith.shrsi %bitcast3A_1673, %shift_right_arithmetic3A_1674 : vector<16xi32>
          %or3A = arith.constant -2147483648 : i32
          %or3A_1676 = vector.broadcast %or3A : i32 to vector<16xi32>
          %or3A_1677 = arith.ori %shift_right_arithmetic3A_1675, %or3A_1676 : vector<16xi32>
          %xor3A = arith.xori %bitcast3A_1673, %or3A_1677 : vector<16xi32>
          %swap3A_1678 = arith.index_cast %add3A_1654 : i32 to index
          %swap3A_1679 = tpu.vector_load %arg22[%swap3A_1678] {strides = array<i32>} : memref<8192xi32, #tpu.memory_space<vmem>>, vector<16xi32>,
          tpu.vector_store %arg22[%swap3A_1678], %xor3A {strides = array<i32>} : memref<8192xi32, #tpu.memory_space<vmem>>, vector<16xi32>,
          %shift_right_logical3A_1680 = arith.constant 24 : i32
          %shift_right_logical3A_1681 = vector.broadcast %shift_right_logical3A_1680 : i32 to vector<16xi32>
          %shift_right_logical3A_1682 = arith.shrui %xor3A, %shift_right_logical3A_1681 : vector<16xi32>
          %mul3A_1683 = arith.constant 16 : i32
          %mul3A_1684 = vector.broadcast %mul3A_1683 : i32 to vector<16xi32>
          %mul3A_1685 = arith.muli %shift_right_logical3A_1682, %mul3A_1684 : vector<16xi32>
          %add3A_1686 = arith.addi %mul3A_1685, %iota3A : vector<16xi32>
          tpu.vector_store_idx %arg23[%add3A_1686], %broadcast_in_dim3A_2 {add = true} : memref<4096xi32, #tpu.memory_space<vmem>>[vector<16xi32>], vector<16xi32>,
          %mul3A_1687 = arith.constant 64 : i32
          %mul3A_1688 = arith.muli %scan3A_1649, %mul3A_1687 : i32
          %add3A_1689 = arith.constant 16 : i32
          %add3A_1690 = arith.addi %mul3A_1688, %add3A_1689 : i32
          %get3A_1691 = arith.index_cast %add3A_1690 : i32 to index
          %get3A_1692 = tpu.vector_load %arg15[%get3A_1691] {strides = array<i32>} : memref<8192xf32, #tpu.memory_space<vmem>>, vector<16xf32>,
          %mul3A_1693 = arith.mulf %get3A_1692, %bitcast3A_66 : vector<16xf32>
          %get3A_1694 = arith.index_cast %add3A_1690 : i32 to index
          %get3A_1695 = tpu.vector_load %arg16[%get3A_1694] {strides = array<i32>} : memref<8192xf32, #tpu.memory_space<vmem>>, vector<16xf32>,
          %mul3A_1696 = arith.mulf %get3A_1695, %bitcast3A_81 : vector<16xf32>
          %add3A_1697 = arith.addf %mul3A_1693, %mul3A_1696 : vector<16xf32>
          %get3A_1698 = arith.index_cast %add3A_1690 : i32 to index
          %get3A_1699 = tpu.vector_load %arg17[%get3A_1698] {strides = array<i32>} : memref<8192xf32, #tpu.memory_space<vmem>>, vector<16xf32>,
          %mul3A_1700 = arith.mulf %get3A_1699, %bitcast3A_96 : vector<16xf32>
          %add3A_1701 = arith.addf %add3A_1697, %mul3A_1700 : vector<16xf32>
          %get3A_1702 = arith.index_cast %add3A_1690 : i32 to index
          %get3A_1703 = tpu.vector_load %arg18[%get3A_1702] {strides = array<i32>} : memref<8192xf32, #tpu.memory_space<vmem>>, vector<16xf32>,
          %add3A_1704 = arith.addf %add3A_54, %get3A_1703 : vector<16xf32>
          %mul3A_1705 = arith.constant 2.000000e+00 : f32
          %mul3A_1706 = vector.broadcast %mul3A_1705 : f32 to vector<16xf32>
          %mul3A_1707 = arith.mulf %mul3A_1706, %add3A_1701 : vector<16xf32>
          %sub3A_1708 = arith.subf %add3A_1704, %mul3A_1707 : vector<16xf32>
          %bitcast3A_1709 = vector.bitcast %sub3A_1708 : vector<16xf32> to vector<16xi32>
          %shift_right_arithmetic3A_1710 = arith.constant 31 : i32
          %shift_right_arithmetic3A_1711 = vector.broadcast %shift_right_arithmetic3A_1710 : i32 to vector<16xi32>
          %shift_right_arithmetic3A_1712 = arith.shrsi %bitcast3A_1709, %shift_right_arithmetic3A_1711 : vector<16xi32>
          %or3A_1713 = arith.constant -2147483648 : i32
          %or3A_1714 = vector.broadcast %or3A_1713 : i32 to vector<16xi32>
          %or3A_1715 = arith.ori %shift_right_arithmetic3A_1712, %or3A_1714 : vector<16xi32>
          %xor3A_1716 = arith.xori %bitcast3A_1709, %or3A_1715 : vector<16xi32>
          %swap3A_1717 = arith.index_cast %add3A_1690 : i32 to index
          %swap3A_1718 = tpu.vector_load %arg22[%swap3A_1717] {strides = array<i32>} : memref<8192xi32, #tpu.memory_space<vmem>>, vector<16xi32>,
          tpu.vector_store %arg22[%swap3A_1717], %xor3A_1716 {strides = array<i32>} : memref<8192xi32, #tpu.memory_space<vmem>>, vector<16xi32>,
          %shift_right_logical3A_1719 = arith.constant 24 : i32
          %shift_right_logical3A_1720 = vector.broadcast %shift_right_logical3A_1719 : i32 to vector<16xi32>
          %shift_right_logical3A_1721 = arith.shrui %xor3A_1716, %shift_right_logical3A_1720 : vector<16xi32>
          %mul3A_1722 = arith.constant 16 : i32
          %mul3A_1723 = vector.broadcast %mul3A_1722 : i32 to vector<16xi32>
          %mul3A_1724 = arith.muli %shift_right_logical3A_1721, %mul3A_1723 : vector<16xi32>
          %add3A_1725 = arith.addi %mul3A_1724, %iota3A : vector<16xi32>
          tpu.vector_store_idx %arg23[%add3A_1725], %broadcast_in_dim3A_2 {add = true} : memref<4096xi32, #tpu.memory_space<vmem>>[vector<16xi32>], vector<16xi32>,
          %mul3A_1726 = arith.constant 64 : i32
          %mul3A_1727 = arith.muli %scan3A_1649, %mul3A_1726 : i32
          %add3A_1728 = arith.constant 32 : i32
          %add3A_1729 = arith.addi %mul3A_1727, %add3A_1728 : i32
          %get3A_1730 = arith.index_cast %add3A_1729 : i32 to index
          %get3A_1731 = tpu.vector_load %arg15[%get3A_1730] {strides = array<i32>} : memref<8192xf32, #tpu.memory_space<vmem>>, vector<16xf32>,
          %mul3A_1732 = arith.mulf %get3A_1731, %bitcast3A_66 : vector<16xf32>
          %get3A_1733 = arith.index_cast %add3A_1729 : i32 to index
          %get3A_1734 = tpu.vector_load %arg16[%get3A_1733] {strides = array<i32>} : memref<8192xf32, #tpu.memory_space<vmem>>, vector<16xf32>,
          %mul3A_1735 = arith.mulf %get3A_1734, %bitcast3A_81 : vector<16xf32>
          %add3A_1736 = arith.addf %mul3A_1732, %mul3A_1735 : vector<16xf32>
          %get3A_1737 = arith.index_cast %add3A_1729 : i32 to index
          %get3A_1738 = tpu.vector_load %arg17[%get3A_1737] {strides = array<i32>} : memref<8192xf32, #tpu.memory_space<vmem>>, vector<16xf32>,
          %mul3A_1739 = arith.mulf %get3A_1738, %bitcast3A_96 : vector<16xf32>
          %add3A_1740 = arith.addf %add3A_1736, %mul3A_1739 : vector<16xf32>
          %get3A_1741 = arith.index_cast %add3A_1729 : i32 to index
          %get3A_1742 = tpu.vector_load %arg18[%get3A_1741] {strides = array<i32>} : memref<8192xf32, #tpu.memory_space<vmem>>, vector<16xf32>,
          %add3A_1743 = arith.addf %add3A_54, %get3A_1742 : vector<16xf32>
          %mul3A_1744 = arith.constant 2.000000e+00 : f32
          %mul3A_1745 = vector.broadcast %mul3A_1744 : f32 to vector<16xf32>
          %mul3A_1746 = arith.mulf %mul3A_1745, %add3A_1740 : vector<16xf32>
          %sub3A_1747 = arith.subf %add3A_1743, %mul3A_1746 : vector<16xf32>
          %bitcast3A_1748 = vector.bitcast %sub3A_1747 : vector<16xf32> to vector<16xi32>
          %shift_right_arithmetic3A_1749 = arith.constant 31 : i32
          %shift_right_arithmetic3A_1750 = vector.broadcast %shift_right_arithmetic3A_1749 : i32 to vector<16xi32>
          %shift_right_arithmetic3A_1751 = arith.shrsi %bitcast3A_1748, %shift_right_arithmetic3A_1750 : vector<16xi32>
          %or3A_1752 = arith.constant -2147483648 : i32
          %or3A_1753 = vector.broadcast %or3A_1752 : i32 to vector<16xi32>
          %or3A_1754 = arith.ori %shift_right_arithmetic3A_1751, %or3A_1753 : vector<16xi32>
          %xor3A_1755 = arith.xori %bitcast3A_1748, %or3A_1754 : vector<16xi32>
          %swap3A_1756 = arith.index_cast %add3A_1729 : i32 to index
          %swap3A_1757 = tpu.vector_load %arg22[%swap3A_1756] {strides = array<i32>} : memref<8192xi32, #tpu.memory_space<vmem>>, vector<16xi32>,
          tpu.vector_store %arg22[%swap3A_1756], %xor3A_1755 {strides = array<i32>} : memref<8192xi32, #tpu.memory_space<vmem>>, vector<16xi32>,
          %shift_right_logical3A_1758 = arith.constant 24 : i32
          %shift_right_logical3A_1759 = vector.broadcast %shift_right_logical3A_1758 : i32 to vector<16xi32>
          %shift_right_logical3A_1760 = arith.shrui %xor3A_1755, %shift_right_logical3A_1759 : vector<16xi32>
          %mul3A_1761 = arith.constant 16 : i32
          %mul3A_1762 = vector.broadcast %mul3A_1761 : i32 to vector<16xi32>
          %mul3A_1763 = arith.muli %shift_right_logical3A_1760, %mul3A_1762 : vector<16xi32>
          %add3A_1764 = arith.addi %mul3A_1763, %iota3A : vector<16xi32>
          tpu.vector_store_idx %arg23[%add3A_1764], %broadcast_in_dim3A_2 {add = true} : memref<4096xi32, #tpu.memory_space<vmem>>[vector<16xi32>], vector<16xi32>,
          %mul3A_1765 = arith.constant 64 : i32
          %mul3A_1766 = arith.muli %scan3A_1649, %mul3A_1765 : i32
          %add3A_1767 = arith.constant 48 : i32
          %add3A_1768 = arith.addi %mul3A_1766, %add3A_1767 : i32
          %get3A_1769 = arith.index_cast %add3A_1768 : i32 to index
          %get3A_1770 = tpu.vector_load %arg15[%get3A_1769] {strides = array<i32>} : memref<8192xf32, #tpu.memory_space<vmem>>, vector<16xf32>,
          %mul3A_1771 = arith.mulf %get3A_1770, %bitcast3A_66 : vector<16xf32>
          %get3A_1772 = arith.index_cast %add3A_1768 : i32 to index
          %get3A_1773 = tpu.vector_load %arg16[%get3A_1772] {strides = array<i32>} : memref<8192xf32, #tpu.memory_space<vmem>>, vector<16xf32>,
          %mul3A_1774 = arith.mulf %get3A_1773, %bitcast3A_81 : vector<16xf32>
          %add3A_1775 = arith.addf %mul3A_1771, %mul3A_1774 : vector<16xf32>
          %get3A_1776 = arith.index_cast %add3A_1768 : i32 to index
          %get3A_1777 = tpu.vector_load %arg17[%get3A_1776] {strides = array<i32>} : memref<8192xf32, #tpu.memory_space<vmem>>, vector<16xf32>,
          %mul3A_1778 = arith.mulf %get3A_1777, %bitcast3A_96 : vector<16xf32>
          %add3A_1779 = arith.addf %add3A_1775, %mul3A_1778 : vector<16xf32>
          %get3A_1780 = arith.index_cast %add3A_1768 : i32 to index
          %get3A_1781 = tpu.vector_load %arg18[%get3A_1780] {strides = array<i32>} : memref<8192xf32, #tpu.memory_space<vmem>>, vector<16xf32>,
          %add3A_1782 = arith.addf %add3A_54, %get3A_1781 : vector<16xf32>
          %mul3A_1783 = arith.constant 2.000000e+00 : f32
          %mul3A_1784 = vector.broadcast %mul3A_1783 : f32 to vector<16xf32>
          %mul3A_1785 = arith.mulf %mul3A_1784, %add3A_1779 : vector<16xf32>
          %sub3A_1786 = arith.subf %add3A_1782, %mul3A_1785 : vector<16xf32>
          %bitcast3A_1787 = vector.bitcast %sub3A_1786 : vector<16xf32> to vector<16xi32>
          %shift_right_arithmetic3A_1788 = arith.constant 31 : i32
          %shift_right_arithmetic3A_1789 = vector.broadcast %shift_right_arithmetic3A_1788 : i32 to vector<16xi32>
          %shift_right_arithmetic3A_1790 = arith.shrsi %bitcast3A_1787, %shift_right_arithmetic3A_1789 : vector<16xi32>
          %or3A_1791 = arith.constant -2147483648 : i32
          %or3A_1792 = vector.broadcast %or3A_1791 : i32 to vector<16xi32>
          %or3A_1793 = arith.ori %shift_right_arithmetic3A_1790, %or3A_1792 : vector<16xi32>
          %xor3A_1794 = arith.xori %bitcast3A_1787, %or3A_1793 : vector<16xi32>
          %swap3A_1795 = arith.index_cast %add3A_1768 : i32 to index
          %swap3A_1796 = tpu.vector_load %arg22[%swap3A_1795] {strides = array<i32>} : memref<8192xi32, #tpu.memory_space<vmem>>, vector<16xi32>,
          tpu.vector_store %arg22[%swap3A_1795], %xor3A_1794 {strides = array<i32>} : memref<8192xi32, #tpu.memory_space<vmem>>, vector<16xi32>,
          %shift_right_logical3A_1797 = arith.constant 24 : i32
          %shift_right_logical3A_1798 = vector.broadcast %shift_right_logical3A_1797 : i32 to vector<16xi32>
          %shift_right_logical3A_1799 = arith.shrui %xor3A_1794, %shift_right_logical3A_1798 : vector<16xi32>
          %mul3A_1800 = arith.constant 16 : i32
          %mul3A_1801 = vector.broadcast %mul3A_1800 : i32 to vector<16xi32>
          %mul3A_1802 = arith.muli %shift_right_logical3A_1799, %mul3A_1801 : vector<16xi32>
          %add3A_1803 = arith.addi %mul3A_1802, %iota3A : vector<16xi32>
          tpu.vector_store_idx %arg23[%add3A_1803], %broadcast_in_dim3A_2 {add = true} : memref<4096xi32, #tpu.memory_space<vmem>>[vector<16xi32>], vector<16xi32>,
          %scan3A_1804 = arith.constant 0 : i32
          scf.yield %scan3A_1804 : i32
        }
        %scan3A_110 = arith.constant 128 : i32
        %scan3A_111 = arith.constant 0 : i32
        %scan3A_112 = arith.constant 0 : i32
        %scan3A_113 = arith.constant 0 : i32
        %scan3A_114 = arith.constant 16 : i32
        %scan3A_115 = arith.addi %scan3A_113, %scan3A_114 : i32
        %scan3A_116 = arith.constant 1 : i32
        %scan3A_117:2 = scf.for %scan3A_1649 = %scan3A_113 to %scan3A_115 step %scan3A_116 iter_args(%scan3A_1650 = %scan3A_111, %scan3A_1651 = %scan3A_112) -> (i32, i32)  : i32 {
          %mul3A_1652 = arith.constant 16 : i32
          %mul3A_1653 = arith.muli %scan3A_1649, %mul3A_1652 : i32
          %broadcast_in_dim3A_1654 = vector.broadcast %mul3A_1653 : i32 to vector<16xi32>
          %add3A_1655 = arith.addi %broadcast_in_dim3A_1654, %iota3A : vector<16xi32>
          %mul3A_1656 = arith.constant 16 : i32
          %mul3A_1657 = vector.broadcast %mul3A_1656 : i32 to vector<16xi32>
          %mul3A_1658 = arith.muli %add3A_1655, %mul3A_1657 : vector<16xi32>
          %add3A_1659 = arith.constant 0 : i32
          %add3A_1660 = vector.broadcast %add3A_1659 : i32 to vector<16xi32>
          %add3A_1661 = arith.addi %mul3A_1658, %add3A_1660 : vector<16xi32>
          %gather3A_1662 = tpu.vector_load_idx %arg23[%add3A_1661] : memref<4096xi32, #tpu.memory_space<vmem>>[vector<16xi32>], vector<16xi32>,
          %add3A_1663 = arith.addi %broadcast_in_dim3A_0, %gather3A_1662 : vector<16xi32>
          %add3A_1664 = arith.constant 1 : i32
          %add3A_1665 = vector.broadcast %add3A_1664 : i32 to vector<16xi32>
          %add3A_1666 = arith.addi %mul3A_1658, %add3A_1665 : vector<16xi32>
          %gather3A_1667 = tpu.vector_load_idx %arg23[%add3A_1666] : memref<4096xi32, #tpu.memory_space<vmem>>[vector<16xi32>], vector<16xi32>,
          %add3A_1668 = arith.addi %add3A_1663, %gather3A_1667 : vector<16xi32>
          %add3A_1669 = arith.constant 2 : i32
          %add3A_1670 = vector.broadcast %add3A_1669 : i32 to vector<16xi32>
          %add3A_1671 = arith.addi %mul3A_1658, %add3A_1670 : vector<16xi32>
          %gather3A_1672 = tpu.vector_load_idx %arg23[%add3A_1671] : memref<4096xi32, #tpu.memory_space<vmem>>[vector<16xi32>], vector<16xi32>,
          %add3A_1673 = arith.addi %add3A_1668, %gather3A_1672 : vector<16xi32>
          %add3A_1674 = arith.constant 3 : i32
          %add3A_1675 = vector.broadcast %add3A_1674 : i32 to vector<16xi32>
          %add3A_1676 = arith.addi %mul3A_1658, %add3A_1675 : vector<16xi32>
          %gather3A_1677 = tpu.vector_load_idx %arg23[%add3A_1676] : memref<4096xi32, #tpu.memory_space<vmem>>[vector<16xi32>], vector<16xi32>,
          %add3A_1678 = arith.addi %add3A_1673, %gather3A_1677 : vector<16xi32>
          %add3A_1679 = arith.constant 4 : i32
          %add3A_1680 = vector.broadcast %add3A_1679 : i32 to vector<16xi32>
          %add3A_1681 = arith.addi %mul3A_1658, %add3A_1680 : vector<16xi32>
          %gather3A_1682 = tpu.vector_load_idx %arg23[%add3A_1681] : memref<4096xi32, #tpu.memory_space<vmem>>[vector<16xi32>], vector<16xi32>,
          %add3A_1683 = arith.addi %add3A_1678, %gather3A_1682 : vector<16xi32>
          %add3A_1684 = arith.constant 5 : i32
          %add3A_1685 = vector.broadcast %add3A_1684 : i32 to vector<16xi32>
          %add3A_1686 = arith.addi %mul3A_1658, %add3A_1685 : vector<16xi32>
          %gather3A_1687 = tpu.vector_load_idx %arg23[%add3A_1686] : memref<4096xi32, #tpu.memory_space<vmem>>[vector<16xi32>], vector<16xi32>,
          %add3A_1688 = arith.addi %add3A_1683, %gather3A_1687 : vector<16xi32>
          %add3A_1689 = arith.constant 6 : i32
          %add3A_1690 = vector.broadcast %add3A_1689 : i32 to vector<16xi32>
          %add3A_1691 = arith.addi %mul3A_1658, %add3A_1690 : vector<16xi32>
          %gather3A_1692 = tpu.vector_load_idx %arg23[%add3A_1691] : memref<4096xi32, #tpu.memory_space<vmem>>[vector<16xi32>], vector<16xi32>,
          %add3A_1693 = arith.addi %add3A_1688, %gather3A_1692 : vector<16xi32>
          %add3A_1694 = arith.constant 7 : i32
          %add3A_1695 = vector.broadcast %add3A_1694 : i32 to vector<16xi32>
          %add3A_1696 = arith.addi %mul3A_1658, %add3A_1695 : vector<16xi32>
          %gather3A_1697 = tpu.vector_load_idx %arg23[%add3A_1696] : memref<4096xi32, #tpu.memory_space<vmem>>[vector<16xi32>], vector<16xi32>,
          %add3A_1698 = arith.addi %add3A_1693, %gather3A_1697 : vector<16xi32>
          %add3A_1699 = arith.constant 8 : i32
          %add3A_1700 = vector.broadcast %add3A_1699 : i32 to vector<16xi32>
          %add3A_1701 = arith.addi %mul3A_1658, %add3A_1700 : vector<16xi32>
          %gather3A_1702 = tpu.vector_load_idx %arg23[%add3A_1701] : memref<4096xi32, #tpu.memory_space<vmem>>[vector<16xi32>], vector<16xi32>,
          %add3A_1703 = arith.addi %add3A_1698, %gather3A_1702 : vector<16xi32>
          %add3A_1704 = arith.constant 9 : i32
          %add3A_1705 = vector.broadcast %add3A_1704 : i32 to vector<16xi32>
          %add3A_1706 = arith.addi %mul3A_1658, %add3A_1705 : vector<16xi32>
          %gather3A_1707 = tpu.vector_load_idx %arg23[%add3A_1706] : memref<4096xi32, #tpu.memory_space<vmem>>[vector<16xi32>], vector<16xi32>,
          %add3A_1708 = arith.addi %add3A_1703, %gather3A_1707 : vector<16xi32>
          %add3A_1709 = arith.constant 10 : i32
          %add3A_1710 = vector.broadcast %add3A_1709 : i32 to vector<16xi32>
          %add3A_1711 = arith.addi %mul3A_1658, %add3A_1710 : vector<16xi32>
          %gather3A_1712 = tpu.vector_load_idx %arg23[%add3A_1711] : memref<4096xi32, #tpu.memory_space<vmem>>[vector<16xi32>], vector<16xi32>,
          %add3A_1713 = arith.addi %add3A_1708, %gather3A_1712 : vector<16xi32>
          %add3A_1714 = arith.constant 11 : i32
          %add3A_1715 = vector.broadcast %add3A_1714 : i32 to vector<16xi32>
          %add3A_1716 = arith.addi %mul3A_1658, %add3A_1715 : vector<16xi32>
          %gather3A_1717 = tpu.vector_load_idx %arg23[%add3A_1716] : memref<4096xi32, #tpu.memory_space<vmem>>[vector<16xi32>], vector<16xi32>,
          %add3A_1718 = arith.addi %add3A_1713, %gather3A_1717 : vector<16xi32>
          %add3A_1719 = arith.constant 12 : i32
          %add3A_1720 = vector.broadcast %add3A_1719 : i32 to vector<16xi32>
          %add3A_1721 = arith.addi %mul3A_1658, %add3A_1720 : vector<16xi32>
          %gather3A_1722 = tpu.vector_load_idx %arg23[%add3A_1721] : memref<4096xi32, #tpu.memory_space<vmem>>[vector<16xi32>], vector<16xi32>,
          %add3A_1723 = arith.addi %add3A_1718, %gather3A_1722 : vector<16xi32>
          %add3A_1724 = arith.constant 13 : i32
          %add3A_1725 = vector.broadcast %add3A_1724 : i32 to vector<16xi32>
          %add3A_1726 = arith.addi %mul3A_1658, %add3A_1725 : vector<16xi32>
          %gather3A_1727 = tpu.vector_load_idx %arg23[%add3A_1726] : memref<4096xi32, #tpu.memory_space<vmem>>[vector<16xi32>], vector<16xi32>,
          %add3A_1728 = arith.addi %add3A_1723, %gather3A_1727 : vector<16xi32>
          %add3A_1729 = arith.constant 14 : i32
          %add3A_1730 = vector.broadcast %add3A_1729 : i32 to vector<16xi32>
          %add3A_1731 = arith.addi %mul3A_1658, %add3A_1730 : vector<16xi32>
          %gather3A_1732 = tpu.vector_load_idx %arg23[%add3A_1731] : memref<4096xi32, #tpu.memory_space<vmem>>[vector<16xi32>], vector<16xi32>,
          %add3A_1733 = arith.addi %add3A_1728, %gather3A_1732 : vector<16xi32>
          %add3A_1734 = arith.constant 15 : i32
          %add3A_1735 = vector.broadcast %add3A_1734 : i32 to vector<16xi32>
          %add3A_1736 = arith.addi %mul3A_1658, %add3A_1735 : vector<16xi32>
          %gather3A_1737 = tpu.vector_load_idx %arg23[%add3A_1736] : memref<4096xi32, #tpu.memory_space<vmem>>[vector<16xi32>], vector<16xi32>,
          %add3A_1738 = arith.addi %add3A_1733, %gather3A_1737 : vector<16xi32>
          %broadcast_in_dim3A_1739 = arith.constant true
          %broadcast_in_dim3A_1740 = vector.broadcast %broadcast_in_dim3A_1739 : i1 to vector<16xi1>
          %masked_cumsum3A_1741 = tpu.scan <sum>, %add3A_1738 masked %broadcast_in_dim3A_1740 : vector<16xi32>, vector<16xi1> -> vector<16xi32>
          %add3A_1742 = vector.broadcast %scan3A_1651 : i32 to vector<16xi32>
          %add3A_1743 = arith.addi %masked_cumsum3A_1741, %add3A_1742 : vector<16xi32>
          %lt3A_1744 = arith.constant 32 : i32
          %lt3A_1745 = vector.broadcast %lt3A_1744 : i32 to vector<16xi32>
          %lt3A_1746 = arith.cmpi slt, %add3A_1743, %lt3A_1745 : vector<16xi32>
          %jit3A_1747 = arith.constant 1 : i32
          %jit3A_1748 = arith.constant 0 : i32
          %broadcast_in_dim3A_1749 = vector.broadcast %jit3A_1747 : i32 to vector<16xi32>
          %broadcast_in_dim3A_1750 = vector.broadcast %jit3A_1748 : i32 to vector<16xi32>
          %select_n3A_1751 = arith.select %lt3A_1746, %broadcast_in_dim3A_1749, %broadcast_in_dim3A_1750 : vector<16xi1>, vector<16xi32>
          %reduce_sum3A_1752 = arith.constant true
          %reduce_sum3A_1753 = vector.broadcast %reduce_sum3A_1752 : i1 to vector<16xi1>
          %reduce_sum3A_1754 = tpu.scan <sum>, %select_n3A_1751 masked %reduce_sum3A_1753 : vector<16xi32>, vector<16xi1> -> vector<16xi32>
          %reduce_sum3A_1755 = vector.extract %reduce_sum3A_1754[15] : i32 from vector<16xi32>
          %add3A_1756 = arith.addi %scan3A_1650, %reduce_sum3A_1755 : i32
          %reduce_max3A_1757 = arith.constant true
          %reduce_max3A_1758 = vector.broadcast %reduce_max3A_1757 : i1 to vector<16xi1>
          %reduce_max3A_1759 = arith.constant -2147483648 : i32
          %reduce_max3A_1760 = vector.broadcast %reduce_max3A_1759 : i32 to vector<16xi32>
          %reduce_max3A_1761 = arith.xori %add3A_1743, %reduce_max3A_1760 : vector<16xi32>
          %reduce_max3A_1762 = tpu.scan <max>, %reduce_max3A_1761 masked %reduce_max3A_1758 : vector<16xi32>, vector<16xi1> -> vector<16xi32>
          %reduce_max3A_1763 = arith.xori %reduce_max3A_1762, %reduce_max3A_1760 : vector<16xi32>
          %reduce_max3A_1764 = vector.extract %reduce_max3A_1763[15] : i32 from vector<16xi32>
          scf.yield %add3A_1756, %reduce_max3A_1764 : i32, i32
        }
        %scan3A_118 = arith.constant 16 : i32
        %scan3A_119 = arith.constant 0 : i32
        %scan3A_120 = arith.constant 0 : i32
        %scan3A_121 = arith.constant 0 : i32
        %scan3A_122 = arith.constant 256 : i32
        %scan3A_123 = arith.addi %scan3A_121, %scan3A_122 : i32
        %scan3A_124 = arith.constant 1 : i32
        %scan3A_125:2 = scf.for %scan3A_1649 = %scan3A_121 to %scan3A_123 step %scan3A_124 iter_args(%scan3A_1650 = %scan3A_119, %scan3A_1651 = %scan3A_120) -> (i32, i32)  : i32 {
          %mul3A_1652 = arith.constant 32 : i32
          %mul3A_1653 = arith.muli %scan3A_1649, %mul3A_1652 : i32
          %add3A_1654 = arith.constant 0 : i32
          %add3A_1655 = arith.addi %mul3A_1653, %add3A_1654 : i32
          %get3A_1656 = arith.index_cast %add3A_1655 : i32 to index
          %get3A_1657 = tpu.vector_load %arg22[%get3A_1656] {strides = array<i32>} : memref<8192xi32, #tpu.memory_space<vmem>>, vector<16xi32>,
          %shift_right_logical3A_1658 = arith.constant 24 : i32
          %shift_right_logical3A_1659 = vector.broadcast %shift_right_logical3A_1658 : i32 to vector<16xi32>
          %shift_right_logical3A_1660 = arith.shrui %get3A_1657, %shift_right_logical3A_1659 : vector<16xi32>
          %broadcast_in_dim3A_1661 = vector.broadcast %add3A_1655 : i32 to vector<16xi32>
          %add3A_1662 = arith.addi %broadcast_in_dim3A_1661, %iota3A : vector<16xi32>
          %lt3A_1663 = vector.broadcast %scan3A_117#0 : i32 to vector<16xi32>
          %lt3A_1664 = arith.cmpi slt, %shift_right_logical3A_1660, %lt3A_1663 : vector<16xi32>
          %eq3A = vector.broadcast %scan3A_117#0 : i32 to vector<16xi32>
          %eq3A_1665 = arith.cmpi eq, %shift_right_logical3A_1660, %eq3A : vector<16xi32>
          %jit3A_1666 = arith.constant 1 : i32
          %jit3A_1667 = arith.constant 0 : i32
          %broadcast_in_dim3A_1668 = vector.broadcast %jit3A_1666 : i32 to vector<16xi32>
          %broadcast_in_dim3A_1669 = vector.broadcast %jit3A_1667 : i32 to vector<16xi32>
          %select_n3A_1670 = arith.select %lt3A_1664, %broadcast_in_dim3A_1668, %broadcast_in_dim3A_1669 : vector<16xi1>, vector<16xi32>
          %broadcast_in_dim3A_1671 = arith.constant true
          %broadcast_in_dim3A_1672 = vector.broadcast %broadcast_in_dim3A_1671 : i1 to vector<16xi1>
          %masked_cumsum3A_1673 = tpu.scan <sum>, %select_n3A_1670 masked %broadcast_in_dim3A_1672 : vector<16xi32>, vector<16xi1> -> vector<16xi32>
          %add3A_1674 = vector.broadcast %scan3A_1650 : i32 to vector<16xi32>
          %add3A_1675 = arith.addi %add3A_1674, %masked_cumsum3A_1673 : vector<16xi32>
          %sub3A_1676 = arith.constant 1 : i32
          %sub3A_1677 = vector.broadcast %sub3A_1676 : i32 to vector<16xi32>
          %sub3A_1678 = arith.subi %add3A_1675, %sub3A_1677 : vector<16xi32>
          tpu.vector_store_idx %arg24[%sub3A_1678], %add3A_1662 masked %lt3A_1664 : memref<64xi32, #tpu.memory_space<vmem>>[vector<16xi32>], vector<16xi32>, vector<16xi1>
          %all_reduce_population_count3A = tpu.all_reduce %lt3A_1664 {dim = 0 : i64, kind = #tpu.reduction_kind<sum>} : vector<16xi1> -> vector<16xi32>
          %reduce_max3A_1679 = arith.constant true
          %reduce_max3A_1680 = vector.broadcast %reduce_max3A_1679 : i1 to vector<16xi1>
          %reduce_max3A_1681 = arith.constant -2147483648 : i32
          %reduce_max3A_1682 = vector.broadcast %reduce_max3A_1681 : i32 to vector<16xi32>
          %reduce_max3A_1683 = arith.xori %all_reduce_population_count3A, %reduce_max3A_1682 : vector<16xi32>
          %reduce_max3A_1684 = tpu.scan <max>, %reduce_max3A_1683 masked %reduce_max3A_1680 : vector<16xi32>, vector<16xi1> -> vector<16xi32>
          %reduce_max3A_1685 = arith.xori %reduce_max3A_1684, %reduce_max3A_1682 : vector<16xi32>
          %reduce_max3A_1686 = vector.extract %reduce_max3A_1685[15] : i32 from vector<16xi32>
          %add3A_1687 = arith.addi %scan3A_1650, %reduce_max3A_1686 : i32
          %jit3A_1688 = arith.constant 1 : i32
          %jit3A_1689 = arith.constant 0 : i32
          %broadcast_in_dim3A_1690 = vector.broadcast %jit3A_1688 : i32 to vector<16xi32>
          %broadcast_in_dim3A_1691 = vector.broadcast %jit3A_1689 : i32 to vector<16xi32>
          %select_n3A_1692 = arith.select %eq3A_1665, %broadcast_in_dim3A_1690, %broadcast_in_dim3A_1691 : vector<16xi1>, vector<16xi32>
          %broadcast_in_dim3A_1693 = arith.constant true
          %broadcast_in_dim3A_1694 = vector.broadcast %broadcast_in_dim3A_1693 : i1 to vector<16xi1>
          %masked_cumsum3A_1695 = tpu.scan <sum>, %select_n3A_1692 masked %broadcast_in_dim3A_1694 : vector<16xi32>, vector<16xi1> -> vector<16xi32>
          %add3A_1696 = vector.broadcast %scan3A_1651 : i32 to vector<16xi32>
          %add3A_1697 = arith.addi %add3A_1696, %masked_cumsum3A_1695 : vector<16xi32>
          %sub3A_1698 = arith.constant 1 : i32
          %sub3A_1699 = vector.broadcast %sub3A_1698 : i32 to vector<16xi32>
          %sub3A_1700 = arith.subi %add3A_1697, %sub3A_1699 : vector<16xi32>
          tpu.vector_store_idx %arg26[%sub3A_1700], %add3A_1662 masked %eq3A_1665 : memref<8224xi32, #tpu.memory_space<vmem>>[vector<16xi32>], vector<16xi32>, vector<16xi1>
          %all_reduce_population_count3A_1701 = tpu.all_reduce %eq3A_1665 {dim = 0 : i64, kind = #tpu.reduction_kind<sum>} : vector<16xi1> -> vector<16xi32>
          %reduce_max3A_1702 = arith.constant true
          %reduce_max3A_1703 = vector.broadcast %reduce_max3A_1702 : i1 to vector<16xi1>
          %reduce_max3A_1704 = arith.constant -2147483648 : i32
          %reduce_max3A_1705 = vector.broadcast %reduce_max3A_1704 : i32 to vector<16xi32>
          %reduce_max3A_1706 = arith.xori %all_reduce_population_count3A_1701, %reduce_max3A_1705 : vector<16xi32>
          %reduce_max3A_1707 = tpu.scan <max>, %reduce_max3A_1706 masked %reduce_max3A_1703 : vector<16xi32>, vector<16xi1> -> vector<16xi32>
          %reduce_max3A_1708 = arith.xori %reduce_max3A_1707, %reduce_max3A_1705 : vector<16xi32>
          %reduce_max3A_1709 = vector.extract %reduce_max3A_1708[15] : i32 from vector<16xi32>
          %add3A_1710 = arith.addi %scan3A_1651, %reduce_max3A_1709 : i32
          %mul3A_1711 = arith.constant 32 : i32
          %mul3A_1712 = arith.muli %scan3A_1649, %mul3A_1711 : i32
          %add3A_1713 = arith.constant 16 : i32
          %add3A_1714 = arith.addi %mul3A_1712, %add3A_1713 : i32
          %get3A_1715 = arith.index_cast %add3A_1714 : i32 to index
          %get3A_1716 = tpu.vector_load %arg22[%get3A_1715] {strides = array<i32>} : memref<8192xi32, #tpu.memory_space<vmem>>, vector<16xi32>,
          %shift_right_logical3A_1717 = arith.constant 24 : i32
          %shift_right_logical3A_1718 = vector.broadcast %shift_right_logical3A_1717 : i32 to vector<16xi32>
          %shift_right_logical3A_1719 = arith.shrui %get3A_1716, %shift_right_logical3A_1718 : vector<16xi32>
          %broadcast_in_dim3A_1720 = vector.broadcast %add3A_1714 : i32 to vector<16xi32>
          %add3A_1721 = arith.addi %broadcast_in_dim3A_1720, %iota3A : vector<16xi32>
          %lt3A_1722 = vector.broadcast %scan3A_117#0 : i32 to vector<16xi32>
          %lt3A_1723 = arith.cmpi slt, %shift_right_logical3A_1719, %lt3A_1722 : vector<16xi32>
          %eq3A_1724 = vector.broadcast %scan3A_117#0 : i32 to vector<16xi32>
          %eq3A_1725 = arith.cmpi eq, %shift_right_logical3A_1719, %eq3A_1724 : vector<16xi32>
          %jit3A_1726 = arith.constant 1 : i32
          %jit3A_1727 = arith.constant 0 : i32
          %broadcast_in_dim3A_1728 = vector.broadcast %jit3A_1726 : i32 to vector<16xi32>
          %broadcast_in_dim3A_1729 = vector.broadcast %jit3A_1727 : i32 to vector<16xi32>
          %select_n3A_1730 = arith.select %lt3A_1723, %broadcast_in_dim3A_1728, %broadcast_in_dim3A_1729 : vector<16xi1>, vector<16xi32>
          %broadcast_in_dim3A_1731 = arith.constant true
          %broadcast_in_dim3A_1732 = vector.broadcast %broadcast_in_dim3A_1731 : i1 to vector<16xi1>
          %masked_cumsum3A_1733 = tpu.scan <sum>, %select_n3A_1730 masked %broadcast_in_dim3A_1732 : vector<16xi32>, vector<16xi1> -> vector<16xi32>
          %add3A_1734 = vector.broadcast %add3A_1687 : i32 to vector<16xi32>
          %add3A_1735 = arith.addi %add3A_1734, %masked_cumsum3A_1733 : vector<16xi32>
          %sub3A_1736 = arith.constant 1 : i32
          %sub3A_1737 = vector.broadcast %sub3A_1736 : i32 to vector<16xi32>
          %sub3A_1738 = arith.subi %add3A_1735, %sub3A_1737 : vector<16xi32>
          tpu.vector_store_idx %arg24[%sub3A_1738], %add3A_1721 masked %lt3A_1723 : memref<64xi32, #tpu.memory_space<vmem>>[vector<16xi32>], vector<16xi32>, vector<16xi1>
          %all_reduce_population_count3A_1739 = tpu.all_reduce %lt3A_1723 {dim = 0 : i64, kind = #tpu.reduction_kind<sum>} : vector<16xi1> -> vector<16xi32>
          %reduce_max3A_1740 = arith.constant true
          %reduce_max3A_1741 = vector.broadcast %reduce_max3A_1740 : i1 to vector<16xi1>
          %reduce_max3A_1742 = arith.constant -2147483648 : i32
          %reduce_max3A_1743 = vector.broadcast %reduce_max3A_1742 : i32 to vector<16xi32>
          %reduce_max3A_1744 = arith.xori %all_reduce_population_count3A_1739, %reduce_max3A_1743 : vector<16xi32>
          %reduce_max3A_1745 = tpu.scan <max>, %reduce_max3A_1744 masked %reduce_max3A_1741 : vector<16xi32>, vector<16xi1> -> vector<16xi32>
          %reduce_max3A_1746 = arith.xori %reduce_max3A_1745, %reduce_max3A_1743 : vector<16xi32>
          %reduce_max3A_1747 = vector.extract %reduce_max3A_1746[15] : i32 from vector<16xi32>
          %add3A_1748 = arith.addi %add3A_1687, %reduce_max3A_1747 : i32
          %jit3A_1749 = arith.constant 1 : i32
          %jit3A_1750 = arith.constant 0 : i32
          %broadcast_in_dim3A_1751 = vector.broadcast %jit3A_1749 : i32 to vector<16xi32>
          %broadcast_in_dim3A_1752 = vector.broadcast %jit3A_1750 : i32 to vector<16xi32>
          %select_n3A_1753 = arith.select %eq3A_1725, %broadcast_in_dim3A_1751, %broadcast_in_dim3A_1752 : vector<16xi1>, vector<16xi32>
          %broadcast_in_dim3A_1754 = arith.constant true
          %broadcast_in_dim3A_1755 = vector.broadcast %broadcast_in_dim3A_1754 : i1 to vector<16xi1>
          %masked_cumsum3A_1756 = tpu.scan <sum>, %select_n3A_1753 masked %broadcast_in_dim3A_1755 : vector<16xi32>, vector<16xi1> -> vector<16xi32>
          %add3A_1757 = vector.broadcast %add3A_1710 : i32 to vector<16xi32>
          %add3A_1758 = arith.addi %add3A_1757, %masked_cumsum3A_1756 : vector<16xi32>
          %sub3A_1759 = arith.constant 1 : i32
          %sub3A_1760 = vector.broadcast %sub3A_1759 : i32 to vector<16xi32>
          %sub3A_1761 = arith.subi %add3A_1758, %sub3A_1760 : vector<16xi32>
          tpu.vector_store_idx %arg26[%sub3A_1761], %add3A_1721 masked %eq3A_1725 : memref<8224xi32, #tpu.memory_space<vmem>>[vector<16xi32>], vector<16xi32>, vector<16xi1>
          %all_reduce_population_count3A_1762 = tpu.all_reduce %eq3A_1725 {dim = 0 : i64, kind = #tpu.reduction_kind<sum>} : vector<16xi1> -> vector<16xi32>
          %reduce_max3A_1763 = arith.constant true
          %reduce_max3A_1764 = vector.broadcast %reduce_max3A_1763 : i1 to vector<16xi1>
          %reduce_max3A_1765 = arith.constant -2147483648 : i32
          %reduce_max3A_1766 = vector.broadcast %reduce_max3A_1765 : i32 to vector<16xi32>
          %reduce_max3A_1767 = arith.xori %all_reduce_population_count3A_1762, %reduce_max3A_1766 : vector<16xi32>
          %reduce_max3A_1768 = tpu.scan <max>, %reduce_max3A_1767 masked %reduce_max3A_1764 : vector<16xi32>, vector<16xi1> -> vector<16xi32>
          %reduce_max3A_1769 = arith.xori %reduce_max3A_1768, %reduce_max3A_1766 : vector<16xi32>
          %reduce_max3A_1770 = vector.extract %reduce_max3A_1769[15] : i32 from vector<16xi32>
          %add3A_1771 = arith.addi %add3A_1710, %reduce_max3A_1770 : i32
          scf.yield %add3A_1748, %add3A_1771 : i32, i32
        }
        %scan3A_126 = arith.constant 256 : i32
        %sub3A = arith.constant 32 : i32
        %sub3A_127 = arith.subi %sub3A, %scan3A_125#0 : i32
        %swap3A_128 = arith.constant 0 : index
        %swap3A_129 = tpu.vector_load %arg23[%swap3A_128] {strides = array<i32>} : memref<4096xi32, #tpu.memory_space<vmem>>, vector<16xi32>,
        tpu.vector_store %arg23[%swap3A_128], %broadcast_in_dim3A_0 {strides = array<i32>} : memref<4096xi32, #tpu.memory_space<vmem>>, vector<16xi32>,
        %swap3A_130 = arith.constant 16 : index
        %swap3A_131 = tpu.vector_load %arg23[%swap3A_130] {strides = array<i32>} : memref<4096xi32, #tpu.memory_space<vmem>>, vector<16xi32>,
        tpu.vector_store %arg23[%swap3A_130], %broadcast_in_dim3A_0 {strides = array<i32>} : memref<4096xi32, #tpu.memory_space<vmem>>, vector<16xi32>,
        %swap3A_132 = arith.constant 32 : index
        %swap3A_133 = tpu.vector_load %arg23[%swap3A_132] {strides = array<i32>} : memref<4096xi32, #tpu.memory_space<vmem>>, vector<16xi32>,
        tpu.vector_store %arg23[%swap3A_132], %broadcast_in_dim3A_0 {strides = array<i32>} : memref<4096xi32, #tpu.memory_space<vmem>>, vector<16xi32>,
        %swap3A_134 = arith.constant 48 : index
        %swap3A_135 = tpu.vector_load %arg23[%swap3A_134] {strides = array<i32>} : memref<4096xi32, #tpu.memory_space<vmem>>, vector<16xi32>,
        tpu.vector_store %arg23[%swap3A_134], %broadcast_in_dim3A_0 {strides = array<i32>} : memref<4096xi32, #tpu.memory_space<vmem>>, vector<16xi32>,
        %swap3A_136 = arith.constant 64 : index
        %swap3A_137 = tpu.vector_load %arg23[%swap3A_136] {strides = array<i32>} : memref<4096xi32, #tpu.memory_space<vmem>>, vector<16xi32>,
        tpu.vector_store %arg23[%swap3A_136], %broadcast_in_dim3A_0 {strides = array<i32>} : memref<4096xi32, #tpu.memory_space<vmem>>, vector<16xi32>,
        %swap3A_138 = arith.constant 80 : index
        %swap3A_139 = tpu.vector_load %arg23[%swap3A_138] {strides = array<i32>} : memref<4096xi32, #tpu.memory_space<vmem>>, vector<16xi32>,
        tpu.vector_store %arg23[%swap3A_138], %broadcast_in_dim3A_0 {strides = array<i32>} : memref<4096xi32, #tpu.memory_space<vmem>>, vector<16xi32>,
        %swap3A_140 = arith.constant 96 : index
        %swap3A_141 = tpu.vector_load %arg23[%swap3A_140] {strides = array<i32>} : memref<4096xi32, #tpu.memory_space<vmem>>, vector<16xi32>,
        tpu.vector_store %arg23[%swap3A_140], %broadcast_in_dim3A_0 {strides = array<i32>} : memref<4096xi32, #tpu.memory_space<vmem>>, vector<16xi32>,
        %swap3A_142 = arith.constant 112 : index
        %swap3A_143 = tpu.vector_load %arg23[%swap3A_142] {strides = array<i32>} : memref<4096xi32, #tpu.memory_space<vmem>>, vector<16xi32>,
        tpu.vector_store %arg23[%swap3A_142], %broadcast_in_dim3A_0 {strides = array<i32>} : memref<4096xi32, #tpu.memory_space<vmem>>, vector<16xi32>,
        %swap3A_144 = arith.constant 128 : index
        %swap3A_145 = tpu.vector_load %arg23[%swap3A_144] {strides = array<i32>} : memref<4096xi32, #tpu.memory_space<vmem>>, vector<16xi32>,
        tpu.vector_store %arg23[%swap3A_144], %broadcast_in_dim3A_0 {strides = array<i32>} : memref<4096xi32, #tpu.memory_space<vmem>>, vector<16xi32>,
        %swap3A_146 = arith.constant 144 : index
        %swap3A_147 = tpu.vector_load %arg23[%swap3A_146] {strides = array<i32>} : memref<4096xi32, #tpu.memory_space<vmem>>, vector<16xi32>,
        tpu.vector_store %arg23[%swap3A_146], %broadcast_in_dim3A_0 {strides = array<i32>} : memref<4096xi32, #tpu.memory_space<vmem>>, vector<16xi32>,
        %swap3A_148 = arith.constant 160 : index
        %swap3A_149 = tpu.vector_load %arg23[%swap3A_148] {strides = array<i32>} : memref<4096xi32, #tpu.memory_space<vmem>>, vector<16xi32>,
        tpu.vector_store %arg23[%swap3A_148], %broadcast_in_dim3A_0 {strides = array<i32>} : memref<4096xi32, #tpu.memory_space<vmem>>, vector<16xi32>,
        %swap3A_150 = arith.constant 176 : index
        %swap3A_151 = tpu.vector_load %arg23[%swap3A_150] {strides = array<i32>} : memref<4096xi32, #tpu.memory_space<vmem>>, vector<16xi32>,
        tpu.vector_store %arg23[%swap3A_150], %broadcast_in_dim3A_0 {strides = array<i32>} : memref<4096xi32, #tpu.memory_space<vmem>>, vector<16xi32>,
        %swap3A_152 = arith.constant 192 : index
        %swap3A_153 = tpu.vector_load %arg23[%swap3A_152] {strides = array<i32>} : memref<4096xi32, #tpu.memory_space<vmem>>, vector<16xi32>,
        tpu.vector_store %arg23[%swap3A_152], %broadcast_in_dim3A_0 {strides = array<i32>} : memref<4096xi32, #tpu.memory_space<vmem>>, vector<16xi32>,
        %swap3A_154 = arith.constant 208 : index
        %swap3A_155 = tpu.vector_load %arg23[%swap3A_154] {strides = array<i32>} : memref<4096xi32, #tpu.memory_space<vmem>>, vector<16xi32>,
        tpu.vector_store %arg23[%swap3A_154], %broadcast_in_dim3A_0 {strides = array<i32>} : memref<4096xi32, #tpu.memory_space<vmem>>, vector<16xi32>,
        %swap3A_156 = arith.constant 224 : index
        %swap3A_157 = tpu.vector_load %arg23[%swap3A_156] {strides = array<i32>} : memref<4096xi32, #tpu.memory_space<vmem>>, vector<16xi32>,
        tpu.vector_store %arg23[%swap3A_156], %broadcast_in_dim3A_0 {strides = array<i32>} : memref<4096xi32, #tpu.memory_space<vmem>>, vector<16xi32>,
        %swap3A_158 = arith.constant 240 : index
        %swap3A_159 = tpu.vector_load %arg23[%swap3A_158] {strides = array<i32>} : memref<4096xi32, #tpu.memory_space<vmem>>, vector<16xi32>,
        tpu.vector_store %arg23[%swap3A_158], %broadcast_in_dim3A_0 {strides = array<i32>} : memref<4096xi32, #tpu.memory_space<vmem>>, vector<16xi32>,
        %add3A_160 = arith.constant 15 : i32
        %add3A_161 = arith.addi %scan3A_125#1, %add3A_160 : i32
        %jit3A = arith.constant 16 : i32
        %div3A = arith.divsi %add3A_161, %jit3A : i32
        %sign3A = arith.constant 0 : i32
        %sign3A_162 = arith.cmpi sgt, %add3A_161, %sign3A : i32
        %sign3A_163 = arith.extui %sign3A_162 : i1 to i32
        %sign3A_164 = arith.constant 0 : i32
        %sign3A_165 = arith.cmpi slt, %add3A_161, %sign3A_164 : i32
        %sign3A_166 = arith.extui %sign3A_165 : i1 to i32
        %sign3A_167 = arith.subi %sign3A_163, %sign3A_166 : i32
        %sign3A_168 = arith.constant 0 : i32
        %sign3A_169 = arith.cmpi sgt, %jit3A, %sign3A_168 : i32
        %sign3A_170 = arith.extui %sign3A_169 : i1 to i32
        %sign3A_171 = arith.constant 0 : i32
        %sign3A_172 = arith.cmpi slt, %jit3A, %sign3A_171 : i32
        %sign3A_173 = arith.extui %sign3A_172 : i1 to i32
        %sign3A_174 = arith.subi %sign3A_170, %sign3A_173 : i32
        %ne3A = arith.cmpi ne, %sign3A_167, %sign3A_174 : i32
        %rem3A = arith.remsi %add3A_161, %jit3A : i32
        %ne3A_175 = arith.constant 0 : i32
        %ne3A_176 = arith.cmpi ne, %rem3A, %ne3A_175 : i32
        %and3A_177 = arith.andi %ne3A, %ne3A_176 : i1
        %sub3A_178 = arith.constant 1 : i32
        %sub3A_179 = arith.subi %div3A, %sub3A_178 : i32
        %select_n3A = arith.select %and3A_177, %sub3A_179, %div3A : i32
        %while3A = arith.constant 0 : i32
        %while3A_180 = arith.constant 0 : i32
        %while3A_181 = arith.subi %select_n3A, %while3A : i32
        %while3A_182 = arith.addi %while3A, %while3A_181 : i32
        %while3A_183 = arith.constant 1 : i32
        %while3A_184 = arith.divsi %while3A_181, %while3A_183 : i32
        %while3A_185 = arith.muli %while3A_184, %while3A_183 : i32
        %while3A_186 = arith.addi %while3A, %while3A_185 : i32
        %while3A_187 = arith.constant 1 : i32
        %while3A_188 = scf.for %while3A_1649 = %while3A to %while3A_186 step %while3A_187 iter_args(%while3A_1650 = %while3A_180) -> (i32)  : i32 {
          %mul3A_1651 = arith.constant 16 : i32
          %mul3A_1652 = arith.muli %while3A_1649, %mul3A_1651 : i32
          %broadcast_in_dim3A_1653 = vector.broadcast %mul3A_1652 : i32 to vector<16xi32>
          %add3A_1654 = arith.addi %broadcast_in_dim3A_1653, %iota3A : vector<16xi32>
          %lt3A_1655 = vector.broadcast %scan3A_125#1 : i32 to vector<16xi32>
          %lt3A_1656 = arith.cmpi slt, %add3A_1654, %lt3A_1655 : vector<16xi32>
          %get3A_1657 = arith.index_cast %mul3A_1652 : i32 to index
          %get3A_1658 = tpu.vector_load %arg26[%get3A_1657] {strides = array<i32>} : memref<8224xi32, #tpu.memory_space<vmem>>, vector<16xi32>,
          %select_n3A_1659 = arith.select %lt3A_1656, %get3A_1658, %broadcast_in_dim3A_0 : vector<16xi1>, vector<16xi32>
          %gather3A_1660 = tpu.vector_load_idx %arg22[%select_n3A_1659] : memref<8192xi32, #tpu.memory_space<vmem>>[vector<16xi32>], vector<16xi32>,
          %shift_right_logical3A_1661 = arith.constant 20 : i32
          %shift_right_logical3A_1662 = vector.broadcast %shift_right_logical3A_1661 : i32 to vector<16xi32>
          %shift_right_logical3A_1663 = arith.shrui %gather3A_1660, %shift_right_logical3A_1662 : vector<16xi32>
          %and3A_1664 = arith.constant 15 : i32
          %and3A_1665 = vector.broadcast %and3A_1664 : i32 to vector<16xi32>
          %and3A_1666 = arith.andi %shift_right_logical3A_1663, %and3A_1665 : vector<16xi32>
          %mul3A_1667 = arith.constant 16 : i32
          %mul3A_1668 = vector.broadcast %mul3A_1667 : i32 to vector<16xi32>
          %mul3A_1669 = arith.muli %and3A_1666, %mul3A_1668 : vector<16xi32>
          %add3A_1670 = arith.addi %mul3A_1669, %iota3A : vector<16xi32>
          tpu.vector_store_idx %arg23[%add3A_1670], %broadcast_in_dim3A_2 masked %lt3A_1656 {add = true} : memref<4096xi32, #tpu.memory_space<vmem>>[vector<16xi32>], vector<16xi32>, vector<16xi1>
          %while3A_1671 = arith.constant 0 : i32
          scf.yield %while3A_1671 : i32
        }
        %while3A_189 = arith.constant 1 : i32
        %while3A_190 = scf.for %while3A_1649 = %while3A_186 to %while3A_182 step %while3A_189 iter_args(%while3A_1650 = %while3A_188) -> (i32)  : i32 {
          %mul3A_1651 = arith.constant 16 : i32
          %mul3A_1652 = arith.muli %while3A_1649, %mul3A_1651 : i32
          %broadcast_in_dim3A_1653 = vector.broadcast %mul3A_1652 : i32 to vector<16xi32>
          %add3A_1654 = arith.addi %broadcast_in_dim3A_1653, %iota3A : vector<16xi32>
          %lt3A_1655 = vector.broadcast %scan3A_125#1 : i32 to vector<16xi32>
          %lt3A_1656 = arith.cmpi slt, %add3A_1654, %lt3A_1655 : vector<16xi32>
          %get3A_1657 = arith.index_cast %mul3A_1652 : i32 to index
          %get3A_1658 = tpu.vector_load %arg26[%get3A_1657] {strides = array<i32>} : memref<8224xi32, #tpu.memory_space<vmem>>, vector<16xi32>,
          %select_n3A_1659 = arith.select %lt3A_1656, %get3A_1658, %broadcast_in_dim3A_0 : vector<16xi1>, vector<16xi32>
          %gather3A_1660 = tpu.vector_load_idx %arg22[%select_n3A_1659] : memref<8192xi32, #tpu.memory_space<vmem>>[vector<16xi32>], vector<16xi32>,
          %shift_right_logical3A_1661 = arith.constant 20 : i32
          %shift_right_logical3A_1662 = vector.broadcast %shift_right_logical3A_1661 : i32 to vector<16xi32>
          %shift_right_logical3A_1663 = arith.shrui %gather3A_1660, %shift_right_logical3A_1662 : vector<16xi32>
          %and3A_1664 = arith.constant 15 : i32
          %and3A_1665 = vector.broadcast %and3A_1664 : i32 to vector<16xi32>
          %and3A_1666 = arith.andi %shift_right_logical3A_1663, %and3A_1665 : vector<16xi32>
          %mul3A_1667 = arith.constant 16 : i32
          %mul3A_1668 = vector.broadcast %mul3A_1667 : i32 to vector<16xi32>
          %mul3A_1669 = arith.muli %and3A_1666, %mul3A_1668 : vector<16xi32>
          %add3A_1670 = arith.addi %mul3A_1669, %iota3A : vector<16xi32>
          tpu.vector_store_idx %arg23[%add3A_1670], %broadcast_in_dim3A_2 masked %lt3A_1656 {add = true} : memref<4096xi32, #tpu.memory_space<vmem>>[vector<16xi32>], vector<16xi32>, vector<16xi1>
          %while3A_1671 = arith.constant 0 : i32
          scf.yield %while3A_1671 : i32
        }
        %mul3A_191 = arith.constant 16 : i32
        %mul3A_192 = vector.broadcast %mul3A_191 : i32 to vector<16xi32>
        %mul3A_193 = arith.muli %iota3A, %mul3A_192 : vector<16xi32>
        %add3A_194 = arith.constant 0 : i32
        %add3A_195 = vector.broadcast %add3A_194 : i32 to vector<16xi32>
        %add3A_196 = arith.addi %mul3A_193, %add3A_195 : vector<16xi32>
        %gather3A_197 = tpu.vector_load_idx %arg23[%add3A_196] : memref<4096xi32, #tpu.memory_space<vmem>>[vector<16xi32>], vector<16xi32>,
        %add3A_198 = arith.addi %broadcast_in_dim3A_0, %gather3A_197 : vector<16xi32>
        %mul3A_199 = arith.constant 16 : i32
        %mul3A_200 = vector.broadcast %mul3A_199 : i32 to vector<16xi32>
        %mul3A_201 = arith.muli %iota3A, %mul3A_200 : vector<16xi32>
        %add3A_202 = arith.constant 1 : i32
        %add3A_203 = vector.broadcast %add3A_202 : i32 to vector<16xi32>
        %add3A_204 = arith.addi %mul3A_201, %add3A_203 : vector<16xi32>
        %gather3A_205 = tpu.vector_load_idx %arg23[%add3A_204] : memref<4096xi32, #tpu.memory_space<vmem>>[vector<16xi32>], vector<16xi32>,
        %add3A_206 = arith.addi %add3A_198, %gather3A_205 : vector<16xi32>
        %mul3A_207 = arith.constant 16 : i32
        %mul3A_208 = vector.broadcast %mul3A_207 : i32 to vector<16xi32>
        %mul3A_209 = arith.muli %iota3A, %mul3A_208 : vector<16xi32>
        %add3A_210 = arith.constant 2 : i32
        %add3A_211 = vector.broadcast %add3A_210 : i32 to vector<16xi32>
        %add3A_212 = arith.addi %mul3A_209, %add3A_211 : vector<16xi32>
        %gather3A_213 = tpu.vector_load_idx %arg23[%add3A_212] : memref<4096xi32, #tpu.memory_space<vmem>>[vector<16xi32>], vector<16xi32>,
        %add3A_214 = arith.addi %add3A_206, %gather3A_213 : vector<16xi32>
        %mul3A_215 = arith.constant 16 : i32
        %mul3A_216 = vector.broadcast %mul3A_215 : i32 to vector<16xi32>
        %mul3A_217 = arith.muli %iota3A, %mul3A_216 : vector<16xi32>
        %add3A_218 = arith.constant 3 : i32
        %add3A_219 = vector.broadcast %add3A_218 : i32 to vector<16xi32>
        %add3A_220 = arith.addi %mul3A_217, %add3A_219 : vector<16xi32>
        %gather3A_221 = tpu.vector_load_idx %arg23[%add3A_220] : memref<4096xi32, #tpu.memory_space<vmem>>[vector<16xi32>], vector<16xi32>,
        %add3A_222 = arith.addi %add3A_214, %gather3A_221 : vector<16xi32>
        %mul3A_223 = arith.constant 16 : i32
        %mul3A_224 = vector.broadcast %mul3A_223 : i32 to vector<16xi32>
        %mul3A_225 = arith.muli %iota3A, %mul3A_224 : vector<16xi32>
        %add3A_226 = arith.constant 4 : i32
        %add3A_227 = vector.broadcast %add3A_226 : i32 to vector<16xi32>
        %add3A_228 = arith.addi %mul3A_225, %add3A_227 : vector<16xi32>
        %gather3A_229 = tpu.vector_load_idx %arg23[%add3A_228] : memref<4096xi32, #tpu.memory_space<vmem>>[vector<16xi32>], vector<16xi32>,
        %add3A_230 = arith.addi %add3A_222, %gather3A_229 : vector<16xi32>
        %mul3A_231 = arith.constant 16 : i32
        %mul3A_232 = vector.broadcast %mul3A_231 : i32 to vector<16xi32>
        %mul3A_233 = arith.muli %iota3A, %mul3A_232 : vector<16xi32>
        %add3A_234 = arith.constant 5 : i32
        %add3A_235 = vector.broadcast %add3A_234 : i32 to vector<16xi32>
        %add3A_236 = arith.addi %mul3A_233, %add3A_235 : vector<16xi32>
        %gather3A_237 = tpu.vector_load_idx %arg23[%add3A_236] : memref<4096xi32, #tpu.memory_space<vmem>>[vector<16xi32>], vector<16xi32>,
        %add3A_238 = arith.addi %add3A_230, %gather3A_237 : vector<16xi32>
        %mul3A_239 = arith.constant 16 : i32
        %mul3A_240 = vector.broadcast %mul3A_239 : i32 to vector<16xi32>
        %mul3A_241 = arith.muli %iota3A, %mul3A_240 : vector<16xi32>
        %add3A_242 = arith.constant 6 : i32
        %add3A_243 = vector.broadcast %add3A_242 : i32 to vector<16xi32>
        %add3A_244 = arith.addi %mul3A_241, %add3A_243 : vector<16xi32>
        %gather3A_245 = tpu.vector_load_idx %arg23[%add3A_244] : memref<4096xi32, #tpu.memory_space<vmem>>[vector<16xi32>], vector<16xi32>,
        %add3A_246 = arith.addi %add3A_238, %gather3A_245 : vector<16xi32>
        %mul3A_247 = arith.constant 16 : i32
        %mul3A_248 = vector.broadcast %mul3A_247 : i32 to vector<16xi32>
        %mul3A_249 = arith.muli %iota3A, %mul3A_248 : vector<16xi32>
        %add3A_250 = arith.constant 7 : i32
        %add3A_251 = vector.broadcast %add3A_250 : i32 to vector<16xi32>
        %add3A_252 = arith.addi %mul3A_249, %add3A_251 : vector<16xi32>
        %gather3A_253 = tpu.vector_load_idx %arg23[%add3A_252] : memref<4096xi32, #tpu.memory_space<vmem>>[vector<16xi32>], vector<16xi32>,
        %add3A_254 = arith.addi %add3A_246, %gather3A_253 : vector<16xi32>
        %mul3A_255 = arith.constant 16 : i32
        %mul3A_256 = vector.broadcast %mul3A_255 : i32 to vector<16xi32>
        %mul3A_257 = arith.muli %iota3A, %mul3A_256 : vector<16xi32>
        %add3A_258 = arith.constant 8 : i32
        %add3A_259 = vector.broadcast %add3A_258 : i32 to vector<16xi32>
        %add3A_260 = arith.addi %mul3A_257, %add3A_259 : vector<16xi32>
        %gather3A_261 = tpu.vector_load_idx %arg23[%add3A_260] : memref<4096xi32, #tpu.memory_space<vmem>>[vector<16xi32>], vector<16xi32>,
        %add3A_262 = arith.addi %add3A_254, %gather3A_261 : vector<16xi32>
        %mul3A_263 = arith.constant 16 : i32
        %mul3A_264 = vector.broadcast %mul3A_263 : i32 to vector<16xi32>
        %mul3A_265 = arith.muli %iota3A, %mul3A_264 : vector<16xi32>
        %add3A_266 = arith.constant 9 : i32
        %add3A_267 = vector.broadcast %add3A_266 : i32 to vector<16xi32>
        %add3A_268 = arith.addi %mul3A_265, %add3A_267 : vector<16xi32>
        %gather3A_269 = tpu.vector_load_idx %arg23[%add3A_268] : memref<4096xi32, #tpu.memory_space<vmem>>[vector<16xi32>], vector<16xi32>,
        %add3A_270 = arith.addi %add3A_262, %gather3A_269 : vector<16xi32>
        %mul3A_271 = arith.constant 16 : i32
        %mul3A_272 = vector.broadcast %mul3A_271 : i32 to vector<16xi32>
        %mul3A_273 = arith.muli %iota3A, %mul3A_272 : vector<16xi32>
        %add3A_274 = arith.constant 10 : i32
        %add3A_275 = vector.broadcast %add3A_274 : i32 to vector<16xi32>
        %add3A_276 = arith.addi %mul3A_273, %add3A_275 : vector<16xi32>
        %gather3A_277 = tpu.vector_load_idx %arg23[%add3A_276] : memref<4096xi32, #tpu.memory_space<vmem>>[vector<16xi32>], vector<16xi32>,
        %add3A_278 = arith.addi %add3A_270, %gather3A_277 : vector<16xi32>
        %mul3A_279 = arith.constant 16 : i32
        %mul3A_280 = vector.broadcast %mul3A_279 : i32 to vector<16xi32>
        %mul3A_281 = arith.muli %iota3A, %mul3A_280 : vector<16xi32>
        %add3A_282 = arith.constant 11 : i32
        %add3A_283 = vector.broadcast %add3A_282 : i32 to vector<16xi32>
        %add3A_284 = arith.addi %mul3A_281, %add3A_283 : vector<16xi32>
        %gather3A_285 = tpu.vector_load_idx %arg23[%add3A_284] : memref<4096xi32, #tpu.memory_space<vmem>>[vector<16xi32>], vector<16xi32>,
        %add3A_286 = arith.addi %add3A_278, %gather3A_285 : vector<16xi32>
        %mul3A_287 = arith.constant 16 : i32
        %mul3A_288 = vector.broadcast %mul3A_287 : i32 to vector<16xi32>
        %mul3A_289 = arith.muli %iota3A, %mul3A_288 : vector<16xi32>
        %add3A_290 = arith.constant 12 : i32
        %add3A_291 = vector.broadcast %add3A_290 : i32 to vector<16xi32>
        %add3A_292 = arith.addi %mul3A_289, %add3A_291 : vector<16xi32>
        %gather3A_293 = tpu.vector_load_idx %arg23[%add3A_292] : memref<4096xi32, #tpu.memory_space<vmem>>[vector<16xi32>], vector<16xi32>,
        %add3A_294 = arith.addi %add3A_286, %gather3A_293 : vector<16xi32>
        %mul3A_295 = arith.constant 16 : i32
        %mul3A_296 = vector.broadcast %mul3A_295 : i32 to vector<16xi32>
        %mul3A_297 = arith.muli %iota3A, %mul3A_296 : vector<16xi32>
        %add3A_298 = arith.constant 13 : i32
        %add3A_299 = vector.broadcast %add3A_298 : i32 to vector<16xi32>
        %add3A_300 = arith.addi %mul3A_297, %add3A_299 : vector<16xi32>
        %gather3A_301 = tpu.vector_load_idx %arg23[%add3A_300] : memref<4096xi32, #tpu.memory_space<vmem>>[vector<16xi32>], vector<16xi32>,
        %add3A_302 = arith.addi %add3A_294, %gather3A_301 : vector<16xi32>
        %mul3A_303 = arith.constant 16 : i32
        %mul3A_304 = vector.broadcast %mul3A_303 : i32 to vector<16xi32>
        %mul3A_305 = arith.muli %iota3A, %mul3A_304 : vector<16xi32>
        %add3A_306 = arith.constant 14 : i32
        %add3A_307 = vector.broadcast %add3A_306 : i32 to vector<16xi32>
        %add3A_308 = arith.addi %mul3A_305, %add3A_307 : vector<16xi32>
        %gather3A_309 = tpu.vector_load_idx %arg23[%add3A_308] : memref<4096xi32, #tpu.memory_space<vmem>>[vector<16xi32>], vector<16xi32>,
        %add3A_310 = arith.addi %add3A_302, %gather3A_309 : vector<16xi32>
        %mul3A_311 = arith.constant 16 : i32
        %mul3A_312 = vector.broadcast %mul3A_311 : i32 to vector<16xi32>
        %mul3A_313 = arith.muli %iota3A, %mul3A_312 : vector<16xi32>
        %add3A_314 = arith.constant 15 : i32
        %add3A_315 = vector.broadcast %add3A_314 : i32 to vector<16xi32>
        %add3A_316 = arith.addi %mul3A_313, %add3A_315 : vector<16xi32>
        %gather3A_317 = tpu.vector_load_idx %arg23[%add3A_316] : memref<4096xi32, #tpu.memory_space<vmem>>[vector<16xi32>], vector<16xi32>,
        %add3A_318 = arith.addi %add3A_310, %gather3A_317 : vector<16xi32>
        %broadcast_in_dim3A_319 = arith.constant true
        %broadcast_in_dim3A_320 = vector.broadcast %broadcast_in_dim3A_319 : i1 to vector<16xi1>
        %masked_cumsum3A = tpu.scan <sum>, %add3A_318 masked %broadcast_in_dim3A_320 : vector<16xi32>, vector<16xi1> -> vector<16xi32>
        %lt3A = vector.broadcast %sub3A_127 : i32 to vector<16xi32>
        %lt3A_321 = arith.cmpi slt, %masked_cumsum3A, %lt3A : vector<16xi32>
        %jit3A_322 = arith.constant 1 : i32
        %jit3A_323 = arith.constant 0 : i32
        %broadcast_in_dim3A_324 = vector.broadcast %jit3A_322 : i32 to vector<16xi32>
        %broadcast_in_dim3A_325 = vector.broadcast %jit3A_323 : i32 to vector<16xi32>
        %select_n3A_326 = arith.select %lt3A_321, %broadcast_in_dim3A_324, %broadcast_in_dim3A_325 : vector<16xi1>, vector<16xi32>
        %reduce_sum3A = arith.constant true
        %reduce_sum3A_327 = vector.broadcast %reduce_sum3A : i1 to vector<16xi1>
        %reduce_sum3A_328 = tpu.scan <sum>, %select_n3A_326 masked %reduce_sum3A_327 : vector<16xi32>, vector<16xi1> -> vector<16xi32>
        %reduce_sum3A_329 = vector.extract %reduce_sum3A_328[15] : i32 from vector<16xi32>
        %jit3A_330 = arith.constant 0 : i32
        %broadcast_in_dim3A_331 = vector.broadcast %jit3A_330 : i32 to vector<16xi32>
        %select_n3A_332 = arith.select %lt3A_321, %masked_cumsum3A, %broadcast_in_dim3A_331 : vector<16xi1>, vector<16xi32>
        %reduce_max3A = arith.constant true
        %reduce_max3A_333 = vector.broadcast %reduce_max3A : i1 to vector<16xi1>
        %reduce_max3A_334 = arith.constant -2147483648 : i32
        %reduce_max3A_335 = vector.broadcast %reduce_max3A_334 : i32 to vector<16xi32>
        %reduce_max3A_336 = arith.xori %select_n3A_332, %reduce_max3A_335 : vector<16xi32>
        %reduce_max3A_337 = tpu.scan <max>, %reduce_max3A_336 masked %reduce_max3A_333 : vector<16xi32>, vector<16xi1> -> vector<16xi32>
        %reduce_max3A_338 = arith.xori %reduce_max3A_337, %reduce_max3A_335 : vector<16xi32>
        %reduce_max3A_339 = vector.extract %reduce_max3A_338[15] : i32 from vector<16xi32>
        %while3A_340 = arith.constant 0 : i32
        %while3A_341 = arith.constant 0 : i32
        %while3A_342 = arith.subi %select_n3A, %while3A_340 : i32
        %while3A_343 = arith.addi %while3A_340, %while3A_342 : i32
        %while3A_344 = arith.constant 1 : i32
        %while3A_345 = arith.divsi %while3A_342, %while3A_344 : i32
        %while3A_346 = arith.muli %while3A_345, %while3A_344 : i32
        %while3A_347 = arith.addi %while3A_340, %while3A_346 : i32
        %while3A_348 = arith.constant 1 : i32
        %while3A_349:2 = scf.for %while3A_1649 = %while3A_340 to %while3A_347 step %while3A_348 iter_args(%while3A_1650 = %scan3A_125#0, %while3A_1651 = %while3A_341) -> (i32, i32)  : i32 {
          %mul3A_1652 = arith.constant 16 : i32
          %mul3A_1653 = arith.muli %while3A_1649, %mul3A_1652 : i32
          %broadcast_in_dim3A_1654 = vector.broadcast %mul3A_1653 : i32 to vector<16xi32>
          %add3A_1655 = arith.addi %broadcast_in_dim3A_1654, %iota3A : vector<16xi32>
          %lt3A_1656 = vector.broadcast %scan3A_125#1 : i32 to vector<16xi32>
          %lt3A_1657 = arith.cmpi slt, %add3A_1655, %lt3A_1656 : vector<16xi32>
          %get3A_1658 = arith.index_cast %mul3A_1653 : i32 to index
          %get3A_1659 = tpu.vector_load %arg26[%get3A_1658] {strides = array<i32>} : memref<8224xi32, #tpu.memory_space<vmem>>, vector<16xi32>,
          %select_n3A_1660 = arith.select %lt3A_1657, %get3A_1659, %broadcast_in_dim3A_0 : vector<16xi1>, vector<16xi32>
          %gather3A_1661 = tpu.vector_load_idx %arg22[%select_n3A_1660] : memref<8192xi32, #tpu.memory_space<vmem>>[vector<16xi32>], vector<16xi32>,
          %shift_right_logical3A_1662 = arith.constant 20 : i32
          %shift_right_logical3A_1663 = vector.broadcast %shift_right_logical3A_1662 : i32 to vector<16xi32>
          %shift_right_logical3A_1664 = arith.shrui %gather3A_1661, %shift_right_logical3A_1663 : vector<16xi32>
          %and3A_1665 = arith.constant 15 : i32
          %and3A_1666 = vector.broadcast %and3A_1665 : i32 to vector<16xi32>
          %and3A_1667 = arith.andi %shift_right_logical3A_1664, %and3A_1666 : vector<16xi32>
          %lt3A_1668 = vector.broadcast %reduce_sum3A_329 : i32 to vector<16xi32>
          %lt3A_1669 = arith.cmpi slt, %and3A_1667, %lt3A_1668 : vector<16xi32>
          %and3A_1670 = arith.andi %lt3A_1669, %lt3A_1657 : vector<16xi1>
          %eq3A = vector.broadcast %reduce_sum3A_329 : i32 to vector<16xi32>
          %eq3A_1671 = arith.cmpi eq, %and3A_1667, %eq3A : vector<16xi32>
          %and3A_1672 = arith.andi %eq3A_1671, %lt3A_1657 : vector<16xi1>
          %jit3A_1673 = arith.constant 1 : i32
          %jit3A_1674 = arith.constant 0 : i32
          %broadcast_in_dim3A_1675 = vector.broadcast %jit3A_1673 : i32 to vector<16xi32>
          %broadcast_in_dim3A_1676 = vector.broadcast %jit3A_1674 : i32 to vector<16xi32>
          %select_n3A_1677 = arith.select %and3A_1670, %broadcast_in_dim3A_1675, %broadcast_in_dim3A_1676 : vector<16xi1>, vector<16xi32>
          %broadcast_in_dim3A_1678 = arith.constant true
          %broadcast_in_dim3A_1679 = vector.broadcast %broadcast_in_dim3A_1678 : i1 to vector<16xi1>
          %masked_cumsum3A_1680 = tpu.scan <sum>, %select_n3A_1677 masked %broadcast_in_dim3A_1679 : vector<16xi32>, vector<16xi1> -> vector<16xi32>
          %add3A_1681 = vector.broadcast %while3A_1650 : i32 to vector<16xi32>
          %add3A_1682 = arith.addi %add3A_1681, %masked_cumsum3A_1680 : vector<16xi32>
          %sub3A_1683 = arith.constant 1 : i32
          %sub3A_1684 = vector.broadcast %sub3A_1683 : i32 to vector<16xi32>
          %sub3A_1685 = arith.subi %add3A_1682, %sub3A_1684 : vector<16xi32>
          tpu.vector_store_idx %arg24[%sub3A_1685], %select_n3A_1660 masked %and3A_1670 : memref<64xi32, #tpu.memory_space<vmem>>[vector<16xi32>], vector<16xi32>, vector<16xi1>
          %all_reduce_population_count3A = tpu.all_reduce %and3A_1670 {dim = 0 : i64, kind = #tpu.reduction_kind<sum>} : vector<16xi1> -> vector<16xi32>
          %reduce_max3A_1686 = arith.constant true
          %reduce_max3A_1687 = vector.broadcast %reduce_max3A_1686 : i1 to vector<16xi1>
          %reduce_max3A_1688 = arith.constant -2147483648 : i32
          %reduce_max3A_1689 = vector.broadcast %reduce_max3A_1688 : i32 to vector<16xi32>
          %reduce_max3A_1690 = arith.xori %all_reduce_population_count3A, %reduce_max3A_1689 : vector<16xi32>
          %reduce_max3A_1691 = tpu.scan <max>, %reduce_max3A_1690 masked %reduce_max3A_1687 : vector<16xi32>, vector<16xi1> -> vector<16xi32>
          %reduce_max3A_1692 = arith.xori %reduce_max3A_1691, %reduce_max3A_1689 : vector<16xi32>
          %reduce_max3A_1693 = vector.extract %reduce_max3A_1692[15] : i32 from vector<16xi32>
          %add3A_1694 = arith.addi %while3A_1650, %reduce_max3A_1693 : i32
          %jit3A_1695 = arith.constant 1 : i32
          %jit3A_1696 = arith.constant 0 : i32
          %broadcast_in_dim3A_1697 = vector.broadcast %jit3A_1695 : i32 to vector<16xi32>
          %broadcast_in_dim3A_1698 = vector.broadcast %jit3A_1696 : i32 to vector<16xi32>
          %select_n3A_1699 = arith.select %and3A_1672, %broadcast_in_dim3A_1697, %broadcast_in_dim3A_1698 : vector<16xi1>, vector<16xi32>
          %broadcast_in_dim3A_1700 = arith.constant true
          %broadcast_in_dim3A_1701 = vector.broadcast %broadcast_in_dim3A_1700 : i1 to vector<16xi1>
          %masked_cumsum3A_1702 = tpu.scan <sum>, %select_n3A_1699 masked %broadcast_in_dim3A_1701 : vector<16xi32>, vector<16xi1> -> vector<16xi32>
          %add3A_1703 = vector.broadcast %while3A_1651 : i32 to vector<16xi32>
          %add3A_1704 = arith.addi %add3A_1703, %masked_cumsum3A_1702 : vector<16xi32>
          %sub3A_1705 = arith.constant 1 : i32
          %sub3A_1706 = vector.broadcast %sub3A_1705 : i32 to vector<16xi32>
          %sub3A_1707 = arith.subi %add3A_1704, %sub3A_1706 : vector<16xi32>
          tpu.vector_store_idx %arg27[%sub3A_1707], %select_n3A_1660 masked %and3A_1672 : memref<8224xi32, #tpu.memory_space<vmem>>[vector<16xi32>], vector<16xi32>, vector<16xi1>
          %all_reduce_population_count3A_1708 = tpu.all_reduce %and3A_1672 {dim = 0 : i64, kind = #tpu.reduction_kind<sum>} : vector<16xi1> -> vector<16xi32>
          %reduce_max3A_1709 = arith.constant true
          %reduce_max3A_1710 = vector.broadcast %reduce_max3A_1709 : i1 to vector<16xi1>
          %reduce_max3A_1711 = arith.constant -2147483648 : i32
          %reduce_max3A_1712 = vector.broadcast %reduce_max3A_1711 : i32 to vector<16xi32>
          %reduce_max3A_1713 = arith.xori %all_reduce_population_count3A_1708, %reduce_max3A_1712 : vector<16xi32>
          %reduce_max3A_1714 = tpu.scan <max>, %reduce_max3A_1713 masked %reduce_max3A_1710 : vector<16xi32>, vector<16xi1> -> vector<16xi32>
          %reduce_max3A_1715 = arith.xori %reduce_max3A_1714, %reduce_max3A_1712 : vector<16xi32>
          %reduce_max3A_1716 = vector.extract %reduce_max3A_1715[15] : i32 from vector<16xi32>
          %add3A_1717 = arith.addi %while3A_1651, %reduce_max3A_1716 : i32
          scf.yield %add3A_1694, %add3A_1717 : i32, i32
        }
        %while3A_350 = arith.constant 1 : i32
        %while3A_351:2 = scf.for %while3A_1649 = %while3A_347 to %while3A_343 step %while3A_350 iter_args(%while3A_1650 = %while3A_349#0, %while3A_1651 = %while3A_349#1) -> (i32, i32)  : i32 {
          %mul3A_1652 = arith.constant 16 : i32
          %mul3A_1653 = arith.muli %while3A_1649, %mul3A_1652 : i32
          %broadcast_in_dim3A_1654 = vector.broadcast %mul3A_1653 : i32 to vector<16xi32>
          %add3A_1655 = arith.addi %broadcast_in_dim3A_1654, %iota3A : vector<16xi32>
          %lt3A_1656 = vector.broadcast %scan3A_125#1 : i32 to vector<16xi32>
          %lt3A_1657 = arith.cmpi slt, %add3A_1655, %lt3A_1656 : vector<16xi32>
          %get3A_1658 = arith.index_cast %mul3A_1653 : i32 to index
          %get3A_1659 = tpu.vector_load %arg26[%get3A_1658] {strides = array<i32>} : memref<8224xi32, #tpu.memory_space<vmem>>, vector<16xi32>,
          %select_n3A_1660 = arith.select %lt3A_1657, %get3A_1659, %broadcast_in_dim3A_0 : vector<16xi1>, vector<16xi32>
          %gather3A_1661 = tpu.vector_load_idx %arg22[%select_n3A_1660] : memref<8192xi32, #tpu.memory_space<vmem>>[vector<16xi32>], vector<16xi32>,
          %shift_right_logical3A_1662 = arith.constant 20 : i32
          %shift_right_logical3A_1663 = vector.broadcast %shift_right_logical3A_1662 : i32 to vector<16xi32>
          %shift_right_logical3A_1664 = arith.shrui %gather3A_1661, %shift_right_logical3A_1663 : vector<16xi32>
          %and3A_1665 = arith.constant 15 : i32
          %and3A_1666 = vector.broadcast %and3A_1665 : i32 to vector<16xi32>
          %and3A_1667 = arith.andi %shift_right_logical3A_1664, %and3A_1666 : vector<16xi32>
          %lt3A_1668 = vector.broadcast %reduce_sum3A_329 : i32 to vector<16xi32>
          %lt3A_1669 = arith.cmpi slt, %and3A_1667, %lt3A_1668 : vector<16xi32>
          %and3A_1670 = arith.andi %lt3A_1669, %lt3A_1657 : vector<16xi1>
          %eq3A = vector.broadcast %reduce_sum3A_329 : i32 to vector<16xi32>
          %eq3A_1671 = arith.cmpi eq, %and3A_1667, %eq3A : vector<16xi32>
          %and3A_1672 = arith.andi %eq3A_1671, %lt3A_1657 : vector<16xi1>
          %jit3A_1673 = arith.constant 1 : i32
          %jit3A_1674 = arith.constant 0 : i32
          %broadcast_in_dim3A_1675 = vector.broadcast %jit3A_1673 : i32 to vector<16xi32>
          %broadcast_in_dim3A_1676 = vector.broadcast %jit3A_1674 : i32 to vector<16xi32>
          %select_n3A_1677 = arith.select %and3A_1670, %broadcast_in_dim3A_1675, %broadcast_in_dim3A_1676 : vector<16xi1>, vector<16xi32>
          %broadcast_in_dim3A_1678 = arith.constant true
          %broadcast_in_dim3A_1679 = vector.broadcast %broadcast_in_dim3A_1678 : i1 to vector<16xi1>
          %masked_cumsum3A_1680 = tpu.scan <sum>, %select_n3A_1677 masked %broadcast_in_dim3A_1679 : vector<16xi32>, vector<16xi1> -> vector<16xi32>
          %add3A_1681 = vector.broadcast %while3A_1650 : i32 to vector<16xi32>
          %add3A_1682 = arith.addi %add3A_1681, %masked_cumsum3A_1680 : vector<16xi32>
          %sub3A_1683 = arith.constant 1 : i32
          %sub3A_1684 = vector.broadcast %sub3A_1683 : i32 to vector<16xi32>
          %sub3A_1685 = arith.subi %add3A_1682, %sub3A_1684 : vector<16xi32>
          tpu.vector_store_idx %arg24[%sub3A_1685], %select_n3A_1660 masked %and3A_1670 : memref<64xi32, #tpu.memory_space<vmem>>[vector<16xi32>], vector<16xi32>, vector<16xi1>
          %all_reduce_population_count3A = tpu.all_reduce %and3A_1670 {dim = 0 : i64, kind = #tpu.reduction_kind<sum>} : vector<16xi1> -> vector<16xi32>
          %reduce_max3A_1686 = arith.constant true
          %reduce_max3A_1687 = vector.broadcast %reduce_max3A_1686 : i1 to vector<16xi1>
          %reduce_max3A_1688 = arith.constant -2147483648 : i32
          %reduce_max3A_1689 = vector.broadcast %reduce_max3A_1688 : i32 to vector<16xi32>
          %reduce_max3A_1690 = arith.xori %all_reduce_population_count3A, %reduce_max3A_1689 : vector<16xi32>
          %reduce_max3A_1691 = tpu.scan <max>, %reduce_max3A_1690 masked %reduce_max3A_1687 : vector<16xi32>, vector<16xi1> -> vector<16xi32>
          %reduce_max3A_1692 = arith.xori %reduce_max3A_1691, %reduce_max3A_1689 : vector<16xi32>
          %reduce_max3A_1693 = vector.extract %reduce_max3A_1692[15] : i32 from vector<16xi32>
          %add3A_1694 = arith.addi %while3A_1650, %reduce_max3A_1693 : i32
          %jit3A_1695 = arith.constant 1 : i32
          %jit3A_1696 = arith.constant 0 : i32
          %broadcast_in_dim3A_1697 = vector.broadcast %jit3A_1695 : i32 to vector<16xi32>
          %broadcast_in_dim3A_1698 = vector.broadcast %jit3A_1696 : i32 to vector<16xi32>
          %select_n3A_1699 = arith.select %and3A_1672, %broadcast_in_dim3A_1697, %broadcast_in_dim3A_1698 : vector<16xi1>, vector<16xi32>
          %broadcast_in_dim3A_1700 = arith.constant true
          %broadcast_in_dim3A_1701 = vector.broadcast %broadcast_in_dim3A_1700 : i1 to vector<16xi1>
          %masked_cumsum3A_1702 = tpu.scan <sum>, %select_n3A_1699 masked %broadcast_in_dim3A_1701 : vector<16xi32>, vector<16xi1> -> vector<16xi32>
          %add3A_1703 = vector.broadcast %while3A_1651 : i32 to vector<16xi32>
          %add3A_1704 = arith.addi %add3A_1703, %masked_cumsum3A_1702 : vector<16xi32>
          %sub3A_1705 = arith.constant 1 : i32
          %sub3A_1706 = vector.broadcast %sub3A_1705 : i32 to vector<16xi32>
          %sub3A_1707 = arith.subi %add3A_1704, %sub3A_1706 : vector<16xi32>
          tpu.vector_store_idx %arg27[%sub3A_1707], %select_n3A_1660 masked %and3A_1672 : memref<8224xi32, #tpu.memory_space<vmem>>[vector<16xi32>], vector<16xi32>, vector<16xi1>
          %all_reduce_population_count3A_1708 = tpu.all_reduce %and3A_1672 {dim = 0 : i64, kind = #tpu.reduction_kind<sum>} : vector<16xi1> -> vector<16xi32>
          %reduce_max3A_1709 = arith.constant true
          %reduce_max3A_1710 = vector.broadcast %reduce_max3A_1709 : i1 to vector<16xi1>
          %reduce_max3A_1711 = arith.constant -2147483648 : i32
          %reduce_max3A_1712 = vector.broadcast %reduce_max3A_1711 : i32 to vector<16xi32>
          %reduce_max3A_1713 = arith.xori %all_reduce_population_count3A_1708, %reduce_max3A_1712 : vector<16xi32>
          %reduce_max3A_1714 = tpu.scan <max>, %reduce_max3A_1713 masked %reduce_max3A_1710 : vector<16xi32>, vector<16xi1> -> vector<16xi32>
          %reduce_max3A_1715 = arith.xori %reduce_max3A_1714, %reduce_max3A_1712 : vector<16xi32>
          %reduce_max3A_1716 = vector.extract %reduce_max3A_1715[15] : i32 from vector<16xi32>
          %add3A_1717 = arith.addi %while3A_1651, %reduce_max3A_1716 : i32
          scf.yield %add3A_1694, %add3A_1717 : i32, i32
        }
        %sub3A_352 = arith.subi %sub3A_127, %reduce_max3A_339 : i32
        %swap3A_353 = arith.constant 0 : index
        %swap3A_354 = tpu.vector_load %arg23[%swap3A_353] {strides = array<i32>} : memref<4096xi32, #tpu.memory_space<vmem>>, vector<16xi32>,
        tpu.vector_store %arg23[%swap3A_353], %broadcast_in_dim3A_0 {strides = array<i32>} : memref<4096xi32, #tpu.memory_space<vmem>>, vector<16xi32>,
        %swap3A_355 = arith.constant 16 : index
        %swap3A_356 = tpu.vector_load %arg23[%swap3A_355] {strides = array<i32>} : memref<4096xi32, #tpu.memory_space<vmem>>, vector<16xi32>,
        tpu.vector_store %arg23[%swap3A_355], %broadcast_in_dim3A_0 {strides = array<i32>} : memref<4096xi32, #tpu.memory_space<vmem>>, vector<16xi32>,
        %swap3A_357 = arith.constant 32 : index
        %swap3A_358 = tpu.vector_load %arg23[%swap3A_357] {strides = array<i32>} : memref<4096xi32, #tpu.memory_space<vmem>>, vector<16xi32>,
        tpu.vector_store %arg23[%swap3A_357], %broadcast_in_dim3A_0 {strides = array<i32>} : memref<4096xi32, #tpu.memory_space<vmem>>, vector<16xi32>,
        %swap3A_359 = arith.constant 48 : index
        %swap3A_360 = tpu.vector_load %arg23[%swap3A_359] {strides = array<i32>} : memref<4096xi32, #tpu.memory_space<vmem>>, vector<16xi32>,
        tpu.vector_store %arg23[%swap3A_359], %broadcast_in_dim3A_0 {strides = array<i32>} : memref<4096xi32, #tpu.memory_space<vmem>>, vector<16xi32>,
        %swap3A_361 = arith.constant 64 : index
        %swap3A_362 = tpu.vector_load %arg23[%swap3A_361] {strides = array<i32>} : memref<4096xi32, #tpu.memory_space<vmem>>, vector<16xi32>,
        tpu.vector_store %arg23[%swap3A_361], %broadcast_in_dim3A_0 {strides = array<i32>} : memref<4096xi32, #tpu.memory_space<vmem>>, vector<16xi32>,
        %swap3A_363 = arith.constant 80 : index
        %swap3A_364 = tpu.vector_load %arg23[%swap3A_363] {strides = array<i32>} : memref<4096xi32, #tpu.memory_space<vmem>>, vector<16xi32>,
        tpu.vector_store %arg23[%swap3A_363], %broadcast_in_dim3A_0 {strides = array<i32>} : memref<4096xi32, #tpu.memory_space<vmem>>, vector<16xi32>,
        %swap3A_365 = arith.constant 96 : index
        %swap3A_366 = tpu.vector_load %arg23[%swap3A_365] {strides = array<i32>} : memref<4096xi32, #tpu.memory_space<vmem>>, vector<16xi32>,
        tpu.vector_store %arg23[%swap3A_365], %broadcast_in_dim3A_0 {strides = array<i32>} : memref<4096xi32, #tpu.memory_space<vmem>>, vector<16xi32>,
        %swap3A_367 = arith.constant 112 : index
        %swap3A_368 = tpu.vector_load %arg23[%swap3A_367] {strides = array<i32>} : memref<4096xi32, #tpu.memory_space<vmem>>, vector<16xi32>,
        tpu.vector_store %arg23[%swap3A_367], %broadcast_in_dim3A_0 {strides = array<i32>} : memref<4096xi32, #tpu.memory_space<vmem>>, vector<16xi32>,
        %swap3A_369 = arith.constant 128 : index
        %swap3A_370 = tpu.vector_load %arg23[%swap3A_369] {strides = array<i32>} : memref<4096xi32, #tpu.memory_space<vmem>>, vector<16xi32>,
        tpu.vector_store %arg23[%swap3A_369], %broadcast_in_dim3A_0 {strides = array<i32>} : memref<4096xi32, #tpu.memory_space<vmem>>, vector<16xi32>,
        %swap3A_371 = arith.constant 144 : index
        %swap3A_372 = tpu.vector_load %arg23[%swap3A_371] {strides = array<i32>} : memref<4096xi32, #tpu.memory_space<vmem>>, vector<16xi32>,
        tpu.vector_store %arg23[%swap3A_371], %broadcast_in_dim3A_0 {strides = array<i32>} : memref<4096xi32, #tpu.memory_space<vmem>>, vector<16xi32>,
        %swap3A_373 = arith.constant 160 : index
        %swap3A_374 = tpu.vector_load %arg23[%swap3A_373] {strides = array<i32>} : memref<4096xi32, #tpu.memory_space<vmem>>, vector<16xi32>,
        tpu.vector_store %arg23[%swap3A_373], %broadcast_in_dim3A_0 {strides = array<i32>} : memref<4096xi32, #tpu.memory_space<vmem>>, vector<16xi32>,
        %swap3A_375 = arith.constant 176 : index
        %swap3A_376 = tpu.vector_load %arg23[%swap3A_375] {strides = array<i32>} : memref<4096xi32, #tpu.memory_space<vmem>>, vector<16xi32>,
        tpu.vector_store %arg23[%swap3A_375], %broadcast_in_dim3A_0 {strides = array<i32>} : memref<4096xi32, #tpu.memory_space<vmem>>, vector<16xi32>,
        %swap3A_377 = arith.constant 192 : index
        %swap3A_378 = tpu.vector_load %arg23[%swap3A_377] {strides = array<i32>} : memref<4096xi32, #tpu.memory_space<vmem>>, vector<16xi32>,
        tpu.vector_store %arg23[%swap3A_377], %broadcast_in_dim3A_0 {strides = array<i32>} : memref<4096xi32, #tpu.memory_space<vmem>>, vector<16xi32>,
        %swap3A_379 = arith.constant 208 : index
        %swap3A_380 = tpu.vector_load %arg23[%swap3A_379] {strides = array<i32>} : memref<4096xi32, #tpu.memory_space<vmem>>, vector<16xi32>,
        tpu.vector_store %arg23[%swap3A_379], %broadcast_in_dim3A_0 {strides = array<i32>} : memref<4096xi32, #tpu.memory_space<vmem>>, vector<16xi32>,
        %swap3A_381 = arith.constant 224 : index
        %swap3A_382 = tpu.vector_load %arg23[%swap3A_381] {strides = array<i32>} : memref<4096xi32, #tpu.memory_space<vmem>>, vector<16xi32>,
        tpu.vector_store %arg23[%swap3A_381], %broadcast_in_dim3A_0 {strides = array<i32>} : memref<4096xi32, #tpu.memory_space<vmem>>, vector<16xi32>,
        %swap3A_383 = arith.constant 240 : index
        %swap3A_384 = tpu.vector_load %arg23[%swap3A_383] {strides = array<i32>} : memref<4096xi32, #tpu.memory_space<vmem>>, vector<16xi32>,
        tpu.vector_store %arg23[%swap3A_383], %broadcast_in_dim3A_0 {strides = array<i32>} : memref<4096xi32, #tpu.memory_space<vmem>>, vector<16xi32>,
        %add3A_385 = arith.constant 15 : i32
        %add3A_386 = arith.addi %while3A_351#1, %add3A_385 : i32
        %jit3A_387 = arith.constant 16 : i32
        %div3A_388 = arith.divsi %add3A_386, %jit3A_387 : i32
        %sign3A_389 = arith.constant 0 : i32
        %sign3A_390 = arith.cmpi sgt, %add3A_386, %sign3A_389 : i32
        %sign3A_391 = arith.extui %sign3A_390 : i1 to i32
        %sign3A_392 = arith.constant 0 : i32
        %sign3A_393 = arith.cmpi slt, %add3A_386, %sign3A_392 : i32
        %sign3A_394 = arith.extui %sign3A_393 : i1 to i32
        %sign3A_395 = arith.subi %sign3A_391, %sign3A_394 : i32
        %sign3A_396 = arith.constant 0 : i32
        %sign3A_397 = arith.cmpi sgt, %jit3A_387, %sign3A_396 : i32
        %sign3A_398 = arith.extui %sign3A_397 : i1 to i32
        %sign3A_399 = arith.constant 0 : i32
        %sign3A_400 = arith.cmpi slt, %jit3A_387, %sign3A_399 : i32
        %sign3A_401 = arith.extui %sign3A_400 : i1 to i32
        %sign3A_402 = arith.subi %sign3A_398, %sign3A_401 : i32
        %ne3A_403 = arith.cmpi ne, %sign3A_395, %sign3A_402 : i32
        %rem3A_404 = arith.remsi %add3A_386, %jit3A_387 : i32
        %ne3A_405 = arith.constant 0 : i32
        %ne3A_406 = arith.cmpi ne, %rem3A_404, %ne3A_405 : i32
        %and3A_407 = arith.andi %ne3A_403, %ne3A_406 : i1
        %sub3A_408 = arith.constant 1 : i32
        %sub3A_409 = arith.subi %div3A_388, %sub3A_408 : i32
        %select_n3A_410 = arith.select %and3A_407, %sub3A_409, %div3A_388 : i32
        %while3A_411 = arith.constant 0 : i32
        %while3A_412 = arith.constant 0 : i32
        %while3A_413 = arith.subi %select_n3A_410, %while3A_411 : i32
        %while3A_414 = arith.addi %while3A_411, %while3A_413 : i32
        %while3A_415 = arith.constant 1 : i32
        %while3A_416 = arith.divsi %while3A_413, %while3A_415 : i32
        %while3A_417 = arith.muli %while3A_416, %while3A_415 : i32
        %while3A_418 = arith.addi %while3A_411, %while3A_417 : i32
        %while3A_419 = arith.constant 1 : i32
        %while3A_420 = scf.for %while3A_1649 = %while3A_411 to %while3A_418 step %while3A_419 iter_args(%while3A_1650 = %while3A_412) -> (i32)  : i32 {
          %mul3A_1651 = arith.constant 16 : i32
          %mul3A_1652 = arith.muli %while3A_1649, %mul3A_1651 : i32
          %broadcast_in_dim3A_1653 = vector.broadcast %mul3A_1652 : i32 to vector<16xi32>
          %add3A_1654 = arith.addi %broadcast_in_dim3A_1653, %iota3A : vector<16xi32>
          %lt3A_1655 = vector.broadcast %while3A_351#1 : i32 to vector<16xi32>
          %lt3A_1656 = arith.cmpi slt, %add3A_1654, %lt3A_1655 : vector<16xi32>
          %get3A_1657 = arith.index_cast %mul3A_1652 : i32 to index
          %get3A_1658 = tpu.vector_load %arg27[%get3A_1657] {strides = array<i32>} : memref<8224xi32, #tpu.memory_space<vmem>>, vector<16xi32>,
          %select_n3A_1659 = arith.select %lt3A_1656, %get3A_1658, %broadcast_in_dim3A_0 : vector<16xi1>, vector<16xi32>
          %gather3A_1660 = tpu.vector_load_idx %arg22[%select_n3A_1659] : memref<8192xi32, #tpu.memory_space<vmem>>[vector<16xi32>], vector<16xi32>,
          %shift_right_logical3A_1661 = arith.constant 16 : i32
          %shift_right_logical3A_1662 = vector.broadcast %shift_right_logical3A_1661 : i32 to vector<16xi32>
          %shift_right_logical3A_1663 = arith.shrui %gather3A_1660, %shift_right_logical3A_1662 : vector<16xi32>
          %and3A_1664 = arith.constant 15 : i32
          %and3A_1665 = vector.broadcast %and3A_1664 : i32 to vector<16xi32>
          %and3A_1666 = arith.andi %shift_right_logical3A_1663, %and3A_1665 : vector<16xi32>
          %mul3A_1667 = arith.constant 16 : i32
          %mul3A_1668 = vector.broadcast %mul3A_1667 : i32 to vector<16xi32>
          %mul3A_1669 = arith.muli %and3A_1666, %mul3A_1668 : vector<16xi32>
          %add3A_1670 = arith.addi %mul3A_1669, %iota3A : vector<16xi32>
          tpu.vector_store_idx %arg23[%add3A_1670], %broadcast_in_dim3A_2 masked %lt3A_1656 {add = true} : memref<4096xi32, #tpu.memory_space<vmem>>[vector<16xi32>], vector<16xi32>, vector<16xi1>
          %while3A_1671 = arith.constant 0 : i32
          scf.yield %while3A_1671 : i32
        }
        %while3A_421 = arith.constant 1 : i32
        %while3A_422 = scf.for %while3A_1649 = %while3A_418 to %while3A_414 step %while3A_421 iter_args(%while3A_1650 = %while3A_420) -> (i32)  : i32 {
          %mul3A_1651 = arith.constant 16 : i32
          %mul3A_1652 = arith.muli %while3A_1649, %mul3A_1651 : i32
          %broadcast_in_dim3A_1653 = vector.broadcast %mul3A_1652 : i32 to vector<16xi32>
          %add3A_1654 = arith.addi %broadcast_in_dim3A_1653, %iota3A : vector<16xi32>
          %lt3A_1655 = vector.broadcast %while3A_351#1 : i32 to vector<16xi32>
          %lt3A_1656 = arith.cmpi slt, %add3A_1654, %lt3A_1655 : vector<16xi32>
          %get3A_1657 = arith.index_cast %mul3A_1652 : i32 to index
          %get3A_1658 = tpu.vector_load %arg27[%get3A_1657] {strides = array<i32>} : memref<8224xi32, #tpu.memory_space<vmem>>, vector<16xi32>,
          %select_n3A_1659 = arith.select %lt3A_1656, %get3A_1658, %broadcast_in_dim3A_0 : vector<16xi1>, vector<16xi32>
          %gather3A_1660 = tpu.vector_load_idx %arg22[%select_n3A_1659] : memref<8192xi32, #tpu.memory_space<vmem>>[vector<16xi32>], vector<16xi32>,
          %shift_right_logical3A_1661 = arith.constant 16 : i32
          %shift_right_logical3A_1662 = vector.broadcast %shift_right_logical3A_1661 : i32 to vector<16xi32>
          %shift_right_logical3A_1663 = arith.shrui %gather3A_1660, %shift_right_logical3A_1662 : vector<16xi32>
          %and3A_1664 = arith.constant 15 : i32
          %and3A_1665 = vector.broadcast %and3A_1664 : i32 to vector<16xi32>
          %and3A_1666 = arith.andi %shift_right_logical3A_1663, %and3A_1665 : vector<16xi32>
          %mul3A_1667 = arith.constant 16 : i32
          %mul3A_1668 = vector.broadcast %mul3A_1667 : i32 to vector<16xi32>
          %mul3A_1669 = arith.muli %and3A_1666, %mul3A_1668 : vector<16xi32>
          %add3A_1670 = arith.addi %mul3A_1669, %iota3A : vector<16xi32>
          tpu.vector_store_idx %arg23[%add3A_1670], %broadcast_in_dim3A_2 masked %lt3A_1656 {add = true} : memref<4096xi32, #tpu.memory_space<vmem>>[vector<16xi32>], vector<16xi32>, vector<16xi1>
          %while3A_1671 = arith.constant 0 : i32
          scf.yield %while3A_1671 : i32
        }
        %mul3A_423 = arith.constant 16 : i32
        %mul3A_424 = vector.broadcast %mul3A_423 : i32 to vector<16xi32>
        %mul3A_425 = arith.muli %iota3A, %mul3A_424 : vector<16xi32>
        %add3A_426 = arith.constant 0 : i32
        %add3A_427 = vector.broadcast %add3A_426 : i32 to vector<16xi32>
        %add3A_428 = arith.addi %mul3A_425, %add3A_427 : vector<16xi32>
        %gather3A_429 = tpu.vector_load_idx %arg23[%add3A_428] : memref<4096xi32, #tpu.memory_space<vmem>>[vector<16xi32>], vector<16xi32>,
        %add3A_430 = arith.addi %broadcast_in_dim3A_0, %gather3A_429 : vector<16xi32>
        %mul3A_431 = arith.constant 16 : i32
        %mul3A_432 = vector.broadcast %mul3A_431 : i32 to vector<16xi32>
        %mul3A_433 = arith.muli %iota3A, %mul3A_432 : vector<16xi32>
        %add3A_434 = arith.constant 1 : i32
        %add3A_435 = vector.broadcast %add3A_434 : i32 to vector<16xi32>
        %add3A_436 = arith.addi %mul3A_433, %add3A_435 : vector<16xi32>
        %gather3A_437 = tpu.vector_load_idx %arg23[%add3A_436] : memref<4096xi32, #tpu.memory_space<vmem>>[vector<16xi32>], vector<16xi32>,
        %add3A_438 = arith.addi %add3A_430, %gather3A_437 : vector<16xi32>
        %mul3A_439 = arith.constant 16 : i32
        %mul3A_440 = vector.broadcast %mul3A_439 : i32 to vector<16xi32>
        %mul3A_441 = arith.muli %iota3A, %mul3A_440 : vector<16xi32>
        %add3A_442 = arith.constant 2 : i32
        %add3A_443 = vector.broadcast %add3A_442 : i32 to vector<16xi32>
        %add3A_444 = arith.addi %mul3A_441, %add3A_443 : vector<16xi32>
        %gather3A_445 = tpu.vector_load_idx %arg23[%add3A_444] : memref<4096xi32, #tpu.memory_space<vmem>>[vector<16xi32>], vector<16xi32>,
        %add3A_446 = arith.addi %add3A_438, %gather3A_445 : vector<16xi32>
        %mul3A_447 = arith.constant 16 : i32
        %mul3A_448 = vector.broadcast %mul3A_447 : i32 to vector<16xi32>
        %mul3A_449 = arith.muli %iota3A, %mul3A_448 : vector<16xi32>
        %add3A_450 = arith.constant 3 : i32
        %add3A_451 = vector.broadcast %add3A_450 : i32 to vector<16xi32>
        %add3A_452 = arith.addi %mul3A_449, %add3A_451 : vector<16xi32>
        %gather3A_453 = tpu.vector_load_idx %arg23[%add3A_452] : memref<4096xi32, #tpu.memory_space<vmem>>[vector<16xi32>], vector<16xi32>,
        %add3A_454 = arith.addi %add3A_446, %gather3A_453 : vector<16xi32>
        %mul3A_455 = arith.constant 16 : i32
        %mul3A_456 = vector.broadcast %mul3A_455 : i32 to vector<16xi32>
        %mul3A_457 = arith.muli %iota3A, %mul3A_456 : vector<16xi32>
        %add3A_458 = arith.constant 4 : i32
        %add3A_459 = vector.broadcast %add3A_458 : i32 to vector<16xi32>
        %add3A_460 = arith.addi %mul3A_457, %add3A_459 : vector<16xi32>
        %gather3A_461 = tpu.vector_load_idx %arg23[%add3A_460] : memref<4096xi32, #tpu.memory_space<vmem>>[vector<16xi32>], vector<16xi32>,
        %add3A_462 = arith.addi %add3A_454, %gather3A_461 : vector<16xi32>
        %mul3A_463 = arith.constant 16 : i32
        %mul3A_464 = vector.broadcast %mul3A_463 : i32 to vector<16xi32>
        %mul3A_465 = arith.muli %iota3A, %mul3A_464 : vector<16xi32>
        %add3A_466 = arith.constant 5 : i32
        %add3A_467 = vector.broadcast %add3A_466 : i32 to vector<16xi32>
        %add3A_468 = arith.addi %mul3A_465, %add3A_467 : vector<16xi32>
        %gather3A_469 = tpu.vector_load_idx %arg23[%add3A_468] : memref<4096xi32, #tpu.memory_space<vmem>>[vector<16xi32>], vector<16xi32>,
        %add3A_470 = arith.addi %add3A_462, %gather3A_469 : vector<16xi32>
        %mul3A_471 = arith.constant 16 : i32
        %mul3A_472 = vector.broadcast %mul3A_471 : i32 to vector<16xi32>
        %mul3A_473 = arith.muli %iota3A, %mul3A_472 : vector<16xi32>
        %add3A_474 = arith.constant 6 : i32
        %add3A_475 = vector.broadcast %add3A_474 : i32 to vector<16xi32>
        %add3A_476 = arith.addi %mul3A_473, %add3A_475 : vector<16xi32>
        %gather3A_477 = tpu.vector_load_idx %arg23[%add3A_476] : memref<4096xi32, #tpu.memory_space<vmem>>[vector<16xi32>], vector<16xi32>,
        %add3A_478 = arith.addi %add3A_470, %gather3A_477 : vector<16xi32>
        %mul3A_479 = arith.constant 16 : i32
        %mul3A_480 = vector.broadcast %mul3A_479 : i32 to vector<16xi32>
        %mul3A_481 = arith.muli %iota3A, %mul3A_480 : vector<16xi32>
        %add3A_482 = arith.constant 7 : i32
        %add3A_483 = vector.broadcast %add3A_482 : i32 to vector<16xi32>
        %add3A_484 = arith.addi %mul3A_481, %add3A_483 : vector<16xi32>
        %gather3A_485 = tpu.vector_load_idx %arg23[%add3A_484] : memref<4096xi32, #tpu.memory_space<vmem>>[vector<16xi32>], vector<16xi32>,
        %add3A_486 = arith.addi %add3A_478, %gather3A_485 : vector<16xi32>
        %mul3A_487 = arith.constant 16 : i32
        %mul3A_488 = vector.broadcast %mul3A_487 : i32 to vector<16xi32>
        %mul3A_489 = arith.muli %iota3A, %mul3A_488 : vector<16xi32>
        %add3A_490 = arith.constant 8 : i32
        %add3A_491 = vector.broadcast %add3A_490 : i32 to vector<16xi32>
        %add3A_492 = arith.addi %mul3A_489, %add3A_491 : vector<16xi32>
        %gather3A_493 = tpu.vector_load_idx %arg23[%add3A_492] : memref<4096xi32, #tpu.memory_space<vmem>>[vector<16xi32>], vector<16xi32>,
        %add3A_494 = arith.addi %add3A_486, %gather3A_493 : vector<16xi32>
        %mul3A_495 = arith.constant 16 : i32
        %mul3A_496 = vector.broadcast %mul3A_495 : i32 to vector<16xi32>
        %mul3A_497 = arith.muli %iota3A, %mul3A_496 : vector<16xi32>
        %add3A_498 = arith.constant 9 : i32
        %add3A_499 = vector.broadcast %add3A_498 : i32 to vector<16xi32>
        %add3A_500 = arith.addi %mul3A_497, %add3A_499 : vector<16xi32>
        %gather3A_501 = tpu.vector_load_idx %arg23[%add3A_500] : memref<4096xi32, #tpu.memory_space<vmem>>[vector<16xi32>], vector<16xi32>,
        %add3A_502 = arith.addi %add3A_494, %gather3A_501 : vector<16xi32>
        %mul3A_503 = arith.constant 16 : i32
        %mul3A_504 = vector.broadcast %mul3A_503 : i32 to vector<16xi32>
        %mul3A_505 = arith.muli %iota3A, %mul3A_504 : vector<16xi32>
        %add3A_506 = arith.constant 10 : i32
        %add3A_507 = vector.broadcast %add3A_506 : i32 to vector<16xi32>
        %add3A_508 = arith.addi %mul3A_505, %add3A_507 : vector<16xi32>
        %gather3A_509 = tpu.vector_load_idx %arg23[%add3A_508] : memref<4096xi32, #tpu.memory_space<vmem>>[vector<16xi32>], vector<16xi32>,
        %add3A_510 = arith.addi %add3A_502, %gather3A_509 : vector<16xi32>
        %mul3A_511 = arith.constant 16 : i32
        %mul3A_512 = vector.broadcast %mul3A_511 : i32 to vector<16xi32>
        %mul3A_513 = arith.muli %iota3A, %mul3A_512 : vector<16xi32>
        %add3A_514 = arith.constant 11 : i32
        %add3A_515 = vector.broadcast %add3A_514 : i32 to vector<16xi32>
        %add3A_516 = arith.addi %mul3A_513, %add3A_515 : vector<16xi32>
        %gather3A_517 = tpu.vector_load_idx %arg23[%add3A_516] : memref<4096xi32, #tpu.memory_space<vmem>>[vector<16xi32>], vector<16xi32>,
        %add3A_518 = arith.addi %add3A_510, %gather3A_517 : vector<16xi32>
        %mul3A_519 = arith.constant 16 : i32
        %mul3A_520 = vector.broadcast %mul3A_519 : i32 to vector<16xi32>
        %mul3A_521 = arith.muli %iota3A, %mul3A_520 : vector<16xi32>
        %add3A_522 = arith.constant 12 : i32
        %add3A_523 = vector.broadcast %add3A_522 : i32 to vector<16xi32>
        %add3A_524 = arith.addi %mul3A_521, %add3A_523 : vector<16xi32>
        %gather3A_525 = tpu.vector_load_idx %arg23[%add3A_524] : memref<4096xi32, #tpu.memory_space<vmem>>[vector<16xi32>], vector<16xi32>,
        %add3A_526 = arith.addi %add3A_518, %gather3A_525 : vector<16xi32>
        %mul3A_527 = arith.constant 16 : i32
        %mul3A_528 = vector.broadcast %mul3A_527 : i32 to vector<16xi32>
        %mul3A_529 = arith.muli %iota3A, %mul3A_528 : vector<16xi32>
        %add3A_530 = arith.constant 13 : i32
        %add3A_531 = vector.broadcast %add3A_530 : i32 to vector<16xi32>
        %add3A_532 = arith.addi %mul3A_529, %add3A_531 : vector<16xi32>
        %gather3A_533 = tpu.vector_load_idx %arg23[%add3A_532] : memref<4096xi32, #tpu.memory_space<vmem>>[vector<16xi32>], vector<16xi32>,
        %add3A_534 = arith.addi %add3A_526, %gather3A_533 : vector<16xi32>
        %mul3A_535 = arith.constant 16 : i32
        %mul3A_536 = vector.broadcast %mul3A_535 : i32 to vector<16xi32>
        %mul3A_537 = arith.muli %iota3A, %mul3A_536 : vector<16xi32>
        %add3A_538 = arith.constant 14 : i32
        %add3A_539 = vector.broadcast %add3A_538 : i32 to vector<16xi32>
        %add3A_540 = arith.addi %mul3A_537, %add3A_539 : vector<16xi32>
        %gather3A_541 = tpu.vector_load_idx %arg23[%add3A_540] : memref<4096xi32, #tpu.memory_space<vmem>>[vector<16xi32>], vector<16xi32>,
        %add3A_542 = arith.addi %add3A_534, %gather3A_541 : vector<16xi32>
        %mul3A_543 = arith.constant 16 : i32
        %mul3A_544 = vector.broadcast %mul3A_543 : i32 to vector<16xi32>
        %mul3A_545 = arith.muli %iota3A, %mul3A_544 : vector<16xi32>
        %add3A_546 = arith.constant 15 : i32
        %add3A_547 = vector.broadcast %add3A_546 : i32 to vector<16xi32>
        %add3A_548 = arith.addi %mul3A_545, %add3A_547 : vector<16xi32>
        %gather3A_549 = tpu.vector_load_idx %arg23[%add3A_548] : memref<4096xi32, #tpu.memory_space<vmem>>[vector<16xi32>], vector<16xi32>,
        %add3A_550 = arith.addi %add3A_542, %gather3A_549 : vector<16xi32>
        %broadcast_in_dim3A_551 = arith.constant true
        %broadcast_in_dim3A_552 = vector.broadcast %broadcast_in_dim3A_551 : i1 to vector<16xi1>
        %masked_cumsum3A_553 = tpu.scan <sum>, %add3A_550 masked %broadcast_in_dim3A_552 : vector<16xi32>, vector<16xi1> -> vector<16xi32>
        %lt3A_554 = vector.broadcast %sub3A_352 : i32 to vector<16xi32>
        %lt3A_555 = arith.cmpi slt, %masked_cumsum3A_553, %lt3A_554 : vector<16xi32>
        %jit3A_556 = arith.constant 1 : i32
        %jit3A_557 = arith.constant 0 : i32
        %broadcast_in_dim3A_558 = vector.broadcast %jit3A_556 : i32 to vector<16xi32>
        %broadcast_in_dim3A_559 = vector.broadcast %jit3A_557 : i32 to vector<16xi32>
        %select_n3A_560 = arith.select %lt3A_555, %broadcast_in_dim3A_558, %broadcast_in_dim3A_559 : vector<16xi1>, vector<16xi32>
        %reduce_sum3A_561 = arith.constant true
        %reduce_sum3A_562 = vector.broadcast %reduce_sum3A_561 : i1 to vector<16xi1>
        %reduce_sum3A_563 = tpu.scan <sum>, %select_n3A_560 masked %reduce_sum3A_562 : vector<16xi32>, vector<16xi1> -> vector<16xi32>
        %reduce_sum3A_564 = vector.extract %reduce_sum3A_563[15] : i32 from vector<16xi32>
        %jit3A_565 = arith.constant 0 : i32
        %broadcast_in_dim3A_566 = vector.broadcast %jit3A_565 : i32 to vector<16xi32>
        %select_n3A_567 = arith.select %lt3A_555, %masked_cumsum3A_553, %broadcast_in_dim3A_566 : vector<16xi1>, vector<16xi32>
        %reduce_max3A_568 = arith.constant true
        %reduce_max3A_569 = vector.broadcast %reduce_max3A_568 : i1 to vector<16xi1>
        %reduce_max3A_570 = arith.constant -2147483648 : i32
        %reduce_max3A_571 = vector.broadcast %reduce_max3A_570 : i32 to vector<16xi32>
        %reduce_max3A_572 = arith.xori %select_n3A_567, %reduce_max3A_571 : vector<16xi32>
        %reduce_max3A_573 = tpu.scan <max>, %reduce_max3A_572 masked %reduce_max3A_569 : vector<16xi32>, vector<16xi1> -> vector<16xi32>
        %reduce_max3A_574 = arith.xori %reduce_max3A_573, %reduce_max3A_571 : vector<16xi32>
        %reduce_max3A_575 = vector.extract %reduce_max3A_574[15] : i32 from vector<16xi32>
        %while3A_576 = arith.constant 0 : i32
        %while3A_577 = arith.constant 0 : i32
        %while3A_578 = arith.subi %select_n3A_410, %while3A_576 : i32
        %while3A_579 = arith.addi %while3A_576, %while3A_578 : i32
        %while3A_580 = arith.constant 1 : i32
        %while3A_581 = arith.divsi %while3A_578, %while3A_580 : i32
        %while3A_582 = arith.muli %while3A_581, %while3A_580 : i32
        %while3A_583 = arith.addi %while3A_576, %while3A_582 : i32
        %while3A_584 = arith.constant 1 : i32
        %while3A_585:2 = scf.for %while3A_1649 = %while3A_576 to %while3A_583 step %while3A_584 iter_args(%while3A_1650 = %while3A_351#0, %while3A_1651 = %while3A_577) -> (i32, i32)  : i32 {
          %mul3A_1652 = arith.constant 16 : i32
          %mul3A_1653 = arith.muli %while3A_1649, %mul3A_1652 : i32
          %broadcast_in_dim3A_1654 = vector.broadcast %mul3A_1653 : i32 to vector<16xi32>
          %add3A_1655 = arith.addi %broadcast_in_dim3A_1654, %iota3A : vector<16xi32>
          %lt3A_1656 = vector.broadcast %while3A_351#1 : i32 to vector<16xi32>
          %lt3A_1657 = arith.cmpi slt, %add3A_1655, %lt3A_1656 : vector<16xi32>
          %get3A_1658 = arith.index_cast %mul3A_1653 : i32 to index
          %get3A_1659 = tpu.vector_load %arg27[%get3A_1658] {strides = array<i32>} : memref<8224xi32, #tpu.memory_space<vmem>>, vector<16xi32>,
          %select_n3A_1660 = arith.select %lt3A_1657, %get3A_1659, %broadcast_in_dim3A_0 : vector<16xi1>, vector<16xi32>
          %gather3A_1661 = tpu.vector_load_idx %arg22[%select_n3A_1660] : memref<8192xi32, #tpu.memory_space<vmem>>[vector<16xi32>], vector<16xi32>,
          %shift_right_logical3A_1662 = arith.constant 16 : i32
          %shift_right_logical3A_1663 = vector.broadcast %shift_right_logical3A_1662 : i32 to vector<16xi32>
          %shift_right_logical3A_1664 = arith.shrui %gather3A_1661, %shift_right_logical3A_1663 : vector<16xi32>
          %and3A_1665 = arith.constant 15 : i32
          %and3A_1666 = vector.broadcast %and3A_1665 : i32 to vector<16xi32>
          %and3A_1667 = arith.andi %shift_right_logical3A_1664, %and3A_1666 : vector<16xi32>
          %lt3A_1668 = vector.broadcast %reduce_sum3A_564 : i32 to vector<16xi32>
          %lt3A_1669 = arith.cmpi slt, %and3A_1667, %lt3A_1668 : vector<16xi32>
          %and3A_1670 = arith.andi %lt3A_1669, %lt3A_1657 : vector<16xi1>
          %eq3A = vector.broadcast %reduce_sum3A_564 : i32 to vector<16xi32>
          %eq3A_1671 = arith.cmpi eq, %and3A_1667, %eq3A : vector<16xi32>
          %and3A_1672 = arith.andi %eq3A_1671, %lt3A_1657 : vector<16xi1>
          %jit3A_1673 = arith.constant 1 : i32
          %jit3A_1674 = arith.constant 0 : i32
          %broadcast_in_dim3A_1675 = vector.broadcast %jit3A_1673 : i32 to vector<16xi32>
          %broadcast_in_dim3A_1676 = vector.broadcast %jit3A_1674 : i32 to vector<16xi32>
          %select_n3A_1677 = arith.select %and3A_1670, %broadcast_in_dim3A_1675, %broadcast_in_dim3A_1676 : vector<16xi1>, vector<16xi32>
          %broadcast_in_dim3A_1678 = arith.constant true
          %broadcast_in_dim3A_1679 = vector.broadcast %broadcast_in_dim3A_1678 : i1 to vector<16xi1>
          %masked_cumsum3A_1680 = tpu.scan <sum>, %select_n3A_1677 masked %broadcast_in_dim3A_1679 : vector<16xi32>, vector<16xi1> -> vector<16xi32>
          %add3A_1681 = vector.broadcast %while3A_1650 : i32 to vector<16xi32>
          %add3A_1682 = arith.addi %add3A_1681, %masked_cumsum3A_1680 : vector<16xi32>
          %sub3A_1683 = arith.constant 1 : i32
          %sub3A_1684 = vector.broadcast %sub3A_1683 : i32 to vector<16xi32>
          %sub3A_1685 = arith.subi %add3A_1682, %sub3A_1684 : vector<16xi32>
          tpu.vector_store_idx %arg24[%sub3A_1685], %select_n3A_1660 masked %and3A_1670 : memref<64xi32, #tpu.memory_space<vmem>>[vector<16xi32>], vector<16xi32>, vector<16xi1>
          %all_reduce_population_count3A = tpu.all_reduce %and3A_1670 {dim = 0 : i64, kind = #tpu.reduction_kind<sum>} : vector<16xi1> -> vector<16xi32>
          %reduce_max3A_1686 = arith.constant true
          %reduce_max3A_1687 = vector.broadcast %reduce_max3A_1686 : i1 to vector<16xi1>
          %reduce_max3A_1688 = arith.constant -2147483648 : i32
          %reduce_max3A_1689 = vector.broadcast %reduce_max3A_1688 : i32 to vector<16xi32>
          %reduce_max3A_1690 = arith.xori %all_reduce_population_count3A, %reduce_max3A_1689 : vector<16xi32>
          %reduce_max3A_1691 = tpu.scan <max>, %reduce_max3A_1690 masked %reduce_max3A_1687 : vector<16xi32>, vector<16xi1> -> vector<16xi32>
          %reduce_max3A_1692 = arith.xori %reduce_max3A_1691, %reduce_max3A_1689 : vector<16xi32>
          %reduce_max3A_1693 = vector.extract %reduce_max3A_1692[15] : i32 from vector<16xi32>
          %add3A_1694 = arith.addi %while3A_1650, %reduce_max3A_1693 : i32
          %jit3A_1695 = arith.constant 1 : i32
          %jit3A_1696 = arith.constant 0 : i32
          %broadcast_in_dim3A_1697 = vector.broadcast %jit3A_1695 : i32 to vector<16xi32>
          %broadcast_in_dim3A_1698 = vector.broadcast %jit3A_1696 : i32 to vector<16xi32>
          %select_n3A_1699 = arith.select %and3A_1672, %broadcast_in_dim3A_1697, %broadcast_in_dim3A_1698 : vector<16xi1>, vector<16xi32>
          %broadcast_in_dim3A_1700 = arith.constant true
          %broadcast_in_dim3A_1701 = vector.broadcast %broadcast_in_dim3A_1700 : i1 to vector<16xi1>
          %masked_cumsum3A_1702 = tpu.scan <sum>, %select_n3A_1699 masked %broadcast_in_dim3A_1701 : vector<16xi32>, vector<16xi1> -> vector<16xi32>
          %add3A_1703 = vector.broadcast %while3A_1651 : i32 to vector<16xi32>
          %add3A_1704 = arith.addi %add3A_1703, %masked_cumsum3A_1702 : vector<16xi32>
          %sub3A_1705 = arith.constant 1 : i32
          %sub3A_1706 = vector.broadcast %sub3A_1705 : i32 to vector<16xi32>
          %sub3A_1707 = arith.subi %add3A_1704, %sub3A_1706 : vector<16xi32>
          tpu.vector_store_idx %arg26[%sub3A_1707], %select_n3A_1660 masked %and3A_1672 : memref<8224xi32, #tpu.memory_space<vmem>>[vector<16xi32>], vector<16xi32>, vector<16xi1>
          %all_reduce_population_count3A_1708 = tpu.all_reduce %and3A_1672 {dim = 0 : i64, kind = #tpu.reduction_kind<sum>} : vector<16xi1> -> vector<16xi32>
          %reduce_max3A_1709 = arith.constant true
          %reduce_max3A_1710 = vector.broadcast %reduce_max3A_1709 : i1 to vector<16xi1>
          %reduce_max3A_1711 = arith.constant -2147483648 : i32
          %reduce_max3A_1712 = vector.broadcast %reduce_max3A_1711 : i32 to vector<16xi32>
          %reduce_max3A_1713 = arith.xori %all_reduce_population_count3A_1708, %reduce_max3A_1712 : vector<16xi32>
          %reduce_max3A_1714 = tpu.scan <max>, %reduce_max3A_1713 masked %reduce_max3A_1710 : vector<16xi32>, vector<16xi1> -> vector<16xi32>
          %reduce_max3A_1715 = arith.xori %reduce_max3A_1714, %reduce_max3A_1712 : vector<16xi32>
          %reduce_max3A_1716 = vector.extract %reduce_max3A_1715[15] : i32 from vector<16xi32>
          %add3A_1717 = arith.addi %while3A_1651, %reduce_max3A_1716 : i32
          scf.yield %add3A_1694, %add3A_1717 : i32, i32
        }
        %while3A_586 = arith.constant 1 : i32
        %while3A_587:2 = scf.for %while3A_1649 = %while3A_583 to %while3A_579 step %while3A_586 iter_args(%while3A_1650 = %while3A_585#0, %while3A_1651 = %while3A_585#1) -> (i32, i32)  : i32 {
          %mul3A_1652 = arith.constant 16 : i32
          %mul3A_1653 = arith.muli %while3A_1649, %mul3A_1652 : i32
          %broadcast_in_dim3A_1654 = vector.broadcast %mul3A_1653 : i32 to vector<16xi32>
          %add3A_1655 = arith.addi %broadcast_in_dim3A_1654, %iota3A : vector<16xi32>
          %lt3A_1656 = vector.broadcast %while3A_351#1 : i32 to vector<16xi32>
          %lt3A_1657 = arith.cmpi slt, %add3A_1655, %lt3A_1656 : vector<16xi32>
          %get3A_1658 = arith.index_cast %mul3A_1653 : i32 to index
          %get3A_1659 = tpu.vector_load %arg27[%get3A_1658] {strides = array<i32>} : memref<8224xi32, #tpu.memory_space<vmem>>, vector<16xi32>,
          %select_n3A_1660 = arith.select %lt3A_1657, %get3A_1659, %broadcast_in_dim3A_0 : vector<16xi1>, vector<16xi32>
          %gather3A_1661 = tpu.vector_load_idx %arg22[%select_n3A_1660] : memref<8192xi32, #tpu.memory_space<vmem>>[vector<16xi32>], vector<16xi32>,
          %shift_right_logical3A_1662 = arith.constant 16 : i32
          %shift_right_logical3A_1663 = vector.broadcast %shift_right_logical3A_1662 : i32 to vector<16xi32>
          %shift_right_logical3A_1664 = arith.shrui %gather3A_1661, %shift_right_logical3A_1663 : vector<16xi32>
          %and3A_1665 = arith.constant 15 : i32
          %and3A_1666 = vector.broadcast %and3A_1665 : i32 to vector<16xi32>
          %and3A_1667 = arith.andi %shift_right_logical3A_1664, %and3A_1666 : vector<16xi32>
          %lt3A_1668 = vector.broadcast %reduce_sum3A_564 : i32 to vector<16xi32>
          %lt3A_1669 = arith.cmpi slt, %and3A_1667, %lt3A_1668 : vector<16xi32>
          %and3A_1670 = arith.andi %lt3A_1669, %lt3A_1657 : vector<16xi1>
          %eq3A = vector.broadcast %reduce_sum3A_564 : i32 to vector<16xi32>
          %eq3A_1671 = arith.cmpi eq, %and3A_1667, %eq3A : vector<16xi32>
          %and3A_1672 = arith.andi %eq3A_1671, %lt3A_1657 : vector<16xi1>
          %jit3A_1673 = arith.constant 1 : i32
          %jit3A_1674 = arith.constant 0 : i32
          %broadcast_in_dim3A_1675 = vector.broadcast %jit3A_1673 : i32 to vector<16xi32>
          %broadcast_in_dim3A_1676 = vector.broadcast %jit3A_1674 : i32 to vector<16xi32>
          %select_n3A_1677 = arith.select %and3A_1670, %broadcast_in_dim3A_1675, %broadcast_in_dim3A_1676 : vector<16xi1>, vector<16xi32>
          %broadcast_in_dim3A_1678 = arith.constant true
          %broadcast_in_dim3A_1679 = vector.broadcast %broadcast_in_dim3A_1678 : i1 to vector<16xi1>
          %masked_cumsum3A_1680 = tpu.scan <sum>, %select_n3A_1677 masked %broadcast_in_dim3A_1679 : vector<16xi32>, vector<16xi1> -> vector<16xi32>
          %add3A_1681 = vector.broadcast %while3A_1650 : i32 to vector<16xi32>
          %add3A_1682 = arith.addi %add3A_1681, %masked_cumsum3A_1680 : vector<16xi32>
          %sub3A_1683 = arith.constant 1 : i32
          %sub3A_1684 = vector.broadcast %sub3A_1683 : i32 to vector<16xi32>
          %sub3A_1685 = arith.subi %add3A_1682, %sub3A_1684 : vector<16xi32>
          tpu.vector_store_idx %arg24[%sub3A_1685], %select_n3A_1660 masked %and3A_1670 : memref<64xi32, #tpu.memory_space<vmem>>[vector<16xi32>], vector<16xi32>, vector<16xi1>
          %all_reduce_population_count3A = tpu.all_reduce %and3A_1670 {dim = 0 : i64, kind = #tpu.reduction_kind<sum>} : vector<16xi1> -> vector<16xi32>
          %reduce_max3A_1686 = arith.constant true
          %reduce_max3A_1687 = vector.broadcast %reduce_max3A_1686 : i1 to vector<16xi1>
          %reduce_max3A_1688 = arith.constant -2147483648 : i32
          %reduce_max3A_1689 = vector.broadcast %reduce_max3A_1688 : i32 to vector<16xi32>
          %reduce_max3A_1690 = arith.xori %all_reduce_population_count3A, %reduce_max3A_1689 : vector<16xi32>
          %reduce_max3A_1691 = tpu.scan <max>, %reduce_max3A_1690 masked %reduce_max3A_1687 : vector<16xi32>, vector<16xi1> -> vector<16xi32>
          %reduce_max3A_1692 = arith.xori %reduce_max3A_1691, %reduce_max3A_1689 : vector<16xi32>
          %reduce_max3A_1693 = vector.extract %reduce_max3A_1692[15] : i32 from vector<16xi32>
          %add3A_1694 = arith.addi %while3A_1650, %reduce_max3A_1693 : i32
          %jit3A_1695 = arith.constant 1 : i32
          %jit3A_1696 = arith.constant 0 : i32
          %broadcast_in_dim3A_1697 = vector.broadcast %jit3A_1695 : i32 to vector<16xi32>
          %broadcast_in_dim3A_1698 = vector.broadcast %jit3A_1696 : i32 to vector<16xi32>
          %select_n3A_1699 = arith.select %and3A_1672, %broadcast_in_dim3A_1697, %broadcast_in_dim3A_1698 : vector<16xi1>, vector<16xi32>
          %broadcast_in_dim3A_1700 = arith.constant true
          %broadcast_in_dim3A_1701 = vector.broadcast %broadcast_in_dim3A_1700 : i1 to vector<16xi1>
          %masked_cumsum3A_1702 = tpu.scan <sum>, %select_n3A_1699 masked %broadcast_in_dim3A_1701 : vector<16xi32>, vector<16xi1> -> vector<16xi32>
          %add3A_1703 = vector.broadcast %while3A_1651 : i32 to vector<16xi32>
          %add3A_1704 = arith.addi %add3A_1703, %masked_cumsum3A_1702 : vector<16xi32>
          %sub3A_1705 = arith.constant 1 : i32
          %sub3A_1706 = vector.broadcast %sub3A_1705 : i32 to vector<16xi32>
          %sub3A_1707 = arith.subi %add3A_1704, %sub3A_1706 : vector<16xi32>
          tpu.vector_store_idx %arg26[%sub3A_1707], %select_n3A_1660 masked %and3A_1672 : memref<8224xi32, #tpu.memory_space<vmem>>[vector<16xi32>], vector<16xi32>, vector<16xi1>
          %all_reduce_population_count3A_1708 = tpu.all_reduce %and3A_1672 {dim = 0 : i64, kind = #tpu.reduction_kind<sum>} : vector<16xi1> -> vector<16xi32>
          %reduce_max3A_1709 = arith.constant true
          %reduce_max3A_1710 = vector.broadcast %reduce_max3A_1709 : i1 to vector<16xi1>
          %reduce_max3A_1711 = arith.constant -2147483648 : i32
          %reduce_max3A_1712 = vector.broadcast %reduce_max3A_1711 : i32 to vector<16xi32>
          %reduce_max3A_1713 = arith.xori %all_reduce_population_count3A_1708, %reduce_max3A_1712 : vector<16xi32>
          %reduce_max3A_1714 = tpu.scan <max>, %reduce_max3A_1713 masked %reduce_max3A_1710 : vector<16xi32>, vector<16xi1> -> vector<16xi32>
          %reduce_max3A_1715 = arith.xori %reduce_max3A_1714, %reduce_max3A_1712 : vector<16xi32>
          %reduce_max3A_1716 = vector.extract %reduce_max3A_1715[15] : i32 from vector<16xi32>
          %add3A_1717 = arith.addi %while3A_1651, %reduce_max3A_1716 : i32
          scf.yield %add3A_1694, %add3A_1717 : i32, i32
        }
        %sub3A_588 = arith.subi %sub3A_352, %reduce_max3A_575 : i32
        %swap3A_589 = arith.constant 0 : index
        %swap3A_590 = tpu.vector_load %arg23[%swap3A_589] {strides = array<i32>} : memref<4096xi32, #tpu.memory_space<vmem>>, vector<16xi32>,
        tpu.vector_store %arg23[%swap3A_589], %broadcast_in_dim3A_0 {strides = array<i32>} : memref<4096xi32, #tpu.memory_space<vmem>>, vector<16xi32>,
        %swap3A_591 = arith.constant 16 : index
        %swap3A_592 = tpu.vector_load %arg23[%swap3A_591] {strides = array<i32>} : memref<4096xi32, #tpu.memory_space<vmem>>, vector<16xi32>,
        tpu.vector_store %arg23[%swap3A_591], %broadcast_in_dim3A_0 {strides = array<i32>} : memref<4096xi32, #tpu.memory_space<vmem>>, vector<16xi32>,
        %swap3A_593 = arith.constant 32 : index
        %swap3A_594 = tpu.vector_load %arg23[%swap3A_593] {strides = array<i32>} : memref<4096xi32, #tpu.memory_space<vmem>>, vector<16xi32>,
        tpu.vector_store %arg23[%swap3A_593], %broadcast_in_dim3A_0 {strides = array<i32>} : memref<4096xi32, #tpu.memory_space<vmem>>, vector<16xi32>,
        %swap3A_595 = arith.constant 48 : index
        %swap3A_596 = tpu.vector_load %arg23[%swap3A_595] {strides = array<i32>} : memref<4096xi32, #tpu.memory_space<vmem>>, vector<16xi32>,
        tpu.vector_store %arg23[%swap3A_595], %broadcast_in_dim3A_0 {strides = array<i32>} : memref<4096xi32, #tpu.memory_space<vmem>>, vector<16xi32>,
        %swap3A_597 = arith.constant 64 : index
        %swap3A_598 = tpu.vector_load %arg23[%swap3A_597] {strides = array<i32>} : memref<4096xi32, #tpu.memory_space<vmem>>, vector<16xi32>,
        tpu.vector_store %arg23[%swap3A_597], %broadcast_in_dim3A_0 {strides = array<i32>} : memref<4096xi32, #tpu.memory_space<vmem>>, vector<16xi32>,
        %swap3A_599 = arith.constant 80 : index
        %swap3A_600 = tpu.vector_load %arg23[%swap3A_599] {strides = array<i32>} : memref<4096xi32, #tpu.memory_space<vmem>>, vector<16xi32>,
        tpu.vector_store %arg23[%swap3A_599], %broadcast_in_dim3A_0 {strides = array<i32>} : memref<4096xi32, #tpu.memory_space<vmem>>, vector<16xi32>,
        %swap3A_601 = arith.constant 96 : index
        %swap3A_602 = tpu.vector_load %arg23[%swap3A_601] {strides = array<i32>} : memref<4096xi32, #tpu.memory_space<vmem>>, vector<16xi32>,
        tpu.vector_store %arg23[%swap3A_601], %broadcast_in_dim3A_0 {strides = array<i32>} : memref<4096xi32, #tpu.memory_space<vmem>>, vector<16xi32>,
        %swap3A_603 = arith.constant 112 : index
        %swap3A_604 = tpu.vector_load %arg23[%swap3A_603] {strides = array<i32>} : memref<4096xi32, #tpu.memory_space<vmem>>, vector<16xi32>,
        tpu.vector_store %arg23[%swap3A_603], %broadcast_in_dim3A_0 {strides = array<i32>} : memref<4096xi32, #tpu.memory_space<vmem>>, vector<16xi32>,
        %swap3A_605 = arith.constant 128 : index
        %swap3A_606 = tpu.vector_load %arg23[%swap3A_605] {strides = array<i32>} : memref<4096xi32, #tpu.memory_space<vmem>>, vector<16xi32>,
        tpu.vector_store %arg23[%swap3A_605], %broadcast_in_dim3A_0 {strides = array<i32>} : memref<4096xi32, #tpu.memory_space<vmem>>, vector<16xi32>,
        %swap3A_607 = arith.constant 144 : index
        %swap3A_608 = tpu.vector_load %arg23[%swap3A_607] {strides = array<i32>} : memref<4096xi32, #tpu.memory_space<vmem>>, vector<16xi32>,
        tpu.vector_store %arg23[%swap3A_607], %broadcast_in_dim3A_0 {strides = array<i32>} : memref<4096xi32, #tpu.memory_space<vmem>>, vector<16xi32>,
        %swap3A_609 = arith.constant 160 : index
        %swap3A_610 = tpu.vector_load %arg23[%swap3A_609] {strides = array<i32>} : memref<4096xi32, #tpu.memory_space<vmem>>, vector<16xi32>,
        tpu.vector_store %arg23[%swap3A_609], %broadcast_in_dim3A_0 {strides = array<i32>} : memref<4096xi32, #tpu.memory_space<vmem>>, vector<16xi32>,
        %swap3A_611 = arith.constant 176 : index
        %swap3A_612 = tpu.vector_load %arg23[%swap3A_611] {strides = array<i32>} : memref<4096xi32, #tpu.memory_space<vmem>>, vector<16xi32>,
        tpu.vector_store %arg23[%swap3A_611], %broadcast_in_dim3A_0 {strides = array<i32>} : memref<4096xi32, #tpu.memory_space<vmem>>, vector<16xi32>,
        %swap3A_613 = arith.constant 192 : index
        %swap3A_614 = tpu.vector_load %arg23[%swap3A_613] {strides = array<i32>} : memref<4096xi32, #tpu.memory_space<vmem>>, vector<16xi32>,
        tpu.vector_store %arg23[%swap3A_613], %broadcast_in_dim3A_0 {strides = array<i32>} : memref<4096xi32, #tpu.memory_space<vmem>>, vector<16xi32>,
        %swap3A_615 = arith.constant 208 : index
        %swap3A_616 = tpu.vector_load %arg23[%swap3A_615] {strides = array<i32>} : memref<4096xi32, #tpu.memory_space<vmem>>, vector<16xi32>,
        tpu.vector_store %arg23[%swap3A_615], %broadcast_in_dim3A_0 {strides = array<i32>} : memref<4096xi32, #tpu.memory_space<vmem>>, vector<16xi32>,
        %swap3A_617 = arith.constant 224 : index
        %swap3A_618 = tpu.vector_load %arg23[%swap3A_617] {strides = array<i32>} : memref<4096xi32, #tpu.memory_space<vmem>>, vector<16xi32>,
        tpu.vector_store %arg23[%swap3A_617], %broadcast_in_dim3A_0 {strides = array<i32>} : memref<4096xi32, #tpu.memory_space<vmem>>, vector<16xi32>,
        %swap3A_619 = arith.constant 240 : index
        %swap3A_620 = tpu.vector_load %arg23[%swap3A_619] {strides = array<i32>} : memref<4096xi32, #tpu.memory_space<vmem>>, vector<16xi32>,
        tpu.vector_store %arg23[%swap3A_619], %broadcast_in_dim3A_0 {strides = array<i32>} : memref<4096xi32, #tpu.memory_space<vmem>>, vector<16xi32>,
        %add3A_621 = arith.constant 15 : i32
        %add3A_622 = arith.addi %while3A_587#1, %add3A_621 : i32
        %jit3A_623 = arith.constant 16 : i32
        %div3A_624 = arith.divsi %add3A_622, %jit3A_623 : i32
        %sign3A_625 = arith.constant 0 : i32
        %sign3A_626 = arith.cmpi sgt, %add3A_622, %sign3A_625 : i32
        %sign3A_627 = arith.extui %sign3A_626 : i1 to i32
        %sign3A_628 = arith.constant 0 : i32
        %sign3A_629 = arith.cmpi slt, %add3A_622, %sign3A_628 : i32
        %sign3A_630 = arith.extui %sign3A_629 : i1 to i32
        %sign3A_631 = arith.subi %sign3A_627, %sign3A_630 : i32
        %sign3A_632 = arith.constant 0 : i32
        %sign3A_633 = arith.cmpi sgt, %jit3A_623, %sign3A_632 : i32
        %sign3A_634 = arith.extui %sign3A_633 : i1 to i32
        %sign3A_635 = arith.constant 0 : i32
        %sign3A_636 = arith.cmpi slt, %jit3A_623, %sign3A_635 : i32
        %sign3A_637 = arith.extui %sign3A_636 : i1 to i32
        %sign3A_638 = arith.subi %sign3A_634, %sign3A_637 : i32
        %ne3A_639 = arith.cmpi ne, %sign3A_631, %sign3A_638 : i32
        %rem3A_640 = arith.remsi %add3A_622, %jit3A_623 : i32
        %ne3A_641 = arith.constant 0 : i32
        %ne3A_642 = arith.cmpi ne, %rem3A_640, %ne3A_641 : i32
        %and3A_643 = arith.andi %ne3A_639, %ne3A_642 : i1
        %sub3A_644 = arith.constant 1 : i32
        %sub3A_645 = arith.subi %div3A_624, %sub3A_644 : i32
        %select_n3A_646 = arith.select %and3A_643, %sub3A_645, %div3A_624 : i32
        %while3A_647 = arith.constant 0 : i32
        %while3A_648 = arith.constant 0 : i32
        %while3A_649 = arith.subi %select_n3A_646, %while3A_647 : i32
        %while3A_650 = arith.addi %while3A_647, %while3A_649 : i32
        %while3A_651 = arith.constant 1 : i32
        %while3A_652 = arith.divsi %while3A_649, %while3A_651 : i32
        %while3A_653 = arith.muli %while3A_652, %while3A_651 : i32
        %while3A_654 = arith.addi %while3A_647, %while3A_653 : i32
        %while3A_655 = arith.constant 1 : i32
        %while3A_656 = scf.for %while3A_1649 = %while3A_647 to %while3A_654 step %while3A_655 iter_args(%while3A_1650 = %while3A_648) -> (i32)  : i32 {
          %mul3A_1651 = arith.constant 16 : i32
          %mul3A_1652 = arith.muli %while3A_1649, %mul3A_1651 : i32
          %broadcast_in_dim3A_1653 = vector.broadcast %mul3A_1652 : i32 to vector<16xi32>
          %add3A_1654 = arith.addi %broadcast_in_dim3A_1653, %iota3A : vector<16xi32>
          %lt3A_1655 = vector.broadcast %while3A_587#1 : i32 to vector<16xi32>
          %lt3A_1656 = arith.cmpi slt, %add3A_1654, %lt3A_1655 : vector<16xi32>
          %get3A_1657 = arith.index_cast %mul3A_1652 : i32 to index
          %get3A_1658 = tpu.vector_load %arg26[%get3A_1657] {strides = array<i32>} : memref<8224xi32, #tpu.memory_space<vmem>>, vector<16xi32>,
          %select_n3A_1659 = arith.select %lt3A_1656, %get3A_1658, %broadcast_in_dim3A_0 : vector<16xi1>, vector<16xi32>
          %gather3A_1660 = tpu.vector_load_idx %arg22[%select_n3A_1659] : memref<8192xi32, #tpu.memory_space<vmem>>[vector<16xi32>], vector<16xi32>,
          %shift_right_logical3A_1661 = arith.constant 12 : i32
          %shift_right_logical3A_1662 = vector.broadcast %shift_right_logical3A_1661 : i32 to vector<16xi32>
          %shift_right_logical3A_1663 = arith.shrui %gather3A_1660, %shift_right_logical3A_1662 : vector<16xi32>
          %and3A_1664 = arith.constant 15 : i32
          %and3A_1665 = vector.broadcast %and3A_1664 : i32 to vector<16xi32>
          %and3A_1666 = arith.andi %shift_right_logical3A_1663, %and3A_1665 : vector<16xi32>
          %mul3A_1667 = arith.constant 16 : i32
          %mul3A_1668 = vector.broadcast %mul3A_1667 : i32 to vector<16xi32>
          %mul3A_1669 = arith.muli %and3A_1666, %mul3A_1668 : vector<16xi32>
          %add3A_1670 = arith.addi %mul3A_1669, %iota3A : vector<16xi32>
          tpu.vector_store_idx %arg23[%add3A_1670], %broadcast_in_dim3A_2 masked %lt3A_1656 {add = true} : memref<4096xi32, #tpu.memory_space<vmem>>[vector<16xi32>], vector<16xi32>, vector<16xi1>
          %while3A_1671 = arith.constant 0 : i32
          scf.yield %while3A_1671 : i32
        }
        %while3A_657 = arith.constant 1 : i32
        %while3A_658 = scf.for %while3A_1649 = %while3A_654 to %while3A_650 step %while3A_657 iter_args(%while3A_1650 = %while3A_656) -> (i32)  : i32 {
          %mul3A_1651 = arith.constant 16 : i32
          %mul3A_1652 = arith.muli %while3A_1649, %mul3A_1651 : i32
          %broadcast_in_dim3A_1653 = vector.broadcast %mul3A_1652 : i32 to vector<16xi32>
          %add3A_1654 = arith.addi %broadcast_in_dim3A_1653, %iota3A : vector<16xi32>
          %lt3A_1655 = vector.broadcast %while3A_587#1 : i32 to vector<16xi32>
          %lt3A_1656 = arith.cmpi slt, %add3A_1654, %lt3A_1655 : vector<16xi32>
          %get3A_1657 = arith.index_cast %mul3A_1652 : i32 to index
          %get3A_1658 = tpu.vector_load %arg26[%get3A_1657] {strides = array<i32>} : memref<8224xi32, #tpu.memory_space<vmem>>, vector<16xi32>,
          %select_n3A_1659 = arith.select %lt3A_1656, %get3A_1658, %broadcast_in_dim3A_0 : vector<16xi1>, vector<16xi32>
          %gather3A_1660 = tpu.vector_load_idx %arg22[%select_n3A_1659] : memref<8192xi32, #tpu.memory_space<vmem>>[vector<16xi32>], vector<16xi32>,
          %shift_right_logical3A_1661 = arith.constant 12 : i32
          %shift_right_logical3A_1662 = vector.broadcast %shift_right_logical3A_1661 : i32 to vector<16xi32>
          %shift_right_logical3A_1663 = arith.shrui %gather3A_1660, %shift_right_logical3A_1662 : vector<16xi32>
          %and3A_1664 = arith.constant 15 : i32
          %and3A_1665 = vector.broadcast %and3A_1664 : i32 to vector<16xi32>
          %and3A_1666 = arith.andi %shift_right_logical3A_1663, %and3A_1665 : vector<16xi32>
          %mul3A_1667 = arith.constant 16 : i32
          %mul3A_1668 = vector.broadcast %mul3A_1667 : i32 to vector<16xi32>
          %mul3A_1669 = arith.muli %and3A_1666, %mul3A_1668 : vector<16xi32>
          %add3A_1670 = arith.addi %mul3A_1669, %iota3A : vector<16xi32>
          tpu.vector_store_idx %arg23[%add3A_1670], %broadcast_in_dim3A_2 masked %lt3A_1656 {add = true} : memref<4096xi32, #tpu.memory_space<vmem>>[vector<16xi32>], vector<16xi32>, vector<16xi1>
          %while3A_1671 = arith.constant 0 : i32
          scf.yield %while3A_1671 : i32
        }
        %mul3A_659 = arith.constant 16 : i32
        %mul3A_660 = vector.broadcast %mul3A_659 : i32 to vector<16xi32>
        %mul3A_661 = arith.muli %iota3A, %mul3A_660 : vector<16xi32>
        %add3A_662 = arith.constant 0 : i32
        %add3A_663 = vector.broadcast %add3A_662 : i32 to vector<16xi32>
        %add3A_664 = arith.addi %mul3A_661, %add3A_663 : vector<16xi32>
        %gather3A_665 = tpu.vector_load_idx %arg23[%add3A_664] : memref<4096xi32, #tpu.memory_space<vmem>>[vector<16xi32>], vector<16xi32>,
        %add3A_666 = arith.addi %broadcast_in_dim3A_0, %gather3A_665 : vector<16xi32>
        %mul3A_667 = arith.constant 16 : i32
        %mul3A_668 = vector.broadcast %mul3A_667 : i32 to vector<16xi32>
        %mul3A_669 = arith.muli %iota3A, %mul3A_668 : vector<16xi32>
        %add3A_670 = arith.constant 1 : i32
        %add3A_671 = vector.broadcast %add3A_670 : i32 to vector<16xi32>
        %add3A_672 = arith.addi %mul3A_669, %add3A_671 : vector<16xi32>
        %gather3A_673 = tpu.vector_load_idx %arg23[%add3A_672] : memref<4096xi32, #tpu.memory_space<vmem>>[vector<16xi32>], vector<16xi32>,
        %add3A_674 = arith.addi %add3A_666, %gather3A_673 : vector<16xi32>
        %mul3A_675 = arith.constant 16 : i32
        %mul3A_676 = vector.broadcast %mul3A_675 : i32 to vector<16xi32>
        %mul3A_677 = arith.muli %iota3A, %mul3A_676 : vector<16xi32>
        %add3A_678 = arith.constant 2 : i32
        %add3A_679 = vector.broadcast %add3A_678 : i32 to vector<16xi32>
        %add3A_680 = arith.addi %mul3A_677, %add3A_679 : vector<16xi32>
        %gather3A_681 = tpu.vector_load_idx %arg23[%add3A_680] : memref<4096xi32, #tpu.memory_space<vmem>>[vector<16xi32>], vector<16xi32>,
        %add3A_682 = arith.addi %add3A_674, %gather3A_681 : vector<16xi32>
        %mul3A_683 = arith.constant 16 : i32
        %mul3A_684 = vector.broadcast %mul3A_683 : i32 to vector<16xi32>
        %mul3A_685 = arith.muli %iota3A, %mul3A_684 : vector<16xi32>
        %add3A_686 = arith.constant 3 : i32
        %add3A_687 = vector.broadcast %add3A_686 : i32 to vector<16xi32>
        %add3A_688 = arith.addi %mul3A_685, %add3A_687 : vector<16xi32>
        %gather3A_689 = tpu.vector_load_idx %arg23[%add3A_688] : memref<4096xi32, #tpu.memory_space<vmem>>[vector<16xi32>], vector<16xi32>,
        %add3A_690 = arith.addi %add3A_682, %gather3A_689 : vector<16xi32>
        %mul3A_691 = arith.constant 16 : i32
        %mul3A_692 = vector.broadcast %mul3A_691 : i32 to vector<16xi32>
        %mul3A_693 = arith.muli %iota3A, %mul3A_692 : vector<16xi32>
        %add3A_694 = arith.constant 4 : i32
        %add3A_695 = vector.broadcast %add3A_694 : i32 to vector<16xi32>
        %add3A_696 = arith.addi %mul3A_693, %add3A_695 : vector<16xi32>
        %gather3A_697 = tpu.vector_load_idx %arg23[%add3A_696] : memref<4096xi32, #tpu.memory_space<vmem>>[vector<16xi32>], vector<16xi32>,
        %add3A_698 = arith.addi %add3A_690, %gather3A_697 : vector<16xi32>
        %mul3A_699 = arith.constant 16 : i32
        %mul3A_700 = vector.broadcast %mul3A_699 : i32 to vector<16xi32>
        %mul3A_701 = arith.muli %iota3A, %mul3A_700 : vector<16xi32>
        %add3A_702 = arith.constant 5 : i32
        %add3A_703 = vector.broadcast %add3A_702 : i32 to vector<16xi32>
        %add3A_704 = arith.addi %mul3A_701, %add3A_703 : vector<16xi32>
        %gather3A_705 = tpu.vector_load_idx %arg23[%add3A_704] : memref<4096xi32, #tpu.memory_space<vmem>>[vector<16xi32>], vector<16xi32>,
        %add3A_706 = arith.addi %add3A_698, %gather3A_705 : vector<16xi32>
        %mul3A_707 = arith.constant 16 : i32
        %mul3A_708 = vector.broadcast %mul3A_707 : i32 to vector<16xi32>
        %mul3A_709 = arith.muli %iota3A, %mul3A_708 : vector<16xi32>
        %add3A_710 = arith.constant 6 : i32
        %add3A_711 = vector.broadcast %add3A_710 : i32 to vector<16xi32>
        %add3A_712 = arith.addi %mul3A_709, %add3A_711 : vector<16xi32>
        %gather3A_713 = tpu.vector_load_idx %arg23[%add3A_712] : memref<4096xi32, #tpu.memory_space<vmem>>[vector<16xi32>], vector<16xi32>,
        %add3A_714 = arith.addi %add3A_706, %gather3A_713 : vector<16xi32>
        %mul3A_715 = arith.constant 16 : i32
        %mul3A_716 = vector.broadcast %mul3A_715 : i32 to vector<16xi32>
        %mul3A_717 = arith.muli %iota3A, %mul3A_716 : vector<16xi32>
        %add3A_718 = arith.constant 7 : i32
        %add3A_719 = vector.broadcast %add3A_718 : i32 to vector<16xi32>
        %add3A_720 = arith.addi %mul3A_717, %add3A_719 : vector<16xi32>
        %gather3A_721 = tpu.vector_load_idx %arg23[%add3A_720] : memref<4096xi32, #tpu.memory_space<vmem>>[vector<16xi32>], vector<16xi32>,
        %add3A_722 = arith.addi %add3A_714, %gather3A_721 : vector<16xi32>
        %mul3A_723 = arith.constant 16 : i32
        %mul3A_724 = vector.broadcast %mul3A_723 : i32 to vector<16xi32>
        %mul3A_725 = arith.muli %iota3A, %mul3A_724 : vector<16xi32>
        %add3A_726 = arith.constant 8 : i32
        %add3A_727 = vector.broadcast %add3A_726 : i32 to vector<16xi32>
        %add3A_728 = arith.addi %mul3A_725, %add3A_727 : vector<16xi32>
        %gather3A_729 = tpu.vector_load_idx %arg23[%add3A_728] : memref<4096xi32, #tpu.memory_space<vmem>>[vector<16xi32>], vector<16xi32>,
        %add3A_730 = arith.addi %add3A_722, %gather3A_729 : vector<16xi32>
        %mul3A_731 = arith.constant 16 : i32
        %mul3A_732 = vector.broadcast %mul3A_731 : i32 to vector<16xi32>
        %mul3A_733 = arith.muli %iota3A, %mul3A_732 : vector<16xi32>
        %add3A_734 = arith.constant 9 : i32
        %add3A_735 = vector.broadcast %add3A_734 : i32 to vector<16xi32>
        %add3A_736 = arith.addi %mul3A_733, %add3A_735 : vector<16xi32>
        %gather3A_737 = tpu.vector_load_idx %arg23[%add3A_736] : memref<4096xi32, #tpu.memory_space<vmem>>[vector<16xi32>], vector<16xi32>,
        %add3A_738 = arith.addi %add3A_730, %gather3A_737 : vector<16xi32>
        %mul3A_739 = arith.constant 16 : i32
        %mul3A_740 = vector.broadcast %mul3A_739 : i32 to vector<16xi32>
        %mul3A_741 = arith.muli %iota3A, %mul3A_740 : vector<16xi32>
        %add3A_742 = arith.constant 10 : i32
        %add3A_743 = vector.broadcast %add3A_742 : i32 to vector<16xi32>
        %add3A_744 = arith.addi %mul3A_741, %add3A_743 : vector<16xi32>
        %gather3A_745 = tpu.vector_load_idx %arg23[%add3A_744] : memref<4096xi32, #tpu.memory_space<vmem>>[vector<16xi32>], vector<16xi32>,
        %add3A_746 = arith.addi %add3A_738, %gather3A_745 : vector<16xi32>
        %mul3A_747 = arith.constant 16 : i32
        %mul3A_748 = vector.broadcast %mul3A_747 : i32 to vector<16xi32>
        %mul3A_749 = arith.muli %iota3A, %mul3A_748 : vector<16xi32>
        %add3A_750 = arith.constant 11 : i32
        %add3A_751 = vector.broadcast %add3A_750 : i32 to vector<16xi32>
        %add3A_752 = arith.addi %mul3A_749, %add3A_751 : vector<16xi32>
        %gather3A_753 = tpu.vector_load_idx %arg23[%add3A_752] : memref<4096xi32, #tpu.memory_space<vmem>>[vector<16xi32>], vector<16xi32>,
        %add3A_754 = arith.addi %add3A_746, %gather3A_753 : vector<16xi32>
        %mul3A_755 = arith.constant 16 : i32
        %mul3A_756 = vector.broadcast %mul3A_755 : i32 to vector<16xi32>
        %mul3A_757 = arith.muli %iota3A, %mul3A_756 : vector<16xi32>
        %add3A_758 = arith.constant 12 : i32
        %add3A_759 = vector.broadcast %add3A_758 : i32 to vector<16xi32>
        %add3A_760 = arith.addi %mul3A_757, %add3A_759 : vector<16xi32>
        %gather3A_761 = tpu.vector_load_idx %arg23[%add3A_760] : memref<4096xi32, #tpu.memory_space<vmem>>[vector<16xi32>], vector<16xi32>,
        %add3A_762 = arith.addi %add3A_754, %gather3A_761 : vector<16xi32>
        %mul3A_763 = arith.constant 16 : i32
        %mul3A_764 = vector.broadcast %mul3A_763 : i32 to vector<16xi32>
        %mul3A_765 = arith.muli %iota3A, %mul3A_764 : vector<16xi32>
        %add3A_766 = arith.constant 13 : i32
        %add3A_767 = vector.broadcast %add3A_766 : i32 to vector<16xi32>
        %add3A_768 = arith.addi %mul3A_765, %add3A_767 : vector<16xi32>
        %gather3A_769 = tpu.vector_load_idx %arg23[%add3A_768] : memref<4096xi32, #tpu.memory_space<vmem>>[vector<16xi32>], vector<16xi32>,
        %add3A_770 = arith.addi %add3A_762, %gather3A_769 : vector<16xi32>
        %mul3A_771 = arith.constant 16 : i32
        %mul3A_772 = vector.broadcast %mul3A_771 : i32 to vector<16xi32>
        %mul3A_773 = arith.muli %iota3A, %mul3A_772 : vector<16xi32>
        %add3A_774 = arith.constant 14 : i32
        %add3A_775 = vector.broadcast %add3A_774 : i32 to vector<16xi32>
        %add3A_776 = arith.addi %mul3A_773, %add3A_775 : vector<16xi32>
        %gather3A_777 = tpu.vector_load_idx %arg23[%add3A_776] : memref<4096xi32, #tpu.memory_space<vmem>>[vector<16xi32>], vector<16xi32>,
        %add3A_778 = arith.addi %add3A_770, %gather3A_777 : vector<16xi32>
        %mul3A_779 = arith.constant 16 : i32
        %mul3A_780 = vector.broadcast %mul3A_779 : i32 to vector<16xi32>
        %mul3A_781 = arith.muli %iota3A, %mul3A_780 : vector<16xi32>
        %add3A_782 = arith.constant 15 : i32
        %add3A_783 = vector.broadcast %add3A_782 : i32 to vector<16xi32>
        %add3A_784 = arith.addi %mul3A_781, %add3A_783 : vector<16xi32>
        %gather3A_785 = tpu.vector_load_idx %arg23[%add3A_784] : memref<4096xi32, #tpu.memory_space<vmem>>[vector<16xi32>], vector<16xi32>,
        %add3A_786 = arith.addi %add3A_778, %gather3A_785 : vector<16xi32>
        %broadcast_in_dim3A_787 = arith.constant true
        %broadcast_in_dim3A_788 = vector.broadcast %broadcast_in_dim3A_787 : i1 to vector<16xi1>
        %masked_cumsum3A_789 = tpu.scan <sum>, %add3A_786 masked %broadcast_in_dim3A_788 : vector<16xi32>, vector<16xi1> -> vector<16xi32>
        %lt3A_790 = vector.broadcast %sub3A_588 : i32 to vector<16xi32>
        %lt3A_791 = arith.cmpi slt, %masked_cumsum3A_789, %lt3A_790 : vector<16xi32>
        %jit3A_792 = arith.constant 1 : i32
        %jit3A_793 = arith.constant 0 : i32
        %broadcast_in_dim3A_794 = vector.broadcast %jit3A_792 : i32 to vector<16xi32>
        %broadcast_in_dim3A_795 = vector.broadcast %jit3A_793 : i32 to vector<16xi32>
        %select_n3A_796 = arith.select %lt3A_791, %broadcast_in_dim3A_794, %broadcast_in_dim3A_795 : vector<16xi1>, vector<16xi32>
        %reduce_sum3A_797 = arith.constant true
        %reduce_sum3A_798 = vector.broadcast %reduce_sum3A_797 : i1 to vector<16xi1>
        %reduce_sum3A_799 = tpu.scan <sum>, %select_n3A_796 masked %reduce_sum3A_798 : vector<16xi32>, vector<16xi1> -> vector<16xi32>
        %reduce_sum3A_800 = vector.extract %reduce_sum3A_799[15] : i32 from vector<16xi32>
        %jit3A_801 = arith.constant 0 : i32
        %broadcast_in_dim3A_802 = vector.broadcast %jit3A_801 : i32 to vector<16xi32>
        %select_n3A_803 = arith.select %lt3A_791, %masked_cumsum3A_789, %broadcast_in_dim3A_802 : vector<16xi1>, vector<16xi32>
        %reduce_max3A_804 = arith.constant true
        %reduce_max3A_805 = vector.broadcast %reduce_max3A_804 : i1 to vector<16xi1>
        %reduce_max3A_806 = arith.constant -2147483648 : i32
        %reduce_max3A_807 = vector.broadcast %reduce_max3A_806 : i32 to vector<16xi32>
        %reduce_max3A_808 = arith.xori %select_n3A_803, %reduce_max3A_807 : vector<16xi32>
        %reduce_max3A_809 = tpu.scan <max>, %reduce_max3A_808 masked %reduce_max3A_805 : vector<16xi32>, vector<16xi1> -> vector<16xi32>
        %reduce_max3A_810 = arith.xori %reduce_max3A_809, %reduce_max3A_807 : vector<16xi32>
        %reduce_max3A_811 = vector.extract %reduce_max3A_810[15] : i32 from vector<16xi32>
        %while3A_812 = arith.constant 0 : i32
        %while3A_813 = arith.constant 0 : i32
        %while3A_814 = arith.subi %select_n3A_646, %while3A_812 : i32
        %while3A_815 = arith.addi %while3A_812, %while3A_814 : i32
        %while3A_816 = arith.constant 1 : i32
        %while3A_817 = arith.divsi %while3A_814, %while3A_816 : i32
        %while3A_818 = arith.muli %while3A_817, %while3A_816 : i32
        %while3A_819 = arith.addi %while3A_812, %while3A_818 : i32
        %while3A_820 = arith.constant 1 : i32
        %while3A_821:2 = scf.for %while3A_1649 = %while3A_812 to %while3A_819 step %while3A_820 iter_args(%while3A_1650 = %while3A_587#0, %while3A_1651 = %while3A_813) -> (i32, i32)  : i32 {
          %mul3A_1652 = arith.constant 16 : i32
          %mul3A_1653 = arith.muli %while3A_1649, %mul3A_1652 : i32
          %broadcast_in_dim3A_1654 = vector.broadcast %mul3A_1653 : i32 to vector<16xi32>
          %add3A_1655 = arith.addi %broadcast_in_dim3A_1654, %iota3A : vector<16xi32>
          %lt3A_1656 = vector.broadcast %while3A_587#1 : i32 to vector<16xi32>
          %lt3A_1657 = arith.cmpi slt, %add3A_1655, %lt3A_1656 : vector<16xi32>
          %get3A_1658 = arith.index_cast %mul3A_1653 : i32 to index
          %get3A_1659 = tpu.vector_load %arg26[%get3A_1658] {strides = array<i32>} : memref<8224xi32, #tpu.memory_space<vmem>>, vector<16xi32>,
          %select_n3A_1660 = arith.select %lt3A_1657, %get3A_1659, %broadcast_in_dim3A_0 : vector<16xi1>, vector<16xi32>
          %gather3A_1661 = tpu.vector_load_idx %arg22[%select_n3A_1660] : memref<8192xi32, #tpu.memory_space<vmem>>[vector<16xi32>], vector<16xi32>,
          %shift_right_logical3A_1662 = arith.constant 12 : i32
          %shift_right_logical3A_1663 = vector.broadcast %shift_right_logical3A_1662 : i32 to vector<16xi32>
          %shift_right_logical3A_1664 = arith.shrui %gather3A_1661, %shift_right_logical3A_1663 : vector<16xi32>
          %and3A_1665 = arith.constant 15 : i32
          %and3A_1666 = vector.broadcast %and3A_1665 : i32 to vector<16xi32>
          %and3A_1667 = arith.andi %shift_right_logical3A_1664, %and3A_1666 : vector<16xi32>
          %lt3A_1668 = vector.broadcast %reduce_sum3A_800 : i32 to vector<16xi32>
          %lt3A_1669 = arith.cmpi slt, %and3A_1667, %lt3A_1668 : vector<16xi32>
          %and3A_1670 = arith.andi %lt3A_1669, %lt3A_1657 : vector<16xi1>
          %eq3A = vector.broadcast %reduce_sum3A_800 : i32 to vector<16xi32>
          %eq3A_1671 = arith.cmpi eq, %and3A_1667, %eq3A : vector<16xi32>
          %and3A_1672 = arith.andi %eq3A_1671, %lt3A_1657 : vector<16xi1>
          %jit3A_1673 = arith.constant 1 : i32
          %jit3A_1674 = arith.constant 0 : i32
          %broadcast_in_dim3A_1675 = vector.broadcast %jit3A_1673 : i32 to vector<16xi32>
          %broadcast_in_dim3A_1676 = vector.broadcast %jit3A_1674 : i32 to vector<16xi32>
          %select_n3A_1677 = arith.select %and3A_1670, %broadcast_in_dim3A_1675, %broadcast_in_dim3A_1676 : vector<16xi1>, vector<16xi32>
          %broadcast_in_dim3A_1678 = arith.constant true
          %broadcast_in_dim3A_1679 = vector.broadcast %broadcast_in_dim3A_1678 : i1 to vector<16xi1>
          %masked_cumsum3A_1680 = tpu.scan <sum>, %select_n3A_1677 masked %broadcast_in_dim3A_1679 : vector<16xi32>, vector<16xi1> -> vector<16xi32>
          %add3A_1681 = vector.broadcast %while3A_1650 : i32 to vector<16xi32>
          %add3A_1682 = arith.addi %add3A_1681, %masked_cumsum3A_1680 : vector<16xi32>
          %sub3A_1683 = arith.constant 1 : i32
          %sub3A_1684 = vector.broadcast %sub3A_1683 : i32 to vector<16xi32>
          %sub3A_1685 = arith.subi %add3A_1682, %sub3A_1684 : vector<16xi32>
          tpu.vector_store_idx %arg24[%sub3A_1685], %select_n3A_1660 masked %and3A_1670 : memref<64xi32, #tpu.memory_space<vmem>>[vector<16xi32>], vector<16xi32>, vector<16xi1>
          %all_reduce_population_count3A = tpu.all_reduce %and3A_1670 {dim = 0 : i64, kind = #tpu.reduction_kind<sum>} : vector<16xi1> -> vector<16xi32>
          %reduce_max3A_1686 = arith.constant true
          %reduce_max3A_1687 = vector.broadcast %reduce_max3A_1686 : i1 to vector<16xi1>
          %reduce_max3A_1688 = arith.constant -2147483648 : i32
          %reduce_max3A_1689 = vector.broadcast %reduce_max3A_1688 : i32 to vector<16xi32>
          %reduce_max3A_1690 = arith.xori %all_reduce_population_count3A, %reduce_max3A_1689 : vector<16xi32>
          %reduce_max3A_1691 = tpu.scan <max>, %reduce_max3A_1690 masked %reduce_max3A_1687 : vector<16xi32>, vector<16xi1> -> vector<16xi32>
          %reduce_max3A_1692 = arith.xori %reduce_max3A_1691, %reduce_max3A_1689 : vector<16xi32>
          %reduce_max3A_1693 = vector.extract %reduce_max3A_1692[15] : i32 from vector<16xi32>
          %add3A_1694 = arith.addi %while3A_1650, %reduce_max3A_1693 : i32
          %jit3A_1695 = arith.constant 1 : i32
          %jit3A_1696 = arith.constant 0 : i32
          %broadcast_in_dim3A_1697 = vector.broadcast %jit3A_1695 : i32 to vector<16xi32>
          %broadcast_in_dim3A_1698 = vector.broadcast %jit3A_1696 : i32 to vector<16xi32>
          %select_n3A_1699 = arith.select %and3A_1672, %broadcast_in_dim3A_1697, %broadcast_in_dim3A_1698 : vector<16xi1>, vector<16xi32>
          %broadcast_in_dim3A_1700 = arith.constant true
          %broadcast_in_dim3A_1701 = vector.broadcast %broadcast_in_dim3A_1700 : i1 to vector<16xi1>
          %masked_cumsum3A_1702 = tpu.scan <sum>, %select_n3A_1699 masked %broadcast_in_dim3A_1701 : vector<16xi32>, vector<16xi1> -> vector<16xi32>
          %add3A_1703 = vector.broadcast %while3A_1651 : i32 to vector<16xi32>
          %add3A_1704 = arith.addi %add3A_1703, %masked_cumsum3A_1702 : vector<16xi32>
          %sub3A_1705 = arith.constant 1 : i32
          %sub3A_1706 = vector.broadcast %sub3A_1705 : i32 to vector<16xi32>
          %sub3A_1707 = arith.subi %add3A_1704, %sub3A_1706 : vector<16xi32>
          tpu.vector_store_idx %arg27[%sub3A_1707], %select_n3A_1660 masked %and3A_1672 : memref<8224xi32, #tpu.memory_space<vmem>>[vector<16xi32>], vector<16xi32>, vector<16xi1>
          %all_reduce_population_count3A_1708 = tpu.all_reduce %and3A_1672 {dim = 0 : i64, kind = #tpu.reduction_kind<sum>} : vector<16xi1> -> vector<16xi32>
          %reduce_max3A_1709 = arith.constant true
          %reduce_max3A_1710 = vector.broadcast %reduce_max3A_1709 : i1 to vector<16xi1>
          %reduce_max3A_1711 = arith.constant -2147483648 : i32
          %reduce_max3A_1712 = vector.broadcast %reduce_max3A_1711 : i32 to vector<16xi32>
          %reduce_max3A_1713 = arith.xori %all_reduce_population_count3A_1708, %reduce_max3A_1712 : vector<16xi32>
          %reduce_max3A_1714 = tpu.scan <max>, %reduce_max3A_1713 masked %reduce_max3A_1710 : vector<16xi32>, vector<16xi1> -> vector<16xi32>
          %reduce_max3A_1715 = arith.xori %reduce_max3A_1714, %reduce_max3A_1712 : vector<16xi32>
          %reduce_max3A_1716 = vector.extract %reduce_max3A_1715[15] : i32 from vector<16xi32>
          %add3A_1717 = arith.addi %while3A_1651, %reduce_max3A_1716 : i32
          scf.yield %add3A_1694, %add3A_1717 : i32, i32
        }
        %while3A_822 = arith.constant 1 : i32
        %while3A_823:2 = scf.for %while3A_1649 = %while3A_819 to %while3A_815 step %while3A_822 iter_args(%while3A_1650 = %while3A_821#0, %while3A_1651 = %while3A_821#1) -> (i32, i32)  : i32 {
          %mul3A_1652 = arith.constant 16 : i32
          %mul3A_1653 = arith.muli %while3A_1649, %mul3A_1652 : i32
          %broadcast_in_dim3A_1654 = vector.broadcast %mul3A_1653 : i32 to vector<16xi32>
          %add3A_1655 = arith.addi %broadcast_in_dim3A_1654, %iota3A : vector<16xi32>
          %lt3A_1656 = vector.broadcast %while3A_587#1 : i32 to vector<16xi32>
          %lt3A_1657 = arith.cmpi slt, %add3A_1655, %lt3A_1656 : vector<16xi32>
          %get3A_1658 = arith.index_cast %mul3A_1653 : i32 to index
          %get3A_1659 = tpu.vector_load %arg26[%get3A_1658] {strides = array<i32>} : memref<8224xi32, #tpu.memory_space<vmem>>, vector<16xi32>,
          %select_n3A_1660 = arith.select %lt3A_1657, %get3A_1659, %broadcast_in_dim3A_0 : vector<16xi1>, vector<16xi32>
          %gather3A_1661 = tpu.vector_load_idx %arg22[%select_n3A_1660] : memref<8192xi32, #tpu.memory_space<vmem>>[vector<16xi32>], vector<16xi32>,
          %shift_right_logical3A_1662 = arith.constant 12 : i32
          %shift_right_logical3A_1663 = vector.broadcast %shift_right_logical3A_1662 : i32 to vector<16xi32>
          %shift_right_logical3A_1664 = arith.shrui %gather3A_1661, %shift_right_logical3A_1663 : vector<16xi32>
          %and3A_1665 = arith.constant 15 : i32
          %and3A_1666 = vector.broadcast %and3A_1665 : i32 to vector<16xi32>
          %and3A_1667 = arith.andi %shift_right_logical3A_1664, %and3A_1666 : vector<16xi32>
          %lt3A_1668 = vector.broadcast %reduce_sum3A_800 : i32 to vector<16xi32>
          %lt3A_1669 = arith.cmpi slt, %and3A_1667, %lt3A_1668 : vector<16xi32>
          %and3A_1670 = arith.andi %lt3A_1669, %lt3A_1657 : vector<16xi1>
          %eq3A = vector.broadcast %reduce_sum3A_800 : i32 to vector<16xi32>
          %eq3A_1671 = arith.cmpi eq, %and3A_1667, %eq3A : vector<16xi32>
          %and3A_1672 = arith.andi %eq3A_1671, %lt3A_1657 : vector<16xi1>
          %jit3A_1673 = arith.constant 1 : i32
          %jit3A_1674 = arith.constant 0 : i32
          %broadcast_in_dim3A_1675 = vector.broadcast %jit3A_1673 : i32 to vector<16xi32>
          %broadcast_in_dim3A_1676 = vector.broadcast %jit3A_1674 : i32 to vector<16xi32>
          %select_n3A_1677 = arith.select %and3A_1670, %broadcast_in_dim3A_1675, %broadcast_in_dim3A_1676 : vector<16xi1>, vector<16xi32>
          %broadcast_in_dim3A_1678 = arith.constant true
          %broadcast_in_dim3A_1679 = vector.broadcast %broadcast_in_dim3A_1678 : i1 to vector<16xi1>
          %masked_cumsum3A_1680 = tpu.scan <sum>, %select_n3A_1677 masked %broadcast_in_dim3A_1679 : vector<16xi32>, vector<16xi1> -> vector<16xi32>
          %add3A_1681 = vector.broadcast %while3A_1650 : i32 to vector<16xi32>
          %add3A_1682 = arith.addi %add3A_1681, %masked_cumsum3A_1680 : vector<16xi32>
          %sub3A_1683 = arith.constant 1 : i32
          %sub3A_1684 = vector.broadcast %sub3A_1683 : i32 to vector<16xi32>
          %sub3A_1685 = arith.subi %add3A_1682, %sub3A_1684 : vector<16xi32>
          tpu.vector_store_idx %arg24[%sub3A_1685], %select_n3A_1660 masked %and3A_1670 : memref<64xi32, #tpu.memory_space<vmem>>[vector<16xi32>], vector<16xi32>, vector<16xi1>
          %all_reduce_population_count3A = tpu.all_reduce %and3A_1670 {dim = 0 : i64, kind = #tpu.reduction_kind<sum>} : vector<16xi1> -> vector<16xi32>
          %reduce_max3A_1686 = arith.constant true
          %reduce_max3A_1687 = vector.broadcast %reduce_max3A_1686 : i1 to vector<16xi1>
          %reduce_max3A_1688 = arith.constant -2147483648 : i32
          %reduce_max3A_1689 = vector.broadcast %reduce_max3A_1688 : i32 to vector<16xi32>
          %reduce_max3A_1690 = arith.xori %all_reduce_population_count3A, %reduce_max3A_1689 : vector<16xi32>
          %reduce_max3A_1691 = tpu.scan <max>, %reduce_max3A_1690 masked %reduce_max3A_1687 : vector<16xi32>, vector<16xi1> -> vector<16xi32>
          %reduce_max3A_1692 = arith.xori %reduce_max3A_1691, %reduce_max3A_1689 : vector<16xi32>
          %reduce_max3A_1693 = vector.extract %reduce_max3A_1692[15] : i32 from vector<16xi32>
          %add3A_1694 = arith.addi %while3A_1650, %reduce_max3A_1693 : i32
          %jit3A_1695 = arith.constant 1 : i32
          %jit3A_1696 = arith.constant 0 : i32
          %broadcast_in_dim3A_1697 = vector.broadcast %jit3A_1695 : i32 to vector<16xi32>
          %broadcast_in_dim3A_1698 = vector.broadcast %jit3A_1696 : i32 to vector<16xi32>
          %select_n3A_1699 = arith.select %and3A_1672, %broadcast_in_dim3A_1697, %broadcast_in_dim3A_1698 : vector<16xi1>, vector<16xi32>
          %broadcast_in_dim3A_1700 = arith.constant true
          %broadcast_in_dim3A_1701 = vector.broadcast %broadcast_in_dim3A_1700 : i1 to vector<16xi1>
          %masked_cumsum3A_1702 = tpu.scan <sum>, %select_n3A_1699 masked %broadcast_in_dim3A_1701 : vector<16xi32>, vector<16xi1> -> vector<16xi32>
          %add3A_1703 = vector.broadcast %while3A_1651 : i32 to vector<16xi32>
          %add3A_1704 = arith.addi %add3A_1703, %masked_cumsum3A_1702 : vector<16xi32>
          %sub3A_1705 = arith.constant 1 : i32
          %sub3A_1706 = vector.broadcast %sub3A_1705 : i32 to vector<16xi32>
          %sub3A_1707 = arith.subi %add3A_1704, %sub3A_1706 : vector<16xi32>
          tpu.vector_store_idx %arg27[%sub3A_1707], %select_n3A_1660 masked %and3A_1672 : memref<8224xi32, #tpu.memory_space<vmem>>[vector<16xi32>], vector<16xi32>, vector<16xi1>
          %all_reduce_population_count3A_1708 = tpu.all_reduce %and3A_1672 {dim = 0 : i64, kind = #tpu.reduction_kind<sum>} : vector<16xi1> -> vector<16xi32>
          %reduce_max3A_1709 = arith.constant true
          %reduce_max3A_1710 = vector.broadcast %reduce_max3A_1709 : i1 to vector<16xi1>
          %reduce_max3A_1711 = arith.constant -2147483648 : i32
          %reduce_max3A_1712 = vector.broadcast %reduce_max3A_1711 : i32 to vector<16xi32>
          %reduce_max3A_1713 = arith.xori %all_reduce_population_count3A_1708, %reduce_max3A_1712 : vector<16xi32>
          %reduce_max3A_1714 = tpu.scan <max>, %reduce_max3A_1713 masked %reduce_max3A_1710 : vector<16xi32>, vector<16xi1> -> vector<16xi32>
          %reduce_max3A_1715 = arith.xori %reduce_max3A_1714, %reduce_max3A_1712 : vector<16xi32>
          %reduce_max3A_1716 = vector.extract %reduce_max3A_1715[15] : i32 from vector<16xi32>
          %add3A_1717 = arith.addi %while3A_1651, %reduce_max3A_1716 : i32
          scf.yield %add3A_1694, %add3A_1717 : i32, i32
        }
        %sub3A_824 = arith.subi %sub3A_588, %reduce_max3A_811 : i32
        %swap3A_825 = arith.constant 0 : index
        %swap3A_826 = tpu.vector_load %arg23[%swap3A_825] {strides = array<i32>} : memref<4096xi32, #tpu.memory_space<vmem>>, vector<16xi32>,
        tpu.vector_store %arg23[%swap3A_825], %broadcast_in_dim3A_0 {strides = array<i32>} : memref<4096xi32, #tpu.memory_space<vmem>>, vector<16xi32>,
        %swap3A_827 = arith.constant 16 : index
        %swap3A_828 = tpu.vector_load %arg23[%swap3A_827] {strides = array<i32>} : memref<4096xi32, #tpu.memory_space<vmem>>, vector<16xi32>,
        tpu.vector_store %arg23[%swap3A_827], %broadcast_in_dim3A_0 {strides = array<i32>} : memref<4096xi32, #tpu.memory_space<vmem>>, vector<16xi32>,
        %swap3A_829 = arith.constant 32 : index
        %swap3A_830 = tpu.vector_load %arg23[%swap3A_829] {strides = array<i32>} : memref<4096xi32, #tpu.memory_space<vmem>>, vector<16xi32>,
        tpu.vector_store %arg23[%swap3A_829], %broadcast_in_dim3A_0 {strides = array<i32>} : memref<4096xi32, #tpu.memory_space<vmem>>, vector<16xi32>,
        %swap3A_831 = arith.constant 48 : index
        %swap3A_832 = tpu.vector_load %arg23[%swap3A_831] {strides = array<i32>} : memref<4096xi32, #tpu.memory_space<vmem>>, vector<16xi32>,
        tpu.vector_store %arg23[%swap3A_831], %broadcast_in_dim3A_0 {strides = array<i32>} : memref<4096xi32, #tpu.memory_space<vmem>>, vector<16xi32>,
        %swap3A_833 = arith.constant 64 : index
        %swap3A_834 = tpu.vector_load %arg23[%swap3A_833] {strides = array<i32>} : memref<4096xi32, #tpu.memory_space<vmem>>, vector<16xi32>,
        tpu.vector_store %arg23[%swap3A_833], %broadcast_in_dim3A_0 {strides = array<i32>} : memref<4096xi32, #tpu.memory_space<vmem>>, vector<16xi32>,
        %swap3A_835 = arith.constant 80 : index
        %swap3A_836 = tpu.vector_load %arg23[%swap3A_835] {strides = array<i32>} : memref<4096xi32, #tpu.memory_space<vmem>>, vector<16xi32>,
        tpu.vector_store %arg23[%swap3A_835], %broadcast_in_dim3A_0 {strides = array<i32>} : memref<4096xi32, #tpu.memory_space<vmem>>, vector<16xi32>,
        %swap3A_837 = arith.constant 96 : index
        %swap3A_838 = tpu.vector_load %arg23[%swap3A_837] {strides = array<i32>} : memref<4096xi32, #tpu.memory_space<vmem>>, vector<16xi32>,
        tpu.vector_store %arg23[%swap3A_837], %broadcast_in_dim3A_0 {strides = array<i32>} : memref<4096xi32, #tpu.memory_space<vmem>>, vector<16xi32>,
        %swap3A_839 = arith.constant 112 : index
        %swap3A_840 = tpu.vector_load %arg23[%swap3A_839] {strides = array<i32>} : memref<4096xi32, #tpu.memory_space<vmem>>, vector<16xi32>,
        tpu.vector_store %arg23[%swap3A_839], %broadcast_in_dim3A_0 {strides = array<i32>} : memref<4096xi32, #tpu.memory_space<vmem>>, vector<16xi32>,
        %swap3A_841 = arith.constant 128 : index
        %swap3A_842 = tpu.vector_load %arg23[%swap3A_841] {strides = array<i32>} : memref<4096xi32, #tpu.memory_space<vmem>>, vector<16xi32>,
        tpu.vector_store %arg23[%swap3A_841], %broadcast_in_dim3A_0 {strides = array<i32>} : memref<4096xi32, #tpu.memory_space<vmem>>, vector<16xi32>,
        %swap3A_843 = arith.constant 144 : index
        %swap3A_844 = tpu.vector_load %arg23[%swap3A_843] {strides = array<i32>} : memref<4096xi32, #tpu.memory_space<vmem>>, vector<16xi32>,
        tpu.vector_store %arg23[%swap3A_843], %broadcast_in_dim3A_0 {strides = array<i32>} : memref<4096xi32, #tpu.memory_space<vmem>>, vector<16xi32>,
        %swap3A_845 = arith.constant 160 : index
        %swap3A_846 = tpu.vector_load %arg23[%swap3A_845] {strides = array<i32>} : memref<4096xi32, #tpu.memory_space<vmem>>, vector<16xi32>,
        tpu.vector_store %arg23[%swap3A_845], %broadcast_in_dim3A_0 {strides = array<i32>} : memref<4096xi32, #tpu.memory_space<vmem>>, vector<16xi32>,
        %swap3A_847 = arith.constant 176 : index
        %swap3A_848 = tpu.vector_load %arg23[%swap3A_847] {strides = array<i32>} : memref<4096xi32, #tpu.memory_space<vmem>>, vector<16xi32>,
        tpu.vector_store %arg23[%swap3A_847], %broadcast_in_dim3A_0 {strides = array<i32>} : memref<4096xi32, #tpu.memory_space<vmem>>, vector<16xi32>,
        %swap3A_849 = arith.constant 192 : index
        %swap3A_850 = tpu.vector_load %arg23[%swap3A_849] {strides = array<i32>} : memref<4096xi32, #tpu.memory_space<vmem>>, vector<16xi32>,
        tpu.vector_store %arg23[%swap3A_849], %broadcast_in_dim3A_0 {strides = array<i32>} : memref<4096xi32, #tpu.memory_space<vmem>>, vector<16xi32>,
        %swap3A_851 = arith.constant 208 : index
        %swap3A_852 = tpu.vector_load %arg23[%swap3A_851] {strides = array<i32>} : memref<4096xi32, #tpu.memory_space<vmem>>, vector<16xi32>,
        tpu.vector_store %arg23[%swap3A_851], %broadcast_in_dim3A_0 {strides = array<i32>} : memref<4096xi32, #tpu.memory_space<vmem>>, vector<16xi32>,
        %swap3A_853 = arith.constant 224 : index
        %swap3A_854 = tpu.vector_load %arg23[%swap3A_853] {strides = array<i32>} : memref<4096xi32, #tpu.memory_space<vmem>>, vector<16xi32>,
        tpu.vector_store %arg23[%swap3A_853], %broadcast_in_dim3A_0 {strides = array<i32>} : memref<4096xi32, #tpu.memory_space<vmem>>, vector<16xi32>,
        %swap3A_855 = arith.constant 240 : index
        %swap3A_856 = tpu.vector_load %arg23[%swap3A_855] {strides = array<i32>} : memref<4096xi32, #tpu.memory_space<vmem>>, vector<16xi32>,
        tpu.vector_store %arg23[%swap3A_855], %broadcast_in_dim3A_0 {strides = array<i32>} : memref<4096xi32, #tpu.memory_space<vmem>>, vector<16xi32>,
        %add3A_857 = arith.constant 15 : i32
        %add3A_858 = arith.addi %while3A_823#1, %add3A_857 : i32
        %jit3A_859 = arith.constant 16 : i32
        %div3A_860 = arith.divsi %add3A_858, %jit3A_859 : i32
        %sign3A_861 = arith.constant 0 : i32
        %sign3A_862 = arith.cmpi sgt, %add3A_858, %sign3A_861 : i32
        %sign3A_863 = arith.extui %sign3A_862 : i1 to i32
        %sign3A_864 = arith.constant 0 : i32
        %sign3A_865 = arith.cmpi slt, %add3A_858, %sign3A_864 : i32
        %sign3A_866 = arith.extui %sign3A_865 : i1 to i32
        %sign3A_867 = arith.subi %sign3A_863, %sign3A_866 : i32
        %sign3A_868 = arith.constant 0 : i32
        %sign3A_869 = arith.cmpi sgt, %jit3A_859, %sign3A_868 : i32
        %sign3A_870 = arith.extui %sign3A_869 : i1 to i32
        %sign3A_871 = arith.constant 0 : i32
        %sign3A_872 = arith.cmpi slt, %jit3A_859, %sign3A_871 : i32
        %sign3A_873 = arith.extui %sign3A_872 : i1 to i32
        %sign3A_874 = arith.subi %sign3A_870, %sign3A_873 : i32
        %ne3A_875 = arith.cmpi ne, %sign3A_867, %sign3A_874 : i32
        %rem3A_876 = arith.remsi %add3A_858, %jit3A_859 : i32
        %ne3A_877 = arith.constant 0 : i32
        %ne3A_878 = arith.cmpi ne, %rem3A_876, %ne3A_877 : i32
        %and3A_879 = arith.andi %ne3A_875, %ne3A_878 : i1
        %sub3A_880 = arith.constant 1 : i32
        %sub3A_881 = arith.subi %div3A_860, %sub3A_880 : i32
        %select_n3A_882 = arith.select %and3A_879, %sub3A_881, %div3A_860 : i32
        %while3A_883 = arith.constant 0 : i32
        %while3A_884 = arith.constant 0 : i32
        %while3A_885 = arith.subi %select_n3A_882, %while3A_883 : i32
        %while3A_886 = arith.addi %while3A_883, %while3A_885 : i32
        %while3A_887 = arith.constant 1 : i32
        %while3A_888 = arith.divsi %while3A_885, %while3A_887 : i32
        %while3A_889 = arith.muli %while3A_888, %while3A_887 : i32
        %while3A_890 = arith.addi %while3A_883, %while3A_889 : i32
        %while3A_891 = arith.constant 1 : i32
        %while3A_892 = scf.for %while3A_1649 = %while3A_883 to %while3A_890 step %while3A_891 iter_args(%while3A_1650 = %while3A_884) -> (i32)  : i32 {
          %mul3A_1651 = arith.constant 16 : i32
          %mul3A_1652 = arith.muli %while3A_1649, %mul3A_1651 : i32
          %broadcast_in_dim3A_1653 = vector.broadcast %mul3A_1652 : i32 to vector<16xi32>
          %add3A_1654 = arith.addi %broadcast_in_dim3A_1653, %iota3A : vector<16xi32>
          %lt3A_1655 = vector.broadcast %while3A_823#1 : i32 to vector<16xi32>
          %lt3A_1656 = arith.cmpi slt, %add3A_1654, %lt3A_1655 : vector<16xi32>
          %get3A_1657 = arith.index_cast %mul3A_1652 : i32 to index
          %get3A_1658 = tpu.vector_load %arg27[%get3A_1657] {strides = array<i32>} : memref<8224xi32, #tpu.memory_space<vmem>>, vector<16xi32>,
          %select_n3A_1659 = arith.select %lt3A_1656, %get3A_1658, %broadcast_in_dim3A_0 : vector<16xi1>, vector<16xi32>
          %gather3A_1660 = tpu.vector_load_idx %arg22[%select_n3A_1659] : memref<8192xi32, #tpu.memory_space<vmem>>[vector<16xi32>], vector<16xi32>,
          %shift_right_logical3A_1661 = arith.constant 8 : i32
          %shift_right_logical3A_1662 = vector.broadcast %shift_right_logical3A_1661 : i32 to vector<16xi32>
          %shift_right_logical3A_1663 = arith.shrui %gather3A_1660, %shift_right_logical3A_1662 : vector<16xi32>
          %and3A_1664 = arith.constant 15 : i32
          %and3A_1665 = vector.broadcast %and3A_1664 : i32 to vector<16xi32>
          %and3A_1666 = arith.andi %shift_right_logical3A_1663, %and3A_1665 : vector<16xi32>
          %mul3A_1667 = arith.constant 16 : i32
          %mul3A_1668 = vector.broadcast %mul3A_1667 : i32 to vector<16xi32>
          %mul3A_1669 = arith.muli %and3A_1666, %mul3A_1668 : vector<16xi32>
          %add3A_1670 = arith.addi %mul3A_1669, %iota3A : vector<16xi32>
          tpu.vector_store_idx %arg23[%add3A_1670], %broadcast_in_dim3A_2 masked %lt3A_1656 {add = true} : memref<4096xi32, #tpu.memory_space<vmem>>[vector<16xi32>], vector<16xi32>, vector<16xi1>
          %while3A_1671 = arith.constant 0 : i32
          scf.yield %while3A_1671 : i32
        }
        %while3A_893 = arith.constant 1 : i32
        %while3A_894 = scf.for %while3A_1649 = %while3A_890 to %while3A_886 step %while3A_893 iter_args(%while3A_1650 = %while3A_892) -> (i32)  : i32 {
          %mul3A_1651 = arith.constant 16 : i32
          %mul3A_1652 = arith.muli %while3A_1649, %mul3A_1651 : i32
          %broadcast_in_dim3A_1653 = vector.broadcast %mul3A_1652 : i32 to vector<16xi32>
          %add3A_1654 = arith.addi %broadcast_in_dim3A_1653, %iota3A : vector<16xi32>
          %lt3A_1655 = vector.broadcast %while3A_823#1 : i32 to vector<16xi32>
          %lt3A_1656 = arith.cmpi slt, %add3A_1654, %lt3A_1655 : vector<16xi32>
          %get3A_1657 = arith.index_cast %mul3A_1652 : i32 to index
          %get3A_1658 = tpu.vector_load %arg27[%get3A_1657] {strides = array<i32>} : memref<8224xi32, #tpu.memory_space<vmem>>, vector<16xi32>,
          %select_n3A_1659 = arith.select %lt3A_1656, %get3A_1658, %broadcast_in_dim3A_0 : vector<16xi1>, vector<16xi32>
          %gather3A_1660 = tpu.vector_load_idx %arg22[%select_n3A_1659] : memref<8192xi32, #tpu.memory_space<vmem>>[vector<16xi32>], vector<16xi32>,
          %shift_right_logical3A_1661 = arith.constant 8 : i32
          %shift_right_logical3A_1662 = vector.broadcast %shift_right_logical3A_1661 : i32 to vector<16xi32>
          %shift_right_logical3A_1663 = arith.shrui %gather3A_1660, %shift_right_logical3A_1662 : vector<16xi32>
          %and3A_1664 = arith.constant 15 : i32
          %and3A_1665 = vector.broadcast %and3A_1664 : i32 to vector<16xi32>
          %and3A_1666 = arith.andi %shift_right_logical3A_1663, %and3A_1665 : vector<16xi32>
          %mul3A_1667 = arith.constant 16 : i32
          %mul3A_1668 = vector.broadcast %mul3A_1667 : i32 to vector<16xi32>
          %mul3A_1669 = arith.muli %and3A_1666, %mul3A_1668 : vector<16xi32>
          %add3A_1670 = arith.addi %mul3A_1669, %iota3A : vector<16xi32>
          tpu.vector_store_idx %arg23[%add3A_1670], %broadcast_in_dim3A_2 masked %lt3A_1656 {add = true} : memref<4096xi32, #tpu.memory_space<vmem>>[vector<16xi32>], vector<16xi32>, vector<16xi1>
          %while3A_1671 = arith.constant 0 : i32
          scf.yield %while3A_1671 : i32
        }
        %mul3A_895 = arith.constant 16 : i32
        %mul3A_896 = vector.broadcast %mul3A_895 : i32 to vector<16xi32>
        %mul3A_897 = arith.muli %iota3A, %mul3A_896 : vector<16xi32>
        %add3A_898 = arith.constant 0 : i32
        %add3A_899 = vector.broadcast %add3A_898 : i32 to vector<16xi32>
        %add3A_900 = arith.addi %mul3A_897, %add3A_899 : vector<16xi32>
        %gather3A_901 = tpu.vector_load_idx %arg23[%add3A_900] : memref<4096xi32, #tpu.memory_space<vmem>>[vector<16xi32>], vector<16xi32>,
        %add3A_902 = arith.addi %broadcast_in_dim3A_0, %gather3A_901 : vector<16xi32>
        %mul3A_903 = arith.constant 16 : i32
        %mul3A_904 = vector.broadcast %mul3A_903 : i32 to vector<16xi32>
        %mul3A_905 = arith.muli %iota3A, %mul3A_904 : vector<16xi32>
        %add3A_906 = arith.constant 1 : i32
        %add3A_907 = vector.broadcast %add3A_906 : i32 to vector<16xi32>
        %add3A_908 = arith.addi %mul3A_905, %add3A_907 : vector<16xi32>
        %gather3A_909 = tpu.vector_load_idx %arg23[%add3A_908] : memref<4096xi32, #tpu.memory_space<vmem>>[vector<16xi32>], vector<16xi32>,
        %add3A_910 = arith.addi %add3A_902, %gather3A_909 : vector<16xi32>
        %mul3A_911 = arith.constant 16 : i32
        %mul3A_912 = vector.broadcast %mul3A_911 : i32 to vector<16xi32>
        %mul3A_913 = arith.muli %iota3A, %mul3A_912 : vector<16xi32>
        %add3A_914 = arith.constant 2 : i32
        %add3A_915 = vector.broadcast %add3A_914 : i32 to vector<16xi32>
        %add3A_916 = arith.addi %mul3A_913, %add3A_915 : vector<16xi32>
        %gather3A_917 = tpu.vector_load_idx %arg23[%add3A_916] : memref<4096xi32, #tpu.memory_space<vmem>>[vector<16xi32>], vector<16xi32>,
        %add3A_918 = arith.addi %add3A_910, %gather3A_917 : vector<16xi32>
        %mul3A_919 = arith.constant 16 : i32
        %mul3A_920 = vector.broadcast %mul3A_919 : i32 to vector<16xi32>
        %mul3A_921 = arith.muli %iota3A, %mul3A_920 : vector<16xi32>
        %add3A_922 = arith.constant 3 : i32
        %add3A_923 = vector.broadcast %add3A_922 : i32 to vector<16xi32>
        %add3A_924 = arith.addi %mul3A_921, %add3A_923 : vector<16xi32>
        %gather3A_925 = tpu.vector_load_idx %arg23[%add3A_924] : memref<4096xi32, #tpu.memory_space<vmem>>[vector<16xi32>], vector<16xi32>,
        %add3A_926 = arith.addi %add3A_918, %gather3A_925 : vector<16xi32>
        %mul3A_927 = arith.constant 16 : i32
        %mul3A_928 = vector.broadcast %mul3A_927 : i32 to vector<16xi32>
        %mul3A_929 = arith.muli %iota3A, %mul3A_928 : vector<16xi32>
        %add3A_930 = arith.constant 4 : i32
        %add3A_931 = vector.broadcast %add3A_930 : i32 to vector<16xi32>
        %add3A_932 = arith.addi %mul3A_929, %add3A_931 : vector<16xi32>
        %gather3A_933 = tpu.vector_load_idx %arg23[%add3A_932] : memref<4096xi32, #tpu.memory_space<vmem>>[vector<16xi32>], vector<16xi32>,
        %add3A_934 = arith.addi %add3A_926, %gather3A_933 : vector<16xi32>
        %mul3A_935 = arith.constant 16 : i32
        %mul3A_936 = vector.broadcast %mul3A_935 : i32 to vector<16xi32>
        %mul3A_937 = arith.muli %iota3A, %mul3A_936 : vector<16xi32>
        %add3A_938 = arith.constant 5 : i32
        %add3A_939 = vector.broadcast %add3A_938 : i32 to vector<16xi32>
        %add3A_940 = arith.addi %mul3A_937, %add3A_939 : vector<16xi32>
        %gather3A_941 = tpu.vector_load_idx %arg23[%add3A_940] : memref<4096xi32, #tpu.memory_space<vmem>>[vector<16xi32>], vector<16xi32>,
        %add3A_942 = arith.addi %add3A_934, %gather3A_941 : vector<16xi32>
        %mul3A_943 = arith.constant 16 : i32
        %mul3A_944 = vector.broadcast %mul3A_943 : i32 to vector<16xi32>
        %mul3A_945 = arith.muli %iota3A, %mul3A_944 : vector<16xi32>
        %add3A_946 = arith.constant 6 : i32
        %add3A_947 = vector.broadcast %add3A_946 : i32 to vector<16xi32>
        %add3A_948 = arith.addi %mul3A_945, %add3A_947 : vector<16xi32>
        %gather3A_949 = tpu.vector_load_idx %arg23[%add3A_948] : memref<4096xi32, #tpu.memory_space<vmem>>[vector<16xi32>], vector<16xi32>,
        %add3A_950 = arith.addi %add3A_942, %gather3A_949 : vector<16xi32>
        %mul3A_951 = arith.constant 16 : i32
        %mul3A_952 = vector.broadcast %mul3A_951 : i32 to vector<16xi32>
        %mul3A_953 = arith.muli %iota3A, %mul3A_952 : vector<16xi32>
        %add3A_954 = arith.constant 7 : i32
        %add3A_955 = vector.broadcast %add3A_954 : i32 to vector<16xi32>
        %add3A_956 = arith.addi %mul3A_953, %add3A_955 : vector<16xi32>
        %gather3A_957 = tpu.vector_load_idx %arg23[%add3A_956] : memref<4096xi32, #tpu.memory_space<vmem>>[vector<16xi32>], vector<16xi32>,
        %add3A_958 = arith.addi %add3A_950, %gather3A_957 : vector<16xi32>
        %mul3A_959 = arith.constant 16 : i32
        %mul3A_960 = vector.broadcast %mul3A_959 : i32 to vector<16xi32>
        %mul3A_961 = arith.muli %iota3A, %mul3A_960 : vector<16xi32>
        %add3A_962 = arith.constant 8 : i32
        %add3A_963 = vector.broadcast %add3A_962 : i32 to vector<16xi32>
        %add3A_964 = arith.addi %mul3A_961, %add3A_963 : vector<16xi32>
        %gather3A_965 = tpu.vector_load_idx %arg23[%add3A_964] : memref<4096xi32, #tpu.memory_space<vmem>>[vector<16xi32>], vector<16xi32>,
        %add3A_966 = arith.addi %add3A_958, %gather3A_965 : vector<16xi32>
        %mul3A_967 = arith.constant 16 : i32
        %mul3A_968 = vector.broadcast %mul3A_967 : i32 to vector<16xi32>
        %mul3A_969 = arith.muli %iota3A, %mul3A_968 : vector<16xi32>
        %add3A_970 = arith.constant 9 : i32
        %add3A_971 = vector.broadcast %add3A_970 : i32 to vector<16xi32>
        %add3A_972 = arith.addi %mul3A_969, %add3A_971 : vector<16xi32>
        %gather3A_973 = tpu.vector_load_idx %arg23[%add3A_972] : memref<4096xi32, #tpu.memory_space<vmem>>[vector<16xi32>], vector<16xi32>,
        %add3A_974 = arith.addi %add3A_966, %gather3A_973 : vector<16xi32>
        %mul3A_975 = arith.constant 16 : i32
        %mul3A_976 = vector.broadcast %mul3A_975 : i32 to vector<16xi32>
        %mul3A_977 = arith.muli %iota3A, %mul3A_976 : vector<16xi32>
        %add3A_978 = arith.constant 10 : i32
        %add3A_979 = vector.broadcast %add3A_978 : i32 to vector<16xi32>
        %add3A_980 = arith.addi %mul3A_977, %add3A_979 : vector<16xi32>
        %gather3A_981 = tpu.vector_load_idx %arg23[%add3A_980] : memref<4096xi32, #tpu.memory_space<vmem>>[vector<16xi32>], vector<16xi32>,
        %add3A_982 = arith.addi %add3A_974, %gather3A_981 : vector<16xi32>
        %mul3A_983 = arith.constant 16 : i32
        %mul3A_984 = vector.broadcast %mul3A_983 : i32 to vector<16xi32>
        %mul3A_985 = arith.muli %iota3A, %mul3A_984 : vector<16xi32>
        %add3A_986 = arith.constant 11 : i32
        %add3A_987 = vector.broadcast %add3A_986 : i32 to vector<16xi32>
        %add3A_988 = arith.addi %mul3A_985, %add3A_987 : vector<16xi32>
        %gather3A_989 = tpu.vector_load_idx %arg23[%add3A_988] : memref<4096xi32, #tpu.memory_space<vmem>>[vector<16xi32>], vector<16xi32>,
        %add3A_990 = arith.addi %add3A_982, %gather3A_989 : vector<16xi32>
        %mul3A_991 = arith.constant 16 : i32
        %mul3A_992 = vector.broadcast %mul3A_991 : i32 to vector<16xi32>
        %mul3A_993 = arith.muli %iota3A, %mul3A_992 : vector<16xi32>
        %add3A_994 = arith.constant 12 : i32
        %add3A_995 = vector.broadcast %add3A_994 : i32 to vector<16xi32>
        %add3A_996 = arith.addi %mul3A_993, %add3A_995 : vector<16xi32>
        %gather3A_997 = tpu.vector_load_idx %arg23[%add3A_996] : memref<4096xi32, #tpu.memory_space<vmem>>[vector<16xi32>], vector<16xi32>,
        %add3A_998 = arith.addi %add3A_990, %gather3A_997 : vector<16xi32>
        %mul3A_999 = arith.constant 16 : i32
        %mul3A_1000 = vector.broadcast %mul3A_999 : i32 to vector<16xi32>
        %mul3A_1001 = arith.muli %iota3A, %mul3A_1000 : vector<16xi32>
        %add3A_1002 = arith.constant 13 : i32
        %add3A_1003 = vector.broadcast %add3A_1002 : i32 to vector<16xi32>
        %add3A_1004 = arith.addi %mul3A_1001, %add3A_1003 : vector<16xi32>
        %gather3A_1005 = tpu.vector_load_idx %arg23[%add3A_1004] : memref<4096xi32, #tpu.memory_space<vmem>>[vector<16xi32>], vector<16xi32>,
        %add3A_1006 = arith.addi %add3A_998, %gather3A_1005 : vector<16xi32>
        %mul3A_1007 = arith.constant 16 : i32
        %mul3A_1008 = vector.broadcast %mul3A_1007 : i32 to vector<16xi32>
        %mul3A_1009 = arith.muli %iota3A, %mul3A_1008 : vector<16xi32>
        %add3A_1010 = arith.constant 14 : i32
        %add3A_1011 = vector.broadcast %add3A_1010 : i32 to vector<16xi32>
        %add3A_1012 = arith.addi %mul3A_1009, %add3A_1011 : vector<16xi32>
        %gather3A_1013 = tpu.vector_load_idx %arg23[%add3A_1012] : memref<4096xi32, #tpu.memory_space<vmem>>[vector<16xi32>], vector<16xi32>,
        %add3A_1014 = arith.addi %add3A_1006, %gather3A_1013 : vector<16xi32>
        %mul3A_1015 = arith.constant 16 : i32
        %mul3A_1016 = vector.broadcast %mul3A_1015 : i32 to vector<16xi32>
        %mul3A_1017 = arith.muli %iota3A, %mul3A_1016 : vector<16xi32>
        %add3A_1018 = arith.constant 15 : i32
        %add3A_1019 = vector.broadcast %add3A_1018 : i32 to vector<16xi32>
        %add3A_1020 = arith.addi %mul3A_1017, %add3A_1019 : vector<16xi32>
        %gather3A_1021 = tpu.vector_load_idx %arg23[%add3A_1020] : memref<4096xi32, #tpu.memory_space<vmem>>[vector<16xi32>], vector<16xi32>,
        %add3A_1022 = arith.addi %add3A_1014, %gather3A_1021 : vector<16xi32>
        %broadcast_in_dim3A_1023 = arith.constant true
        %broadcast_in_dim3A_1024 = vector.broadcast %broadcast_in_dim3A_1023 : i1 to vector<16xi1>
        %masked_cumsum3A_1025 = tpu.scan <sum>, %add3A_1022 masked %broadcast_in_dim3A_1024 : vector<16xi32>, vector<16xi1> -> vector<16xi32>
        %lt3A_1026 = vector.broadcast %sub3A_824 : i32 to vector<16xi32>
        %lt3A_1027 = arith.cmpi slt, %masked_cumsum3A_1025, %lt3A_1026 : vector<16xi32>
        %jit3A_1028 = arith.constant 1 : i32
        %jit3A_1029 = arith.constant 0 : i32
        %broadcast_in_dim3A_1030 = vector.broadcast %jit3A_1028 : i32 to vector<16xi32>
        %broadcast_in_dim3A_1031 = vector.broadcast %jit3A_1029 : i32 to vector<16xi32>
        %select_n3A_1032 = arith.select %lt3A_1027, %broadcast_in_dim3A_1030, %broadcast_in_dim3A_1031 : vector<16xi1>, vector<16xi32>
        %reduce_sum3A_1033 = arith.constant true
        %reduce_sum3A_1034 = vector.broadcast %reduce_sum3A_1033 : i1 to vector<16xi1>
        %reduce_sum3A_1035 = tpu.scan <sum>, %select_n3A_1032 masked %reduce_sum3A_1034 : vector<16xi32>, vector<16xi1> -> vector<16xi32>
        %reduce_sum3A_1036 = vector.extract %reduce_sum3A_1035[15] : i32 from vector<16xi32>
        %jit3A_1037 = arith.constant 0 : i32
        %broadcast_in_dim3A_1038 = vector.broadcast %jit3A_1037 : i32 to vector<16xi32>
        %select_n3A_1039 = arith.select %lt3A_1027, %masked_cumsum3A_1025, %broadcast_in_dim3A_1038 : vector<16xi1>, vector<16xi32>
        %reduce_max3A_1040 = arith.constant true
        %reduce_max3A_1041 = vector.broadcast %reduce_max3A_1040 : i1 to vector<16xi1>
        %reduce_max3A_1042 = arith.constant -2147483648 : i32
        %reduce_max3A_1043 = vector.broadcast %reduce_max3A_1042 : i32 to vector<16xi32>
        %reduce_max3A_1044 = arith.xori %select_n3A_1039, %reduce_max3A_1043 : vector<16xi32>
        %reduce_max3A_1045 = tpu.scan <max>, %reduce_max3A_1044 masked %reduce_max3A_1041 : vector<16xi32>, vector<16xi1> -> vector<16xi32>
        %reduce_max3A_1046 = arith.xori %reduce_max3A_1045, %reduce_max3A_1043 : vector<16xi32>
        %reduce_max3A_1047 = vector.extract %reduce_max3A_1046[15] : i32 from vector<16xi32>
        %while3A_1048 = arith.constant 0 : i32
        %while3A_1049 = arith.constant 0 : i32
        %while3A_1050 = arith.subi %select_n3A_882, %while3A_1048 : i32
        %while3A_1051 = arith.addi %while3A_1048, %while3A_1050 : i32
        %while3A_1052 = arith.constant 1 : i32
        %while3A_1053 = arith.divsi %while3A_1050, %while3A_1052 : i32
        %while3A_1054 = arith.muli %while3A_1053, %while3A_1052 : i32
        %while3A_1055 = arith.addi %while3A_1048, %while3A_1054 : i32
        %while3A_1056 = arith.constant 1 : i32
        %while3A_1057:2 = scf.for %while3A_1649 = %while3A_1048 to %while3A_1055 step %while3A_1056 iter_args(%while3A_1650 = %while3A_823#0, %while3A_1651 = %while3A_1049) -> (i32, i32)  : i32 {
          %mul3A_1652 = arith.constant 16 : i32
          %mul3A_1653 = arith.muli %while3A_1649, %mul3A_1652 : i32
          %broadcast_in_dim3A_1654 = vector.broadcast %mul3A_1653 : i32 to vector<16xi32>
          %add3A_1655 = arith.addi %broadcast_in_dim3A_1654, %iota3A : vector<16xi32>
          %lt3A_1656 = vector.broadcast %while3A_823#1 : i32 to vector<16xi32>
          %lt3A_1657 = arith.cmpi slt, %add3A_1655, %lt3A_1656 : vector<16xi32>
          %get3A_1658 = arith.index_cast %mul3A_1653 : i32 to index
          %get3A_1659 = tpu.vector_load %arg27[%get3A_1658] {strides = array<i32>} : memref<8224xi32, #tpu.memory_space<vmem>>, vector<16xi32>,
          %select_n3A_1660 = arith.select %lt3A_1657, %get3A_1659, %broadcast_in_dim3A_0 : vector<16xi1>, vector<16xi32>
          %gather3A_1661 = tpu.vector_load_idx %arg22[%select_n3A_1660] : memref<8192xi32, #tpu.memory_space<vmem>>[vector<16xi32>], vector<16xi32>,
          %shift_right_logical3A_1662 = arith.constant 8 : i32
          %shift_right_logical3A_1663 = vector.broadcast %shift_right_logical3A_1662 : i32 to vector<16xi32>
          %shift_right_logical3A_1664 = arith.shrui %gather3A_1661, %shift_right_logical3A_1663 : vector<16xi32>
          %and3A_1665 = arith.constant 15 : i32
          %and3A_1666 = vector.broadcast %and3A_1665 : i32 to vector<16xi32>
          %and3A_1667 = arith.andi %shift_right_logical3A_1664, %and3A_1666 : vector<16xi32>
          %lt3A_1668 = vector.broadcast %reduce_sum3A_1036 : i32 to vector<16xi32>
          %lt3A_1669 = arith.cmpi slt, %and3A_1667, %lt3A_1668 : vector<16xi32>
          %and3A_1670 = arith.andi %lt3A_1669, %lt3A_1657 : vector<16xi1>
          %eq3A = vector.broadcast %reduce_sum3A_1036 : i32 to vector<16xi32>
          %eq3A_1671 = arith.cmpi eq, %and3A_1667, %eq3A : vector<16xi32>
          %and3A_1672 = arith.andi %eq3A_1671, %lt3A_1657 : vector<16xi1>
          %jit3A_1673 = arith.constant 1 : i32
          %jit3A_1674 = arith.constant 0 : i32
          %broadcast_in_dim3A_1675 = vector.broadcast %jit3A_1673 : i32 to vector<16xi32>
          %broadcast_in_dim3A_1676 = vector.broadcast %jit3A_1674 : i32 to vector<16xi32>
          %select_n3A_1677 = arith.select %and3A_1670, %broadcast_in_dim3A_1675, %broadcast_in_dim3A_1676 : vector<16xi1>, vector<16xi32>
          %broadcast_in_dim3A_1678 = arith.constant true
          %broadcast_in_dim3A_1679 = vector.broadcast %broadcast_in_dim3A_1678 : i1 to vector<16xi1>
          %masked_cumsum3A_1680 = tpu.scan <sum>, %select_n3A_1677 masked %broadcast_in_dim3A_1679 : vector<16xi32>, vector<16xi1> -> vector<16xi32>
          %add3A_1681 = vector.broadcast %while3A_1650 : i32 to vector<16xi32>
          %add3A_1682 = arith.addi %add3A_1681, %masked_cumsum3A_1680 : vector<16xi32>
          %sub3A_1683 = arith.constant 1 : i32
          %sub3A_1684 = vector.broadcast %sub3A_1683 : i32 to vector<16xi32>
          %sub3A_1685 = arith.subi %add3A_1682, %sub3A_1684 : vector<16xi32>
          tpu.vector_store_idx %arg24[%sub3A_1685], %select_n3A_1660 masked %and3A_1670 : memref<64xi32, #tpu.memory_space<vmem>>[vector<16xi32>], vector<16xi32>, vector<16xi1>
          %all_reduce_population_count3A = tpu.all_reduce %and3A_1670 {dim = 0 : i64, kind = #tpu.reduction_kind<sum>} : vector<16xi1> -> vector<16xi32>
          %reduce_max3A_1686 = arith.constant true
          %reduce_max3A_1687 = vector.broadcast %reduce_max3A_1686 : i1 to vector<16xi1>
          %reduce_max3A_1688 = arith.constant -2147483648 : i32
          %reduce_max3A_1689 = vector.broadcast %reduce_max3A_1688 : i32 to vector<16xi32>
          %reduce_max3A_1690 = arith.xori %all_reduce_population_count3A, %reduce_max3A_1689 : vector<16xi32>
          %reduce_max3A_1691 = tpu.scan <max>, %reduce_max3A_1690 masked %reduce_max3A_1687 : vector<16xi32>, vector<16xi1> -> vector<16xi32>
          %reduce_max3A_1692 = arith.xori %reduce_max3A_1691, %reduce_max3A_1689 : vector<16xi32>
          %reduce_max3A_1693 = vector.extract %reduce_max3A_1692[15] : i32 from vector<16xi32>
          %add3A_1694 = arith.addi %while3A_1650, %reduce_max3A_1693 : i32
          %jit3A_1695 = arith.constant 1 : i32
          %jit3A_1696 = arith.constant 0 : i32
          %broadcast_in_dim3A_1697 = vector.broadcast %jit3A_1695 : i32 to vector<16xi32>
          %broadcast_in_dim3A_1698 = vector.broadcast %jit3A_1696 : i32 to vector<16xi32>
          %select_n3A_1699 = arith.select %and3A_1672, %broadcast_in_dim3A_1697, %broadcast_in_dim3A_1698 : vector<16xi1>, vector<16xi32>
          %broadcast_in_dim3A_1700 = arith.constant true
          %broadcast_in_dim3A_1701 = vector.broadcast %broadcast_in_dim3A_1700 : i1 to vector<16xi1>
          %masked_cumsum3A_1702 = tpu.scan <sum>, %select_n3A_1699 masked %broadcast_in_dim3A_1701 : vector<16xi32>, vector<16xi1> -> vector<16xi32>
          %add3A_1703 = vector.broadcast %while3A_1651 : i32 to vector<16xi32>
          %add3A_1704 = arith.addi %add3A_1703, %masked_cumsum3A_1702 : vector<16xi32>
          %sub3A_1705 = arith.constant 1 : i32
          %sub3A_1706 = vector.broadcast %sub3A_1705 : i32 to vector<16xi32>
          %sub3A_1707 = arith.subi %add3A_1704, %sub3A_1706 : vector<16xi32>
          tpu.vector_store_idx %arg26[%sub3A_1707], %select_n3A_1660 masked %and3A_1672 : memref<8224xi32, #tpu.memory_space<vmem>>[vector<16xi32>], vector<16xi32>, vector<16xi1>
          %all_reduce_population_count3A_1708 = tpu.all_reduce %and3A_1672 {dim = 0 : i64, kind = #tpu.reduction_kind<sum>} : vector<16xi1> -> vector<16xi32>
          %reduce_max3A_1709 = arith.constant true
          %reduce_max3A_1710 = vector.broadcast %reduce_max3A_1709 : i1 to vector<16xi1>
          %reduce_max3A_1711 = arith.constant -2147483648 : i32
          %reduce_max3A_1712 = vector.broadcast %reduce_max3A_1711 : i32 to vector<16xi32>
          %reduce_max3A_1713 = arith.xori %all_reduce_population_count3A_1708, %reduce_max3A_1712 : vector<16xi32>
          %reduce_max3A_1714 = tpu.scan <max>, %reduce_max3A_1713 masked %reduce_max3A_1710 : vector<16xi32>, vector<16xi1> -> vector<16xi32>
          %reduce_max3A_1715 = arith.xori %reduce_max3A_1714, %reduce_max3A_1712 : vector<16xi32>
          %reduce_max3A_1716 = vector.extract %reduce_max3A_1715[15] : i32 from vector<16xi32>
          %add3A_1717 = arith.addi %while3A_1651, %reduce_max3A_1716 : i32
          scf.yield %add3A_1694, %add3A_1717 : i32, i32
        }
        %while3A_1058 = arith.constant 1 : i32
        %while3A_1059:2 = scf.for %while3A_1649 = %while3A_1055 to %while3A_1051 step %while3A_1058 iter_args(%while3A_1650 = %while3A_1057#0, %while3A_1651 = %while3A_1057#1) -> (i32, i32)  : i32 {
          %mul3A_1652 = arith.constant 16 : i32
          %mul3A_1653 = arith.muli %while3A_1649, %mul3A_1652 : i32
          %broadcast_in_dim3A_1654 = vector.broadcast %mul3A_1653 : i32 to vector<16xi32>
          %add3A_1655 = arith.addi %broadcast_in_dim3A_1654, %iota3A : vector<16xi32>
          %lt3A_1656 = vector.broadcast %while3A_823#1 : i32 to vector<16xi32>
          %lt3A_1657 = arith.cmpi slt, %add3A_1655, %lt3A_1656 : vector<16xi32>
          %get3A_1658 = arith.index_cast %mul3A_1653 : i32 to index
          %get3A_1659 = tpu.vector_load %arg27[%get3A_1658] {strides = array<i32>} : memref<8224xi32, #tpu.memory_space<vmem>>, vector<16xi32>,
          %select_n3A_1660 = arith.select %lt3A_1657, %get3A_1659, %broadcast_in_dim3A_0 : vector<16xi1>, vector<16xi32>
          %gather3A_1661 = tpu.vector_load_idx %arg22[%select_n3A_1660] : memref<8192xi32, #tpu.memory_space<vmem>>[vector<16xi32>], vector<16xi32>,
          %shift_right_logical3A_1662 = arith.constant 8 : i32
          %shift_right_logical3A_1663 = vector.broadcast %shift_right_logical3A_1662 : i32 to vector<16xi32>
          %shift_right_logical3A_1664 = arith.shrui %gather3A_1661, %shift_right_logical3A_1663 : vector<16xi32>
          %and3A_1665 = arith.constant 15 : i32
          %and3A_1666 = vector.broadcast %and3A_1665 : i32 to vector<16xi32>
          %and3A_1667 = arith.andi %shift_right_logical3A_1664, %and3A_1666 : vector<16xi32>
          %lt3A_1668 = vector.broadcast %reduce_sum3A_1036 : i32 to vector<16xi32>
          %lt3A_1669 = arith.cmpi slt, %and3A_1667, %lt3A_1668 : vector<16xi32>
          %and3A_1670 = arith.andi %lt3A_1669, %lt3A_1657 : vector<16xi1>
          %eq3A = vector.broadcast %reduce_sum3A_1036 : i32 to vector<16xi32>
          %eq3A_1671 = arith.cmpi eq, %and3A_1667, %eq3A : vector<16xi32>
          %and3A_1672 = arith.andi %eq3A_1671, %lt3A_1657 : vector<16xi1>
          %jit3A_1673 = arith.constant 1 : i32
          %jit3A_1674 = arith.constant 0 : i32
          %broadcast_in_dim3A_1675 = vector.broadcast %jit3A_1673 : i32 to vector<16xi32>
          %broadcast_in_dim3A_1676 = vector.broadcast %jit3A_1674 : i32 to vector<16xi32>
          %select_n3A_1677 = arith.select %and3A_1670, %broadcast_in_dim3A_1675, %broadcast_in_dim3A_1676 : vector<16xi1>, vector<16xi32>
          %broadcast_in_dim3A_1678 = arith.constant true
          %broadcast_in_dim3A_1679 = vector.broadcast %broadcast_in_dim3A_1678 : i1 to vector<16xi1>
          %masked_cumsum3A_1680 = tpu.scan <sum>, %select_n3A_1677 masked %broadcast_in_dim3A_1679 : vector<16xi32>, vector<16xi1> -> vector<16xi32>
          %add3A_1681 = vector.broadcast %while3A_1650 : i32 to vector<16xi32>
          %add3A_1682 = arith.addi %add3A_1681, %masked_cumsum3A_1680 : vector<16xi32>
          %sub3A_1683 = arith.constant 1 : i32
          %sub3A_1684 = vector.broadcast %sub3A_1683 : i32 to vector<16xi32>
          %sub3A_1685 = arith.subi %add3A_1682, %sub3A_1684 : vector<16xi32>
          tpu.vector_store_idx %arg24[%sub3A_1685], %select_n3A_1660 masked %and3A_1670 : memref<64xi32, #tpu.memory_space<vmem>>[vector<16xi32>], vector<16xi32>, vector<16xi1>
          %all_reduce_population_count3A = tpu.all_reduce %and3A_1670 {dim = 0 : i64, kind = #tpu.reduction_kind<sum>} : vector<16xi1> -> vector<16xi32>
          %reduce_max3A_1686 = arith.constant true
          %reduce_max3A_1687 = vector.broadcast %reduce_max3A_1686 : i1 to vector<16xi1>
          %reduce_max3A_1688 = arith.constant -2147483648 : i32
          %reduce_max3A_1689 = vector.broadcast %reduce_max3A_1688 : i32 to vector<16xi32>
          %reduce_max3A_1690 = arith.xori %all_reduce_population_count3A, %reduce_max3A_1689 : vector<16xi32>
          %reduce_max3A_1691 = tpu.scan <max>, %reduce_max3A_1690 masked %reduce_max3A_1687 : vector<16xi32>, vector<16xi1> -> vector<16xi32>
          %reduce_max3A_1692 = arith.xori %reduce_max3A_1691, %reduce_max3A_1689 : vector<16xi32>
          %reduce_max3A_1693 = vector.extract %reduce_max3A_1692[15] : i32 from vector<16xi32>
          %add3A_1694 = arith.addi %while3A_1650, %reduce_max3A_1693 : i32
          %jit3A_1695 = arith.constant 1 : i32
          %jit3A_1696 = arith.constant 0 : i32
          %broadcast_in_dim3A_1697 = vector.broadcast %jit3A_1695 : i32 to vector<16xi32>
          %broadcast_in_dim3A_1698 = vector.broadcast %jit3A_1696 : i32 to vector<16xi32>
          %select_n3A_1699 = arith.select %and3A_1672, %broadcast_in_dim3A_1697, %broadcast_in_dim3A_1698 : vector<16xi1>, vector<16xi32>
          %broadcast_in_dim3A_1700 = arith.constant true
          %broadcast_in_dim3A_1701 = vector.broadcast %broadcast_in_dim3A_1700 : i1 to vector<16xi1>
          %masked_cumsum3A_1702 = tpu.scan <sum>, %select_n3A_1699 masked %broadcast_in_dim3A_1701 : vector<16xi32>, vector<16xi1> -> vector<16xi32>
          %add3A_1703 = vector.broadcast %while3A_1651 : i32 to vector<16xi32>
          %add3A_1704 = arith.addi %add3A_1703, %masked_cumsum3A_1702 : vector<16xi32>
          %sub3A_1705 = arith.constant 1 : i32
          %sub3A_1706 = vector.broadcast %sub3A_1705 : i32 to vector<16xi32>
          %sub3A_1707 = arith.subi %add3A_1704, %sub3A_1706 : vector<16xi32>
          tpu.vector_store_idx %arg26[%sub3A_1707], %select_n3A_1660 masked %and3A_1672 : memref<8224xi32, #tpu.memory_space<vmem>>[vector<16xi32>], vector<16xi32>, vector<16xi1>
          %all_reduce_population_count3A_1708 = tpu.all_reduce %and3A_1672 {dim = 0 : i64, kind = #tpu.reduction_kind<sum>} : vector<16xi1> -> vector<16xi32>
          %reduce_max3A_1709 = arith.constant true
          %reduce_max3A_1710 = vector.broadcast %reduce_max3A_1709 : i1 to vector<16xi1>
          %reduce_max3A_1711 = arith.constant -2147483648 : i32
          %reduce_max3A_1712 = vector.broadcast %reduce_max3A_1711 : i32 to vector<16xi32>
          %reduce_max3A_1713 = arith.xori %all_reduce_population_count3A_1708, %reduce_max3A_1712 : vector<16xi32>
          %reduce_max3A_1714 = tpu.scan <max>, %reduce_max3A_1713 masked %reduce_max3A_1710 : vector<16xi32>, vector<16xi1> -> vector<16xi32>
          %reduce_max3A_1715 = arith.xori %reduce_max3A_1714, %reduce_max3A_1712 : vector<16xi32>
          %reduce_max3A_1716 = vector.extract %reduce_max3A_1715[15] : i32 from vector<16xi32>
          %add3A_1717 = arith.addi %while3A_1651, %reduce_max3A_1716 : i32
          scf.yield %add3A_1694, %add3A_1717 : i32, i32
        }
        %sub3A_1060 = arith.subi %sub3A_824, %reduce_max3A_1047 : i32
        %swap3A_1061 = arith.constant 0 : index
        %swap3A_1062 = tpu.vector_load %arg23[%swap3A_1061] {strides = array<i32>} : memref<4096xi32, #tpu.memory_space<vmem>>, vector<16xi32>,
        tpu.vector_store %arg23[%swap3A_1061], %broadcast_in_dim3A_0 {strides = array<i32>} : memref<4096xi32, #tpu.memory_space<vmem>>, vector<16xi32>,
        %swap3A_1063 = arith.constant 16 : index
        %swap3A_1064 = tpu.vector_load %arg23[%swap3A_1063] {strides = array<i32>} : memref<4096xi32, #tpu.memory_space<vmem>>, vector<16xi32>,
        tpu.vector_store %arg23[%swap3A_1063], %broadcast_in_dim3A_0 {strides = array<i32>} : memref<4096xi32, #tpu.memory_space<vmem>>, vector<16xi32>,
        %swap3A_1065 = arith.constant 32 : index
        %swap3A_1066 = tpu.vector_load %arg23[%swap3A_1065] {strides = array<i32>} : memref<4096xi32, #tpu.memory_space<vmem>>, vector<16xi32>,
        tpu.vector_store %arg23[%swap3A_1065], %broadcast_in_dim3A_0 {strides = array<i32>} : memref<4096xi32, #tpu.memory_space<vmem>>, vector<16xi32>,
        %swap3A_1067 = arith.constant 48 : index
        %swap3A_1068 = tpu.vector_load %arg23[%swap3A_1067] {strides = array<i32>} : memref<4096xi32, #tpu.memory_space<vmem>>, vector<16xi32>,
        tpu.vector_store %arg23[%swap3A_1067], %broadcast_in_dim3A_0 {strides = array<i32>} : memref<4096xi32, #tpu.memory_space<vmem>>, vector<16xi32>,
        %swap3A_1069 = arith.constant 64 : index
        %swap3A_1070 = tpu.vector_load %arg23[%swap3A_1069] {strides = array<i32>} : memref<4096xi32, #tpu.memory_space<vmem>>, vector<16xi32>,
        tpu.vector_store %arg23[%swap3A_1069], %broadcast_in_dim3A_0 {strides = array<i32>} : memref<4096xi32, #tpu.memory_space<vmem>>, vector<16xi32>,
        %swap3A_1071 = arith.constant 80 : index
        %swap3A_1072 = tpu.vector_load %arg23[%swap3A_1071] {strides = array<i32>} : memref<4096xi32, #tpu.memory_space<vmem>>, vector<16xi32>,
        tpu.vector_store %arg23[%swap3A_1071], %broadcast_in_dim3A_0 {strides = array<i32>} : memref<4096xi32, #tpu.memory_space<vmem>>, vector<16xi32>,
        %swap3A_1073 = arith.constant 96 : index
        %swap3A_1074 = tpu.vector_load %arg23[%swap3A_1073] {strides = array<i32>} : memref<4096xi32, #tpu.memory_space<vmem>>, vector<16xi32>,
        tpu.vector_store %arg23[%swap3A_1073], %broadcast_in_dim3A_0 {strides = array<i32>} : memref<4096xi32, #tpu.memory_space<vmem>>, vector<16xi32>,
        %swap3A_1075 = arith.constant 112 : index
        %swap3A_1076 = tpu.vector_load %arg23[%swap3A_1075] {strides = array<i32>} : memref<4096xi32, #tpu.memory_space<vmem>>, vector<16xi32>,
        tpu.vector_store %arg23[%swap3A_1075], %broadcast_in_dim3A_0 {strides = array<i32>} : memref<4096xi32, #tpu.memory_space<vmem>>, vector<16xi32>,
        %swap3A_1077 = arith.constant 128 : index
        %swap3A_1078 = tpu.vector_load %arg23[%swap3A_1077] {strides = array<i32>} : memref<4096xi32, #tpu.memory_space<vmem>>, vector<16xi32>,
        tpu.vector_store %arg23[%swap3A_1077], %broadcast_in_dim3A_0 {strides = array<i32>} : memref<4096xi32, #tpu.memory_space<vmem>>, vector<16xi32>,
        %swap3A_1079 = arith.constant 144 : index
        %swap3A_1080 = tpu.vector_load %arg23[%swap3A_1079] {strides = array<i32>} : memref<4096xi32, #tpu.memory_space<vmem>>, vector<16xi32>,
        tpu.vector_store %arg23[%swap3A_1079], %broadcast_in_dim3A_0 {strides = array<i32>} : memref<4096xi32, #tpu.memory_space<vmem>>, vector<16xi32>,
        %swap3A_1081 = arith.constant 160 : index
        %swap3A_1082 = tpu.vector_load %arg23[%swap3A_1081] {strides = array<i32>} : memref<4096xi32, #tpu.memory_space<vmem>>, vector<16xi32>,
        tpu.vector_store %arg23[%swap3A_1081], %broadcast_in_dim3A_0 {strides = array<i32>} : memref<4096xi32, #tpu.memory_space<vmem>>, vector<16xi32>,
        %swap3A_1083 = arith.constant 176 : index
        %swap3A_1084 = tpu.vector_load %arg23[%swap3A_1083] {strides = array<i32>} : memref<4096xi32, #tpu.memory_space<vmem>>, vector<16xi32>,
        tpu.vector_store %arg23[%swap3A_1083], %broadcast_in_dim3A_0 {strides = array<i32>} : memref<4096xi32, #tpu.memory_space<vmem>>, vector<16xi32>,
        %swap3A_1085 = arith.constant 192 : index
        %swap3A_1086 = tpu.vector_load %arg23[%swap3A_1085] {strides = array<i32>} : memref<4096xi32, #tpu.memory_space<vmem>>, vector<16xi32>,
        tpu.vector_store %arg23[%swap3A_1085], %broadcast_in_dim3A_0 {strides = array<i32>} : memref<4096xi32, #tpu.memory_space<vmem>>, vector<16xi32>,
        %swap3A_1087 = arith.constant 208 : index
        %swap3A_1088 = tpu.vector_load %arg23[%swap3A_1087] {strides = array<i32>} : memref<4096xi32, #tpu.memory_space<vmem>>, vector<16xi32>,
        tpu.vector_store %arg23[%swap3A_1087], %broadcast_in_dim3A_0 {strides = array<i32>} : memref<4096xi32, #tpu.memory_space<vmem>>, vector<16xi32>,
        %swap3A_1089 = arith.constant 224 : index
        %swap3A_1090 = tpu.vector_load %arg23[%swap3A_1089] {strides = array<i32>} : memref<4096xi32, #tpu.memory_space<vmem>>, vector<16xi32>,
        tpu.vector_store %arg23[%swap3A_1089], %broadcast_in_dim3A_0 {strides = array<i32>} : memref<4096xi32, #tpu.memory_space<vmem>>, vector<16xi32>,
        %swap3A_1091 = arith.constant 240 : index
        %swap3A_1092 = tpu.vector_load %arg23[%swap3A_1091] {strides = array<i32>} : memref<4096xi32, #tpu.memory_space<vmem>>, vector<16xi32>,
        tpu.vector_store %arg23[%swap3A_1091], %broadcast_in_dim3A_0 {strides = array<i32>} : memref<4096xi32, #tpu.memory_space<vmem>>, vector<16xi32>,
        %add3A_1093 = arith.constant 15 : i32
        %add3A_1094 = arith.addi %while3A_1059#1, %add3A_1093 : i32
        %jit3A_1095 = arith.constant 16 : i32
        %div3A_1096 = arith.divsi %add3A_1094, %jit3A_1095 : i32
        %sign3A_1097 = arith.constant 0 : i32
        %sign3A_1098 = arith.cmpi sgt, %add3A_1094, %sign3A_1097 : i32
        %sign3A_1099 = arith.extui %sign3A_1098 : i1 to i32
        %sign3A_1100 = arith.constant 0 : i32
        %sign3A_1101 = arith.cmpi slt, %add3A_1094, %sign3A_1100 : i32
        %sign3A_1102 = arith.extui %sign3A_1101 : i1 to i32
        %sign3A_1103 = arith.subi %sign3A_1099, %sign3A_1102 : i32
        %sign3A_1104 = arith.constant 0 : i32
        %sign3A_1105 = arith.cmpi sgt, %jit3A_1095, %sign3A_1104 : i32
        %sign3A_1106 = arith.extui %sign3A_1105 : i1 to i32
        %sign3A_1107 = arith.constant 0 : i32
        %sign3A_1108 = arith.cmpi slt, %jit3A_1095, %sign3A_1107 : i32
        %sign3A_1109 = arith.extui %sign3A_1108 : i1 to i32
        %sign3A_1110 = arith.subi %sign3A_1106, %sign3A_1109 : i32
        %ne3A_1111 = arith.cmpi ne, %sign3A_1103, %sign3A_1110 : i32
        %rem3A_1112 = arith.remsi %add3A_1094, %jit3A_1095 : i32
        %ne3A_1113 = arith.constant 0 : i32
        %ne3A_1114 = arith.cmpi ne, %rem3A_1112, %ne3A_1113 : i32
        %and3A_1115 = arith.andi %ne3A_1111, %ne3A_1114 : i1
        %sub3A_1116 = arith.constant 1 : i32
        %sub3A_1117 = arith.subi %div3A_1096, %sub3A_1116 : i32
        %select_n3A_1118 = arith.select %and3A_1115, %sub3A_1117, %div3A_1096 : i32
        %while3A_1119 = arith.constant 0 : i32
        %while3A_1120 = arith.constant 0 : i32
        %while3A_1121 = arith.subi %select_n3A_1118, %while3A_1119 : i32
        %while3A_1122 = arith.addi %while3A_1119, %while3A_1121 : i32
        %while3A_1123 = arith.constant 1 : i32
        %while3A_1124 = arith.divsi %while3A_1121, %while3A_1123 : i32
        %while3A_1125 = arith.muli %while3A_1124, %while3A_1123 : i32
        %while3A_1126 = arith.addi %while3A_1119, %while3A_1125 : i32
        %while3A_1127 = arith.constant 1 : i32
        %while3A_1128 = scf.for %while3A_1649 = %while3A_1119 to %while3A_1126 step %while3A_1127 iter_args(%while3A_1650 = %while3A_1120) -> (i32)  : i32 {
          %mul3A_1651 = arith.constant 16 : i32
          %mul3A_1652 = arith.muli %while3A_1649, %mul3A_1651 : i32
          %broadcast_in_dim3A_1653 = vector.broadcast %mul3A_1652 : i32 to vector<16xi32>
          %add3A_1654 = arith.addi %broadcast_in_dim3A_1653, %iota3A : vector<16xi32>
          %lt3A_1655 = vector.broadcast %while3A_1059#1 : i32 to vector<16xi32>
          %lt3A_1656 = arith.cmpi slt, %add3A_1654, %lt3A_1655 : vector<16xi32>
          %get3A_1657 = arith.index_cast %mul3A_1652 : i32 to index
          %get3A_1658 = tpu.vector_load %arg26[%get3A_1657] {strides = array<i32>} : memref<8224xi32, #tpu.memory_space<vmem>>, vector<16xi32>,
          %select_n3A_1659 = arith.select %lt3A_1656, %get3A_1658, %broadcast_in_dim3A_0 : vector<16xi1>, vector<16xi32>
          %gather3A_1660 = tpu.vector_load_idx %arg22[%select_n3A_1659] : memref<8192xi32, #tpu.memory_space<vmem>>[vector<16xi32>], vector<16xi32>,
          %shift_right_logical3A_1661 = arith.constant 4 : i32
          %shift_right_logical3A_1662 = vector.broadcast %shift_right_logical3A_1661 : i32 to vector<16xi32>
          %shift_right_logical3A_1663 = arith.shrui %gather3A_1660, %shift_right_logical3A_1662 : vector<16xi32>
          %and3A_1664 = arith.constant 15 : i32
          %and3A_1665 = vector.broadcast %and3A_1664 : i32 to vector<16xi32>
          %and3A_1666 = arith.andi %shift_right_logical3A_1663, %and3A_1665 : vector<16xi32>
          %mul3A_1667 = arith.constant 16 : i32
          %mul3A_1668 = vector.broadcast %mul3A_1667 : i32 to vector<16xi32>
          %mul3A_1669 = arith.muli %and3A_1666, %mul3A_1668 : vector<16xi32>
          %add3A_1670 = arith.addi %mul3A_1669, %iota3A : vector<16xi32>
          tpu.vector_store_idx %arg23[%add3A_1670], %broadcast_in_dim3A_2 masked %lt3A_1656 {add = true} : memref<4096xi32, #tpu.memory_space<vmem>>[vector<16xi32>], vector<16xi32>, vector<16xi1>
          %while3A_1671 = arith.constant 0 : i32
          scf.yield %while3A_1671 : i32
        }
        %while3A_1129 = arith.constant 1 : i32
        %while3A_1130 = scf.for %while3A_1649 = %while3A_1126 to %while3A_1122 step %while3A_1129 iter_args(%while3A_1650 = %while3A_1128) -> (i32)  : i32 {
          %mul3A_1651 = arith.constant 16 : i32
          %mul3A_1652 = arith.muli %while3A_1649, %mul3A_1651 : i32
          %broadcast_in_dim3A_1653 = vector.broadcast %mul3A_1652 : i32 to vector<16xi32>
          %add3A_1654 = arith.addi %broadcast_in_dim3A_1653, %iota3A : vector<16xi32>
          %lt3A_1655 = vector.broadcast %while3A_1059#1 : i32 to vector<16xi32>
          %lt3A_1656 = arith.cmpi slt, %add3A_1654, %lt3A_1655 : vector<16xi32>
          %get3A_1657 = arith.index_cast %mul3A_1652 : i32 to index
          %get3A_1658 = tpu.vector_load %arg26[%get3A_1657] {strides = array<i32>} : memref<8224xi32, #tpu.memory_space<vmem>>, vector<16xi32>,
          %select_n3A_1659 = arith.select %lt3A_1656, %get3A_1658, %broadcast_in_dim3A_0 : vector<16xi1>, vector<16xi32>
          %gather3A_1660 = tpu.vector_load_idx %arg22[%select_n3A_1659] : memref<8192xi32, #tpu.memory_space<vmem>>[vector<16xi32>], vector<16xi32>,
          %shift_right_logical3A_1661 = arith.constant 4 : i32
          %shift_right_logical3A_1662 = vector.broadcast %shift_right_logical3A_1661 : i32 to vector<16xi32>
          %shift_right_logical3A_1663 = arith.shrui %gather3A_1660, %shift_right_logical3A_1662 : vector<16xi32>
          %and3A_1664 = arith.constant 15 : i32
          %and3A_1665 = vector.broadcast %and3A_1664 : i32 to vector<16xi32>
          %and3A_1666 = arith.andi %shift_right_logical3A_1663, %and3A_1665 : vector<16xi32>
          %mul3A_1667 = arith.constant 16 : i32
          %mul3A_1668 = vector.broadcast %mul3A_1667 : i32 to vector<16xi32>
          %mul3A_1669 = arith.muli %and3A_1666, %mul3A_1668 : vector<16xi32>
          %add3A_1670 = arith.addi %mul3A_1669, %iota3A : vector<16xi32>
          tpu.vector_store_idx %arg23[%add3A_1670], %broadcast_in_dim3A_2 masked %lt3A_1656 {add = true} : memref<4096xi32, #tpu.memory_space<vmem>>[vector<16xi32>], vector<16xi32>, vector<16xi1>
          %while3A_1671 = arith.constant 0 : i32
          scf.yield %while3A_1671 : i32
        }
        %mul3A_1131 = arith.constant 16 : i32
        %mul3A_1132 = vector.broadcast %mul3A_1131 : i32 to vector<16xi32>
        %mul3A_1133 = arith.muli %iota3A, %mul3A_1132 : vector<16xi32>
        %add3A_1134 = arith.constant 0 : i32
        %add3A_1135 = vector.broadcast %add3A_1134 : i32 to vector<16xi32>
        %add3A_1136 = arith.addi %mul3A_1133, %add3A_1135 : vector<16xi32>
        %gather3A_1137 = tpu.vector_load_idx %arg23[%add3A_1136] : memref<4096xi32, #tpu.memory_space<vmem>>[vector<16xi32>], vector<16xi32>,
        %add3A_1138 = arith.addi %broadcast_in_dim3A_0, %gather3A_1137 : vector<16xi32>
        %mul3A_1139 = arith.constant 16 : i32
        %mul3A_1140 = vector.broadcast %mul3A_1139 : i32 to vector<16xi32>
        %mul3A_1141 = arith.muli %iota3A, %mul3A_1140 : vector<16xi32>
        %add3A_1142 = arith.constant 1 : i32
        %add3A_1143 = vector.broadcast %add3A_1142 : i32 to vector<16xi32>
        %add3A_1144 = arith.addi %mul3A_1141, %add3A_1143 : vector<16xi32>
        %gather3A_1145 = tpu.vector_load_idx %arg23[%add3A_1144] : memref<4096xi32, #tpu.memory_space<vmem>>[vector<16xi32>], vector<16xi32>,
        %add3A_1146 = arith.addi %add3A_1138, %gather3A_1145 : vector<16xi32>
        %mul3A_1147 = arith.constant 16 : i32
        %mul3A_1148 = vector.broadcast %mul3A_1147 : i32 to vector<16xi32>
        %mul3A_1149 = arith.muli %iota3A, %mul3A_1148 : vector<16xi32>
        %add3A_1150 = arith.constant 2 : i32
        %add3A_1151 = vector.broadcast %add3A_1150 : i32 to vector<16xi32>
        %add3A_1152 = arith.addi %mul3A_1149, %add3A_1151 : vector<16xi32>
        %gather3A_1153 = tpu.vector_load_idx %arg23[%add3A_1152] : memref<4096xi32, #tpu.memory_space<vmem>>[vector<16xi32>], vector<16xi32>,
        %add3A_1154 = arith.addi %add3A_1146, %gather3A_1153 : vector<16xi32>
        %mul3A_1155 = arith.constant 16 : i32
        %mul3A_1156 = vector.broadcast %mul3A_1155 : i32 to vector<16xi32>
        %mul3A_1157 = arith.muli %iota3A, %mul3A_1156 : vector<16xi32>
        %add3A_1158 = arith.constant 3 : i32
        %add3A_1159 = vector.broadcast %add3A_1158 : i32 to vector<16xi32>
        %add3A_1160 = arith.addi %mul3A_1157, %add3A_1159 : vector<16xi32>
        %gather3A_1161 = tpu.vector_load_idx %arg23[%add3A_1160] : memref<4096xi32, #tpu.memory_space<vmem>>[vector<16xi32>], vector<16xi32>,
        %add3A_1162 = arith.addi %add3A_1154, %gather3A_1161 : vector<16xi32>
        %mul3A_1163 = arith.constant 16 : i32
        %mul3A_1164 = vector.broadcast %mul3A_1163 : i32 to vector<16xi32>
        %mul3A_1165 = arith.muli %iota3A, %mul3A_1164 : vector<16xi32>
        %add3A_1166 = arith.constant 4 : i32
        %add3A_1167 = vector.broadcast %add3A_1166 : i32 to vector<16xi32>
        %add3A_1168 = arith.addi %mul3A_1165, %add3A_1167 : vector<16xi32>
        %gather3A_1169 = tpu.vector_load_idx %arg23[%add3A_1168] : memref<4096xi32, #tpu.memory_space<vmem>>[vector<16xi32>], vector<16xi32>,
        %add3A_1170 = arith.addi %add3A_1162, %gather3A_1169 : vector<16xi32>
        %mul3A_1171 = arith.constant 16 : i32
        %mul3A_1172 = vector.broadcast %mul3A_1171 : i32 to vector<16xi32>
        %mul3A_1173 = arith.muli %iota3A, %mul3A_1172 : vector<16xi32>
        %add3A_1174 = arith.constant 5 : i32
        %add3A_1175 = vector.broadcast %add3A_1174 : i32 to vector<16xi32>
        %add3A_1176 = arith.addi %mul3A_1173, %add3A_1175 : vector<16xi32>
        %gather3A_1177 = tpu.vector_load_idx %arg23[%add3A_1176] : memref<4096xi32, #tpu.memory_space<vmem>>[vector<16xi32>], vector<16xi32>,
        %add3A_1178 = arith.addi %add3A_1170, %gather3A_1177 : vector<16xi32>
        %mul3A_1179 = arith.constant 16 : i32
        %mul3A_1180 = vector.broadcast %mul3A_1179 : i32 to vector<16xi32>
        %mul3A_1181 = arith.muli %iota3A, %mul3A_1180 : vector<16xi32>
        %add3A_1182 = arith.constant 6 : i32
        %add3A_1183 = vector.broadcast %add3A_1182 : i32 to vector<16xi32>
        %add3A_1184 = arith.addi %mul3A_1181, %add3A_1183 : vector<16xi32>
        %gather3A_1185 = tpu.vector_load_idx %arg23[%add3A_1184] : memref<4096xi32, #tpu.memory_space<vmem>>[vector<16xi32>], vector<16xi32>,
        %add3A_1186 = arith.addi %add3A_1178, %gather3A_1185 : vector<16xi32>
        %mul3A_1187 = arith.constant 16 : i32
        %mul3A_1188 = vector.broadcast %mul3A_1187 : i32 to vector<16xi32>
        %mul3A_1189 = arith.muli %iota3A, %mul3A_1188 : vector<16xi32>
        %add3A_1190 = arith.constant 7 : i32
        %add3A_1191 = vector.broadcast %add3A_1190 : i32 to vector<16xi32>
        %add3A_1192 = arith.addi %mul3A_1189, %add3A_1191 : vector<16xi32>
        %gather3A_1193 = tpu.vector_load_idx %arg23[%add3A_1192] : memref<4096xi32, #tpu.memory_space<vmem>>[vector<16xi32>], vector<16xi32>,
        %add3A_1194 = arith.addi %add3A_1186, %gather3A_1193 : vector<16xi32>
        %mul3A_1195 = arith.constant 16 : i32
        %mul3A_1196 = vector.broadcast %mul3A_1195 : i32 to vector<16xi32>
        %mul3A_1197 = arith.muli %iota3A, %mul3A_1196 : vector<16xi32>
        %add3A_1198 = arith.constant 8 : i32
        %add3A_1199 = vector.broadcast %add3A_1198 : i32 to vector<16xi32>
        %add3A_1200 = arith.addi %mul3A_1197, %add3A_1199 : vector<16xi32>
        %gather3A_1201 = tpu.vector_load_idx %arg23[%add3A_1200] : memref<4096xi32, #tpu.memory_space<vmem>>[vector<16xi32>], vector<16xi32>,
        %add3A_1202 = arith.addi %add3A_1194, %gather3A_1201 : vector<16xi32>
        %mul3A_1203 = arith.constant 16 : i32
        %mul3A_1204 = vector.broadcast %mul3A_1203 : i32 to vector<16xi32>
        %mul3A_1205 = arith.muli %iota3A, %mul3A_1204 : vector<16xi32>
        %add3A_1206 = arith.constant 9 : i32
        %add3A_1207 = vector.broadcast %add3A_1206 : i32 to vector<16xi32>
        %add3A_1208 = arith.addi %mul3A_1205, %add3A_1207 : vector<16xi32>
        %gather3A_1209 = tpu.vector_load_idx %arg23[%add3A_1208] : memref<4096xi32, #tpu.memory_space<vmem>>[vector<16xi32>], vector<16xi32>,
        %add3A_1210 = arith.addi %add3A_1202, %gather3A_1209 : vector<16xi32>
        %mul3A_1211 = arith.constant 16 : i32
        %mul3A_1212 = vector.broadcast %mul3A_1211 : i32 to vector<16xi32>
        %mul3A_1213 = arith.muli %iota3A, %mul3A_1212 : vector<16xi32>
        %add3A_1214 = arith.constant 10 : i32
        %add3A_1215 = vector.broadcast %add3A_1214 : i32 to vector<16xi32>
        %add3A_1216 = arith.addi %mul3A_1213, %add3A_1215 : vector<16xi32>
        %gather3A_1217 = tpu.vector_load_idx %arg23[%add3A_1216] : memref<4096xi32, #tpu.memory_space<vmem>>[vector<16xi32>], vector<16xi32>,
        %add3A_1218 = arith.addi %add3A_1210, %gather3A_1217 : vector<16xi32>
        %mul3A_1219 = arith.constant 16 : i32
        %mul3A_1220 = vector.broadcast %mul3A_1219 : i32 to vector<16xi32>
        %mul3A_1221 = arith.muli %iota3A, %mul3A_1220 : vector<16xi32>
        %add3A_1222 = arith.constant 11 : i32
        %add3A_1223 = vector.broadcast %add3A_1222 : i32 to vector<16xi32>
        %add3A_1224 = arith.addi %mul3A_1221, %add3A_1223 : vector<16xi32>
        %gather3A_1225 = tpu.vector_load_idx %arg23[%add3A_1224] : memref<4096xi32, #tpu.memory_space<vmem>>[vector<16xi32>], vector<16xi32>,
        %add3A_1226 = arith.addi %add3A_1218, %gather3A_1225 : vector<16xi32>
        %mul3A_1227 = arith.constant 16 : i32
        %mul3A_1228 = vector.broadcast %mul3A_1227 : i32 to vector<16xi32>
        %mul3A_1229 = arith.muli %iota3A, %mul3A_1228 : vector<16xi32>
        %add3A_1230 = arith.constant 12 : i32
        %add3A_1231 = vector.broadcast %add3A_1230 : i32 to vector<16xi32>
        %add3A_1232 = arith.addi %mul3A_1229, %add3A_1231 : vector<16xi32>
        %gather3A_1233 = tpu.vector_load_idx %arg23[%add3A_1232] : memref<4096xi32, #tpu.memory_space<vmem>>[vector<16xi32>], vector<16xi32>,
        %add3A_1234 = arith.addi %add3A_1226, %gather3A_1233 : vector<16xi32>
        %mul3A_1235 = arith.constant 16 : i32
        %mul3A_1236 = vector.broadcast %mul3A_1235 : i32 to vector<16xi32>
        %mul3A_1237 = arith.muli %iota3A, %mul3A_1236 : vector<16xi32>
        %add3A_1238 = arith.constant 13 : i32
        %add3A_1239 = vector.broadcast %add3A_1238 : i32 to vector<16xi32>
        %add3A_1240 = arith.addi %mul3A_1237, %add3A_1239 : vector<16xi32>
        %gather3A_1241 = tpu.vector_load_idx %arg23[%add3A_1240] : memref<4096xi32, #tpu.memory_space<vmem>>[vector<16xi32>], vector<16xi32>,
        %add3A_1242 = arith.addi %add3A_1234, %gather3A_1241 : vector<16xi32>
        %mul3A_1243 = arith.constant 16 : i32
        %mul3A_1244 = vector.broadcast %mul3A_1243 : i32 to vector<16xi32>
        %mul3A_1245 = arith.muli %iota3A, %mul3A_1244 : vector<16xi32>
        %add3A_1246 = arith.constant 14 : i32
        %add3A_1247 = vector.broadcast %add3A_1246 : i32 to vector<16xi32>
        %add3A_1248 = arith.addi %mul3A_1245, %add3A_1247 : vector<16xi32>
        %gather3A_1249 = tpu.vector_load_idx %arg23[%add3A_1248] : memref<4096xi32, #tpu.memory_space<vmem>>[vector<16xi32>], vector<16xi32>,
        %add3A_1250 = arith.addi %add3A_1242, %gather3A_1249 : vector<16xi32>
        %mul3A_1251 = arith.constant 16 : i32
        %mul3A_1252 = vector.broadcast %mul3A_1251 : i32 to vector<16xi32>
        %mul3A_1253 = arith.muli %iota3A, %mul3A_1252 : vector<16xi32>
        %add3A_1254 = arith.constant 15 : i32
        %add3A_1255 = vector.broadcast %add3A_1254 : i32 to vector<16xi32>
        %add3A_1256 = arith.addi %mul3A_1253, %add3A_1255 : vector<16xi32>
        %gather3A_1257 = tpu.vector_load_idx %arg23[%add3A_1256] : memref<4096xi32, #tpu.memory_space<vmem>>[vector<16xi32>], vector<16xi32>,
        %add3A_1258 = arith.addi %add3A_1250, %gather3A_1257 : vector<16xi32>
        %broadcast_in_dim3A_1259 = arith.constant true
        %broadcast_in_dim3A_1260 = vector.broadcast %broadcast_in_dim3A_1259 : i1 to vector<16xi1>
        %masked_cumsum3A_1261 = tpu.scan <sum>, %add3A_1258 masked %broadcast_in_dim3A_1260 : vector<16xi32>, vector<16xi1> -> vector<16xi32>
        %lt3A_1262 = vector.broadcast %sub3A_1060 : i32 to vector<16xi32>
        %lt3A_1263 = arith.cmpi slt, %masked_cumsum3A_1261, %lt3A_1262 : vector<16xi32>
        %jit3A_1264 = arith.constant 1 : i32
        %jit3A_1265 = arith.constant 0 : i32
        %broadcast_in_dim3A_1266 = vector.broadcast %jit3A_1264 : i32 to vector<16xi32>
        %broadcast_in_dim3A_1267 = vector.broadcast %jit3A_1265 : i32 to vector<16xi32>
        %select_n3A_1268 = arith.select %lt3A_1263, %broadcast_in_dim3A_1266, %broadcast_in_dim3A_1267 : vector<16xi1>, vector<16xi32>
        %reduce_sum3A_1269 = arith.constant true
        %reduce_sum3A_1270 = vector.broadcast %reduce_sum3A_1269 : i1 to vector<16xi1>
        %reduce_sum3A_1271 = tpu.scan <sum>, %select_n3A_1268 masked %reduce_sum3A_1270 : vector<16xi32>, vector<16xi1> -> vector<16xi32>
        %reduce_sum3A_1272 = vector.extract %reduce_sum3A_1271[15] : i32 from vector<16xi32>
        %jit3A_1273 = arith.constant 0 : i32
        %broadcast_in_dim3A_1274 = vector.broadcast %jit3A_1273 : i32 to vector<16xi32>
        %select_n3A_1275 = arith.select %lt3A_1263, %masked_cumsum3A_1261, %broadcast_in_dim3A_1274 : vector<16xi1>, vector<16xi32>
        %reduce_max3A_1276 = arith.constant true
        %reduce_max3A_1277 = vector.broadcast %reduce_max3A_1276 : i1 to vector<16xi1>
        %reduce_max3A_1278 = arith.constant -2147483648 : i32
        %reduce_max3A_1279 = vector.broadcast %reduce_max3A_1278 : i32 to vector<16xi32>
        %reduce_max3A_1280 = arith.xori %select_n3A_1275, %reduce_max3A_1279 : vector<16xi32>
        %reduce_max3A_1281 = tpu.scan <max>, %reduce_max3A_1280 masked %reduce_max3A_1277 : vector<16xi32>, vector<16xi1> -> vector<16xi32>
        %reduce_max3A_1282 = arith.xori %reduce_max3A_1281, %reduce_max3A_1279 : vector<16xi32>
        %reduce_max3A_1283 = vector.extract %reduce_max3A_1282[15] : i32 from vector<16xi32>
        %while3A_1284 = arith.constant 0 : i32
        %while3A_1285 = arith.constant 0 : i32
        %while3A_1286 = arith.subi %select_n3A_1118, %while3A_1284 : i32
        %while3A_1287 = arith.addi %while3A_1284, %while3A_1286 : i32
        %while3A_1288 = arith.constant 1 : i32
        %while3A_1289 = arith.divsi %while3A_1286, %while3A_1288 : i32
        %while3A_1290 = arith.muli %while3A_1289, %while3A_1288 : i32
        %while3A_1291 = arith.addi %while3A_1284, %while3A_1290 : i32
        %while3A_1292 = arith.constant 1 : i32
        %while3A_1293:2 = scf.for %while3A_1649 = %while3A_1284 to %while3A_1291 step %while3A_1292 iter_args(%while3A_1650 = %while3A_1059#0, %while3A_1651 = %while3A_1285) -> (i32, i32)  : i32 {
          %mul3A_1652 = arith.constant 16 : i32
          %mul3A_1653 = arith.muli %while3A_1649, %mul3A_1652 : i32
          %broadcast_in_dim3A_1654 = vector.broadcast %mul3A_1653 : i32 to vector<16xi32>
          %add3A_1655 = arith.addi %broadcast_in_dim3A_1654, %iota3A : vector<16xi32>
          %lt3A_1656 = vector.broadcast %while3A_1059#1 : i32 to vector<16xi32>
          %lt3A_1657 = arith.cmpi slt, %add3A_1655, %lt3A_1656 : vector<16xi32>
          %get3A_1658 = arith.index_cast %mul3A_1653 : i32 to index
          %get3A_1659 = tpu.vector_load %arg26[%get3A_1658] {strides = array<i32>} : memref<8224xi32, #tpu.memory_space<vmem>>, vector<16xi32>,
          %select_n3A_1660 = arith.select %lt3A_1657, %get3A_1659, %broadcast_in_dim3A_0 : vector<16xi1>, vector<16xi32>
          %gather3A_1661 = tpu.vector_load_idx %arg22[%select_n3A_1660] : memref<8192xi32, #tpu.memory_space<vmem>>[vector<16xi32>], vector<16xi32>,
          %shift_right_logical3A_1662 = arith.constant 4 : i32
          %shift_right_logical3A_1663 = vector.broadcast %shift_right_logical3A_1662 : i32 to vector<16xi32>
          %shift_right_logical3A_1664 = arith.shrui %gather3A_1661, %shift_right_logical3A_1663 : vector<16xi32>
          %and3A_1665 = arith.constant 15 : i32
          %and3A_1666 = vector.broadcast %and3A_1665 : i32 to vector<16xi32>
          %and3A_1667 = arith.andi %shift_right_logical3A_1664, %and3A_1666 : vector<16xi32>
          %lt3A_1668 = vector.broadcast %reduce_sum3A_1272 : i32 to vector<16xi32>
          %lt3A_1669 = arith.cmpi slt, %and3A_1667, %lt3A_1668 : vector<16xi32>
          %and3A_1670 = arith.andi %lt3A_1669, %lt3A_1657 : vector<16xi1>
          %eq3A = vector.broadcast %reduce_sum3A_1272 : i32 to vector<16xi32>
          %eq3A_1671 = arith.cmpi eq, %and3A_1667, %eq3A : vector<16xi32>
          %and3A_1672 = arith.andi %eq3A_1671, %lt3A_1657 : vector<16xi1>
          %jit3A_1673 = arith.constant 1 : i32
          %jit3A_1674 = arith.constant 0 : i32
          %broadcast_in_dim3A_1675 = vector.broadcast %jit3A_1673 : i32 to vector<16xi32>
          %broadcast_in_dim3A_1676 = vector.broadcast %jit3A_1674 : i32 to vector<16xi32>
          %select_n3A_1677 = arith.select %and3A_1670, %broadcast_in_dim3A_1675, %broadcast_in_dim3A_1676 : vector<16xi1>, vector<16xi32>
          %broadcast_in_dim3A_1678 = arith.constant true
          %broadcast_in_dim3A_1679 = vector.broadcast %broadcast_in_dim3A_1678 : i1 to vector<16xi1>
          %masked_cumsum3A_1680 = tpu.scan <sum>, %select_n3A_1677 masked %broadcast_in_dim3A_1679 : vector<16xi32>, vector<16xi1> -> vector<16xi32>
          %add3A_1681 = vector.broadcast %while3A_1650 : i32 to vector<16xi32>
          %add3A_1682 = arith.addi %add3A_1681, %masked_cumsum3A_1680 : vector<16xi32>
          %sub3A_1683 = arith.constant 1 : i32
          %sub3A_1684 = vector.broadcast %sub3A_1683 : i32 to vector<16xi32>
          %sub3A_1685 = arith.subi %add3A_1682, %sub3A_1684 : vector<16xi32>
          tpu.vector_store_idx %arg24[%sub3A_1685], %select_n3A_1660 masked %and3A_1670 : memref<64xi32, #tpu.memory_space<vmem>>[vector<16xi32>], vector<16xi32>, vector<16xi1>
          %all_reduce_population_count3A = tpu.all_reduce %and3A_1670 {dim = 0 : i64, kind = #tpu.reduction_kind<sum>} : vector<16xi1> -> vector<16xi32>
          %reduce_max3A_1686 = arith.constant true
          %reduce_max3A_1687 = vector.broadcast %reduce_max3A_1686 : i1 to vector<16xi1>
          %reduce_max3A_1688 = arith.constant -2147483648 : i32
          %reduce_max3A_1689 = vector.broadcast %reduce_max3A_1688 : i32 to vector<16xi32>
          %reduce_max3A_1690 = arith.xori %all_reduce_population_count3A, %reduce_max3A_1689 : vector<16xi32>
          %reduce_max3A_1691 = tpu.scan <max>, %reduce_max3A_1690 masked %reduce_max3A_1687 : vector<16xi32>, vector<16xi1> -> vector<16xi32>
          %reduce_max3A_1692 = arith.xori %reduce_max3A_1691, %reduce_max3A_1689 : vector<16xi32>
          %reduce_max3A_1693 = vector.extract %reduce_max3A_1692[15] : i32 from vector<16xi32>
          %add3A_1694 = arith.addi %while3A_1650, %reduce_max3A_1693 : i32
          %jit3A_1695 = arith.constant 1 : i32
          %jit3A_1696 = arith.constant 0 : i32
          %broadcast_in_dim3A_1697 = vector.broadcast %jit3A_1695 : i32 to vector<16xi32>
          %broadcast_in_dim3A_1698 = vector.broadcast %jit3A_1696 : i32 to vector<16xi32>
          %select_n3A_1699 = arith.select %and3A_1672, %broadcast_in_dim3A_1697, %broadcast_in_dim3A_1698 : vector<16xi1>, vector<16xi32>
          %broadcast_in_dim3A_1700 = arith.constant true
          %broadcast_in_dim3A_1701 = vector.broadcast %broadcast_in_dim3A_1700 : i1 to vector<16xi1>
          %masked_cumsum3A_1702 = tpu.scan <sum>, %select_n3A_1699 masked %broadcast_in_dim3A_1701 : vector<16xi32>, vector<16xi1> -> vector<16xi32>
          %add3A_1703 = vector.broadcast %while3A_1651 : i32 to vector<16xi32>
          %add3A_1704 = arith.addi %add3A_1703, %masked_cumsum3A_1702 : vector<16xi32>
          %sub3A_1705 = arith.constant 1 : i32
          %sub3A_1706 = vector.broadcast %sub3A_1705 : i32 to vector<16xi32>
          %sub3A_1707 = arith.subi %add3A_1704, %sub3A_1706 : vector<16xi32>
          tpu.vector_store_idx %arg27[%sub3A_1707], %select_n3A_1660 masked %and3A_1672 : memref<8224xi32, #tpu.memory_space<vmem>>[vector<16xi32>], vector<16xi32>, vector<16xi1>
          %all_reduce_population_count3A_1708 = tpu.all_reduce %and3A_1672 {dim = 0 : i64, kind = #tpu.reduction_kind<sum>} : vector<16xi1> -> vector<16xi32>
          %reduce_max3A_1709 = arith.constant true
          %reduce_max3A_1710 = vector.broadcast %reduce_max3A_1709 : i1 to vector<16xi1>
          %reduce_max3A_1711 = arith.constant -2147483648 : i32
          %reduce_max3A_1712 = vector.broadcast %reduce_max3A_1711 : i32 to vector<16xi32>
          %reduce_max3A_1713 = arith.xori %all_reduce_population_count3A_1708, %reduce_max3A_1712 : vector<16xi32>
          %reduce_max3A_1714 = tpu.scan <max>, %reduce_max3A_1713 masked %reduce_max3A_1710 : vector<16xi32>, vector<16xi1> -> vector<16xi32>
          %reduce_max3A_1715 = arith.xori %reduce_max3A_1714, %reduce_max3A_1712 : vector<16xi32>
          %reduce_max3A_1716 = vector.extract %reduce_max3A_1715[15] : i32 from vector<16xi32>
          %add3A_1717 = arith.addi %while3A_1651, %reduce_max3A_1716 : i32
          scf.yield %add3A_1694, %add3A_1717 : i32, i32
        }
        %while3A_1294 = arith.constant 1 : i32
        %while3A_1295:2 = scf.for %while3A_1649 = %while3A_1291 to %while3A_1287 step %while3A_1294 iter_args(%while3A_1650 = %while3A_1293#0, %while3A_1651 = %while3A_1293#1) -> (i32, i32)  : i32 {
          %mul3A_1652 = arith.constant 16 : i32
          %mul3A_1653 = arith.muli %while3A_1649, %mul3A_1652 : i32
          %broadcast_in_dim3A_1654 = vector.broadcast %mul3A_1653 : i32 to vector<16xi32>
          %add3A_1655 = arith.addi %broadcast_in_dim3A_1654, %iota3A : vector<16xi32>
          %lt3A_1656 = vector.broadcast %while3A_1059#1 : i32 to vector<16xi32>
          %lt3A_1657 = arith.cmpi slt, %add3A_1655, %lt3A_1656 : vector<16xi32>
          %get3A_1658 = arith.index_cast %mul3A_1653 : i32 to index
          %get3A_1659 = tpu.vector_load %arg26[%get3A_1658] {strides = array<i32>} : memref<8224xi32, #tpu.memory_space<vmem>>, vector<16xi32>,
          %select_n3A_1660 = arith.select %lt3A_1657, %get3A_1659, %broadcast_in_dim3A_0 : vector<16xi1>, vector<16xi32>
          %gather3A_1661 = tpu.vector_load_idx %arg22[%select_n3A_1660] : memref<8192xi32, #tpu.memory_space<vmem>>[vector<16xi32>], vector<16xi32>,
          %shift_right_logical3A_1662 = arith.constant 4 : i32
          %shift_right_logical3A_1663 = vector.broadcast %shift_right_logical3A_1662 : i32 to vector<16xi32>
          %shift_right_logical3A_1664 = arith.shrui %gather3A_1661, %shift_right_logical3A_1663 : vector<16xi32>
          %and3A_1665 = arith.constant 15 : i32
          %and3A_1666 = vector.broadcast %and3A_1665 : i32 to vector<16xi32>
          %and3A_1667 = arith.andi %shift_right_logical3A_1664, %and3A_1666 : vector<16xi32>
          %lt3A_1668 = vector.broadcast %reduce_sum3A_1272 : i32 to vector<16xi32>
          %lt3A_1669 = arith.cmpi slt, %and3A_1667, %lt3A_1668 : vector<16xi32>
          %and3A_1670 = arith.andi %lt3A_1669, %lt3A_1657 : vector<16xi1>
          %eq3A = vector.broadcast %reduce_sum3A_1272 : i32 to vector<16xi32>
          %eq3A_1671 = arith.cmpi eq, %and3A_1667, %eq3A : vector<16xi32>
          %and3A_1672 = arith.andi %eq3A_1671, %lt3A_1657 : vector<16xi1>
          %jit3A_1673 = arith.constant 1 : i32
          %jit3A_1674 = arith.constant 0 : i32
          %broadcast_in_dim3A_1675 = vector.broadcast %jit3A_1673 : i32 to vector<16xi32>
          %broadcast_in_dim3A_1676 = vector.broadcast %jit3A_1674 : i32 to vector<16xi32>
          %select_n3A_1677 = arith.select %and3A_1670, %broadcast_in_dim3A_1675, %broadcast_in_dim3A_1676 : vector<16xi1>, vector<16xi32>
          %broadcast_in_dim3A_1678 = arith.constant true
          %broadcast_in_dim3A_1679 = vector.broadcast %broadcast_in_dim3A_1678 : i1 to vector<16xi1>
          %masked_cumsum3A_1680 = tpu.scan <sum>, %select_n3A_1677 masked %broadcast_in_dim3A_1679 : vector<16xi32>, vector<16xi1> -> vector<16xi32>
          %add3A_1681 = vector.broadcast %while3A_1650 : i32 to vector<16xi32>
          %add3A_1682 = arith.addi %add3A_1681, %masked_cumsum3A_1680 : vector<16xi32>
          %sub3A_1683 = arith.constant 1 : i32
          %sub3A_1684 = vector.broadcast %sub3A_1683 : i32 to vector<16xi32>
          %sub3A_1685 = arith.subi %add3A_1682, %sub3A_1684 : vector<16xi32>
          tpu.vector_store_idx %arg24[%sub3A_1685], %select_n3A_1660 masked %and3A_1670 : memref<64xi32, #tpu.memory_space<vmem>>[vector<16xi32>], vector<16xi32>, vector<16xi1>
          %all_reduce_population_count3A = tpu.all_reduce %and3A_1670 {dim = 0 : i64, kind = #tpu.reduction_kind<sum>} : vector<16xi1> -> vector<16xi32>
          %reduce_max3A_1686 = arith.constant true
          %reduce_max3A_1687 = vector.broadcast %reduce_max3A_1686 : i1 to vector<16xi1>
          %reduce_max3A_1688 = arith.constant -2147483648 : i32
          %reduce_max3A_1689 = vector.broadcast %reduce_max3A_1688 : i32 to vector<16xi32>
          %reduce_max3A_1690 = arith.xori %all_reduce_population_count3A, %reduce_max3A_1689 : vector<16xi32>
          %reduce_max3A_1691 = tpu.scan <max>, %reduce_max3A_1690 masked %reduce_max3A_1687 : vector<16xi32>, vector<16xi1> -> vector<16xi32>
          %reduce_max3A_1692 = arith.xori %reduce_max3A_1691, %reduce_max3A_1689 : vector<16xi32>
          %reduce_max3A_1693 = vector.extract %reduce_max3A_1692[15] : i32 from vector<16xi32>
          %add3A_1694 = arith.addi %while3A_1650, %reduce_max3A_1693 : i32
          %jit3A_1695 = arith.constant 1 : i32
          %jit3A_1696 = arith.constant 0 : i32
          %broadcast_in_dim3A_1697 = vector.broadcast %jit3A_1695 : i32 to vector<16xi32>
          %broadcast_in_dim3A_1698 = vector.broadcast %jit3A_1696 : i32 to vector<16xi32>
          %select_n3A_1699 = arith.select %and3A_1672, %broadcast_in_dim3A_1697, %broadcast_in_dim3A_1698 : vector<16xi1>, vector<16xi32>
          %broadcast_in_dim3A_1700 = arith.constant true
          %broadcast_in_dim3A_1701 = vector.broadcast %broadcast_in_dim3A_1700 : i1 to vector<16xi1>
          %masked_cumsum3A_1702 = tpu.scan <sum>, %select_n3A_1699 masked %broadcast_in_dim3A_1701 : vector<16xi32>, vector<16xi1> -> vector<16xi32>
          %add3A_1703 = vector.broadcast %while3A_1651 : i32 to vector<16xi32>
          %add3A_1704 = arith.addi %add3A_1703, %masked_cumsum3A_1702 : vector<16xi32>
          %sub3A_1705 = arith.constant 1 : i32
          %sub3A_1706 = vector.broadcast %sub3A_1705 : i32 to vector<16xi32>
          %sub3A_1707 = arith.subi %add3A_1704, %sub3A_1706 : vector<16xi32>
          tpu.vector_store_idx %arg27[%sub3A_1707], %select_n3A_1660 masked %and3A_1672 : memref<8224xi32, #tpu.memory_space<vmem>>[vector<16xi32>], vector<16xi32>, vector<16xi1>
          %all_reduce_population_count3A_1708 = tpu.all_reduce %and3A_1672 {dim = 0 : i64, kind = #tpu.reduction_kind<sum>} : vector<16xi1> -> vector<16xi32>
          %reduce_max3A_1709 = arith.constant true
          %reduce_max3A_1710 = vector.broadcast %reduce_max3A_1709 : i1 to vector<16xi1>
          %reduce_max3A_1711 = arith.constant -2147483648 : i32
          %reduce_max3A_1712 = vector.broadcast %reduce_max3A_1711 : i32 to vector<16xi32>
          %reduce_max3A_1713 = arith.xori %all_reduce_population_count3A_1708, %reduce_max3A_1712 : vector<16xi32>
          %reduce_max3A_1714 = tpu.scan <max>, %reduce_max3A_1713 masked %reduce_max3A_1710 : vector<16xi32>, vector<16xi1> -> vector<16xi32>
          %reduce_max3A_1715 = arith.xori %reduce_max3A_1714, %reduce_max3A_1712 : vector<16xi32>
          %reduce_max3A_1716 = vector.extract %reduce_max3A_1715[15] : i32 from vector<16xi32>
          %add3A_1717 = arith.addi %while3A_1651, %reduce_max3A_1716 : i32
          scf.yield %add3A_1694, %add3A_1717 : i32, i32
        }
        %sub3A_1296 = arith.subi %sub3A_1060, %reduce_max3A_1283 : i32
        %swap3A_1297 = arith.constant 0 : index
        %swap3A_1298 = tpu.vector_load %arg23[%swap3A_1297] {strides = array<i32>} : memref<4096xi32, #tpu.memory_space<vmem>>, vector<16xi32>,
        tpu.vector_store %arg23[%swap3A_1297], %broadcast_in_dim3A_0 {strides = array<i32>} : memref<4096xi32, #tpu.memory_space<vmem>>, vector<16xi32>,
        %swap3A_1299 = arith.constant 16 : index
        %swap3A_1300 = tpu.vector_load %arg23[%swap3A_1299] {strides = array<i32>} : memref<4096xi32, #tpu.memory_space<vmem>>, vector<16xi32>,
        tpu.vector_store %arg23[%swap3A_1299], %broadcast_in_dim3A_0 {strides = array<i32>} : memref<4096xi32, #tpu.memory_space<vmem>>, vector<16xi32>,
        %swap3A_1301 = arith.constant 32 : index
        %swap3A_1302 = tpu.vector_load %arg23[%swap3A_1301] {strides = array<i32>} : memref<4096xi32, #tpu.memory_space<vmem>>, vector<16xi32>,
        tpu.vector_store %arg23[%swap3A_1301], %broadcast_in_dim3A_0 {strides = array<i32>} : memref<4096xi32, #tpu.memory_space<vmem>>, vector<16xi32>,
        %swap3A_1303 = arith.constant 48 : index
        %swap3A_1304 = tpu.vector_load %arg23[%swap3A_1303] {strides = array<i32>} : memref<4096xi32, #tpu.memory_space<vmem>>, vector<16xi32>,
        tpu.vector_store %arg23[%swap3A_1303], %broadcast_in_dim3A_0 {strides = array<i32>} : memref<4096xi32, #tpu.memory_space<vmem>>, vector<16xi32>,
        %swap3A_1305 = arith.constant 64 : index
        %swap3A_1306 = tpu.vector_load %arg23[%swap3A_1305] {strides = array<i32>} : memref<4096xi32, #tpu.memory_space<vmem>>, vector<16xi32>,
        tpu.vector_store %arg23[%swap3A_1305], %broadcast_in_dim3A_0 {strides = array<i32>} : memref<4096xi32, #tpu.memory_space<vmem>>, vector<16xi32>,
        %swap3A_1307 = arith.constant 80 : index
        %swap3A_1308 = tpu.vector_load %arg23[%swap3A_1307] {strides = array<i32>} : memref<4096xi32, #tpu.memory_space<vmem>>, vector<16xi32>,
        tpu.vector_store %arg23[%swap3A_1307], %broadcast_in_dim3A_0 {strides = array<i32>} : memref<4096xi32, #tpu.memory_space<vmem>>, vector<16xi32>,
        %swap3A_1309 = arith.constant 96 : index
        %swap3A_1310 = tpu.vector_load %arg23[%swap3A_1309] {strides = array<i32>} : memref<4096xi32, #tpu.memory_space<vmem>>, vector<16xi32>,
        tpu.vector_store %arg23[%swap3A_1309], %broadcast_in_dim3A_0 {strides = array<i32>} : memref<4096xi32, #tpu.memory_space<vmem>>, vector<16xi32>,
        %swap3A_1311 = arith.constant 112 : index
        %swap3A_1312 = tpu.vector_load %arg23[%swap3A_1311] {strides = array<i32>} : memref<4096xi32, #tpu.memory_space<vmem>>, vector<16xi32>,
        tpu.vector_store %arg23[%swap3A_1311], %broadcast_in_dim3A_0 {strides = array<i32>} : memref<4096xi32, #tpu.memory_space<vmem>>, vector<16xi32>,
        %swap3A_1313 = arith.constant 128 : index
        %swap3A_1314 = tpu.vector_load %arg23[%swap3A_1313] {strides = array<i32>} : memref<4096xi32, #tpu.memory_space<vmem>>, vector<16xi32>,
        tpu.vector_store %arg23[%swap3A_1313], %broadcast_in_dim3A_0 {strides = array<i32>} : memref<4096xi32, #tpu.memory_space<vmem>>, vector<16xi32>,
        %swap3A_1315 = arith.constant 144 : index
        %swap3A_1316 = tpu.vector_load %arg23[%swap3A_1315] {strides = array<i32>} : memref<4096xi32, #tpu.memory_space<vmem>>, vector<16xi32>,
        tpu.vector_store %arg23[%swap3A_1315], %broadcast_in_dim3A_0 {strides = array<i32>} : memref<4096xi32, #tpu.memory_space<vmem>>, vector<16xi32>,
        %swap3A_1317 = arith.constant 160 : index
        %swap3A_1318 = tpu.vector_load %arg23[%swap3A_1317] {strides = array<i32>} : memref<4096xi32, #tpu.memory_space<vmem>>, vector<16xi32>,
        tpu.vector_store %arg23[%swap3A_1317], %broadcast_in_dim3A_0 {strides = array<i32>} : memref<4096xi32, #tpu.memory_space<vmem>>, vector<16xi32>,
        %swap3A_1319 = arith.constant 176 : index
        %swap3A_1320 = tpu.vector_load %arg23[%swap3A_1319] {strides = array<i32>} : memref<4096xi32, #tpu.memory_space<vmem>>, vector<16xi32>,
        tpu.vector_store %arg23[%swap3A_1319], %broadcast_in_dim3A_0 {strides = array<i32>} : memref<4096xi32, #tpu.memory_space<vmem>>, vector<16xi32>,
        %swap3A_1321 = arith.constant 192 : index
        %swap3A_1322 = tpu.vector_load %arg23[%swap3A_1321] {strides = array<i32>} : memref<4096xi32, #tpu.memory_space<vmem>>, vector<16xi32>,
        tpu.vector_store %arg23[%swap3A_1321], %broadcast_in_dim3A_0 {strides = array<i32>} : memref<4096xi32, #tpu.memory_space<vmem>>, vector<16xi32>,
        %swap3A_1323 = arith.constant 208 : index
        %swap3A_1324 = tpu.vector_load %arg23[%swap3A_1323] {strides = array<i32>} : memref<4096xi32, #tpu.memory_space<vmem>>, vector<16xi32>,
        tpu.vector_store %arg23[%swap3A_1323], %broadcast_in_dim3A_0 {strides = array<i32>} : memref<4096xi32, #tpu.memory_space<vmem>>, vector<16xi32>,
        %swap3A_1325 = arith.constant 224 : index
        %swap3A_1326 = tpu.vector_load %arg23[%swap3A_1325] {strides = array<i32>} : memref<4096xi32, #tpu.memory_space<vmem>>, vector<16xi32>,
        tpu.vector_store %arg23[%swap3A_1325], %broadcast_in_dim3A_0 {strides = array<i32>} : memref<4096xi32, #tpu.memory_space<vmem>>, vector<16xi32>,
        %swap3A_1327 = arith.constant 240 : index
        %swap3A_1328 = tpu.vector_load %arg23[%swap3A_1327] {strides = array<i32>} : memref<4096xi32, #tpu.memory_space<vmem>>, vector<16xi32>,
        tpu.vector_store %arg23[%swap3A_1327], %broadcast_in_dim3A_0 {strides = array<i32>} : memref<4096xi32, #tpu.memory_space<vmem>>, vector<16xi32>,
        %add3A_1329 = arith.constant 15 : i32
        %add3A_1330 = arith.addi %while3A_1295#1, %add3A_1329 : i32
        %jit3A_1331 = arith.constant 16 : i32
        %div3A_1332 = arith.divsi %add3A_1330, %jit3A_1331 : i32
        %sign3A_1333 = arith.constant 0 : i32
        %sign3A_1334 = arith.cmpi sgt, %add3A_1330, %sign3A_1333 : i32
        %sign3A_1335 = arith.extui %sign3A_1334 : i1 to i32
        %sign3A_1336 = arith.constant 0 : i32
        %sign3A_1337 = arith.cmpi slt, %add3A_1330, %sign3A_1336 : i32
        %sign3A_1338 = arith.extui %sign3A_1337 : i1 to i32
        %sign3A_1339 = arith.subi %sign3A_1335, %sign3A_1338 : i32
        %sign3A_1340 = arith.constant 0 : i32
        %sign3A_1341 = arith.cmpi sgt, %jit3A_1331, %sign3A_1340 : i32
        %sign3A_1342 = arith.extui %sign3A_1341 : i1 to i32
        %sign3A_1343 = arith.constant 0 : i32
        %sign3A_1344 = arith.cmpi slt, %jit3A_1331, %sign3A_1343 : i32
        %sign3A_1345 = arith.extui %sign3A_1344 : i1 to i32
        %sign3A_1346 = arith.subi %sign3A_1342, %sign3A_1345 : i32
        %ne3A_1347 = arith.cmpi ne, %sign3A_1339, %sign3A_1346 : i32
        %rem3A_1348 = arith.remsi %add3A_1330, %jit3A_1331 : i32
        %ne3A_1349 = arith.constant 0 : i32
        %ne3A_1350 = arith.cmpi ne, %rem3A_1348, %ne3A_1349 : i32
        %and3A_1351 = arith.andi %ne3A_1347, %ne3A_1350 : i1
        %sub3A_1352 = arith.constant 1 : i32
        %sub3A_1353 = arith.subi %div3A_1332, %sub3A_1352 : i32
        %select_n3A_1354 = arith.select %and3A_1351, %sub3A_1353, %div3A_1332 : i32
        %while3A_1355 = arith.constant 0 : i32
        %while3A_1356 = arith.constant 0 : i32
        %while3A_1357 = arith.subi %select_n3A_1354, %while3A_1355 : i32
        %while3A_1358 = arith.addi %while3A_1355, %while3A_1357 : i32
        %while3A_1359 = arith.constant 1 : i32
        %while3A_1360 = arith.divsi %while3A_1357, %while3A_1359 : i32
        %while3A_1361 = arith.muli %while3A_1360, %while3A_1359 : i32
        %while3A_1362 = arith.addi %while3A_1355, %while3A_1361 : i32
        %while3A_1363 = arith.constant 1 : i32
        %while3A_1364 = scf.for %while3A_1649 = %while3A_1355 to %while3A_1362 step %while3A_1363 iter_args(%while3A_1650 = %while3A_1356) -> (i32)  : i32 {
          %mul3A_1651 = arith.constant 16 : i32
          %mul3A_1652 = arith.muli %while3A_1649, %mul3A_1651 : i32
          %broadcast_in_dim3A_1653 = vector.broadcast %mul3A_1652 : i32 to vector<16xi32>
          %add3A_1654 = arith.addi %broadcast_in_dim3A_1653, %iota3A : vector<16xi32>
          %lt3A_1655 = vector.broadcast %while3A_1295#1 : i32 to vector<16xi32>
          %lt3A_1656 = arith.cmpi slt, %add3A_1654, %lt3A_1655 : vector<16xi32>
          %get3A_1657 = arith.index_cast %mul3A_1652 : i32 to index
          %get3A_1658 = tpu.vector_load %arg27[%get3A_1657] {strides = array<i32>} : memref<8224xi32, #tpu.memory_space<vmem>>, vector<16xi32>,
          %select_n3A_1659 = arith.select %lt3A_1656, %get3A_1658, %broadcast_in_dim3A_0 : vector<16xi1>, vector<16xi32>
          %gather3A_1660 = tpu.vector_load_idx %arg22[%select_n3A_1659] : memref<8192xi32, #tpu.memory_space<vmem>>[vector<16xi32>], vector<16xi32>,
          %shift_right_logical3A_1661 = arith.constant 0 : i32
          %shift_right_logical3A_1662 = vector.broadcast %shift_right_logical3A_1661 : i32 to vector<16xi32>
          %shift_right_logical3A_1663 = arith.shrui %gather3A_1660, %shift_right_logical3A_1662 : vector<16xi32>
          %and3A_1664 = arith.constant 15 : i32
          %and3A_1665 = vector.broadcast %and3A_1664 : i32 to vector<16xi32>
          %and3A_1666 = arith.andi %shift_right_logical3A_1663, %and3A_1665 : vector<16xi32>
          %mul3A_1667 = arith.constant 16 : i32
          %mul3A_1668 = vector.broadcast %mul3A_1667 : i32 to vector<16xi32>
          %mul3A_1669 = arith.muli %and3A_1666, %mul3A_1668 : vector<16xi32>
          %add3A_1670 = arith.addi %mul3A_1669, %iota3A : vector<16xi32>
          tpu.vector_store_idx %arg23[%add3A_1670], %broadcast_in_dim3A_2 masked %lt3A_1656 {add = true} : memref<4096xi32, #tpu.memory_space<vmem>>[vector<16xi32>], vector<16xi32>, vector<16xi1>
          %while3A_1671 = arith.constant 0 : i32
          scf.yield %while3A_1671 : i32
        }
        %while3A_1365 = arith.constant 1 : i32
        %while3A_1366 = scf.for %while3A_1649 = %while3A_1362 to %while3A_1358 step %while3A_1365 iter_args(%while3A_1650 = %while3A_1364) -> (i32)  : i32 {
          %mul3A_1651 = arith.constant 16 : i32
          %mul3A_1652 = arith.muli %while3A_1649, %mul3A_1651 : i32
          %broadcast_in_dim3A_1653 = vector.broadcast %mul3A_1652 : i32 to vector<16xi32>
          %add3A_1654 = arith.addi %broadcast_in_dim3A_1653, %iota3A : vector<16xi32>
          %lt3A_1655 = vector.broadcast %while3A_1295#1 : i32 to vector<16xi32>
          %lt3A_1656 = arith.cmpi slt, %add3A_1654, %lt3A_1655 : vector<16xi32>
          %get3A_1657 = arith.index_cast %mul3A_1652 : i32 to index
          %get3A_1658 = tpu.vector_load %arg27[%get3A_1657] {strides = array<i32>} : memref<8224xi32, #tpu.memory_space<vmem>>, vector<16xi32>,
          %select_n3A_1659 = arith.select %lt3A_1656, %get3A_1658, %broadcast_in_dim3A_0 : vector<16xi1>, vector<16xi32>
          %gather3A_1660 = tpu.vector_load_idx %arg22[%select_n3A_1659] : memref<8192xi32, #tpu.memory_space<vmem>>[vector<16xi32>], vector<16xi32>,
          %shift_right_logical3A_1661 = arith.constant 0 : i32
          %shift_right_logical3A_1662 = vector.broadcast %shift_right_logical3A_1661 : i32 to vector<16xi32>
          %shift_right_logical3A_1663 = arith.shrui %gather3A_1660, %shift_right_logical3A_1662 : vector<16xi32>
          %and3A_1664 = arith.constant 15 : i32
          %and3A_1665 = vector.broadcast %and3A_1664 : i32 to vector<16xi32>
          %and3A_1666 = arith.andi %shift_right_logical3A_1663, %and3A_1665 : vector<16xi32>
          %mul3A_1667 = arith.constant 16 : i32
          %mul3A_1668 = vector.broadcast %mul3A_1667 : i32 to vector<16xi32>
          %mul3A_1669 = arith.muli %and3A_1666, %mul3A_1668 : vector<16xi32>
          %add3A_1670 = arith.addi %mul3A_1669, %iota3A : vector<16xi32>
          tpu.vector_store_idx %arg23[%add3A_1670], %broadcast_in_dim3A_2 masked %lt3A_1656 {add = true} : memref<4096xi32, #tpu.memory_space<vmem>>[vector<16xi32>], vector<16xi32>, vector<16xi1>
          %while3A_1671 = arith.constant 0 : i32
          scf.yield %while3A_1671 : i32
        }
        %mul3A_1367 = arith.constant 16 : i32
        %mul3A_1368 = vector.broadcast %mul3A_1367 : i32 to vector<16xi32>
        %mul3A_1369 = arith.muli %iota3A, %mul3A_1368 : vector<16xi32>
        %add3A_1370 = arith.constant 0 : i32
        %add3A_1371 = vector.broadcast %add3A_1370 : i32 to vector<16xi32>
        %add3A_1372 = arith.addi %mul3A_1369, %add3A_1371 : vector<16xi32>
        %gather3A_1373 = tpu.vector_load_idx %arg23[%add3A_1372] : memref<4096xi32, #tpu.memory_space<vmem>>[vector<16xi32>], vector<16xi32>,
        %add3A_1374 = arith.addi %broadcast_in_dim3A_0, %gather3A_1373 : vector<16xi32>
        %mul3A_1375 = arith.constant 16 : i32
        %mul3A_1376 = vector.broadcast %mul3A_1375 : i32 to vector<16xi32>
        %mul3A_1377 = arith.muli %iota3A, %mul3A_1376 : vector<16xi32>
        %add3A_1378 = arith.constant 1 : i32
        %add3A_1379 = vector.broadcast %add3A_1378 : i32 to vector<16xi32>
        %add3A_1380 = arith.addi %mul3A_1377, %add3A_1379 : vector<16xi32>
        %gather3A_1381 = tpu.vector_load_idx %arg23[%add3A_1380] : memref<4096xi32, #tpu.memory_space<vmem>>[vector<16xi32>], vector<16xi32>,
        %add3A_1382 = arith.addi %add3A_1374, %gather3A_1381 : vector<16xi32>
        %mul3A_1383 = arith.constant 16 : i32
        %mul3A_1384 = vector.broadcast %mul3A_1383 : i32 to vector<16xi32>
        %mul3A_1385 = arith.muli %iota3A, %mul3A_1384 : vector<16xi32>
        %add3A_1386 = arith.constant 2 : i32
        %add3A_1387 = vector.broadcast %add3A_1386 : i32 to vector<16xi32>
        %add3A_1388 = arith.addi %mul3A_1385, %add3A_1387 : vector<16xi32>
        %gather3A_1389 = tpu.vector_load_idx %arg23[%add3A_1388] : memref<4096xi32, #tpu.memory_space<vmem>>[vector<16xi32>], vector<16xi32>,
        %add3A_1390 = arith.addi %add3A_1382, %gather3A_1389 : vector<16xi32>
        %mul3A_1391 = arith.constant 16 : i32
        %mul3A_1392 = vector.broadcast %mul3A_1391 : i32 to vector<16xi32>
        %mul3A_1393 = arith.muli %iota3A, %mul3A_1392 : vector<16xi32>
        %add3A_1394 = arith.constant 3 : i32
        %add3A_1395 = vector.broadcast %add3A_1394 : i32 to vector<16xi32>
        %add3A_1396 = arith.addi %mul3A_1393, %add3A_1395 : vector<16xi32>
        %gather3A_1397 = tpu.vector_load_idx %arg23[%add3A_1396] : memref<4096xi32, #tpu.memory_space<vmem>>[vector<16xi32>], vector<16xi32>,
        %add3A_1398 = arith.addi %add3A_1390, %gather3A_1397 : vector<16xi32>
        %mul3A_1399 = arith.constant 16 : i32
        %mul3A_1400 = vector.broadcast %mul3A_1399 : i32 to vector<16xi32>
        %mul3A_1401 = arith.muli %iota3A, %mul3A_1400 : vector<16xi32>
        %add3A_1402 = arith.constant 4 : i32
        %add3A_1403 = vector.broadcast %add3A_1402 : i32 to vector<16xi32>
        %add3A_1404 = arith.addi %mul3A_1401, %add3A_1403 : vector<16xi32>
        %gather3A_1405 = tpu.vector_load_idx %arg23[%add3A_1404] : memref<4096xi32, #tpu.memory_space<vmem>>[vector<16xi32>], vector<16xi32>,
        %add3A_1406 = arith.addi %add3A_1398, %gather3A_1405 : vector<16xi32>
        %mul3A_1407 = arith.constant 16 : i32
        %mul3A_1408 = vector.broadcast %mul3A_1407 : i32 to vector<16xi32>
        %mul3A_1409 = arith.muli %iota3A, %mul3A_1408 : vector<16xi32>
        %add3A_1410 = arith.constant 5 : i32
        %add3A_1411 = vector.broadcast %add3A_1410 : i32 to vector<16xi32>
        %add3A_1412 = arith.addi %mul3A_1409, %add3A_1411 : vector<16xi32>
        %gather3A_1413 = tpu.vector_load_idx %arg23[%add3A_1412] : memref<4096xi32, #tpu.memory_space<vmem>>[vector<16xi32>], vector<16xi32>,
        %add3A_1414 = arith.addi %add3A_1406, %gather3A_1413 : vector<16xi32>
        %mul3A_1415 = arith.constant 16 : i32
        %mul3A_1416 = vector.broadcast %mul3A_1415 : i32 to vector<16xi32>
        %mul3A_1417 = arith.muli %iota3A, %mul3A_1416 : vector<16xi32>
        %add3A_1418 = arith.constant 6 : i32
        %add3A_1419 = vector.broadcast %add3A_1418 : i32 to vector<16xi32>
        %add3A_1420 = arith.addi %mul3A_1417, %add3A_1419 : vector<16xi32>
        %gather3A_1421 = tpu.vector_load_idx %arg23[%add3A_1420] : memref<4096xi32, #tpu.memory_space<vmem>>[vector<16xi32>], vector<16xi32>,
        %add3A_1422 = arith.addi %add3A_1414, %gather3A_1421 : vector<16xi32>
        %mul3A_1423 = arith.constant 16 : i32
        %mul3A_1424 = vector.broadcast %mul3A_1423 : i32 to vector<16xi32>
        %mul3A_1425 = arith.muli %iota3A, %mul3A_1424 : vector<16xi32>
        %add3A_1426 = arith.constant 7 : i32
        %add3A_1427 = vector.broadcast %add3A_1426 : i32 to vector<16xi32>
        %add3A_1428 = arith.addi %mul3A_1425, %add3A_1427 : vector<16xi32>
        %gather3A_1429 = tpu.vector_load_idx %arg23[%add3A_1428] : memref<4096xi32, #tpu.memory_space<vmem>>[vector<16xi32>], vector<16xi32>,
        %add3A_1430 = arith.addi %add3A_1422, %gather3A_1429 : vector<16xi32>
        %mul3A_1431 = arith.constant 16 : i32
        %mul3A_1432 = vector.broadcast %mul3A_1431 : i32 to vector<16xi32>
        %mul3A_1433 = arith.muli %iota3A, %mul3A_1432 : vector<16xi32>
        %add3A_1434 = arith.constant 8 : i32
        %add3A_1435 = vector.broadcast %add3A_1434 : i32 to vector<16xi32>
        %add3A_1436 = arith.addi %mul3A_1433, %add3A_1435 : vector<16xi32>
        %gather3A_1437 = tpu.vector_load_idx %arg23[%add3A_1436] : memref<4096xi32, #tpu.memory_space<vmem>>[vector<16xi32>], vector<16xi32>,
        %add3A_1438 = arith.addi %add3A_1430, %gather3A_1437 : vector<16xi32>
        %mul3A_1439 = arith.constant 16 : i32
        %mul3A_1440 = vector.broadcast %mul3A_1439 : i32 to vector<16xi32>
        %mul3A_1441 = arith.muli %iota3A, %mul3A_1440 : vector<16xi32>
        %add3A_1442 = arith.constant 9 : i32
        %add3A_1443 = vector.broadcast %add3A_1442 : i32 to vector<16xi32>
        %add3A_1444 = arith.addi %mul3A_1441, %add3A_1443 : vector<16xi32>
        %gather3A_1445 = tpu.vector_load_idx %arg23[%add3A_1444] : memref<4096xi32, #tpu.memory_space<vmem>>[vector<16xi32>], vector<16xi32>,
        %add3A_1446 = arith.addi %add3A_1438, %gather3A_1445 : vector<16xi32>
        %mul3A_1447 = arith.constant 16 : i32
        %mul3A_1448 = vector.broadcast %mul3A_1447 : i32 to vector<16xi32>
        %mul3A_1449 = arith.muli %iota3A, %mul3A_1448 : vector<16xi32>
        %add3A_1450 = arith.constant 10 : i32
        %add3A_1451 = vector.broadcast %add3A_1450 : i32 to vector<16xi32>
        %add3A_1452 = arith.addi %mul3A_1449, %add3A_1451 : vector<16xi32>
        %gather3A_1453 = tpu.vector_load_idx %arg23[%add3A_1452] : memref<4096xi32, #tpu.memory_space<vmem>>[vector<16xi32>], vector<16xi32>,
        %add3A_1454 = arith.addi %add3A_1446, %gather3A_1453 : vector<16xi32>
        %mul3A_1455 = arith.constant 16 : i32
        %mul3A_1456 = vector.broadcast %mul3A_1455 : i32 to vector<16xi32>
        %mul3A_1457 = arith.muli %iota3A, %mul3A_1456 : vector<16xi32>
        %add3A_1458 = arith.constant 11 : i32
        %add3A_1459 = vector.broadcast %add3A_1458 : i32 to vector<16xi32>
        %add3A_1460 = arith.addi %mul3A_1457, %add3A_1459 : vector<16xi32>
        %gather3A_1461 = tpu.vector_load_idx %arg23[%add3A_1460] : memref<4096xi32, #tpu.memory_space<vmem>>[vector<16xi32>], vector<16xi32>,
        %add3A_1462 = arith.addi %add3A_1454, %gather3A_1461 : vector<16xi32>
        %mul3A_1463 = arith.constant 16 : i32
        %mul3A_1464 = vector.broadcast %mul3A_1463 : i32 to vector<16xi32>
        %mul3A_1465 = arith.muli %iota3A, %mul3A_1464 : vector<16xi32>
        %add3A_1466 = arith.constant 12 : i32
        %add3A_1467 = vector.broadcast %add3A_1466 : i32 to vector<16xi32>
        %add3A_1468 = arith.addi %mul3A_1465, %add3A_1467 : vector<16xi32>
        %gather3A_1469 = tpu.vector_load_idx %arg23[%add3A_1468] : memref<4096xi32, #tpu.memory_space<vmem>>[vector<16xi32>], vector<16xi32>,
        %add3A_1470 = arith.addi %add3A_1462, %gather3A_1469 : vector<16xi32>
        %mul3A_1471 = arith.constant 16 : i32
        %mul3A_1472 = vector.broadcast %mul3A_1471 : i32 to vector<16xi32>
        %mul3A_1473 = arith.muli %iota3A, %mul3A_1472 : vector<16xi32>
        %add3A_1474 = arith.constant 13 : i32
        %add3A_1475 = vector.broadcast %add3A_1474 : i32 to vector<16xi32>
        %add3A_1476 = arith.addi %mul3A_1473, %add3A_1475 : vector<16xi32>
        %gather3A_1477 = tpu.vector_load_idx %arg23[%add3A_1476] : memref<4096xi32, #tpu.memory_space<vmem>>[vector<16xi32>], vector<16xi32>,
        %add3A_1478 = arith.addi %add3A_1470, %gather3A_1477 : vector<16xi32>
        %mul3A_1479 = arith.constant 16 : i32
        %mul3A_1480 = vector.broadcast %mul3A_1479 : i32 to vector<16xi32>
        %mul3A_1481 = arith.muli %iota3A, %mul3A_1480 : vector<16xi32>
        %add3A_1482 = arith.constant 14 : i32
        %add3A_1483 = vector.broadcast %add3A_1482 : i32 to vector<16xi32>
        %add3A_1484 = arith.addi %mul3A_1481, %add3A_1483 : vector<16xi32>
        %gather3A_1485 = tpu.vector_load_idx %arg23[%add3A_1484] : memref<4096xi32, #tpu.memory_space<vmem>>[vector<16xi32>], vector<16xi32>,
        %add3A_1486 = arith.addi %add3A_1478, %gather3A_1485 : vector<16xi32>
        %mul3A_1487 = arith.constant 16 : i32
        %mul3A_1488 = vector.broadcast %mul3A_1487 : i32 to vector<16xi32>
        %mul3A_1489 = arith.muli %iota3A, %mul3A_1488 : vector<16xi32>
        %add3A_1490 = arith.constant 15 : i32
        %add3A_1491 = vector.broadcast %add3A_1490 : i32 to vector<16xi32>
        %add3A_1492 = arith.addi %mul3A_1489, %add3A_1491 : vector<16xi32>
        %gather3A_1493 = tpu.vector_load_idx %arg23[%add3A_1492] : memref<4096xi32, #tpu.memory_space<vmem>>[vector<16xi32>], vector<16xi32>,
        %add3A_1494 = arith.addi %add3A_1486, %gather3A_1493 : vector<16xi32>
        %broadcast_in_dim3A_1495 = arith.constant true
        %broadcast_in_dim3A_1496 = vector.broadcast %broadcast_in_dim3A_1495 : i1 to vector<16xi1>
        %masked_cumsum3A_1497 = tpu.scan <sum>, %add3A_1494 masked %broadcast_in_dim3A_1496 : vector<16xi32>, vector<16xi1> -> vector<16xi32>
        %lt3A_1498 = vector.broadcast %sub3A_1296 : i32 to vector<16xi32>
        %lt3A_1499 = arith.cmpi slt, %masked_cumsum3A_1497, %lt3A_1498 : vector<16xi32>
        %jit3A_1500 = arith.constant 1 : i32
        %jit3A_1501 = arith.constant 0 : i32
        %broadcast_in_dim3A_1502 = vector.broadcast %jit3A_1500 : i32 to vector<16xi32>
        %broadcast_in_dim3A_1503 = vector.broadcast %jit3A_1501 : i32 to vector<16xi32>
        %select_n3A_1504 = arith.select %lt3A_1499, %broadcast_in_dim3A_1502, %broadcast_in_dim3A_1503 : vector<16xi1>, vector<16xi32>
        %reduce_sum3A_1505 = arith.constant true
        %reduce_sum3A_1506 = vector.broadcast %reduce_sum3A_1505 : i1 to vector<16xi1>
        %reduce_sum3A_1507 = tpu.scan <sum>, %select_n3A_1504 masked %reduce_sum3A_1506 : vector<16xi32>, vector<16xi1> -> vector<16xi32>
        %reduce_sum3A_1508 = vector.extract %reduce_sum3A_1507[15] : i32 from vector<16xi32>
        %jit3A_1509 = arith.constant 0 : i32
        %broadcast_in_dim3A_1510 = vector.broadcast %jit3A_1509 : i32 to vector<16xi32>
        %select_n3A_1511 = arith.select %lt3A_1499, %masked_cumsum3A_1497, %broadcast_in_dim3A_1510 : vector<16xi1>, vector<16xi32>
        %reduce_max3A_1512 = arith.constant true
        %reduce_max3A_1513 = vector.broadcast %reduce_max3A_1512 : i1 to vector<16xi1>
        %reduce_max3A_1514 = arith.constant -2147483648 : i32
        %reduce_max3A_1515 = vector.broadcast %reduce_max3A_1514 : i32 to vector<16xi32>
        %reduce_max3A_1516 = arith.xori %select_n3A_1511, %reduce_max3A_1515 : vector<16xi32>
        %reduce_max3A_1517 = tpu.scan <max>, %reduce_max3A_1516 masked %reduce_max3A_1513 : vector<16xi32>, vector<16xi1> -> vector<16xi32>
        %reduce_max3A_1518 = arith.xori %reduce_max3A_1517, %reduce_max3A_1515 : vector<16xi32>
        %reduce_max3A_1519 = vector.extract %reduce_max3A_1518[15] : i32 from vector<16xi32>
        %while3A_1520 = arith.constant 0 : i32
        %while3A_1521 = arith.constant 0 : i32
        %while3A_1522 = arith.subi %select_n3A_1354, %while3A_1520 : i32
        %while3A_1523 = arith.addi %while3A_1520, %while3A_1522 : i32
        %while3A_1524 = arith.constant 1 : i32
        %while3A_1525 = arith.divsi %while3A_1522, %while3A_1524 : i32
        %while3A_1526 = arith.muli %while3A_1525, %while3A_1524 : i32
        %while3A_1527 = arith.addi %while3A_1520, %while3A_1526 : i32
        %while3A_1528 = arith.constant 1 : i32
        %while3A_1529:2 = scf.for %while3A_1649 = %while3A_1520 to %while3A_1527 step %while3A_1528 iter_args(%while3A_1650 = %while3A_1295#0, %while3A_1651 = %while3A_1521) -> (i32, i32)  : i32 {
          %mul3A_1652 = arith.constant 16 : i32
          %mul3A_1653 = arith.muli %while3A_1649, %mul3A_1652 : i32
          %broadcast_in_dim3A_1654 = vector.broadcast %mul3A_1653 : i32 to vector<16xi32>
          %add3A_1655 = arith.addi %broadcast_in_dim3A_1654, %iota3A : vector<16xi32>
          %lt3A_1656 = vector.broadcast %while3A_1295#1 : i32 to vector<16xi32>
          %lt3A_1657 = arith.cmpi slt, %add3A_1655, %lt3A_1656 : vector<16xi32>
          %get3A_1658 = arith.index_cast %mul3A_1653 : i32 to index
          %get3A_1659 = tpu.vector_load %arg27[%get3A_1658] {strides = array<i32>} : memref<8224xi32, #tpu.memory_space<vmem>>, vector<16xi32>,
          %select_n3A_1660 = arith.select %lt3A_1657, %get3A_1659, %broadcast_in_dim3A_0 : vector<16xi1>, vector<16xi32>
          %gather3A_1661 = tpu.vector_load_idx %arg22[%select_n3A_1660] : memref<8192xi32, #tpu.memory_space<vmem>>[vector<16xi32>], vector<16xi32>,
          %shift_right_logical3A_1662 = arith.constant 0 : i32
          %shift_right_logical3A_1663 = vector.broadcast %shift_right_logical3A_1662 : i32 to vector<16xi32>
          %shift_right_logical3A_1664 = arith.shrui %gather3A_1661, %shift_right_logical3A_1663 : vector<16xi32>
          %and3A_1665 = arith.constant 15 : i32
          %and3A_1666 = vector.broadcast %and3A_1665 : i32 to vector<16xi32>
          %and3A_1667 = arith.andi %shift_right_logical3A_1664, %and3A_1666 : vector<16xi32>
          %lt3A_1668 = vector.broadcast %reduce_sum3A_1508 : i32 to vector<16xi32>
          %lt3A_1669 = arith.cmpi slt, %and3A_1667, %lt3A_1668 : vector<16xi32>
          %and3A_1670 = arith.andi %lt3A_1669, %lt3A_1657 : vector<16xi1>
          %eq3A = vector.broadcast %reduce_sum3A_1508 : i32 to vector<16xi32>
          %eq3A_1671 = arith.cmpi eq, %and3A_1667, %eq3A : vector<16xi32>
          %and3A_1672 = arith.andi %eq3A_1671, %lt3A_1657 : vector<16xi1>
          %jit3A_1673 = arith.constant 1 : i32
          %jit3A_1674 = arith.constant 0 : i32
          %broadcast_in_dim3A_1675 = vector.broadcast %jit3A_1673 : i32 to vector<16xi32>
          %broadcast_in_dim3A_1676 = vector.broadcast %jit3A_1674 : i32 to vector<16xi32>
          %select_n3A_1677 = arith.select %and3A_1670, %broadcast_in_dim3A_1675, %broadcast_in_dim3A_1676 : vector<16xi1>, vector<16xi32>
          %broadcast_in_dim3A_1678 = arith.constant true
          %broadcast_in_dim3A_1679 = vector.broadcast %broadcast_in_dim3A_1678 : i1 to vector<16xi1>
          %masked_cumsum3A_1680 = tpu.scan <sum>, %select_n3A_1677 masked %broadcast_in_dim3A_1679 : vector<16xi32>, vector<16xi1> -> vector<16xi32>
          %add3A_1681 = vector.broadcast %while3A_1650 : i32 to vector<16xi32>
          %add3A_1682 = arith.addi %add3A_1681, %masked_cumsum3A_1680 : vector<16xi32>
          %sub3A_1683 = arith.constant 1 : i32
          %sub3A_1684 = vector.broadcast %sub3A_1683 : i32 to vector<16xi32>
          %sub3A_1685 = arith.subi %add3A_1682, %sub3A_1684 : vector<16xi32>
          tpu.vector_store_idx %arg24[%sub3A_1685], %select_n3A_1660 masked %and3A_1670 : memref<64xi32, #tpu.memory_space<vmem>>[vector<16xi32>], vector<16xi32>, vector<16xi1>
          %all_reduce_population_count3A = tpu.all_reduce %and3A_1670 {dim = 0 : i64, kind = #tpu.reduction_kind<sum>} : vector<16xi1> -> vector<16xi32>
          %reduce_max3A_1686 = arith.constant true
          %reduce_max3A_1687 = vector.broadcast %reduce_max3A_1686 : i1 to vector<16xi1>
          %reduce_max3A_1688 = arith.constant -2147483648 : i32
          %reduce_max3A_1689 = vector.broadcast %reduce_max3A_1688 : i32 to vector<16xi32>
          %reduce_max3A_1690 = arith.xori %all_reduce_population_count3A, %reduce_max3A_1689 : vector<16xi32>
          %reduce_max3A_1691 = tpu.scan <max>, %reduce_max3A_1690 masked %reduce_max3A_1687 : vector<16xi32>, vector<16xi1> -> vector<16xi32>
          %reduce_max3A_1692 = arith.xori %reduce_max3A_1691, %reduce_max3A_1689 : vector<16xi32>
          %reduce_max3A_1693 = vector.extract %reduce_max3A_1692[15] : i32 from vector<16xi32>
          %add3A_1694 = arith.addi %while3A_1650, %reduce_max3A_1693 : i32
          %jit3A_1695 = arith.constant 1 : i32
          %jit3A_1696 = arith.constant 0 : i32
          %broadcast_in_dim3A_1697 = vector.broadcast %jit3A_1695 : i32 to vector<16xi32>
          %broadcast_in_dim3A_1698 = vector.broadcast %jit3A_1696 : i32 to vector<16xi32>
          %select_n3A_1699 = arith.select %and3A_1672, %broadcast_in_dim3A_1697, %broadcast_in_dim3A_1698 : vector<16xi1>, vector<16xi32>
          %broadcast_in_dim3A_1700 = arith.constant true
          %broadcast_in_dim3A_1701 = vector.broadcast %broadcast_in_dim3A_1700 : i1 to vector<16xi1>
          %masked_cumsum3A_1702 = tpu.scan <sum>, %select_n3A_1699 masked %broadcast_in_dim3A_1701 : vector<16xi32>, vector<16xi1> -> vector<16xi32>
          %add3A_1703 = vector.broadcast %while3A_1651 : i32 to vector<16xi32>
          %add3A_1704 = arith.addi %add3A_1703, %masked_cumsum3A_1702 : vector<16xi32>
          %sub3A_1705 = arith.constant 1 : i32
          %sub3A_1706 = vector.broadcast %sub3A_1705 : i32 to vector<16xi32>
          %sub3A_1707 = arith.subi %add3A_1704, %sub3A_1706 : vector<16xi32>
          tpu.vector_store_idx %arg26[%sub3A_1707], %select_n3A_1660 masked %and3A_1672 : memref<8224xi32, #tpu.memory_space<vmem>>[vector<16xi32>], vector<16xi32>, vector<16xi1>
          %all_reduce_population_count3A_1708 = tpu.all_reduce %and3A_1672 {dim = 0 : i64, kind = #tpu.reduction_kind<sum>} : vector<16xi1> -> vector<16xi32>
          %reduce_max3A_1709 = arith.constant true
          %reduce_max3A_1710 = vector.broadcast %reduce_max3A_1709 : i1 to vector<16xi1>
          %reduce_max3A_1711 = arith.constant -2147483648 : i32
          %reduce_max3A_1712 = vector.broadcast %reduce_max3A_1711 : i32 to vector<16xi32>
          %reduce_max3A_1713 = arith.xori %all_reduce_population_count3A_1708, %reduce_max3A_1712 : vector<16xi32>
          %reduce_max3A_1714 = tpu.scan <max>, %reduce_max3A_1713 masked %reduce_max3A_1710 : vector<16xi32>, vector<16xi1> -> vector<16xi32>
          %reduce_max3A_1715 = arith.xori %reduce_max3A_1714, %reduce_max3A_1712 : vector<16xi32>
          %reduce_max3A_1716 = vector.extract %reduce_max3A_1715[15] : i32 from vector<16xi32>
          %add3A_1717 = arith.addi %while3A_1651, %reduce_max3A_1716 : i32
          scf.yield %add3A_1694, %add3A_1717 : i32, i32
        }
        %while3A_1530 = arith.constant 1 : i32
        %while3A_1531:2 = scf.for %while3A_1649 = %while3A_1527 to %while3A_1523 step %while3A_1530 iter_args(%while3A_1650 = %while3A_1529#0, %while3A_1651 = %while3A_1529#1) -> (i32, i32)  : i32 {
          %mul3A_1652 = arith.constant 16 : i32
          %mul3A_1653 = arith.muli %while3A_1649, %mul3A_1652 : i32
          %broadcast_in_dim3A_1654 = vector.broadcast %mul3A_1653 : i32 to vector<16xi32>
          %add3A_1655 = arith.addi %broadcast_in_dim3A_1654, %iota3A : vector<16xi32>
          %lt3A_1656 = vector.broadcast %while3A_1295#1 : i32 to vector<16xi32>
          %lt3A_1657 = arith.cmpi slt, %add3A_1655, %lt3A_1656 : vector<16xi32>
          %get3A_1658 = arith.index_cast %mul3A_1653 : i32 to index
          %get3A_1659 = tpu.vector_load %arg27[%get3A_1658] {strides = array<i32>} : memref<8224xi32, #tpu.memory_space<vmem>>, vector<16xi32>,
          %select_n3A_1660 = arith.select %lt3A_1657, %get3A_1659, %broadcast_in_dim3A_0 : vector<16xi1>, vector<16xi32>
          %gather3A_1661 = tpu.vector_load_idx %arg22[%select_n3A_1660] : memref<8192xi32, #tpu.memory_space<vmem>>[vector<16xi32>], vector<16xi32>,
          %shift_right_logical3A_1662 = arith.constant 0 : i32
          %shift_right_logical3A_1663 = vector.broadcast %shift_right_logical3A_1662 : i32 to vector<16xi32>
          %shift_right_logical3A_1664 = arith.shrui %gather3A_1661, %shift_right_logical3A_1663 : vector<16xi32>
          %and3A_1665 = arith.constant 15 : i32
          %and3A_1666 = vector.broadcast %and3A_1665 : i32 to vector<16xi32>
          %and3A_1667 = arith.andi %shift_right_logical3A_1664, %and3A_1666 : vector<16xi32>
          %lt3A_1668 = vector.broadcast %reduce_sum3A_1508 : i32 to vector<16xi32>
          %lt3A_1669 = arith.cmpi slt, %and3A_1667, %lt3A_1668 : vector<16xi32>
          %and3A_1670 = arith.andi %lt3A_1669, %lt3A_1657 : vector<16xi1>
          %eq3A = vector.broadcast %reduce_sum3A_1508 : i32 to vector<16xi32>
          %eq3A_1671 = arith.cmpi eq, %and3A_1667, %eq3A : vector<16xi32>
          %and3A_1672 = arith.andi %eq3A_1671, %lt3A_1657 : vector<16xi1>
          %jit3A_1673 = arith.constant 1 : i32
          %jit3A_1674 = arith.constant 0 : i32
          %broadcast_in_dim3A_1675 = vector.broadcast %jit3A_1673 : i32 to vector<16xi32>
          %broadcast_in_dim3A_1676 = vector.broadcast %jit3A_1674 : i32 to vector<16xi32>
          %select_n3A_1677 = arith.select %and3A_1670, %broadcast_in_dim3A_1675, %broadcast_in_dim3A_1676 : vector<16xi1>, vector<16xi32>
          %broadcast_in_dim3A_1678 = arith.constant true
          %broadcast_in_dim3A_1679 = vector.broadcast %broadcast_in_dim3A_1678 : i1 to vector<16xi1>
          %masked_cumsum3A_1680 = tpu.scan <sum>, %select_n3A_1677 masked %broadcast_in_dim3A_1679 : vector<16xi32>, vector<16xi1> -> vector<16xi32>
          %add3A_1681 = vector.broadcast %while3A_1650 : i32 to vector<16xi32>
          %add3A_1682 = arith.addi %add3A_1681, %masked_cumsum3A_1680 : vector<16xi32>
          %sub3A_1683 = arith.constant 1 : i32
          %sub3A_1684 = vector.broadcast %sub3A_1683 : i32 to vector<16xi32>
          %sub3A_1685 = arith.subi %add3A_1682, %sub3A_1684 : vector<16xi32>
          tpu.vector_store_idx %arg24[%sub3A_1685], %select_n3A_1660 masked %and3A_1670 : memref<64xi32, #tpu.memory_space<vmem>>[vector<16xi32>], vector<16xi32>, vector<16xi1>
          %all_reduce_population_count3A = tpu.all_reduce %and3A_1670 {dim = 0 : i64, kind = #tpu.reduction_kind<sum>} : vector<16xi1> -> vector<16xi32>
          %reduce_max3A_1686 = arith.constant true
          %reduce_max3A_1687 = vector.broadcast %reduce_max3A_1686 : i1 to vector<16xi1>
          %reduce_max3A_1688 = arith.constant -2147483648 : i32
          %reduce_max3A_1689 = vector.broadcast %reduce_max3A_1688 : i32 to vector<16xi32>
          %reduce_max3A_1690 = arith.xori %all_reduce_population_count3A, %reduce_max3A_1689 : vector<16xi32>
          %reduce_max3A_1691 = tpu.scan <max>, %reduce_max3A_1690 masked %reduce_max3A_1687 : vector<16xi32>, vector<16xi1> -> vector<16xi32>
          %reduce_max3A_1692 = arith.xori %reduce_max3A_1691, %reduce_max3A_1689 : vector<16xi32>
          %reduce_max3A_1693 = vector.extract %reduce_max3A_1692[15] : i32 from vector<16xi32>
          %add3A_1694 = arith.addi %while3A_1650, %reduce_max3A_1693 : i32
          %jit3A_1695 = arith.constant 1 : i32
          %jit3A_1696 = arith.constant 0 : i32
          %broadcast_in_dim3A_1697 = vector.broadcast %jit3A_1695 : i32 to vector<16xi32>
          %broadcast_in_dim3A_1698 = vector.broadcast %jit3A_1696 : i32 to vector<16xi32>
          %select_n3A_1699 = arith.select %and3A_1672, %broadcast_in_dim3A_1697, %broadcast_in_dim3A_1698 : vector<16xi1>, vector<16xi32>
          %broadcast_in_dim3A_1700 = arith.constant true
          %broadcast_in_dim3A_1701 = vector.broadcast %broadcast_in_dim3A_1700 : i1 to vector<16xi1>
          %masked_cumsum3A_1702 = tpu.scan <sum>, %select_n3A_1699 masked %broadcast_in_dim3A_1701 : vector<16xi32>, vector<16xi1> -> vector<16xi32>
          %add3A_1703 = vector.broadcast %while3A_1651 : i32 to vector<16xi32>
          %add3A_1704 = arith.addi %add3A_1703, %masked_cumsum3A_1702 : vector<16xi32>
          %sub3A_1705 = arith.constant 1 : i32
          %sub3A_1706 = vector.broadcast %sub3A_1705 : i32 to vector<16xi32>
          %sub3A_1707 = arith.subi %add3A_1704, %sub3A_1706 : vector<16xi32>
          tpu.vector_store_idx %arg26[%sub3A_1707], %select_n3A_1660 masked %and3A_1672 : memref<8224xi32, #tpu.memory_space<vmem>>[vector<16xi32>], vector<16xi32>, vector<16xi1>
          %all_reduce_population_count3A_1708 = tpu.all_reduce %and3A_1672 {dim = 0 : i64, kind = #tpu.reduction_kind<sum>} : vector<16xi1> -> vector<16xi32>
          %reduce_max3A_1709 = arith.constant true
          %reduce_max3A_1710 = vector.broadcast %reduce_max3A_1709 : i1 to vector<16xi1>
          %reduce_max3A_1711 = arith.constant -2147483648 : i32
          %reduce_max3A_1712 = vector.broadcast %reduce_max3A_1711 : i32 to vector<16xi32>
          %reduce_max3A_1713 = arith.xori %all_reduce_population_count3A_1708, %reduce_max3A_1712 : vector<16xi32>
          %reduce_max3A_1714 = tpu.scan <max>, %reduce_max3A_1713 masked %reduce_max3A_1710 : vector<16xi32>, vector<16xi1> -> vector<16xi32>
          %reduce_max3A_1715 = arith.xori %reduce_max3A_1714, %reduce_max3A_1712 : vector<16xi32>
          %reduce_max3A_1716 = vector.extract %reduce_max3A_1715[15] : i32 from vector<16xi32>
          %add3A_1717 = arith.addi %while3A_1651, %reduce_max3A_1716 : i32
          scf.yield %add3A_1694, %add3A_1717 : i32, i32
        }
        %sub3A_1532 = arith.subi %sub3A_1296, %reduce_max3A_1519 : i32
        %add3A_1533 = arith.constant 15 : i32
        %add3A_1534 = arith.addi %sub3A_1532, %add3A_1533 : i32
        %jit3A_1535 = arith.constant 16 : i32
        %div3A_1536 = arith.divsi %add3A_1534, %jit3A_1535 : i32
        %sign3A_1537 = arith.constant 0 : i32
        %sign3A_1538 = arith.cmpi sgt, %add3A_1534, %sign3A_1537 : i32
        %sign3A_1539 = arith.extui %sign3A_1538 : i1 to i32
        %sign3A_1540 = arith.constant 0 : i32
        %sign3A_1541 = arith.cmpi slt, %add3A_1534, %sign3A_1540 : i32
        %sign3A_1542 = arith.extui %sign3A_1541 : i1 to i32
        %sign3A_1543 = arith.subi %sign3A_1539, %sign3A_1542 : i32
        %sign3A_1544 = arith.constant 0 : i32
        %sign3A_1545 = arith.cmpi sgt, %jit3A_1535, %sign3A_1544 : i32
        %sign3A_1546 = arith.extui %sign3A_1545 : i1 to i32
        %sign3A_1547 = arith.constant 0 : i32
        %sign3A_1548 = arith.cmpi slt, %jit3A_1535, %sign3A_1547 : i32
        %sign3A_1549 = arith.extui %sign3A_1548 : i1 to i32
        %sign3A_1550 = arith.subi %sign3A_1546, %sign3A_1549 : i32
        %ne3A_1551 = arith.cmpi ne, %sign3A_1543, %sign3A_1550 : i32
        %rem3A_1552 = arith.remsi %add3A_1534, %jit3A_1535 : i32
        %ne3A_1553 = arith.constant 0 : i32
        %ne3A_1554 = arith.cmpi ne, %rem3A_1552, %ne3A_1553 : i32
        %and3A_1555 = arith.andi %ne3A_1551, %ne3A_1554 : i1
        %sub3A_1556 = arith.constant 1 : i32
        %sub3A_1557 = arith.subi %div3A_1536, %sub3A_1556 : i32
        %select_n3A_1558 = arith.select %and3A_1555, %sub3A_1557, %div3A_1536 : i32
        %while3A_1559 = arith.constant 0 : i32
        %while3A_1560 = arith.subi %select_n3A_1558, %while3A_1559 : i32
        %while3A_1561 = arith.addi %while3A_1559, %while3A_1560 : i32
        %while3A_1562 = arith.constant 1 : i32
        %while3A_1563 = arith.divsi %while3A_1560, %while3A_1562 : i32
        %while3A_1564 = arith.muli %while3A_1563, %while3A_1562 : i32
        %while3A_1565 = arith.addi %while3A_1559, %while3A_1564 : i32
        %while3A_1566 = arith.constant 1 : i32
        %while3A_1567 = scf.for %while3A_1649 = %while3A_1559 to %while3A_1565 step %while3A_1566 iter_args(%while3A_1650 = %while3A_1531#0) -> (i32)  : i32 {
          %mul3A_1651 = arith.constant 16 : i32
          %mul3A_1652 = arith.muli %while3A_1649, %mul3A_1651 : i32
          %get3A_1653 = arith.index_cast %mul3A_1652 : i32 to index
          %get3A_1654 = tpu.vector_load %arg26[%get3A_1653] {strides = array<i32>} : memref<8224xi32, #tpu.memory_space<vmem>>, vector<16xi32>,
          %broadcast_in_dim3A_1655 = vector.broadcast %mul3A_1652 : i32 to vector<16xi32>
          %add3A_1656 = arith.addi %broadcast_in_dim3A_1655, %iota3A : vector<16xi32>
          %lt3A_1657 = vector.broadcast %sub3A_1532 : i32 to vector<16xi32>
          %lt3A_1658 = arith.cmpi slt, %add3A_1656, %lt3A_1657 : vector<16xi32>
          %jit3A_1659 = arith.constant 1 : i32
          %jit3A_1660 = arith.constant 0 : i32
          %broadcast_in_dim3A_1661 = vector.broadcast %jit3A_1659 : i32 to vector<16xi32>
          %broadcast_in_dim3A_1662 = vector.broadcast %jit3A_1660 : i32 to vector<16xi32>
          %select_n3A_1663 = arith.select %lt3A_1658, %broadcast_in_dim3A_1661, %broadcast_in_dim3A_1662 : vector<16xi1>, vector<16xi32>
          %broadcast_in_dim3A_1664 = arith.constant true
          %broadcast_in_dim3A_1665 = vector.broadcast %broadcast_in_dim3A_1664 : i1 to vector<16xi1>
          %masked_cumsum3A_1666 = tpu.scan <sum>, %select_n3A_1663 masked %broadcast_in_dim3A_1665 : vector<16xi32>, vector<16xi1> -> vector<16xi32>
          %add3A_1667 = vector.broadcast %while3A_1650 : i32 to vector<16xi32>
          %add3A_1668 = arith.addi %add3A_1667, %masked_cumsum3A_1666 : vector<16xi32>
          %sub3A_1669 = arith.constant 1 : i32
          %sub3A_1670 = vector.broadcast %sub3A_1669 : i32 to vector<16xi32>
          %sub3A_1671 = arith.subi %add3A_1668, %sub3A_1670 : vector<16xi32>
          tpu.vector_store_idx %arg24[%sub3A_1671], %get3A_1654 masked %lt3A_1658 : memref<64xi32, #tpu.memory_space<vmem>>[vector<16xi32>], vector<16xi32>, vector<16xi1>
          %all_reduce_population_count3A = tpu.all_reduce %lt3A_1658 {dim = 0 : i64, kind = #tpu.reduction_kind<sum>} : vector<16xi1> -> vector<16xi32>
          %reduce_max3A_1672 = arith.constant true
          %reduce_max3A_1673 = vector.broadcast %reduce_max3A_1672 : i1 to vector<16xi1>
          %reduce_max3A_1674 = arith.constant -2147483648 : i32
          %reduce_max3A_1675 = vector.broadcast %reduce_max3A_1674 : i32 to vector<16xi32>
          %reduce_max3A_1676 = arith.xori %all_reduce_population_count3A, %reduce_max3A_1675 : vector<16xi32>
          %reduce_max3A_1677 = tpu.scan <max>, %reduce_max3A_1676 masked %reduce_max3A_1673 : vector<16xi32>, vector<16xi1> -> vector<16xi32>
          %reduce_max3A_1678 = arith.xori %reduce_max3A_1677, %reduce_max3A_1675 : vector<16xi32>
          %reduce_max3A_1679 = vector.extract %reduce_max3A_1678[15] : i32 from vector<16xi32>
          %add3A_1680 = arith.addi %while3A_1650, %reduce_max3A_1679 : i32
          scf.yield %add3A_1680 : i32
        }
        %while3A_1568 = arith.constant 1 : i32
        %while3A_1569 = scf.for %while3A_1649 = %while3A_1565 to %while3A_1561 step %while3A_1568 iter_args(%while3A_1650 = %while3A_1567) -> (i32)  : i32 {
          %mul3A_1651 = arith.constant 16 : i32
          %mul3A_1652 = arith.muli %while3A_1649, %mul3A_1651 : i32
          %get3A_1653 = arith.index_cast %mul3A_1652 : i32 to index
          %get3A_1654 = tpu.vector_load %arg26[%get3A_1653] {strides = array<i32>} : memref<8224xi32, #tpu.memory_space<vmem>>, vector<16xi32>,
          %broadcast_in_dim3A_1655 = vector.broadcast %mul3A_1652 : i32 to vector<16xi32>
          %add3A_1656 = arith.addi %broadcast_in_dim3A_1655, %iota3A : vector<16xi32>
          %lt3A_1657 = vector.broadcast %sub3A_1532 : i32 to vector<16xi32>
          %lt3A_1658 = arith.cmpi slt, %add3A_1656, %lt3A_1657 : vector<16xi32>
          %jit3A_1659 = arith.constant 1 : i32
          %jit3A_1660 = arith.constant 0 : i32
          %broadcast_in_dim3A_1661 = vector.broadcast %jit3A_1659 : i32 to vector<16xi32>
          %broadcast_in_dim3A_1662 = vector.broadcast %jit3A_1660 : i32 to vector<16xi32>
          %select_n3A_1663 = arith.select %lt3A_1658, %broadcast_in_dim3A_1661, %broadcast_in_dim3A_1662 : vector<16xi1>, vector<16xi32>
          %broadcast_in_dim3A_1664 = arith.constant true
          %broadcast_in_dim3A_1665 = vector.broadcast %broadcast_in_dim3A_1664 : i1 to vector<16xi1>
          %masked_cumsum3A_1666 = tpu.scan <sum>, %select_n3A_1663 masked %broadcast_in_dim3A_1665 : vector<16xi32>, vector<16xi1> -> vector<16xi32>
          %add3A_1667 = vector.broadcast %while3A_1650 : i32 to vector<16xi32>
          %add3A_1668 = arith.addi %add3A_1667, %masked_cumsum3A_1666 : vector<16xi32>
          %sub3A_1669 = arith.constant 1 : i32
          %sub3A_1670 = vector.broadcast %sub3A_1669 : i32 to vector<16xi32>
          %sub3A_1671 = arith.subi %add3A_1668, %sub3A_1670 : vector<16xi32>
          tpu.vector_store_idx %arg24[%sub3A_1671], %get3A_1654 masked %lt3A_1658 : memref<64xi32, #tpu.memory_space<vmem>>[vector<16xi32>], vector<16xi32>, vector<16xi1>
          %all_reduce_population_count3A = tpu.all_reduce %lt3A_1658 {dim = 0 : i64, kind = #tpu.reduction_kind<sum>} : vector<16xi1> -> vector<16xi32>
          %reduce_max3A_1672 = arith.constant true
          %reduce_max3A_1673 = vector.broadcast %reduce_max3A_1672 : i1 to vector<16xi1>
          %reduce_max3A_1674 = arith.constant -2147483648 : i32
          %reduce_max3A_1675 = vector.broadcast %reduce_max3A_1674 : i32 to vector<16xi32>
          %reduce_max3A_1676 = arith.xori %all_reduce_population_count3A, %reduce_max3A_1675 : vector<16xi32>
          %reduce_max3A_1677 = tpu.scan <max>, %reduce_max3A_1676 masked %reduce_max3A_1673 : vector<16xi32>, vector<16xi1> -> vector<16xi32>
          %reduce_max3A_1678 = arith.xori %reduce_max3A_1677, %reduce_max3A_1675 : vector<16xi32>
          %reduce_max3A_1679 = vector.extract %reduce_max3A_1678[15] : i32 from vector<16xi32>
          %add3A_1680 = arith.addi %while3A_1650, %reduce_max3A_1679 : i32
          scf.yield %add3A_1680 : i32
        }
        %mul3A_1570 = arith.constant 8192 : i32
        %mul3A_1571 = arith.muli %scan3A_10, %mul3A_1570 : i32
        %get3A = arith.constant 0 : index
        %get3A_1572 = tpu.vector_load %arg24[%get3A] {strides = array<i32>} : memref<64xi32, #tpu.memory_space<vmem>>, vector<16xi32>,
        %get3A_1573 = arith.constant 16 : index
        %get3A_1574 = tpu.vector_load %arg24[%get3A_1573] {strides = array<i32>} : memref<64xi32, #tpu.memory_space<vmem>>, vector<16xi32>,
        %mul3A_1575 = arith.constant 64 : i32
        %mul3A_1576 = arith.muli %add3A, %mul3A_1575 : i32
        %add3A_1577 = arith.addi %mul3A_1576, %scan3A_45 : i32
        %mul3A_1578 = arith.constant 2048 : i32
        %mul3A_1579 = arith.muli %scan3A_10, %mul3A_1578 : i32
        %add3A_1580 = arith.addi %mul3A_1579, %add3A_1577 : i32
        %mul3A_1581 = arith.constant 32 : i32
        %mul3A_1582 = arith.muli %add3A_1580, %mul3A_1581 : i32
        %add3A_1583 = vector.broadcast %mul3A_1571 : i32 to vector<16xi32>
        %add3A_1584 = arith.addi %get3A_1572, %add3A_1583 : vector<16xi32>
        %swap3A_1585 = arith.constant 0 : index
        %swap3A_1586 = tpu.vector_load %arg25[%swap3A_1585] {strides = array<i32>} : memref<32xi32, #tpu.memory_space<vmem>>, vector<16xi32>,
        tpu.vector_store %arg25[%swap3A_1585], %add3A_1584 {strides = array<i32>} : memref<32xi32, #tpu.memory_space<vmem>>, vector<16xi32>,
        %add3A_1587 = vector.broadcast %mul3A_1571 : i32 to vector<16xi32>
        %add3A_1588 = arith.addi %get3A_1574, %add3A_1587 : vector<16xi32>
        %swap3A_1589 = arith.constant 16 : index
        %swap3A_1590 = tpu.vector_load %arg25[%swap3A_1589] {strides = array<i32>} : memref<32xi32, #tpu.memory_space<vmem>>, vector<16xi32>,
        tpu.vector_store %arg25[%swap3A_1589], %add3A_1588 {strides = array<i32>} : memref<32xi32, #tpu.memory_space<vmem>>, vector<16xi32>,
        %dma_start3A = arith.constant 0 : i32
        %dma_start3A_1591 = arith.constant 0 : i32
        %dma_start3A_1592 = tpu.memref_slice %arg8[%dma_start3A, %dma_start3A_1591] : memref<32768x128xf32, #tpu.memory_space<hbm>> -> memref<32768x128xf32, #tpu.memory_space<hbm>>
        tpu.enqueue_indirect_dma source(%dma_start3A_1592 : memref<32768x128xf32, #tpu.memory_space<hbm>>) target(%arg29 : memref<32x128xf32, #tpu.memory_space<vmem>>) offsets(%arg25 : memref<32xi32, #tpu.memory_space<vmem>>) semaphore(%arg31 : memref<!tpu.dma_semaphore, #tpu.memory_space<semaphore_mem>>)
        %gather3A_1593 = tpu.vector_load_idx %arg12[%get3A_1572] : memref<8192xf32, #tpu.memory_space<vmem>>[vector<16xi32>], vector<16xf32>,
        %gather3A_1594 = tpu.vector_load_idx %arg13[%get3A_1572] : memref<8192xf32, #tpu.memory_space<vmem>>[vector<16xi32>], vector<16xf32>,
        %gather3A_1595 = tpu.vector_load_idx %arg14[%get3A_1572] : memref<8192xf32, #tpu.memory_space<vmem>>[vector<16xi32>], vector<16xf32>,
        %sub3A_1596 = arith.subf %gather3A_1593, %gather3A : vector<16xf32>
        %sub3A_1597 = arith.subf %gather3A_1594, %gather3A_48 : vector<16xf32>
        %sub3A_1598 = arith.subf %gather3A_1595, %gather3A_49 : vector<16xf32>
        %mul3A_1599 = arith.mulf %sub3A_1596, %sub3A_1596 : vector<16xf32>
        %mul3A_1600 = arith.mulf %sub3A_1597, %sub3A_1597 : vector<16xf32>
        %add3A_1601 = arith.addf %mul3A_1599, %mul3A_1600 : vector<16xf32>
        %mul3A_1602 = arith.mulf %sub3A_1598, %sub3A_1598 : vector<16xf32>
        %add3A_1603 = arith.addf %add3A_1601, %mul3A_1602 : vector<16xf32>
        %max3A = arith.maximumf %scan3A_46, %add3A_1603 : vector<16xf32>
        %add3A_1604 = arith.constant 0 : i32
        %add3A_1605 = vector.broadcast %add3A_1604 : i32 to vector<16xi32>
        %add3A_1606 = arith.addi %iota3A, %add3A_1605 : vector<16xi32>
        %mul3A_1607 = arith.constant 3 : i32
        %mul3A_1608 = vector.broadcast %mul3A_1607 : i32 to vector<16xi32>
        %mul3A_1609 = arith.muli %add3A_1606, %mul3A_1608 : vector<16xi32>
        tpu.vector_store_idx %arg28[%mul3A_1609], %sub3A_1596 : memref<96xf32, #tpu.memory_space<vmem>>[vector<16xi32>], vector<16xf32>,
        %add3A_1610 = arith.constant 1 : i32
        %add3A_1611 = vector.broadcast %add3A_1610 : i32 to vector<16xi32>
        %add3A_1612 = arith.addi %mul3A_1609, %add3A_1611 : vector<16xi32>
        tpu.vector_store_idx %arg28[%add3A_1612], %sub3A_1597 : memref<96xf32, #tpu.memory_space<vmem>>[vector<16xi32>], vector<16xf32>,
        %add3A_1613 = arith.constant 2 : i32
        %add3A_1614 = vector.broadcast %add3A_1613 : i32 to vector<16xi32>
        %add3A_1615 = arith.addi %mul3A_1609, %add3A_1614 : vector<16xi32>
        tpu.vector_store_idx %arg28[%add3A_1615], %sub3A_1598 : memref<96xf32, #tpu.memory_space<vmem>>[vector<16xi32>], vector<16xf32>,
        %gather3A_1616 = tpu.vector_load_idx %arg12[%get3A_1574] : memref<8192xf32, #tpu.memory_space<vmem>>[vector<16xi32>], vector<16xf32>,
        %gather3A_1617 = tpu.vector_load_idx %arg13[%get3A_1574] : memref<8192xf32, #tpu.memory_space<vmem>>[vector<16xi32>], vector<16xf32>,
        %gather3A_1618 = tpu.vector_load_idx %arg14[%get3A_1574] : memref<8192xf32, #tpu.memory_space<vmem>>[vector<16xi32>], vector<16xf32>,
        %sub3A_1619 = arith.subf %gather3A_1616, %gather3A : vector<16xf32>
        %sub3A_1620 = arith.subf %gather3A_1617, %gather3A_48 : vector<16xf32>
        %sub3A_1621 = arith.subf %gather3A_1618, %gather3A_49 : vector<16xf32>
        %mul3A_1622 = arith.mulf %sub3A_1619, %sub3A_1619 : vector<16xf32>
        %mul3A_1623 = arith.mulf %sub3A_1620, %sub3A_1620 : vector<16xf32>
        %add3A_1624 = arith.addf %mul3A_1622, %mul3A_1623 : vector<16xf32>
        %mul3A_1625 = arith.mulf %sub3A_1621, %sub3A_1621 : vector<16xf32>
        %add3A_1626 = arith.addf %add3A_1624, %mul3A_1625 : vector<16xf32>
        %max3A_1627 = arith.maximumf %max3A, %add3A_1626 : vector<16xf32>
        %add3A_1628 = arith.constant 16 : i32
        %add3A_1629 = vector.broadcast %add3A_1628 : i32 to vector<16xi32>
        %add3A_1630 = arith.addi %iota3A, %add3A_1629 : vector<16xi32>
        %mul3A_1631 = arith.constant 3 : i32
        %mul3A_1632 = vector.broadcast %mul3A_1631 : i32 to vector<16xi32>
        %mul3A_1633 = arith.muli %add3A_1630, %mul3A_1632 : vector<16xi32>
        tpu.vector_store_idx %arg28[%mul3A_1633], %sub3A_1619 : memref<96xf32, #tpu.memory_space<vmem>>[vector<16xi32>], vector<16xf32>,
        %add3A_1634 = arith.constant 1 : i32
        %add3A_1635 = vector.broadcast %add3A_1634 : i32 to vector<16xi32>
        %add3A_1636 = arith.addi %mul3A_1633, %add3A_1635 : vector<16xi32>
        tpu.vector_store_idx %arg28[%add3A_1636], %sub3A_1620 : memref<96xf32, #tpu.memory_space<vmem>>[vector<16xi32>], vector<16xf32>,
        %add3A_1637 = arith.constant 2 : i32
        %add3A_1638 = vector.broadcast %add3A_1637 : i32 to vector<16xi32>
        %add3A_1639 = arith.addi %mul3A_1633, %add3A_1638 : vector<16xi32>
        tpu.vector_store_idx %arg28[%add3A_1639], %sub3A_1621 : memref<96xf32, #tpu.memory_space<vmem>>[vector<16xi32>], vector<16xf32>,
        %dma_wait3A = arith.constant 0 : i32
        %dma_wait3A_1640 = arith.constant 0 : i32
        %dma_wait3A_1641 = tpu.memref_slice %arg8[%dma_wait3A, %dma_wait3A_1640] : memref<32768x128xf32, #tpu.memory_space<hbm>> -> memref<32768x128xf32, #tpu.memory_space<hbm>>
        tpu.wait_indirect_dma semaphore(%arg31 : memref<!tpu.dma_semaphore, #tpu.memory_space<semaphore_mem>>) src(%dma_wait3A_1641 : memref<32768x128xf32, #tpu.memory_space<hbm>>) dst(%arg29 : memref<32x128xf32, #tpu.memory_space<vmem>>)
        "tpu.region"() ({
          %run_scoped3A = tpu.sem_alloc : memref<!tpu.dma_semaphore, #tpu.memory_space<semaphore_mem>>
          %dma_start3A_1649 = arith.constant 0 : i32
          %dma_start3A_1650 = tpu.memref_slice %arg9[%mul3A_1582, %dma_start3A_1649] : memref<262144x128xf32, #tpu.memory_space<hbm>> -> memref<32x128xf32, #tpu.memory_space<hbm>>
          %dma_start3A_1651 = arith.constant 0 : i32
          %dma_start3A_1652 = tpu.memref_slice %arg9[%mul3A_1582, %dma_start3A_1651] : memref<262144x128xf32, #tpu.memory_space<hbm>> -> memref<32x128xf32, #tpu.memory_space<hbm>>
          tpu.enqueue_dma source(%arg29 : memref<32x128xf32, #tpu.memory_space<vmem>>) target(%dma_start3A_1652 : memref<32x128xf32, #tpu.memory_space<hbm>>) target_semaphore(%run_scoped3A : memref<!tpu.dma_semaphore, #tpu.memory_space<semaphore_mem>>)
          %dma_wait3A_1653 = arith.constant 0 : i32
          %dma_wait3A_1654 = tpu.memref_slice %arg9[%mul3A_1582, %dma_wait3A_1653] : memref<262144x128xf32, #tpu.memory_space<hbm>> -> memref<32x128xf32, #tpu.memory_space<hbm>>
          %dma_wait3A_1655 = arith.constant 0 : i32
          %dma_wait3A_1656 = tpu.memref_slice %arg9[%mul3A_1582, %dma_wait3A_1655] : memref<262144x128xf32, #tpu.memory_space<hbm>> -> memref<32x128xf32, #tpu.memory_space<hbm>>
          tpu.wait_dma2 semaphore(%run_scoped3A : memref<!tpu.dma_semaphore, #tpu.memory_space<semaphore_mem>>) src(%arg29 : memref<32x128xf32, #tpu.memory_space<vmem>>) dst(%dma_wait3A_1656 : memref<32x128xf32, #tpu.memory_space<hbm>>)
          tpu.yield
        }) : () -> ()
        %mul3A_1642 = arith.constant 2048 : i32
        %mul3A_1643 = arith.muli %scan3A_10, %mul3A_1642 : i32
        %add3A_1644 = arith.addi %mul3A_1643, %add3A_1577 : i32
        %mul3A_1645 = arith.constant 3 : i32
        %mul3A_1646 = arith.muli %add3A_1644, %mul3A_1645 : i32
        %mul3A_1647 = arith.constant 32 : i32
        %mul3A_1648 = arith.muli %mul3A_1646, %mul3A_1647 : i32
        "tpu.region"() ({
          %run_scoped3A = tpu.sem_alloc : memref<!tpu.dma_semaphore, #tpu.memory_space<semaphore_mem>>
          %dma_start3A_1649 = tpu.memref_slice %arg10[%mul3A_1648] : memref<786432xf32, #tpu.memory_space<hbm>> -> memref<96xf32, #tpu.memory_space<hbm>>
          %dma_start3A_1650 = tpu.memref_slice %arg10[%mul3A_1648] : memref<786432xf32, #tpu.memory_space<hbm>> -> memref<96xf32, #tpu.memory_space<hbm>>
          tpu.enqueue_dma source(%arg28 : memref<96xf32, #tpu.memory_space<vmem>>) target(%dma_start3A_1650 : memref<96xf32, #tpu.memory_space<hbm>>) target_semaphore(%run_scoped3A : memref<!tpu.dma_semaphore, #tpu.memory_space<semaphore_mem>>)
          %dma_wait3A_1651 = tpu.memref_slice %arg10[%mul3A_1648] : memref<786432xf32, #tpu.memory_space<hbm>> -> memref<96xf32, #tpu.memory_space<hbm>>
          %dma_wait3A_1652 = tpu.memref_slice %arg10[%mul3A_1648] : memref<786432xf32, #tpu.memory_space<hbm>> -> memref<96xf32, #tpu.memory_space<hbm>>
          tpu.wait_dma2 semaphore(%run_scoped3A : memref<!tpu.dma_semaphore, #tpu.memory_space<semaphore_mem>>) src(%arg28 : memref<96xf32, #tpu.memory_space<vmem>>) dst(%dma_wait3A_1652 : memref<96xf32, #tpu.memory_space<hbm>>)
          tpu.yield
        }) : () -> ()
        scf.yield %max3A_1627 : vector<16xf32>
      }
      %scan3A_37 = arith.constant 64 : i32
      %swap3A = arith.constant 0 : index
      %swap3A_38 = tpu.vector_load %arg30[%swap3A] {strides = array<i32>} : memref<16xf32, #tpu.memory_space<vmem>>, vector<16xf32>,
      tpu.vector_store %arg30[%swap3A], %scan3A_36 {strides = array<i32>} : memref<16xf32, #tpu.memory_space<vmem>>, vector<16xf32>,
      %mul3A_39 = arith.constant 32 : i32
      %mul3A_40 = arith.muli %scan3A_10, %mul3A_39 : i32
      %add3A_41 = arith.addi %mul3A_40, %add3A : i32
      %mul3A_42 = arith.constant 16 : i32
      %mul3A_43 = arith.muli %add3A_41, %mul3A_42 : i32
      "tpu.region"() ({
        %run_scoped3A = tpu.sem_alloc : memref<!tpu.dma_semaphore, #tpu.memory_space<semaphore_mem>>
        %dma_start3A = tpu.memref_slice %arg11[%mul3A_43] : memref<2048xf32, #tpu.memory_space<hbm>> -> memref<16xf32, #tpu.memory_space<hbm>>
        %dma_start3A_45 = tpu.memref_slice %arg11[%mul3A_43] : memref<2048xf32, #tpu.memory_space<hbm>> -> memref<16xf32, #tpu.memory_space<hbm>>
        tpu.enqueue_dma source(%arg30 : memref<16xf32, #tpu.memory_space<vmem>>) target(%dma_start3A_45 : memref<16xf32, #tpu.memory_space<hbm>>) target_semaphore(%run_scoped3A : memref<!tpu.dma_semaphore, #tpu.memory_space<semaphore_mem>>)
        %dma_wait3A = tpu.memref_slice %arg11[%mul3A_43] : memref<2048xf32, #tpu.memory_space<hbm>> -> memref<16xf32, #tpu.memory_space<hbm>>
        %dma_wait3A_46 = tpu.memref_slice %arg11[%mul3A_43] : memref<2048xf32, #tpu.memory_space<hbm>> -> memref<16xf32, #tpu.memory_space<hbm>>
        tpu.wait_dma2 semaphore(%run_scoped3A : memref<!tpu.dma_semaphore, #tpu.memory_space<semaphore_mem>>) src(%arg30 : memref<16xf32, #tpu.memory_space<vmem>>) dst(%dma_wait3A_46 : memref<16xf32, #tpu.memory_space<hbm>>)
        tpu.yield
      }) : () -> ()
      %scan3A_44 = arith.constant 0 : i32
      scf.yield %scan3A_44 : i32
    }
    %scan3A_9 = arith.constant 4 : i32
    return
  }
}

module attributes {stable_mosaic.version = 14 : i64} {
  func.func @_mlp_body(%arg0: i32, %arg1: i32, %arg2: memref<1x4096x128xf32, #tpu.memory_space<vmem>>, %arg3: memref<1x4096x3xf32, #tpu.memory_space<vmem>>, %arg4: memref<1x128x128xf32, #tpu.memory_space<vmem>>, %arg5: memref<4x512xf32, #tpu.memory_space<vmem>>, %arg6: memref<3x64xf32, #tpu.memory_space<vmem>>, %arg7: memref<128x64xf32, #tpu.memory_space<vmem>>, %arg8: memref<64xf32, #tpu.memory_space<vmem>>, %arg9: memref<64xf32, #tpu.memory_space<vmem>>, %arg10: memref<64xf32, #tpu.memory_space<vmem>>, %arg11: memref<64x128xf32, #tpu.memory_space<vmem>>, %arg12: memref<128xf32, #tpu.memory_space<vmem>>, %arg13: memref<128xf32, #tpu.memory_space<vmem>>, %arg14: memref<128xf32, #tpu.memory_space<vmem>>, %arg15: memref<1x128x128xf32, #tpu.memory_space<vmem>>) attributes {dimension_semantics = [#tpu.dimension_semantics<arbitrary>, #tpu.dimension_semantics<arbitrary>], iteration_bounds = array<i64: 4, 16>, scalar_prefetch = 0 : i64, scratch_operands = 0 : i64, tpu.core_type = #tpu.core_type<tc>, window_params = [{transform_indices = @transform_0, window_bounds = array<i64: 1, 4096, 128>}, {transform_indices = @transform_1, window_bounds = array<i64: 1, 4096, 3>}, {transform_indices = @transform_2, window_bounds = array<i64: 1, 128, 128>}, {pipeline_mode = #tpu.pipeline_mode<synchronous>, transform_indices = @transform_3, window_bounds = array<i64: 4, 512>}, {pipeline_mode = #tpu.pipeline_mode<synchronous>, transform_indices = @transform_4, window_bounds = array<i64: 3, 64>}, {pipeline_mode = #tpu.pipeline_mode<synchronous>, transform_indices = @transform_5, window_bounds = array<i64: 128, 64>}, {pipeline_mode = #tpu.pipeline_mode<synchronous>, transform_indices = @transform_6, window_bounds = array<i64: 64>}, {pipeline_mode = #tpu.pipeline_mode<synchronous>, transform_indices = @transform_7, window_bounds = array<i64: 64>}, {pipeline_mode = #tpu.pipeline_mode<synchronous>, transform_indices = @transform_8, window_bounds = array<i64: 64>}, {pipeline_mode = #tpu.pipeline_mode<synchronous>, transform_indices = @transform_9, window_bounds = array<i64: 64, 128>}, {pipeline_mode = #tpu.pipeline_mode<synchronous>, transform_indices = @transform_10, window_bounds = array<i64: 128>}, {pipeline_mode = #tpu.pipeline_mode<synchronous>, transform_indices = @transform_11, window_bounds = array<i64: 128>}, {pipeline_mode = #tpu.pipeline_mode<synchronous>, transform_indices = @transform_12, window_bounds = array<i64: 128>}, {transform_indices = @transform_13, window_bounds = array<i64: 1, 128, 128>}]} {
    %get3A = arith.index_cast %arg0 : i32 to index
    %get3A_0 = arith.constant 0 : index
    %get3A_1 = vector.load %arg5[%get3A, %get3A_0] : memref<4x512xf32, #tpu.memory_space<vmem>>, vector<1x512xf32>
    %get3A_2 = vector.shape_cast %get3A_1 : vector<1x512xf32> to vector<512xf32>
    %reduce_max3A = vector.shape_cast %get3A_2 : vector<512xf32> to vector<1x512xf32>
    %reduce_max3A_3 = arith.constant dense<0xFF800000> : vector<1xf32>
    %reduce_max3A_4 = vector.multi_reduction <maximumf>, %reduce_max3A, %reduce_max3A_3 [1] : vector<1x512xf32> to vector<1xf32>
    %reduce_max3A_5 = vector.shape_cast %reduce_max3A_4 : vector<1xf32> to vector<1x1xf32>
    %reduce_max3A_6 = vector.extract %reduce_max3A_5[0, 0] : f32 from vector<1x1xf32>
    %sqrt3A = math.sqrt %reduce_max3A_6 : f32
    %div3A = arith.constant 1.000000e+00 : f32
    %div3A_7 = arith.divf %div3A, %sqrt3A : f32
    %get3A_8 = arith.constant 0 : index
    %get3A_9 = arith.constant 0 : index
    %get3A_10 = arith.constant 0 : index
    %get3A_11 = vector.load %arg2[%get3A_8, %get3A_9, %get3A_10] : memref<1x4096x128xf32, #tpu.memory_space<vmem>>, vector<1x4096x128xf32>
    %get3A_12 = vector.shape_cast %get3A_11 : vector<1x4096x128xf32> to vector<4096x128xf32>
    %get3A_13 = arith.constant 0 : index
    %get3A_14 = arith.constant 0 : index
    %get3A_15 = arith.constant 0 : index
    %get3A_16 = vector.load %arg3[%get3A_13, %get3A_14, %get3A_15] : memref<1x4096x3xf32, #tpu.memory_space<vmem>>, vector<1x4096x3xf32>
    %get3A_17 = vector.shape_cast %get3A_16 : vector<1x4096x3xf32> to vector<4096x3xf32>
    %mul3A = vector.broadcast %div3A_7 : f32 to vector<4096x3xf32>
    %mul3A_18 = arith.mulf %get3A_17, %mul3A : vector<4096x3xf32>
    %get3A_19 = arith.constant 0 : index
    %get3A_20 = arith.constant 0 : index
    %get3A_21 = arith.constant 0 : index
    %get3A_22 = vector.load %arg4[%get3A_19, %get3A_20, %get3A_21] : memref<1x128x128xf32, #tpu.memory_space<vmem>>, vector<1x128x128xf32>
    %get3A_23 = vector.shape_cast %get3A_22 : vector<1x128x128xf32> to vector<128x128xf32>
    %get3A_24 = arith.constant 0 : index
    %get3A_25 = arith.constant 0 : index
    %get3A_26 = vector.load %arg6[%get3A_24, %get3A_25] : memref<3x64xf32, #tpu.memory_space<vmem>>, vector<3x64xf32>
    %dot_general3A = arith.constant dense<0.000000e+00> : vector<4096x64xf32>
    %dot_general3A_27 = tpu.matmul %mul3A_18, %get3A_26, %dot_general3A {dimension_numbers = #tpu.dot_dimension_numbers<[1], [0], [0], [1], [0, 0, 1, 1], [], []>, transpose_lhs_hint = false} : vector<4096x3xf32>, vector<3x64xf32>, vector<4096x64xf32> -> vector<4096x64xf32>
    %get3A_28 = arith.constant 0 : index
    %get3A_29 = arith.constant 0 : index
    %get3A_30 = vector.load %arg7[%get3A_28, %get3A_29] : memref<128x64xf32, #tpu.memory_space<vmem>>, vector<128x64xf32>
    %dot_general3A_31 = arith.constant dense<0.000000e+00> : vector<4096x64xf32>
    %dot_general3A_32 = tpu.matmul %get3A_12, %get3A_30, %dot_general3A_31 {dimension_numbers = #tpu.dot_dimension_numbers<[1], [0], [0], [1], [0, 0, 1, 1], [], []>, transpose_lhs_hint = false} : vector<4096x128xf32>, vector<128x64xf32>, vector<4096x64xf32> -> vector<4096x64xf32>
    %add3A = arith.addf %dot_general3A_27, %dot_general3A_32 : vector<4096x64xf32>
    %get3A_33 = arith.constant 0 : index
    %get3A_34 = arith.constant 0 : index
    %get3A_35 = vector.load %arg7[%get3A_33, %get3A_34] : memref<128x64xf32, #tpu.memory_space<vmem>>, vector<128x64xf32>
    %dot_general3A_36 = arith.constant dense<0.000000e+00> : vector<128x64xf32>
    %dot_general3A_37 = tpu.matmul %get3A_23, %get3A_35, %dot_general3A_36 {dimension_numbers = #tpu.dot_dimension_numbers<[1], [0], [0], [1], [0, 0, 1, 1], [], []>, transpose_lhs_hint = false} : vector<128x128xf32>, vector<128x64xf32>, vector<128x64xf32> -> vector<128x64xf32>
    %broadcast_in_dim3A = vector.shape_cast %dot_general3A_37 : vector<128x64xf32> to vector<128x1x64xf32>
    %broadcast_in_dim3A_38 = vector.broadcast %broadcast_in_dim3A : vector<128x1x64xf32> to vector<128x32x64xf32>
    %reshape3A = vector.shape_cast %broadcast_in_dim3A_38 : vector<128x32x64xf32> to vector<4096x64xf32>
    %sub3A = arith.subf %add3A, %reshape3A : vector<4096x64xf32>
    %get3A_39 = arith.constant 0 : index
    %get3A_40 = vector.load %arg8[%get3A_39] : memref<64xf32, #tpu.memory_space<vmem>>, vector<64xf32>
    %broadcast_in_dim3A_41 = vector.shape_cast %get3A_40 : vector<64xf32> to vector<1x64xf32>
    %add3A_42 = vector.broadcast %broadcast_in_dim3A_41 : vector<1x64xf32> to vector<4096x64xf32>
    %add3A_43 = arith.addf %sub3A, %add3A_42 : vector<4096x64xf32>
    %reduce_sum3A = arith.constant dense<0.000000e+00> : vector<4096xf32>
    %reduce_sum3A_44 = vector.multi_reduction <add>, %add3A_43, %reduce_sum3A [1] : vector<4096x64xf32> to vector<4096xf32>
    %broadcast_in_dim3A_45 = vector.shape_cast %reduce_sum3A_44 : vector<4096xf32> to vector<4096x1xf32>
    %div3A_46 = arith.constant 6.400000e+01 : f32
    %div3A_47 = vector.broadcast %div3A_46 : f32 to vector<4096x1xf32>
    %div3A_48 = arith.divf %broadcast_in_dim3A_45, %div3A_47 : vector<4096x1xf32>
    %sub3A_49 = vector.broadcast %div3A_48 : vector<4096x1xf32> to vector<4096x64xf32>
    %sub3A_50 = arith.subf %add3A_43, %sub3A_49 : vector<4096x64xf32>
    %integer_pow3A = arith.mulf %sub3A_50, %sub3A_50 : vector<4096x64xf32>
    %reduce_sum3A_51 = arith.constant dense<0.000000e+00> : vector<4096xf32>
    %reduce_sum3A_52 = vector.multi_reduction <add>, %integer_pow3A, %reduce_sum3A_51 [1] : vector<4096x64xf32> to vector<4096xf32>
    %broadcast_in_dim3A_53 = vector.shape_cast %reduce_sum3A_52 : vector<4096xf32> to vector<4096x1xf32>
    %div3A_54 = arith.constant 6.400000e+01 : f32
    %div3A_55 = vector.broadcast %div3A_54 : f32 to vector<4096x1xf32>
    %div3A_56 = arith.divf %broadcast_in_dim3A_53, %div3A_55 : vector<4096x1xf32>
    %sub3A_57 = vector.broadcast %div3A_48 : vector<4096x1xf32> to vector<4096x64xf32>
    %sub3A_58 = arith.subf %add3A_43, %sub3A_57 : vector<4096x64xf32>
    %add3A_59 = arith.constant 9.99999997E-7 : f32
    %add3A_60 = vector.broadcast %add3A_59 : f32 to vector<4096x1xf32>
    %add3A_61 = arith.addf %div3A_56, %add3A_60 : vector<4096x1xf32>
    %sqrt3A_62 = math.sqrt %add3A_61 : vector<4096x1xf32>
    %div3A_63 = vector.broadcast %sqrt3A_62 : vector<4096x1xf32> to vector<4096x64xf32>
    %div3A_64 = arith.divf %sub3A_58, %div3A_63 : vector<4096x64xf32>
    %get3A_65 = arith.constant 0 : index
    %get3A_66 = vector.load %arg9[%get3A_65] : memref<64xf32, #tpu.memory_space<vmem>>, vector<64xf32>
    %broadcast_in_dim3A_67 = vector.shape_cast %get3A_66 : vector<64xf32> to vector<1x64xf32>
    %mul3A_68 = vector.broadcast %broadcast_in_dim3A_67 : vector<1x64xf32> to vector<4096x64xf32>
    %mul3A_69 = arith.mulf %div3A_64, %mul3A_68 : vector<4096x64xf32>
    %get3A_70 = arith.constant 0 : index
    %get3A_71 = vector.load %arg10[%get3A_70] : memref<64xf32, #tpu.memory_space<vmem>>, vector<64xf32>
    %broadcast_in_dim3A_72 = vector.shape_cast %get3A_71 : vector<64xf32> to vector<1x64xf32>
    %add3A_73 = vector.broadcast %broadcast_in_dim3A_72 : vector<1x64xf32> to vector<4096x64xf32>
    %add3A_74 = arith.addf %mul3A_69, %add3A_73 : vector<4096x64xf32>
    %max3A = arith.constant 0.000000e+00 : f32
    %max3A_75 = vector.broadcast %max3A : f32 to vector<4096x64xf32>
    %max3A_76 = arith.maximumf %add3A_74, %max3A_75 : vector<4096x64xf32>
    %get3A_77 = arith.constant 0 : index
    %get3A_78 = arith.constant 0 : index
    %get3A_79 = vector.load %arg11[%get3A_77, %get3A_78] : memref<64x128xf32, #tpu.memory_space<vmem>>, vector<64x128xf32>
    %dot_general3A_80 = arith.constant dense<0.000000e+00> : vector<4096x128xf32>
    %dot_general3A_81 = tpu.matmul %max3A_76, %get3A_79, %dot_general3A_80 {dimension_numbers = #tpu.dot_dimension_numbers<[1], [0], [0], [1], [0, 0, 1, 1], [], []>, transpose_lhs_hint = false} : vector<4096x64xf32>, vector<64x128xf32>, vector<4096x128xf32> -> vector<4096x128xf32>
    %get3A_82 = arith.constant 0 : index
    %get3A_83 = vector.load %arg12[%get3A_82] : memref<128xf32, #tpu.memory_space<vmem>>, vector<128xf32>
    %broadcast_in_dim3A_84 = vector.shape_cast %get3A_83 : vector<128xf32> to vector<1x128xf32>
    %add3A_85 = vector.broadcast %broadcast_in_dim3A_84 : vector<1x128xf32> to vector<4096x128xf32>
    %add3A_86 = arith.addf %dot_general3A_81, %add3A_85 : vector<4096x128xf32>
    %reduce_sum3A_87 = arith.constant dense<0.000000e+00> : vector<4096xf32>
    %reduce_sum3A_88 = vector.multi_reduction <add>, %add3A_86, %reduce_sum3A_87 [1] : vector<4096x128xf32> to vector<4096xf32>
    %broadcast_in_dim3A_89 = vector.shape_cast %reduce_sum3A_88 : vector<4096xf32> to vector<4096x1xf32>
    %div3A_90 = arith.constant 1.280000e+02 : f32
    %div3A_91 = vector.broadcast %div3A_90 : f32 to vector<4096x1xf32>
    %div3A_92 = arith.divf %broadcast_in_dim3A_89, %div3A_91 : vector<4096x1xf32>
    %sub3A_93 = vector.broadcast %div3A_92 : vector<4096x1xf32> to vector<4096x128xf32>
    %sub3A_94 = arith.subf %add3A_86, %sub3A_93 : vector<4096x128xf32>
    %integer_pow3A_95 = arith.mulf %sub3A_94, %sub3A_94 : vector<4096x128xf32>
    %reduce_sum3A_96 = arith.constant dense<0.000000e+00> : vector<4096xf32>
    %reduce_sum3A_97 = vector.multi_reduction <add>, %integer_pow3A_95, %reduce_sum3A_96 [1] : vector<4096x128xf32> to vector<4096xf32>
    %broadcast_in_dim3A_98 = vector.shape_cast %reduce_sum3A_97 : vector<4096xf32> to vector<4096x1xf32>
    %div3A_99 = arith.constant 1.280000e+02 : f32
    %div3A_100 = vector.broadcast %div3A_99 : f32 to vector<4096x1xf32>
    %div3A_101 = arith.divf %broadcast_in_dim3A_98, %div3A_100 : vector<4096x1xf32>
    %sub3A_102 = vector.broadcast %div3A_92 : vector<4096x1xf32> to vector<4096x128xf32>
    %sub3A_103 = arith.subf %add3A_86, %sub3A_102 : vector<4096x128xf32>
    %add3A_104 = arith.constant 9.99999997E-7 : f32
    %add3A_105 = vector.broadcast %add3A_104 : f32 to vector<4096x1xf32>
    %add3A_106 = arith.addf %div3A_101, %add3A_105 : vector<4096x1xf32>
    %sqrt3A_107 = math.sqrt %add3A_106 : vector<4096x1xf32>
    %div3A_108 = vector.broadcast %sqrt3A_107 : vector<4096x1xf32> to vector<4096x128xf32>
    %div3A_109 = arith.divf %sub3A_103, %div3A_108 : vector<4096x128xf32>
    %get3A_110 = arith.constant 0 : index
    %get3A_111 = vector.load %arg13[%get3A_110] : memref<128xf32, #tpu.memory_space<vmem>>, vector<128xf32>
    %broadcast_in_dim3A_112 = vector.shape_cast %get3A_111 : vector<128xf32> to vector<1x128xf32>
    %mul3A_113 = vector.broadcast %broadcast_in_dim3A_112 : vector<1x128xf32> to vector<4096x128xf32>
    %mul3A_114 = arith.mulf %div3A_109, %mul3A_113 : vector<4096x128xf32>
    %get3A_115 = arith.constant 0 : index
    %get3A_116 = vector.load %arg14[%get3A_115] : memref<128xf32, #tpu.memory_space<vmem>>, vector<128xf32>
    %broadcast_in_dim3A_117 = vector.shape_cast %get3A_116 : vector<128xf32> to vector<1x128xf32>
    %add3A_118 = vector.broadcast %broadcast_in_dim3A_117 : vector<1x128xf32> to vector<4096x128xf32>
    %add3A_119 = arith.addf %mul3A_114, %add3A_118 : vector<4096x128xf32>
    %max3A_120 = arith.constant 0.000000e+00 : f32
    %max3A_121 = vector.broadcast %max3A_120 : f32 to vector<4096x128xf32>
    %max3A_122 = arith.maximumf %add3A_119, %max3A_121 : vector<4096x128xf32>
    %reshape3A_123 = vector.shape_cast %max3A_122 : vector<4096x128xf32> to vector<128x32x128xf32>
    %reduce_max3A_124 = arith.constant dense<0xFF800000> : vector<128x128xf32>
    %reduce_max3A_125 = vector.multi_reduction <maximumf>, %reshape3A_123, %reduce_max3A_124 [1] : vector<128x32x128xf32> to vector<128x128xf32>
    %swap3A = arith.constant 0 : index
    %swap3A_126 = arith.constant 0 : index
    %swap3A_127 = arith.constant 0 : index
    %swap3A_128 = vector.load %arg15[%swap3A, %swap3A_126, %swap3A_127] : memref<1x128x128xf32, #tpu.memory_space<vmem>>, vector<1x128x128xf32>
    %swap3A_129 = vector.shape_cast %swap3A_128 : vector<1x128x128xf32> to vector<128x128xf32>
    %swap3A_130 = vector.shape_cast %reduce_max3A_125 : vector<128x128xf32> to vector<1x128x128xf32>
    tpu.vector_store %arg15[%swap3A, %swap3A_126, %swap3A_127], %swap3A_130 {strides = array<i32>} : memref<1x128x128xf32, #tpu.memory_space<vmem>>, vector<1x128x128xf32>,
    return
  }
  func.func @transform_0(%arg0: i32, %arg1: i32) -> (i32, i32, i32) {
    %c0_i32 = arith.constant 0 : i32
    %c0_i32_0 = arith.constant 0 : i32
    return %arg0, %arg1, %c0_i32 : i32, i32, i32
  }
  func.func @transform_1(%arg0: i32, %arg1: i32) -> (i32, i32, i32) {
    %c0_i32 = arith.constant 0 : i32
    %c0_i32_0 = arith.constant 0 : i32
    return %arg0, %arg1, %c0_i32 : i32, i32, i32
  }
  func.func @transform_2(%arg0: i32, %arg1: i32) -> (i32, i32, i32) {
    %c0_i32 = arith.constant 0 : i32
    %c0_i32_0 = arith.constant 0 : i32
    return %arg0, %arg1, %c0_i32 : i32, i32, i32
  }
  func.func @transform_3(%arg0: i32, %arg1: i32) -> (i32, i32) {
    %c0_i32 = arith.constant 0 : i32
    %c0_i32_0 = arith.constant 0 : i32
    %c0_i32_1 = arith.constant 0 : i32
    return %c0_i32, %c0_i32_0 : i32, i32
  }
  func.func @transform_4(%arg0: i32, %arg1: i32) -> (i32, i32) {
    %c0_i32 = arith.constant 0 : i32
    %c0_i32_0 = arith.constant 0 : i32
    %c0_i32_1 = arith.constant 0 : i32
    return %c0_i32, %c0_i32_0 : i32, i32
  }
  func.func @transform_5(%arg0: i32, %arg1: i32) -> (i32, i32) {
    %c0_i32 = arith.constant 0 : i32
    %c0_i32_0 = arith.constant 0 : i32
    %c0_i32_1 = arith.constant 0 : i32
    return %c0_i32, %c0_i32_0 : i32, i32
  }
  func.func @transform_6(%arg0: i32, %arg1: i32) -> i32 {
    %c0_i32 = arith.constant 0 : i32
    %c0_i32_0 = arith.constant 0 : i32
    return %c0_i32 : i32
  }
  func.func @transform_7(%arg0: i32, %arg1: i32) -> i32 {
    %c0_i32 = arith.constant 0 : i32
    %c0_i32_0 = arith.constant 0 : i32
    return %c0_i32 : i32
  }
  func.func @transform_8(%arg0: i32, %arg1: i32) -> i32 {
    %c0_i32 = arith.constant 0 : i32
    %c0_i32_0 = arith.constant 0 : i32
    return %c0_i32 : i32
  }
  func.func @transform_9(%arg0: i32, %arg1: i32) -> (i32, i32) {
    %c0_i32 = arith.constant 0 : i32
    %c0_i32_0 = arith.constant 0 : i32
    %c0_i32_1 = arith.constant 0 : i32
    return %c0_i32, %c0_i32_0 : i32, i32
  }
  func.func @transform_10(%arg0: i32, %arg1: i32) -> i32 {
    %c0_i32 = arith.constant 0 : i32
    %c0_i32_0 = arith.constant 0 : i32
    return %c0_i32 : i32
  }
  func.func @transform_11(%arg0: i32, %arg1: i32) -> i32 {
    %c0_i32 = arith.constant 0 : i32
    %c0_i32_0 = arith.constant 0 : i32
    return %c0_i32 : i32
  }
  func.func @transform_12(%arg0: i32, %arg1: i32) -> i32 {
    %c0_i32 = arith.constant 0 : i32
    %c0_i32_0 = arith.constant 0 : i32
    return %c0_i32 : i32
  }
  func.func @transform_13(%arg0: i32, %arg1: i32) -> (i32, i32, i32) {
    %c0_i32 = arith.constant 0 : i32
    %c0_i32_0 = arith.constant 0 : i32
    return %arg0, %arg1, %c0_i32 : i32, i32, i32
  }
}

</mosaic_0001>

<sc_bundles>
// kernel: kernel.4.cloned.1.call-start
scs
__scs_entry_jumppad:
0x0: {  	(pc) =	sbr.rel $0x88, $3  }
0x1: {  	(tag) =	ssettag $0x0;
	lr =	simm.s32 $0x1  }
0x2: {  	[smem:$0x3F95] =	sst lr;
	_ =	strace $0xD0000000  }
0x3: {  	_ = 	snop  }
0x4: {  	_ = 	snop  }
0x5: {  	_ = 	snop  }
0x6: {  	_ = 	snop  }
0x7: {  	_ = 	snop  }
__scs_overlays_trampoline_lowered:
0x8: {  	[smem:$0x3FA4] =	sst s0  }
0x9: {  	[smem:$0x3FA5] =	sst s1  }
0xa: {  	[smem:$0x3FA6] =	sst s2  }
0xb: {  	[smem:$0x3FA7] =	sst s3  }
0xc: {  	[smem:$0x3FA8] =	sst s4  }
0xd: {  	[smem:$0x3FA9] =	sst s5  }
0xe: {  	[smem:$0x3FAA] =	sst s6  }
0xf: {  	[smem:$0x3FAB] =	sst s7  }
0x10: {  	[smem:$0x3FAC] =	sst s8  }
0x11: {  	[smem:$0x3FAD] =	sst s9;
	s0 =	simm.s32 @!p0 $0x0  }
0x12: {  	s1 =	sld [smem:$0x3F93];
	s0 =	simm.s32 @p0 $0x1  }
0x13: {  	[smem:$0x3FAE] =	sst s0;
	s0 =	simm.s32 @!p1 $0x0  }
0x14: {  	s2 =	sld [smem:$0x3F92];
	s0 =	simm.s32 @p1 $0x1  }
0x15: {  	[smem:$0x3FAF] =	sst s0;
	s0 =	simm.s32 @!p2 $0x0  }
0x16: {  	s3 =	sld [smem:$0x3FDB];
	s0 =	simm.s32 @p2 $0x1  }
0x17: {  	s4 =	simm.s32 $0x1BF5;
	[smem:$0x3FB1] =	sst s0  }
0x18: {  	s0 =	sld [smem:$0x3F94];
	_ =	swait.ge [sflag:s4], $0x0  }
0x19: {  	s7 =	sld [smem:$0x3F95]  }
0x1a: {  	s8 =	sadd.s32 $0xFFFFE003, lr  }
0x1b: {  	s9 =	sadd.s32 $0xFFFFFEF7, lr;
	s5 =	simm.s32 $0xFFFFFFFF;
	p2 =	slt.u32 s8, $0xFFFFF086  }
0x1c: {  	p1 =	slt.u32 s9, $0xF7A;
	s5 =	simm.s32 @!p2 $0x0  }
0x1d: {  	s5 =	simm.s32 @p1 $0x1;
	p0 =	seq.s32 s7, s2  }
0x1e: {  	s7 =	smul.u32 @!p0 $0xF7A, s2;
	p2 =	seq.s32 @!p0 s5, $0x0  }
0x1f: {  	s9 =	smul.u32 $0xF7A, s1;
	s8 =	simm.s32 @!p0 $0x1BF5;
	p2 =	por !p2, p0  }
0x20: {  	[sflag:s8] =	ssyncset.s32 @!p0 $0xFFFFF086;
	s6 =	sadd.s32 @!p0 s3, s7;
	s7 =	simm.s32 @!p0 $0x108  }
0x21: {  	s3 =	sadd.s32 s3, s9;
	s6 =	sadd.s32 @!p0 $0x88, s6;
	s7 =	simm.s32 @p2 $0x1082  }
0x22: {  	[simem:s7], [sflag:s8] =	dma.local @!p0 [hbm:s6], $0xF7A  }
0x23: {  	s9 =	sor.u32 $0xD0000000, s2;
	s6 =	simm.s32 $0x108;
	_ =	swait.ge @!p0 [sflag:s8], $0x0  }
0x24: {  	s3 =	sadd.s32 $0x88, s3;
	s6 =	simm.s32 @!p1 $0x1082;
	[sflag:s4] =	ssyncset.s32 $0xFFFFF086  }
0x25: {  	[simem:s6], [sflag:s4] =	dma.local [hbm:s3], $0xF7A  }
0x26: {  	[smem:$0x3F95] =	sst s1;
	(tag) =	ssettag s2;
	_ =	strace s9  }
0x27: {  	s1 =	sld [smem:$0x3FA5]  }
0x28: {  	s2 =	sld [smem:$0x3FA6]  }
0x29: {  	s4 =	sld [smem:$0x3FA8]  }
0x2a: {  	p0 =	seq.s32 s5, $0x0;
	s5 =	sld [smem:$0x3FA9]  }
0x2b: {  	s6 =	sld [smem:$0x3FAA]  }
0x2c: {  	s7 =	sld [smem:$0x3FAB]  }
0x2d: {  	s3 =	simm.s32 $0x108;
	s8 =	sld [smem:$0x3FAC]  }
0x2e: {  	s3 =	simm.s32 @!p0 $0x1082;
	s9 =	sld [smem:$0x3FAD]  }
0x2f: {  	lr =	sadd.s32 s0, s3;
	s0 =	sld [smem:$0x3FA4]  }
0x30: {  	s3 =	sld [smem:$0x3FA7]  }
0x31: {  	[smem:$0x3FB0] =	sst s10  }
0x32: {  	s10 =	sld [smem:$0x3FAE];
	_ =	sdelay $0x3  }
0x33: {  	p0 =	seq.s32 s10, $0x1;
	s10 =	sld [smem:$0x3FB0];
	_ =	sdelay $0x3  }
0x34: {  	[smem:$0x3FB0] =	sst s10  }
0x35: {  	s10 =	sld [smem:$0x3FAF];
	_ =	sdelay $0x3  }
0x36: {  	p1 =	seq.s32 s10, $0x1;
	s10 =	sld [smem:$0x3FB0];
	_ =	sdelay $0x3  }
0x37: {  	[smem:$0x3FB0] =	sst s10  }
0x38: {  	s10 =	sld [smem:$0x3FB1]  }
0x39: {  	_ = 	snop;
	(pc) =	sbr.ind lr, $3  }
0x3a: {  	_ = 	snop  }
0x3b: {  	_ = 	snop  }
0x3c: {  	p2 =	seq.s32 s10, $0x1;
	s10 =	sld [smem:$0x3FB0]  }
0x3d: {  	_ =	shalt  }
0x3e: {  	_ =	shalt  }
0x3f: {  	_ =	shalt  }
0x40: {  	_ =	shalt  }
0x41: {  	_ =	shalt  }
0x42: {  	_ =	shalt  }
0x43: {  	_ =	shalt  }
0x44: {  	_ =	shalt  }
0x45: {  	_ =	shalt  }
0x46: {  	_ =	shalt  }
0x47: {  	_ =	shalt  }
0x48: {  	_ =	shalt  }
0x49: {  	_ =	shalt  }
0x4a: {  	_ =	shalt  }
0x4b: {  	_ =	shalt  }
0x4c: {  	_ =	shalt  }
0x4d: {  	_ =	shalt  }
0x4e: {  	_ =	shalt  }
0x4f: {  	_ =	shalt  }
0x50: {  	_ =	shalt  }
0x51: {  	_ =	shalt  }
0x52: {  	_ =	shalt  }
0x53: {  	_ =	shalt  }
0x54: {  	_ =	shalt  }
0x55: {  	_ =	shalt  }
0x56: {  	_ =	shalt  }
0x57: {  	_ =	shalt  }
0x58: {  	_ =	shalt  }
0x59: {  	_ =	shalt  }
0x5a: {  	_ =	shalt  }
0x5b: {  	_ =	shalt  }
0x5c: {  	_ =	shalt  }
0x5d: {  	_ =	shalt  }
0x5e: {  	_ =	shalt  }
0x5f: {  	_ =	shalt  }
0x60: {  	_ =	shalt  }
0x61: {  	_ =	shalt  }
0x62: {  	_ =	shalt  }
0x63: {  	_ =	shalt  }
0x64: {  	_ =	shalt  }
0x65: {  	_ =	shalt  }
0x66: {  	_ =	shalt  }
0x67: {  	_ =	shalt  }
0x68: {  	_ =	shalt  }
0x69: {  	_ =	shalt  }
0x6a: {  	_ =	shalt  }
0x6b: {  	_ =	shalt  }
0x6c: {  	_ =	shalt  }
0x6d: {  	_ =	shalt  }
0x6e: {  	_ =	shalt  }
0x6f: {  	_ =	shalt  }
0x70: {  	_ =	shalt  }
0x71: {  	_ =	shalt  }
0x72: {  	_ =	shalt  }
0x73: {  	_ =	shalt  }
0x74: {  	_ =	shalt  }
0x75: {  	_ =	shalt  }
0x76: {  	_ =	shalt  }
0x77: {  	_ =	shalt  }
0x78: {  	_ =	shalt  }
0x79: {  	_ =	shalt  }
0x7a: {  	_ =	shalt  }
0x7b: {  	_ =	shalt  }
0x7c: {  	_ =	shalt  }
0x7d: {  	_ =	shalt  }
0x7e: {  	_ =	shalt  }
0x7f: {  	_ =	shalt  }
0x80: {  	_ =	shalt  }
0x81: {  	_ =	shalt  }
0x82: {  	_ =	shalt  }
0x83: {  	_ =	shalt  }
0x84: {  	_ =	shalt  }
0x85: {  	_ =	shalt  }
0x86: {  	_ =	shalt  }
0x87: {  	_ =	shalt  }
.Lfunc_end0:
.L_simem_size_0:
called_computation_lowered:
.L_overlay_start_0:
0x88: {  	s2 =	sld [smem:$0x3FD9]  }
0x89: {  	s3 =	sld [smem:$0x3FFE];
	_ =	sdelay $0x1  }
0x8a: {  	s1 =	srdreg.scid  }
0x8b: {  	s0 =	sand.u32 $0x1, s1  }
0x8c: {  	s17 =	sshll.u32 s0, $0xA;
	s2 =	sadd.s32 s3, s2  }
0x8d: {  	s2 =	sadd.s32 s2, s17  }
0x8e: {  	[smem:$0x3FBC] =	sst s2  }
0x8f: {  	_ = 	snop  }
0x90: {  	s2 =	sld [smem:$0x3FC9]  }
0x91: {  	s18 =	sld [smem:$0x3FD0];
	(tm) =	ssettm $0x1  }
0x92: {  	s4 =	sld [smem:$0x3FFB];
	_ =	sdelay $0x3  }
0x93: {  	_ =	strace s4  }
0x94: {  	s4 =	sld [smem:$0x3FFC];
	_ =	sdelay $0x3  }
0x95: {  	_ =	strace s4  }
0x96: {  	s4 =	sld [smem:$0x3FFD];
	_ =	sdelay $0x3  }
0x97: {  	_ =	strace s4  }
0x98: {  	_ =	strace $0x8FFFFFFF  }
0x99: {  	s19 =	sld [smem:$0x3FDB];
	_ =	sdelay $0x1  }
0x9a: {  	s5 =	simm.s32 $_scs_section_size  }
0x9b: {  	s6 =	simm.s32 $_size__tile_overlayer_lowered;
	s7 =	simm.s32 $_tile_overlayer_lowered  }
0x9c: {  	s22 =	simm.s32 $0x1BFF;
	s21 =	sshll.u32 s7, $0x1;
	s4 =	sadd.s32 s5, s19  }
0x9d: {  	s8 =	simm.s32 $0x0;
	s20 =	sshll.u32 s6, $0x1;
	s6 =	sadd.s32 s21, s4  }
0x9e: {  	[timem:s8], [sflag:s22] =	dma.local [hbm:s6], s20  }
0x9f: {  	_ =	swait.ge [sflag:s22], s20  }
0xa0: {  	s5 =	ssub.s32 $0x0, s20;
	[sflag:s22] =	ssyncset.done $0x0  }
0xa1: {  	[sflag:s22] =	ssyncadd.s32 s5;
	_ =	sdelay $0x1  }
0xa2: {  	s23 =	simm.s32 $0x1B8B  }
0xa3: {  	_ =	swait.ge [sflag:s23], $0x1  }
0xa4: {  	[sflag:s23] =	ssyncset.done $0x0  }
0xa5: {  	s25 =	simm.s32 $0x1B8E;
	s24 =	sld [smem:$0x3FFE];
	[sflag:s23] =	ssyncadd.s32 $0xFFFFFFFF  }
0xa6: {  	s26 =	simm.s32 $execute0_lowered;
	[smem:$0x3FD2] =	sst s25  }
0xa7: {  	s6 =	sshll.u32 s26, $0x1;
	_ =	strace $0x80000046;
	[dreg:$0x1] =	wrdreg $0xFFFFFFFF  }
0xa8: {  	s28 =	simm.s32 $_size_execute0_lowered;
	s4 =	sadd.s32 s4, s6;
	[dreg:$0x0] =	wrdreg $0x0  }
0xa9: {  	s6 =	sshll.u32 s28, $0x1;
	[dreg:$0x2] =	wrdreg s4  }
0xaa: {  	[dreg:$0x3] =	wrdreg s6  }
0xab: {  	[dreg:$0x4] =	wrdreg $0xC0  }
0xac: {  	_ =	task [dreg:s8], $0x5FFFF  }
0xad: {  	[dreg:$0x1] =	wrdreg $0xFFFFFFFF  }
0xae: {  	[dreg:$0x0] =	wrdreg $0x60  }
0xaf: {  	[dreg:$0x2] =	wrdreg s24  }
0xb0: {  	[dreg:$0x3] =	wrdreg s2  }
0xb1: {  	[dreg:$0x4] =	wrdreg s18  }
0xb2: {  	[dreg:$0x5] =	wrdreg $0x9  }
0xb3: {  	_ =	task.clear_ibuf [dreg:s8], $0x6FFFF;
	_ =	strace $0x90000046  }
0xb4: {  	s29 =	simm.s32 $0x9;
	_ =	strace $0x80000048  }
0xb5: {  	_ =	swait.ge [sflag:s29], $0x1  }
0xb6: {  	[sflag:s29] =	ssyncadd.s32 $0xFFFFFFFF  }
0xb7: {  	_ =	strace $0x90000048  }
0xb8: {  	_ =	sfence  }
0xb9: {  	s30 =	sld [smem:$0x0];
	_ =	sdelay $0x2  }
0xba: {  	s31 =	sshll.u32 s1, $0xD;
	s1 =	sshrl.u32 s1, $0x2  }
0xbb: {  	s3 =	sand.u32 $0x4000, s31;
	s1 =	sadd.s32 s1, s30  }
0xbc: {  	s0 =	sor.u32 s3, s0;
	s1 =	sshll.u32 s1, $0x11  }
0xbd: {  	s0 =	sor.u32 s1, s0  }
0xbe: {  	s0 =	sadd.s32 $0x8F2B, s0  }
0xbf: {  	[sflag:s0] =	ssyncadd.remote.s32 $0x1  }
0xc0: {  	_ =	sfence.sel $0xFFFF  }
0xc1: {  	[dreg:$0x0] =	wrdreg $0xFFFFFFFF;
	(pc) =	sbr.abs _section_cstart, $3  }
0xc2: {  	[dreg:$0x1] =	wrdreg $0xFFFFFFFF  }
0xc3: {  	_ =	task.clear_ibuf [dreg:s8], $0x2FFFF;
	_ =	strace $0x9FFFFFFF  }
0xc4: {  	(tm) =	ssettm $0x7FFFFFFF  }
0xc5: {  	_ =	shalt  }
tec
execute0_lowered:
.L_overlay_start_1:
0x0: {  	(tag) =	ssettag $0x1  }
0x1: {  	s0 =	rddreg [dreg:$0x0]  }
0x2: {  	s2 =	rddreg [dreg:$0x2];
	s3 =	simm.s32 $0x0;
	s22 =	srdreg.scid  }
0x3: {  	s4 =	stileid.u32;
	s15 =	simm.s32 $0x2;
	s16 =	simm.s32 $0x2000  }
0x4: {  	s17 =	simm.s32 $0x4000;
	s18 =	simm.s32 $0xE000;
	s19 =	simm.s32 $0xE080  }
0x5: {  	s28 =	simm.s32 $0x20;
	[smem:$0x7FF] =	sst s3;
	s1 =	sadd.s32 $0x4E00, s0  }
0x6: {  	s20 =	sadd.s32 $0x3E00, s0;
	_ =	strace $0x80000047;
	[dreg:$0x4] =	wrdreg s1  }
0x7: {  	s29 =	simm.s32 $0x11200;
	s21 =	sadd.s32 $0x2E00, s0;
	[dreg:$0x5] =	wrdreg s20  }
0x8: {  	s30 =	simm.s32 $0x15400;
	s5 =	sadd.s32 $0x2A00, s0;
	[dreg:$0x6] =	wrdreg s21  }
0x9: {  	s31 =	simm.s32 $0x15380;
	s23 =	sadd.s32 $0x2600, s0;
	[dreg:$0x7] =	wrdreg s5  }
0xa: {  	s4 =	sshll.u32 s4, $0x1;
	s24 =	sadd.s32 $0x2200, s0;
	[dreg:$0x8] =	wrdreg s23  }
0xb: {  	v0 =	vlaneseq.u32;
	s11 =	sadd.s32 $0x6000, s0;
	s1 =	sand.u32 $0x1, s22;
	[dreg:$0x9] =	wrdreg s24  }
0xc: {  	v1 =	vmul.u32 $0x10, v0;
	s20 =	simm.s32 $0xE100;
	s21 =	simm.s32 $0x10180;
	s22 =	simm.s32 $0x11180  }
0xd: {  	v2 =	vimm.s32 $0x0;
	v3 =	vimm.s32 $0x1;
	s23 =	simm.s32 $0x11280;
	s24 =	simm.s32 $0x1;
	s4 =	sor.u32 s1, s4  }
.Ltmp0:
0xe: {  	s1 =	ssub.s32 $0x2, s1;
	v4 =	vor.u32 $0x1, v1;
	v5 =	vor.u32 $0x2, v1;
	v6 =	vor.u32 $0x3, v1;
	s25 =	sshll.u32 s4, $0x1;
	(pc) =	sbr.rel .LBB2_1-.Ltmp0, $4  }
0xf: {  	v7 =	vor.u32 $0x4, v1;
	v8 =	vor.u32 $0x5, v1;
	v9 =	vor.u32 $0x6, v1;
	s6 =	sshrl.u32 s1, $0x1;
	s4 =	sshll.u32 s4, $0x6;
	s0 =	sadd.s32 s25, s0  }
0x10: {  	v10 =	vor.u32 $0x7, v1;
	v11 =	vor.u32 $0x8, v1;
	v12 =	vor.u32 $0x9, v1;
	s1 =	ssub.s32 s1, s6;
	[dreg:$0xa] =	wrdreg s4;
	s0 =	sadd.s32 $0x5E00, s0  }
0x11: {  	v13 =	vor.u32 $0xA, v1;
	v14 =	vor.u32 $0xB, v1;
	v15 =	vor.u32 $0xC, v1;
	s25 =	simm.s32 $0xE180;
	s26 =	smax.u32 s1, $0x1;
	[dreg:$0xb] =	wrdreg s0  }
0x12: {  	v16 =	vor.u32 $0xD, v1;
	v17 =	vor.u32 $0xE, v1;
	v18 =	vor.u32 $0xF, v1;
	s1 =	simm.s32 $0x0;
	[dreg:$0xc] =	wrdreg s26;
	s26 =	simm.s32 $0x13300  }
.LBB2_96:
0x13: {  	s1 =	rddreg [dreg:$0xd]  }
0x14: {  	s0 =	rddreg [dreg:$0xc];
	s1 =	sadd.s32 $0x1, s1  }
0x15: {  	p0 =	sne.s32 s1, s0  }
.Ltmp1:
0x16: {  	_ = 	snop;
	(pc) =	sbr.rel @!p0 .LBB2_97-.Ltmp1, $1  }
0x17: {  	_ =	sdelay $0x3  }
.LBB2_1:
.Ltmp2:
0x18: {  	(pc) =	sbr.rel .LBB2_2-.Ltmp2, $2  }
0x19: {  	_ =	sdelay $0x2  }
0x1a: {  	[dreg:$0xd] =	wrdreg s1;
	s7 =	simm.s32 $0x0  }
.LBB2_95:
0x1b: {  	s7 =	rddreg [dreg:$0xe]  }
0x1c: {  	s0 =	sshll.u32 s7, $0x6;
	s7 =	sadd.s32 $0x1, s7  }
0x1d: {  	s1 =	rddreg [dreg:$0xb];
	p0 =	sne.s32 s7, $0x4  }
.Ltmp3:
0x1e: {  	[tilespmem:$0x16400] =	vst v20;
	s14 =	simm.s32 $0x16400;
	s0 =	sadd.s32 s0, s1;
	(pc) =	sbr.rel @!p0 .LBB2_96-.Ltmp3, $4  }
0x1f: {  	[hbm4b:s0+s3] =	stream.linear.scatter [tilespmem:s14], [sflag:$0x2], $0x10, $0x38;
	[tilespmem:$0x16480] =	vst v63  }
0x20: {  	_ =	swait.ge [sflag:s15], $0x10  }
0x21: {  	[sflag:s15] =	ssyncset.done $0x0  }
0x22: {  	[sflag:s15] =	ssyncadd.s32 $0xFFFFFFF0  }
.LBB2_2:
0x23: {  	s0 =	sshll.u32 s7, $0xA;
	s1 =	rddreg [dreg:$0x4]  }
0x24: {  	s5 =	simm.s32 $0x0;
	s1 =	sadd.s32 s1, s0  }
0x25: {  	[tilespmem:s5], [sflag:$0x2] =	stream.linear.gather [hbm4b:s1+s5], $0x2000, $0x38;
	[tilespmem:$0x16480] =	vst v63  }
0x26: {  	_ =	swait.ge [sflag:s15], $0x2000  }
0x27: {  	[sflag:s15] =	ssyncset.done $0x0;
	s6 =	rddreg [dreg:$0x5]  }
0x28: {  	[sflag:s15] =	ssyncadd.s32 $0xFFFFE000;
	s1 =	sadd.s32 s6, s0  }
0x29: {  	[tilespmem:s16], [sflag:$0x2] =	stream.linear.gather [hbm4b:s1+s5], $0x2000, $0x38;
	[tilespmem:$0x16480] =	vst v63  }
0x2a: {  	_ =	swait.ge [sflag:s15], $0x2000  }
0x2b: {  	[sflag:s15] =	ssyncset.done $0x0;
	s8 =	rddreg [dreg:$0x6]  }
0x2c: {  	[sflag:s15] =	ssyncadd.s32 $0xFFFFE000;
	s0 =	sadd.s32 s8, s0  }
0x2d: {  	[tilespmem:s17], [sflag:$0x2] =	stream.linear.gather [hbm4b:s0+s5], $0x2000, $0x38;
	[tilespmem:$0x16480] =	vst v63  }
0x2e: {  	_ =	swait.ge [sflag:s15], $0x2000  }
0x2f: {  	s9 =	sshll.u32 s7, $0xB;
	s10 =	rddreg [dreg:$0xa]  }
0x30: {  	s4 =	sor.u32 s10, s9  }
0x31: {  	[sflag:s15] =	ssyncset.done $0x0;
	s12 =	rddreg [dreg:$0x7];
	s0 =	sshrl.u32 s4, $0x3  }
0x32: {  	[sflag:s15] =	ssyncadd.s32 $0xFFFFE000;
	s1 =	sadd.s32 s12, s0  }
0x33: {  	[tilespmem:s18], [sflag:$0x2] =	stream.linear.gather [hbm4b:s1+s5], $0x40, $0x38;
	[tilespmem:$0x16480] =	vst v63  }
0x34: {  	_ =	swait.ge [sflag:s15], $0x40  }
0x35: {  	[sflag:s15] =	ssyncset.done $0x0;
	s13 =	rddreg [dreg:$0x8]  }
0x36: {  	[sflag:s15] =	ssyncadd.s32 $0xFFFFFFC0;
	s1 =	sadd.s32 s13, s0  }
0x37: {  	[tilespmem:s19], [sflag:$0x2] =	stream.linear.gather [hbm4b:s1+s5], $0x40, $0x38;
	[tilespmem:$0x16480] =	vst v63  }
0x38: {  	_ =	swait.ge [sflag:s15], $0x40  }
0x39: {  	[sflag:s15] =	ssyncset.done $0x0;
	s14 =	rddreg [dreg:$0x9]  }
0x3a: {  	[sflag:s15] =	ssyncadd.s32 $0xFFFFFFC0;
	s0 =	sadd.s32 s14, s0  }
0x3b: {  	[tilespmem:s20], [sflag:$0x2] =	stream.linear.gather [hbm4b:s0+s5], $0x40, $0x38;
	[tilespmem:$0x16480] =	vst v63  }
0x3c: {  	_ =	swait.ge [sflag:s15], $0x40  }
0x3d: {  	[sflag:s15] =	ssyncset.done $0x0  }
0x3e: {  	s0 =	simm.s32 $0x0;
	[sflag:s15] =	ssyncadd.s32 $0xFFFFFFC0  }
0x3f: {  	v19 =	vld [tilespmem:s0+$0x10]  }
0x40: {  	v24 =	vld [tilespmem:s0+$0x2010]  }
0x41: {  	v20 =	vld [tilespmem:s0+$0x0]  }
0x42: {  	v21 =	vld [tilespmem:s0+$0x2000]  }
0x43: {  	v23 =	vld [tilespmem:s0+$0x4000]  }
0x44: {  	v25 =	vld [tilespmem:s0+$0x4010]  }
0x45: {  	v22 =	vshrl.u32 v19, $0x10  }
0x46: {  	v26 =	vmul.f32 v19, v19;
	v27 =	vmul.f32 v24, v24;
	v28 =	vshrl.u32 v24, $0x10  }
0x47: {  	v29 =	vmul.f32 v20, v20;
	v30 =	vshrl.u32 v20, $0x10;
	v32 =	vmul.f32 v21, v21  }
0x48: {  	v33 =	vshrl.u32 v21, $0x10;
	v34 =	vshrl.u32 v23, $0x10;
	v63 =	vmul.f32 v23, v23  }
0x49: {  	v31 =	vand.u32 $0x1, v22;
	v22 =	vadd.f32 v27, v26;
	v26 =	vmul.f32 v25, v25  }
0x4a: {  	v30 =	vand.u32 $0x1, v30;
	v33 =	vand.u32 $0x1, v33;
	v62 =	vand.u32 $0x1, v34  }
0x4b: {  	v28 =	vand.u32 $0x1, v28;
	v27 =	vshrl.u32 v25, $0x10;
	v22 =	vadd.f32 v26, v22  }
0x4c: {  	v20 =	vadd.s32 v30, v20;
	v27 =	vand.u32 $0x1, v27;
	v26 =	vadd.f32 v32, v29  }
0x4d: {  	s5 =	simm.s32 $0x20;
	v23 =	vadd.s32 v62, v23;
	v24 =	vadd.s32 v28, v24;
	v25 =	vadd.s32 v27, v25;
	[tilespmem:s0+$0xC010] =	vst v22  }
0x4e: {  	s6 =	simm.s32 $0x100;
	v22 =	vadd.s32 v33, v21;
	v21 =	vadd.s32 v31, v19;
	v26 =	vadd.f32 v63, v26;
	v19 =	vld [tilespmem:s5+$0x10]  }
.LBB2_3:
0x4f: {  	p0 =	seq.s32 s6, $0x7F80;
	v27 =	vld [tilespmem:s5+$0x2010];
	v20 =	vadd.s32 $0x7FFF, v20;
	v22 =	vadd.s32 $0x7FFF, v22;
	v23 =	vadd.s32 $0x7FFF, v23  }
0x50: {  	v21 =	vadd.s32 $0x7FFF, v21;
	v24 =	vadd.s32 $0x7FFF, v24;
	v25 =	vadd.s32 $0x7FFF, v25;
	v28 =	vld [tilespmem:s5+$0x0];
	[tilespmem:s0+$0xC000] =	vst v26  }
0x51: {  	v20 =	vand.u32 $0xFFFF0000, v20;
	v22 =	vand.u32 $0xFFFF0000, v22;
	v23 =	vand.u32 $0xFFFF0000, v23;
	v29 =	vld [tilespmem:s5+$0x4010]  }
0x52: {  	v26 =	vld [tilespmem:s5+$0x2000];
	[tilespmem:s0+$0x6000] =	vst v20;
	v20 =	vand.u32 $0xFFFF0000, v21;
	v21 =	vand.u32 $0xFFFF0000, v24;
	v24 =	vand.u32 $0xFFFF0000, v25  }
0x53: {  	v25 =	vld [tilespmem:s5+$0x4000];
	v30 =	vshrl.u32 v19, $0x10;
	[tilespmem:s0+$0x8000] =	vst v22  }
0x54: {  	v22 =	vmul.f32 v19, v19;
	v31 =	vmul.f32 v27, v27;
	v32 =	vshrl.u32 v27, $0x10;
	[tilespmem:s0+$0xA000] =	vst v23  }
0x55: {  	v30 =	vand.u32 $0x1, v30;
	v23 =	vmul.f32 v28, v28;
	v33 =	vshrl.u32 v28, $0x10;
	[tilespmem:s0+$0x6010] =	vst v20  }
0x56: {  	v20 =	vadd.f32 v31, v22;
	v22 =	vmul.f32 v29, v29;
	v31 =	vshrl.u32 v29, $0x10;
	[tilespmem:s0+$0x8010] =	vst v21  }
0x57: {  	v33 =	vand.u32 $0x1, v33;
	v21 =	vmul.f32 v26, v26;
	v34 =	vshrl.u32 v26, $0x10;
	[tilespmem:s0+$0xA010] =	vst v24;
	s0 =	smov.u32 s5  }
.Ltmp4:
0x58: {  	v24 =	vand.u32 $0x1, v34;
	v34 =	vshrl.u32 v25, $0x10;
	v22 =	vadd.f32 v22, v20;
	(pc) =	sbr.rel @!p0 .LBB2_3-.Ltmp4, $4  }
0x59: {  	v32 =	vand.u32 $0x1, v32;
	v35 =	vadd.f32 v21, v23;
	v21 =	vand.u32 $0x1, v34  }
0x5a: {  	v20 =	vadd.s32 v33, v28;
	v28 =	vand.u32 $0x1, v31;
	v34 =	vmul.f32 v25, v25;
	[tilespmem:s0+$0xC010] =	vst v22  }
0x5b: {  	s5 =	sshra.s32 s6, $0x2;
	v22 =	vadd.s32 v24, v26;
	v23 =	vadd.s32 v21, v25;
	v21 =	vadd.s32 v30, v19  }
0x5c: {  	s6 =	sadd.s32 $0x80, s6;
	v24 =	vadd.s32 v32, v27;
	v25 =	vadd.s32 v28, v29;
	v26 =	vadd.f32 v34, v35;
	v19 =	vld [tilespmem:s5+$0x10]  }
0x5d: {  	v27 =	vld [tilespmem:s5+$0x2010];
	v20 =	vadd.s32 $0x7FFF, v20  }
0x5e: {  	v28 =	vld [tilespmem:s5+$0x0];
	v22 =	vadd.s32 $0x7FFF, v22;
	v23 =	vadd.s32 $0x7FFF, v23;
	v21 =	vadd.s32 $0x7FFF, v21;
	[tilespmem:s0+$0xC000] =	vst v26  }
0x5f: {  	v24 =	vadd.s32 $0x7FFF, v24;
	v25 =	vadd.s32 $0x7FFF, v25;
	v20 =	vand.u32 $0xFFFF0000, v20;
	v26 =	vld [tilespmem:s5+$0x4010]  }
0x60: {  	v22 =	vand.u32 $0xFFFF0000, v22;
	v23 =	vand.u32 $0xFFFF0000, v23;
	v25 =	vand.u32 $0xFFFF0000, v25;
	v29 =	vld [tilespmem:s5+$0x2000]  }
0x61: {  	[tilespmem:s0+$0x6000] =	vst v20;
	v20 =	vand.u32 $0xFFFF0000, v21;
	v21 =	vand.u32 $0xFFFF0000, v24;
	v30 =	vmul.f32 v19, v19  }
0x62: {  	v58 =	vld [tilespmem:s5+$0x4000];
	v32 =	vshrl.u32 v19, $0x10;
	v31 =	vmul.f32 v27, v27;
	v33 =	vshrl.u32 v27, $0x10  }
0x63: {  	[tilespmem:s0+$0x8000] =	vst v22;
	v34 =	vmul.f32 v28, v28;
	v22 =	vshrl.u32 v28, $0x10;
	v32 =	vand.u32 $0x1, v32  }
0x64: {  	[tilespmem:s0+$0x8010] =	vst v21;
	v21 =	vand.u32 $0x1, v22;
	v62 =	vand.u32 $0x1, v33;
	v19 =	vadd.s32 v32, v19  }
0x65: {  	v30 =	vadd.f32 v31, v30;
	v59 =	vmul.f32 v26, v26;
	v35 =	vmul.f32 v29, v29  }
0x66: {  	[tilespmem:s0+$0xA000] =	vst v23;
	v60 =	vshrl.u32 v29, $0x10;
	v21 =	vadd.s32 v21, v28;
	v19 =	vadd.s32 $0x7FFF, v19  }
0x67: {  	[tilespmem:s0+$0x6010] =	vst v20;
	v20 =	vshrl.u32 v58, $0x10;
	v61 =	vmul.f32 v58, v58;
	v22 =	vand.u32 $0x1, v60  }
0x68: {  	[tilespmem:s0+$0xA010] =	vst v25;
	v21 =	vadd.s32 $0x7FFF, v21;
	v19 =	vand.u32 $0xFFFF0000, v19;
	v30 =	vadd.f32 v59, v30  }
0x69: {  	v34 =	vadd.f32 v35, v34;
	v22 =	vadd.s32 v22, v29;
	v21 =	vand.u32 $0xFFFF0000, v21;
	[tilespmem:s5+$0x6010] =	vst v19  }
0x6a: {  	v23 =	vshrl.u32 v26, $0x10;
	v20 =	vand.u32 $0x1, v20;
	v22 =	vadd.s32 $0x7FFF, v22;
	[tilespmem:s5+$0x6000] =	vst v21  }
0x6b: {  	v20 =	vadd.s32 v20, v58;
	v63 =	vadd.f32 v61, v34;
	[tilespmem:s5+$0xC010] =	vst v30;
	v22 =	vand.u32 $0xFFFF0000, v22  }
.Ltmp5:
0x6c: {  	v23 =	vand.u32 $0x1, v23;
	v21 =	vadd.s32 v62, v27;
	v20 =	vadd.s32 $0x7FFF, v20;
	[tilespmem:s5+$0x8000] =	vst v22;
	(pc) =	sbr.rel .LBB2_5-.Ltmp5, $4  }
0x6d: {  	v21 =	vadd.s32 $0x7FFF, v21;
	v20 =	vand.u32 $0xFFFF0000, v20;
	v22 =	vadd.s32 v23, v26;
	[tilespmem:s5+$0xC000] =	vst v63  }
0x6e: {  	v21 =	vand.u32 $0xFFFF0000, v21;
	[tilespmem:s5+$0xA000] =	vst v20;
	v20 =	vadd.s32 $0x7FFF, v22  }
0x6f: {  	s14 =	sshll.u32 s7, $0xD;
	[tilespmem:s5+$0x8010] =	vst v21;
	v19 =	vand.u32 $0xFFFF0000, v20  }
0x70: {  	[dreg:$0xe] =	wrdreg s7;
	s0 =	simm.s32 $0x0;
	v20 =	vimm.f32 $0.0e+00;
	[tilespmem:s5+$0xA010] =	vst v19;
	v19 =	vmov s14  }
.LBB2_80:
0x71: {  	s7 =	simm.s32 $0x11280;
	s8 =	smov.u32 s5  }
.LBB2_93:
0x72: {  	_ =	sdelay $0x3  }
0x73: {  	s1 =	spop @p3 (v2sf);
	s7 =	sadd.s32 @p4 $0x10, s7;
	s9 =	simm.s32 $0x11280  }
0x74: {  	[tilespmem:v32+s22+$0x0] =	vst.idx.msk @p4 vm7, v33;
	vm7 =	vmmov @p3 vm8;
	s9 =	smov.u32 @p4 s7;
	s1 =	sadd.s32 @p3 s1, s8  }
0x75: {  	v32 =	vadd.s32 @p3 v35, v36;
	s7 =	smov.u32 s5;
	vm7 =	vmmov @p3 vm7;
	v30 =	vld @p3 [tilespmem:s9+$0x0];
	s1 =	sadd.s32 @p3 $0x80000000, s1  }
0x76: {  	v32 =	vpsel p3, v32, v0;
	s7 =	smov.u32 @p3 s1  }
0x77: {  	v33 =	vmov @p2 s7  }
0x78: {  	v35, _, _ =	vpop @p0 (xrf0);
	v33 =	vadd.s32 @p2 $0xFFFFFFFF, v33  }
0x79: {  	vm8 =	vmmov @p2 vm9;
	v36, _, _ =	vpop @p0 (xrf0);
	v33 =	vbroadcast @p2 v33, $0x0  }
0x7a: {  	vm6 =	vmmov @p2 vm8;
	(v2sf) =	vpush @p0 v36, $0xF;
	s8 =	sadd.s32 @p3 $0x10, s9;
	s9 =	simm.s32 $0x11280;
	s1 =	spop @p2 (v2sf);
	v30 =	vpsel p3, v30, v0  }
0x7b: {  	vm6 =	vmmov @p2 vm6;
	s9 =	smov.u32 @p3 s8;
	s1 =	sadd.s32 @p2 s1, s7;
	v31 =	vpsel p2, v33, v31;
	v33 =	vpsel p2, v34, v24;
	[tilespmem:v32+s22+$0x0] =	vst.idx.msk @p3 vm7, v30  }
0x7c: {  	vm6 =	vmmov @p2 vm6;
	s7 =	smov.u32 s5;
	s1 =	sadd.s32 @p2 $0x80000000, s1;
	v30 =	vld @p2 [tilespmem:s9+$0x0];
	v31 =	vadd.s32 @p2 v33, v31  }
0x7d: {  	s7 =	smov.u32 @p2 s1;
	v31 =	vpsel p2, v31, v0  }
0x7e: {  	v57 =	vxor.u32 $0x80000000, v26;
	vm3 =	vmmov @p1 vm3;
	v26 =	vmov @p1 s7  }
0x7f: {  	(xrf0) =	vadd.scan.msk.s32 $0xffff, v25;
	vm5 =	vmmov @p1 vm3;
	v25 =	vadd.s32 @p1 $0xFFFFFFFF, v26  }
0x80: {  	v58 =	vpsel p1, v29, v28;
	(xrf0) =	vmax.scan.msk.u32 $0xffff, v57;
	vm3 =	vmmov @p1 vm5;
	v25 =	vbroadcast @p1 v25, $0x0  }
0x81: {  	vm1 =	vmmov @p0 vm1;
	vm3 =	vmmov @p1 vm3;
	s8 =	sadd.s32 @p2 $0x10, s9;
	s9 =	simm.s32 $0x11280;
	s1 =	spop @p1 (v2sf);
	v28 =	vpsel p2, v30, v0  }
0x82: {  	vm3 =	vmmov @p1 vm3;
	v26 =	vpsel p1, v58, v0;
	s9 =	smov.u32 @p2 s8;
	v25 =	vpsel p1, v25, v0;
	s1 =	sadd.s32 @p1 s1, s7;
	[tilespmem:v31+s22+$0x0] =	vst.idx.msk @p2 vm6, v28  }
0x83: {  	vm4 =	vmmov @p0 vm1;
	vm3 =	vmmov @p1 vm3;
	v25 =	vadd.s32 @p1 v26, v25;
	s7 =	smov.u32 s5;
	s1 =	sadd.s32 @p1 $0x80000000, s1;
	v28 =	vld @p1 [tilespmem:s9+$0x0]  }
0x84: {  	vm1 =	vmmov @p0 vm4;
	v25 =	vpsel p1, v25, v0;
	s7 =	smov.u32 @p1 s1  }
0x85: {  	vm2 =	vmmov @p0 vm1;
	v59, _, _ =	vpop (xrf0);
	v26 =	vmov @p0 v35;
	v30 =	vmov @p0 s7  }
0x86: {  	vm1 =	vmmov @p0 vm2;
	v60, _, _ =	vpop (xrf0);
	v26 =	vpsel p0, v26, v27;
	v27 =	vadd.s32 @p0 $0xFFFFFFFF, v30  }
0x87: {  	(v2sf) =	vpush v60, $0xF;
	v61 =	vpsel p0, v26, v24;
	v26 =	vbroadcast @p0 v27, $0x0  }
0x88: {  	vm1 =	vmmov @p0 vm1;
	s8 =	simm.s32 $0x11280;
	s1 =	sadd.s32 @p1 $0x10, s9;
	v27 =	vpsel p1, v28, v0  }
0x89: {  	vm1 =	vmmov @p0 vm1;
	v24 =	vpsel p0, v61, v0;
	s8 =	smov.u32 @p1 s1;
	s9 =	spop @p0 (v2sf);
	v26 =	vpsel p0, v26, v0;
	[tilespmem:v25+s22+$0x0] =	vst.idx.msk @p1 vm3, v27  }
0x8a: {  	vm1 =	vmmov @p0 vm1;
	s1 =	sadd.s32 @p0 s9, s7;
	v24 =	vadd.s32 @p0 v24, v26;
	v25 =	vld @p0 [tilespmem:s8+$0x0]  }
0x8b: {  	s1 =	sadd.s32 @p0 $0x80000000, s1;
	v24 =	vpsel p0, v24, v0  }
0x8c: {  	vm0 =	vmmov vm0;
	s5 =	smov.u32 @p0 s1  }
0x8d: {  	vm0 =	vmmov vm0;
	v62 =	vmov s5  }
0x8e: {  	vm0 =	vmmov vm0;
	v26 =	vadd.s32 $0xFFFFFFFF, v62  }
0x8f: {  	vm0 =	vmmov vm0;
	s1 =	sadd.s32 @p0 $0x10, s8;
	v26 =	vbroadcast v26, $0x0;
	v25 =	vpsel p0, v25, v0  }
0x90: {  	vm0 =	vmmov vm0;
	s6 =	smov.u32 @p0 s1;
	[tilespmem:v24+s22+$0x0] =	vst.idx.msk @p0 vm1, v25  }
0x91: {  	v63 =	vadd.s32 v59, v26;
	v24 =	vld [tilespmem:s6+$0x0];
	_ =	sdelay $0x4  }
0x92: {  	s14 =	spop (v2sf);
	[tilespmem:v63+s22+$0x0] =	vst.idx.msk vm0, v24  }
.LBB2_94:
0x93: {  	v24 =	vld [tilespmem:$0x11180]  }
0x94: {  	v25 =	vld [tilespmem:$0x11190];
	_ =	sdelay $0x3  }
0x95: {  	v26 =	vadd.s32 v19, v24  }
0x96: {  	v61 =	vadd.s32 v19, v25;
	[tilespmem:$0x11200] =	vst v26  }
0x97: {  	s1 =	rddreg [dreg:$0x1];
	[tilespmem:$0x11210] =	vst v61  }
0x98: {  	[tilespmem:s30], [sflag:$0x1] =	stream.indirect.gather [hbm4b:s1+s28], $0x80, s29, s28, $0xb8;
	[tilespmem:$0x16480] =	vst v63  }
0x99: {  	v26 =	vld.idx.msk [tilespmem:v24+s3+$0x0], $0xffff  }
0x9a: {  	v28 =	vmul.u32 $0x3, v0;
	v27 =	vld.idx.msk [tilespmem:v24+s16+$0x0], $0xffff  }
0x9b: {  	v24 =	vld.idx.msk [tilespmem:v24+s17+$0x0], $0xffff  }
0x9c: {  	v29 =	vadd.s32 $0x1, v28  }
0x9d: {  	v30 =	vadd.s32 $0x2, v28  }
0x9e: {  	v26 =	vsub.f32 v26, v21  }
0x9f: {  	v27 =	vsub.f32 v27, v22  }
0xa0: {  	v24 =	vsub.f32 v24, v23;
	[tilespmem:v28+s31+$0x0] =	vst.idx.msk $0xffff, v26  }
0xa1: {  	[tilespmem:v29+s31+$0x0] =	vst.idx.msk $0xffff, v27  }
0xa2: {  	[tilespmem:v30+s31+$0x0] =	vst.idx.msk $0xffff, v24  }
0xa3: {  	v29 =	vld.idx.msk [tilespmem:v25+s3+$0x0], $0xffff  }
0xa4: {  	v30 =	vld.idx.msk [tilespmem:v25+s16+$0x0], $0xffff  }
0xa5: {  	v31 =	vadd.s32 $0x30, v28;
	v25 =	vld.idx.msk [tilespmem:v25+s17+$0x0], $0xffff  }
0xa6: {  	v32 =	vadd.s32 $0x31, v28  }
0xa7: {  	v28 =	vadd.s32 $0x32, v28  }
0xa8: {  	v21 =	vsub.f32 v29, v21  }
0xa9: {  	v22 =	vsub.f32 v30, v22  }
0xaa: {  	v23 =	vsub.f32 v25, v23;
	[tilespmem:v31+s31+$0x0] =	vst.idx.msk $0xffff, v21  }
0xab: {  	[tilespmem:v32+s31+$0x0] =	vst.idx.msk $0xffff, v22  }
0xac: {  	[tilespmem:v28+s31+$0x0] =	vst.idx.msk $0xffff, v23  }
0xad: {  	s14 =	sor.u32 s0, s4;
	_ =	swait.ge [sflag:s24], $0x1000  }
0xae: {  	s5 =	sshll.u32 s14, $0x9;
	[sflag:s24] =	ssyncset.done $0x0  }
0xaf: {  	s5 =	sadd.s32 s11, s5;
	[sflag:s24] =	ssyncadd.s32 $0xFFFFF000  }
0xb0: {  	v62 =	vmul.f32 v26, v26;
	v63 =	vmul.f32 v27, v27;
	[hbm4b:s5+s3] =	stream.linear.scatter [tilespmem:s30], [sflag:$0x2], $0x1000, $0x38;
	[tilespmem:$0x16480] =	vst v63  }
0xb1: {  	s0 =	sadd.s32 $0x1, s0;
	s1 =	smul.u32 $0xC, s14;
	v21 =	vmul.f32 v21, v21;
	v22 =	vmul.f32 v22, v22;
	_ =	swait.ge [sflag:s15], $0x1000  }
0xb2: {  	p0 =	sne.s32 s0, $0x40;
	v24 =	vmul.f32 v24, v24;
	v25 =	vadd.f32 v63, v62;
	[sflag:s15] =	ssyncset.done $0x0  }
.Ltmp6:
0xb3: {  	s1 =	sadd.s32 s2, s1;
	v21 =	vadd.f32 v22, v21;
	v22 =	vmul.f32 v23, v23;
	[sflag:s15] =	ssyncadd.s32 $0xFFFFF000;
	(pc) =	sbr.rel @!p0 .LBB2_95-.Ltmp6, $4  }
0xb4: {  	v23 =	vadd.f32 v24, v25;
	[hbm4b:s1+s3] =	stream.linear.scatter [tilespmem:s31], [sflag:$0x2], $0x60, $0x38;
	[tilespmem:$0x16480] =	vst v63  }
0xb5: {  	v21 =	vadd.f32 v22, v21;
	_ =	swait.ge [sflag:s15], $0x60  }
0xb6: {  	v20 =	vmax.f32 v20, v23;
	[sflag:s15] =	ssyncset.done $0x0  }
0xb7: {  	v20 =	vmax.f32 v20, v21;
	[sflag:s15] =	ssyncadd.s32 $0xFFFFFFA0  }
.LBB2_5:
0xb8: {  	v23 =	vmov s0;
	_ =	sdelay $0x4  }
0xb9: {  	v21 =	vld.idx.msk [tilespmem:v23+s18+$0x0], $0xffff  }
0xba: {  	v22 =	vld.idx.msk [tilespmem:v23+s19+$0x0], $0xffff  }
0xbb: {  	s5 =	simm.s32 $0x40;
	s1 =	simm.s32 $0x0;
	v23 =	vld.idx.msk [tilespmem:v23+s20+$0x0], $0xffff  }
.LBB2_6:
0xbc: {  	p0 =	sne.s32 s5, $0x3FC0;
	[tilespmem:s1+$0x10180] =	vst v2;
	s1 =	smov.u32 s5;
	s5 =	sadd.s32 $0x40, s5  }
.Ltmp7:
0xbd: {  	(pc) =	sbr.rel @p0 .LBB2_6-.Ltmp7, $2  }
0xbe: {  	_ =	sdelay $0x2  }
0xbf: {  	s1 =	sshra.s32 s1, $0x2  }
0xc0: {  	v24 =	vmul.f32 v21, v21;
	v25 =	vmul.f32 v22, v22;
	_ =	sdelay $0x1  }
0xc1: {  	v24 =	vadd.f32 v25, v24;
	v25 =	vmul.f32 v23, v23  }
0xc2: {  	v26 =	vshrl.u32 v22, $0x10  }
0xc3: {  	v27 =	vshrl.u32 v23, $0x10;
	v24 =	vadd.f32 v25, v24;
	v25 =	vshrl.u32 v21, $0x10  }
0xc4: {  	v26 =	vand.u32 $0x1, v26;
	v27 =	vand.u32 $0x1, v27;
	v25 =	vand.u32 $0x1, v25  }
0xc5: {  	v26 =	vadd.s32 v26, v22;
	v27 =	vadd.s32 v27, v23;
	v25 =	vadd.s32 v25, v21  }
0xc6: {  	v26 =	vadd.s32 $0x7FFF, v26;
	v27 =	vadd.s32 $0x7FFF, v27;
	v25 =	vadd.s32 $0x7FFF, v25  }
0xc7: {  	[tilespmem:s1+$0x10180] =	vst v2;
	s5 =	simm.s32 $0x0;
	s6 =	simm.s32 $0x0;
	v26 =	vand.u32 $0xFFFF0000, v26;
	v27 =	vand.u32 $0xFFFF0000, v27;
	v25 =	vand.u32 $0xFFFF0000, v25  }
.LBB2_8:
0xc8: {  	s7 =	sshra.s32 s6, $0x2  }
0xc9: {  	v28 =	vld [tilespmem:s7+$0x6000]  }
0xca: {  	v29 =	vld [tilespmem:s7+$0x8000];
	_ =	sdelay $0x1  }
0xcb: {  	v30 =	vld [tilespmem:s7+$0xA000];
	_ =	sdelay $0x2  }
0xcc: {  	v28 =	vmul.f32 v25, v28;
	v29 =	vmul.f32 v26, v29  }
0xcd: {  	v31 =	vld [tilespmem:s7+$0xC000]  }
0xce: {  	v28 =	vadd.f32 v29, v28;
	v29 =	vmul.f32 v27, v30;
	_ =	sdelay $0x1  }
0xcf: {  	v28 =	vadd.f32 v29, v28;
	_ =	sdelay $0x1  }
0xd0: {  	v29 =	vadd.f32 v31, v24;
	v28 =	vadd.f32 v28, v28;
	_ =	sdelay $0x1  }
0xd1: {  	v28 =	vsub.f32 v29, v28;
	_ =	sdelay $0x1  }
0xd2: {  	v29 =	vshra.s32 v28, $0x1F  }
0xd3: {  	v29 =	vor.u32 $0x80000000, v29  }
0xd4: {  	v28 =	vxor.u32 v28, v29  }
0xd5: {  	v29 =	vshrl.u32 v28, $0x14  }
0xd6: {  	v29 =	vand.u32 $0xFF0, v29  }
0xd7: {  	v29 =	vor.u32 v0, v29;
	_ =	sdelay $0x3  }
0xd8: {  	[tilespmem:s7+$0xE180] =	vst v28  }
0xd9: {  	[tilespmem:v29+s21+$0x0] =	vst.idx.add.s32.msk $0xffff, v3  }
0xda: {  	v28 =	vld [tilespmem:s7+$0x6010]  }
0xdb: {  	v29 =	vld [tilespmem:s7+$0x8010];
	_ =	sdelay $0x1  }
0xdc: {  	v58 =	vld [tilespmem:s7+$0xA010];
	_ =	sdelay $0x2  }
0xdd: {  	v28 =	vmul.f32 v25, v28;
	v29 =	vmul.f32 v26, v29  }
0xde: {  	v59 =	vld [tilespmem:s7+$0xC010]  }
0xdf: {  	v28 =	vadd.f32 v29, v28;
	v29 =	vmul.f32 v27, v58;
	_ =	sdelay $0x1  }
0xe0: {  	v28 =	vadd.f32 v29, v28;
	_ =	sdelay $0x1  }
0xe1: {  	v29 =	vadd.f32 v59, v24;
	v28 =	vadd.f32 v28, v28;
	_ =	sdelay $0x1  }
0xe2: {  	v28 =	vsub.f32 v29, v28;
	_ =	sdelay $0x1  }
0xe3: {  	v29 =	vshra.s32 v28, $0x1F  }
0xe4: {  	v29 =	vor.u32 $0x80000000, v29  }
0xe5: {  	v28 =	vxor.u32 v28, v29  }
0xe6: {  	v29 =	vshrl.u32 v28, $0x14  }
0xe7: {  	v29 =	vand.u32 $0xFF0, v29  }
0xe8: {  	v29 =	vor.u32 v0, v29;
	_ =	sdelay $0x3  }
0xe9: {  	[tilespmem:s7+$0xE190] =	vst v28  }
0xea: {  	[tilespmem:v29+s21+$0x0] =	vst.idx.add.s32.msk $0xffff, v3  }
0xeb: {  	v28 =	vld [tilespmem:s7+$0x6020]  }
0xec: {  	v29 =	vld [tilespmem:s7+$0x8020];
	_ =	sdelay $0x1  }
0xed: {  	v60 =	vld [tilespmem:s7+$0xA020];
	_ =	sdelay $0x2  }
0xee: {  	v28 =	vmul.f32 v25, v28;
	v29 =	vmul.f32 v26, v29  }
0xef: {  	v61 =	vld [tilespmem:s7+$0xC020]  }
0xf0: {  	v28 =	vadd.f32 v29, v28;
	v29 =	vmul.f32 v27, v60;
	_ =	sdelay $0x1  }
0xf1: {  	v28 =	vadd.f32 v29, v28;
	_ =	sdelay $0x1  }
0xf2: {  	v29 =	vadd.f32 v61, v24;
	v28 =	vadd.f32 v28, v28;
	_ =	sdelay $0x1  }
0xf3: {  	v28 =	vsub.f32 v29, v28;
	_ =	sdelay $0x1  }
0xf4: {  	v29 =	vshra.s32 v28, $0x1F  }
0xf5: {  	v29 =	vor.u32 $0x80000000, v29  }
0xf6: {  	v28 =	vxor.u32 v28, v29  }
0xf7: {  	v29 =	vshrl.u32 v28, $0x14  }
0xf8: {  	v29 =	vand.u32 $0xFF0, v29  }
0xf9: {  	v29 =	vor.u32 v0, v29;
	_ =	sdelay $0x3  }
0xfa: {  	[tilespmem:s7+$0xE1A0] =	vst v28  }
0xfb: {  	[tilespmem:v29+s21+$0x0] =	vst.idx.add.s32.msk $0xffff, v3  }
0xfc: {  	v28 =	vld [tilespmem:s7+$0x6030]  }
0xfd: {  	v29 =	vld [tilespmem:s7+$0x8030];
	_ =	sdelay $0x1  }
0xfe: {  	v62 =	vld [tilespmem:s7+$0xA030];
	_ =	sdelay $0x2  }
0xff: {  	v28 =	vmul.f32 v25, v28;
	v29 =	vmul.f32 v26, v29  }
0x100: {  	v63 =	vld [tilespmem:s7+$0xC030]  }
0x101: {  	v28 =	vadd.f32 v29, v28;
	v29 =	vmul.f32 v27, v62;
	_ =	sdelay $0x1  }
0x102: {  	v28 =	vadd.f32 v29, v28;
	_ =	sdelay $0x1  }
0x103: {  	v29 =	vadd.f32 v63, v24;
	v28 =	vadd.f32 v28, v28;
	_ =	sdelay $0x1  }
0x104: {  	v28 =	vsub.f32 v29, v28;
	_ =	sdelay $0x1  }
0x105: {  	v29 =	vshra.s32 v28, $0x1F  }
0x106: {  	v29 =	vor.u32 $0x80000000, v29  }
0x107: {  	v28 =	vxor.u32 v28, v29  }
0x108: {  	v29 =	vshrl.u32 v28, $0x14  }
0x109: {  	v29 =	vand.u32 $0xFF0, v29  }
0x10a: {  	p0 =	seq.s32 s6, $0x7F00;
	v29 =	vor.u32 v0, v29  }
.Ltmp8:
0x10b: {  	_ = 	snop;
	(pc) =	sbr.rel @!p0 .LBB2_8-.Ltmp8, $3  }
0x10c: {  	_ =	sdelay $0x1  }
0x10d: {  	[tilespmem:s7+$0xE1B0] =	vst v28  }
0x10e: {  	s6 =	sadd.s32 $0x100, s6;
	[tilespmem:v29+s21+$0x0] =	vst.idx.add.s32.msk $0xffff, v3  }
0x10f: {  	v24 =	vmov s5  }
0x110: {  	v24 =	vshll.u32 v24, $0x4  }
0x111: {  	v24 =	vor.u32 v1, v24  }
0x112: {  	v25 =	vor.u32 $0x1, v24  }
0x113: {  	v26 =	vor.u32 $0x2, v24  }
0x114: {  	v27 =	vor.u32 $0x3, v24  }
0x115: {  	v28 =	vor.u32 $0x4, v24  }
0x116: {  	v30 =	vor.u32 $0x5, v24;
	v29 =	vld.idx.msk [tilespmem:v24+s21+$0x0], $0xffff  }
0x117: {  	v31 =	vor.u32 $0x6, v24;
	v25 =	vld.idx.msk [tilespmem:v25+s21+$0x0], $0xffff  }
0x118: {  	v32 =	vor.u32 $0x7, v24;
	v26 =	vld.idx.msk [tilespmem:v26+s21+$0x0], $0xffff  }
0x119: {  	v33 =	vor.u32 $0x8, v24;
	v27 =	vld.idx.msk [tilespmem:v27+s21+$0x0], $0xffff  }
0x11a: {  	v34 =	vor.u32 $0x9, v24;
	v28 =	vld.idx.msk [tilespmem:v28+s21+$0x0], $0xffff  }
0x11b: {  	v35 =	vor.u32 $0xA, v24;
	v30 =	vld.idx.msk [tilespmem:v30+s21+$0x0], $0xffff  }
0x11c: {  	v36 =	vor.u32 $0xB, v24;
	v31 =	vld.idx.msk [tilespmem:v31+s21+$0x0], $0xffff;
	v25 =	vadd.s32 v29, v25  }
0x11d: {  	v48 =	vor.u32 $0xC, v24;
	v29 =	vld.idx.msk [tilespmem:v32+s21+$0x0], $0xffff;
	v25 =	vadd.s32 v26, v25  }
0x11e: {  	v49 =	vor.u32 $0xD, v24;
	v26 =	vld.idx.msk [tilespmem:v33+s21+$0x0], $0xffff;
	v25 =	vadd.s32 v27, v25  }
0x11f: {  	v50 =	vor.u32 $0xE, v24;
	v27 =	vld.idx.msk [tilespmem:v34+s21+$0x0], $0xffff;
	v25 =	vadd.s32 v28, v25  }
0x120: {  	v24 =	vor.u32 $0xF, v24;
	v28 =	vld.idx.msk [tilespmem:v35+s21+$0x0], $0xffff;
	v25 =	vadd.s32 v30, v25  }
0x121: {  	v51 =	vld.idx.msk [tilespmem:v36+s21+$0x0], $0xffff;
	v25 =	vadd.s32 v31, v25  }
0x122: {  	v52 =	vld.idx.msk [tilespmem:v48+s21+$0x0], $0xffff;
	v25 =	vadd.s32 v29, v25  }
0x123: {  	s1 =	simm.s32 $0x10;
	v29 =	vld.idx.msk [tilespmem:v49+s21+$0x0], $0xffff;
	v25 =	vadd.s32 v26, v25  }
0x124: {  	v26 =	vld.idx.msk [tilespmem:v50+s21+$0x0], $0xffff;
	v25 =	vadd.s32 v27, v25;
	v27 =	vmov s1  }
0x125: {  	v24 =	vld.idx.msk [tilespmem:v24+s21+$0x0], $0xffff;
	v25 =	vadd.s32 v28, v25;
	v27 =	vshll.u32 v27, $0x4  }
0x126: {  	v25 =	vadd.s32 v51, v25;
	v27 =	vor.u32 v1, v27  }
0x127: {  	v25 =	vadd.s32 v52, v25;
	v28 =	vor.u32 $0x1, v27  }
0x128: {  	v25 =	vadd.s32 v29, v25;
	v29 =	vor.u32 $0x2, v27  }
0x129: {  	v25 =	vadd.s32 v26, v25;
	v26 =	vor.u32 $0x3, v27  }
0x12a: {  	v24 =	vadd.s32 v24, v25;
	v25 =	vor.u32 $0x4, v27  }
0x12b: {  	v53 =	vor.u32 $0x5, v27;
	(xrf0) =	vadd.scan.msk.s32 $0xffff, v24;
	v24 =	vld.idx.msk [tilespmem:v27+s21+$0x0], $0xffff  }
0x12c: {  	v54 =	vor.u32 $0x6, v27;
	v28 =	vld.idx.msk [tilespmem:v28+s21+$0x0], $0xffff  }
0x12d: {  	v55 =	vor.u32 $0x7, v27;
	v29 =	vld.idx.msk [tilespmem:v29+s21+$0x0], $0xffff  }
0x12e: {  	v56 =	vor.u32 $0x8, v27;
	v26 =	vld.idx.msk [tilespmem:v26+s21+$0x0], $0xffff  }
0x12f: {  	v57 =	vor.u32 $0x9, v27;
	v25 =	vld.idx.msk [tilespmem:v25+s21+$0x0], $0xffff  }
0x130: {  	v30 =	vld.idx.msk [tilespmem:v53+s21+$0x0], $0xffff  }
0x131: {  	v31 =	vld.idx.msk [tilespmem:v54+s21+$0x0], $0xffff;
	v59, _, _ =	vpop (xrf0);
	v24 =	vadd.s32 v24, v28  }
0x132: {  	v58 =	vor.u32 $0xA, v27;
	v32 =	vld.idx.msk [tilespmem:v55+s21+$0x0], $0xffff;
	v28 =	vadd.s32 s5, v59;
	v24 =	vadd.s32 v29, v24  }
0x133: {  	v29 =	vld.idx.msk [tilespmem:v56+s21+$0x0], $0xffff;
	vm0 =	vlt.s32 v28, $0x20;
	v28 =	vxor.u32 $0x80000000, v28;
	v24 =	vadd.s32 v26, v24  }
0x134: {  	(xrf0) =	vmax.scan.msk.u32 $0xffff, v28;
	v28 =	vld.idx.msk [tilespmem:v57+s21+$0x0], $0xffff;
	v24 =	vadd.s32 v25, v24  }
0x135: {  	v26 =	vsel vm0, $0x1, v2;
	v24 =	vadd.s32 v30, v24  }
0x136: {  	v37 =	vor.u32 $0xB, v27;
	(xrf0) =	vadd.scan.msk.s32 $0xffff, v26;
	v24 =	vadd.s32 v31, v24  }
0x137: {  	v26 =	vld.idx.msk [tilespmem:v58+s21+$0x0], $0xffff;
	v24 =	vadd.s32 v32, v24  }
0x138: {  	v60 =	vor.u32 $0xC, v27;
	v24 =	vadd.s32 v29, v24  }
0x139: {  	v25 =	vor.u32 $0xD, v27;
	v28 =	vadd.s32 v28, v24  }
0x13a: {  	v61 =	vor.u32 $0xE, v27  }
0x13b: {  	v62 =	vld.idx.msk [tilespmem:v37+s21+$0x0], $0xffff;
	v27 =	vor.u32 $0xF, v27;
	v29, _, _ =	vpop (xrf0)  }
0x13c: {  	v26 =	vadd.s32 v26, v28;
	(v2sf) =	vpush v29, $0xF;
	v28, _, _ =	vpop (xrf0)  }
0x13d: {  	v63 =	vld.idx.msk [tilespmem:v60+s21+$0x0], $0xffff;
	(v2sf) =	vpush v28, $0xF  }
0x13e: {  	v24 =	vld.idx.msk [tilespmem:v25+s21+$0x0], $0xffff  }
0x13f: {  	v25 =	vld.idx.msk [tilespmem:v61+s21+$0x0], $0xffff  }
0x140: {  	v29 =	vadd.s32 v62, v26;
	v26 =	vld.idx.msk [tilespmem:v27+s21+$0x0], $0xffff;
	_ =	sdelay $0x1  }
0x141: {  	s6 =	simm.s32 $0x20;
	s7 =	simm.s32 $0x30;
	v27 =	vadd.s32 v63, v29  }
.LBB2_10:
0x142: {  	p0 =	seq.s32 s7, $0xF0;
	v28 =	vmov s6;
	v24 =	vadd.s32 v24, v27;
	s6 =	smov.u32 s7  }
0x143: {  	v27 =	vshll.u32 v28, $0x4;
	v24 =	vadd.s32 v25, v24  }
0x144: {  	v25 =	vor.u32 v1, v27;
	v24 =	vadd.s32 v26, v24  }
0x145: {  	v26 =	vor.u32 $0x1, v25;
	(xrf0) =	vadd.scan.msk.s32 $0xffff, v24  }
0x146: {  	v24 =	vor.u32 $0x2, v25  }
0x147: {  	v27 =	vor.u32 $0x3, v25  }
0x148: {  	v28 =	vor.u32 $0x4, v25  }
0x149: {  	v30 =	vor.u32 $0x5, v25;
	v29 =	vld.idx.msk [tilespmem:v25+s21+$0x0], $0xffff  }
0x14a: {  	v31 =	vor.u32 $0x6, v25;
	v26 =	vld.idx.msk [tilespmem:v26+s21+$0x0], $0xffff;
	s1 =	spop (v2sf)  }
0x14b: {  	v32 =	vor.u32 $0x7, v25;
	v24 =	vld.idx.msk [tilespmem:v24+s21+$0x0], $0xffff;
	v33, _, _ =	vpop (xrf0);
	s1 =	sxor.u32 $0x80000000, s1;
	s8 =	spop (v2sf)  }
0x14c: {  	v34 =	vor.u32 $0x8, v25;
	v27 =	vld.idx.msk [tilespmem:v27+s21+$0x0], $0xffff;
	v33 =	vadd.s32 s1, v33;
	s5 =	sadd.s32 s5, s8  }
0x14d: {  	v35 =	vor.u32 $0x9, v25;
	v28 =	vld.idx.msk [tilespmem:v28+s21+$0x0], $0xffff;
	vm0 =	vlt.s32 v33, $0x20;
	v33 =	vxor.u32 $0x80000000, v33  }
0x14e: {  	v36 =	vor.u32 $0xA, v25;
	v30 =	vld.idx.msk [tilespmem:v30+s21+$0x0], $0xffff;
	v37 =	vsel vm0, $0x1, v2;
	(xrf0) =	vmax.scan.msk.u32 $0xffff, v33  }
0x14f: {  	v33 =	vor.u32 $0xB, v25;
	v31 =	vld.idx.msk [tilespmem:v31+s21+$0x0], $0xffff;
	(xrf0) =	vadd.scan.msk.s32 $0xffff, v37  }
0x150: {  	v26 =	vadd.s32 v29, v26;
	v29 =	vld.idx.msk [tilespmem:v32+s21+$0x0], $0xffff;
	v32 =	vor.u32 $0xC, v25  }
0x151: {  	v24 =	vadd.s32 v24, v26;
	v26 =	vld.idx.msk [tilespmem:v34+s21+$0x0], $0xffff;
	v34 =	vor.u32 $0xD, v25  }
0x152: {  	v24 =	vadd.s32 v27, v24;
	v27 =	vld.idx.msk [tilespmem:v35+s21+$0x0], $0xffff;
	v35 =	vor.u32 $0xE, v25  }
0x153: {  	v24 =	vadd.s32 v28, v24;
	v28 =	vld.idx.msk [tilespmem:v36+s21+$0x0], $0xffff;
	v36 =	vor.u32 $0xF, v25  }
0x154: {  	v24 =	vadd.s32 v30, v24;
	v30 =	vld.idx.msk [tilespmem:v33+s21+$0x0], $0xffff;
	v25, _, _ =	vpop (xrf0)  }
0x155: {  	v24 =	vadd.s32 v31, v24;
	v31 =	vld.idx.msk [tilespmem:v32+s21+$0x0], $0xffff;
	v32, _, _ =	vpop (xrf0);
	(v2sf) =	vpush v25, $0xF  }
0x156: {  	v25 =	vadd.s32 v29, v24;
	v24 =	vld.idx.msk [tilespmem:v34+s21+$0x0], $0xffff;
	(v2sf) =	vpush v32, $0xF  }
.Ltmp9:
0x157: {  	v26 =	vadd.s32 v26, v25;
	v25 =	vld.idx.msk [tilespmem:v35+s21+$0x0], $0xffff;
	(pc) =	sbr.rel @!p0 .LBB2_10-.Ltmp9, $4  }
0x158: {  	v27 =	vadd.s32 v27, v26;
	v26 =	vld.idx.msk [tilespmem:v36+s21+$0x0], $0xffff  }
0x159: {  	v27 =	vadd.s32 v28, v27  }
0x15a: {  	v27 =	vadd.s32 v30, v27  }
0x15b: {  	s7 =	sadd.s32 $0x10, s7;
	v27 =	vadd.s32 v31, v27  }
0x15c: {  	v24 =	vadd.s32 v24, v27  }
0x15d: {  	v27 =	vmov s6;
	v24 =	vadd.s32 v25, v24  }
0x15e: {  	v25 =	vshll.u32 v27, $0x4;
	v24 =	vadd.s32 v26, v24  }
0x15f: {  	v25 =	vor.u32 v1, v25;
	(xrf0) =	vadd.scan.msk.s32 $0xffff, v24  }
0x160: {  	v24 =	vor.u32 $0x1, v25  }
0x161: {  	v26 =	vor.u32 $0x2, v25  }
0x162: {  	v27 =	vor.u32 $0x3, v25  }
0x163: {  	v28 =	vor.u32 $0x4, v25  }
0x164: {  	v30 =	vor.u32 $0x5, v25;
	v29 =	vld.idx.msk [tilespmem:v25+s21+$0x0], $0xffff;
	s1 =	spop (v2sf)  }
0x165: {  	v31 =	vor.u32 $0x6, v25;
	v24 =	vld.idx.msk [tilespmem:v24+s21+$0x0], $0xffff;
	v32, _, _ =	vpop (xrf0);
	s1 =	sxor.u32 $0x80000000, s1  }
0x166: {  	v33 =	vor.u32 $0x7, v25;
	v26 =	vld.idx.msk [tilespmem:v26+s21+$0x0], $0xffff;
	v32 =	vadd.s32 s1, v32  }
0x167: {  	v34 =	vor.u32 $0x8, v25;
	v27 =	vld.idx.msk [tilespmem:v27+s21+$0x0], $0xffff;
	v35 =	vxor.u32 $0x80000000, v32  }
0x168: {  	v36 =	vor.u32 $0x9, v25;
	v28 =	vld.idx.msk [tilespmem:v28+s21+$0x0], $0xffff;
	(xrf0) =	vmax.scan.msk.u32 $0xffff, v35  }
0x169: {  	v51 =	vor.u32 $0xA, v25;
	v30 =	vld.idx.msk [tilespmem:v30+s21+$0x0], $0xffff  }
0x16a: {  	v37 =	vor.u32 $0xB, v25;
	v31 =	vld.idx.msk [tilespmem:v31+s21+$0x0], $0xffff;
	v24 =	vadd.s32 v29, v24  }
0x16b: {  	v53 =	vor.u32 $0xC, v25;
	v52 =	vld.idx.msk [tilespmem:v33+s21+$0x0], $0xffff;
	v24 =	vadd.s32 v26, v24  }
0x16c: {  	v54 =	vor.u32 $0xD, v25;
	v26 =	vld.idx.msk [tilespmem:v34+s21+$0x0], $0xffff;
	v24 =	vadd.s32 v27, v24  }
0x16d: {  	v55 =	vor.u32 $0xE, v25;
	v27 =	vld.idx.msk [tilespmem:v36+s21+$0x0], $0xffff;
	v24 =	vadd.s32 v28, v24  }
0x16e: {  	v25 =	vor.u32 $0xF, v25;
	v56 =	vld.idx.msk [tilespmem:v51+s21+$0x0], $0xffff;
	v24 =	vadd.s32 v30, v24;
	v57, _, _ =	vpop (xrf0)  }
0x16f: {  	v58 =	vld.idx.msk [tilespmem:v37+s21+$0x0], $0xffff;
	v24 =	vadd.s32 v31, v24;
	(v2sf) =	vpush v57, $0xF  }
0x170: {  	v59 =	vld.idx.msk [tilespmem:v53+s21+$0x0], $0xffff;
	v24 =	vadd.s32 v52, v24  }
0x171: {  	v60 =	vld.idx.msk [tilespmem:v54+s21+$0x0], $0xffff;
	v24 =	vadd.s32 v26, v24  }
0x172: {  	v26 =	vld.idx.msk [tilespmem:v55+s21+$0x0], $0xffff;
	v24 =	vadd.s32 v27, v24  }
0x173: {  	v25 =	vld.idx.msk [tilespmem:v25+s21+$0x0], $0xffff;
	v24 =	vadd.s32 v56, v24  }
0x174: {  	v24 =	vadd.s32 v58, v24  }
0x175: {  	v24 =	vadd.s32 v59, v24  }
0x176: {  	vm0 =	vlt.s32 v32, $0x20;
	v24 =	vadd.s32 v60, v24  }
0x177: {  	v27 =	vsel vm0, $0x1, v2;
	v24 =	vadd.s32 v26, v24  }
0x178: {  	(xrf0) =	vadd.scan.msk.s32 $0xffff, v27;
	v24 =	vadd.s32 v25, v24  }
0x179: {  	(xrf0) =	vadd.scan.msk.s32 $0xffff, v24;
	_ =	sdelay $0x3  }
0x17a: {  	s13 =	spop (v2sf)  }
0x17b: {  	v24, _, _ =	vpop (xrf0);
	s14 =	spop (v2sf)  }
0x17c: {  	v25, _, _ =	vpop (xrf0);
	s6 =	sxor.u32 $0x80000000, s14  }
0x17d: {  	v25 =	vadd.s32 s6, v25  }
0x17e: {  	vm0 =	vlt.s32 v25, $0x20;
	v25 =	vxor.u32 $0x80000000, v25  }
0x17f: {  	v26 =	vsel vm0, $0x1, v2;
	(xrf0) =	vmax.scan.msk.u32 $0xffff, v25  }
0x180: {  	(xrf0) =	vadd.scan.msk.s32 $0xffff, v26;
	_ =	sdelay $0x4  }
0x181: {  	(v2sf) =	vpush v24, $0xF;
	v24, _, _ =	vpop (xrf0)  }
0x182: {  	v25, _, _ =	vpop (xrf0);
	(v2sf) =	vpush v24, $0xF  }
0x183: {  	(v2sf) =	vpush v25, $0xF;
	_ =	sdelay $0xa  }
0x184: {  	s10 =	simm.s32 $0xE190  }
0x185: {  	v25 =	vld [tilespmem:s10+$0xFFFFFFF0]  }
0x186: {  	s7 =	spop (v2sf)  }
0x187: {  	s1 =	sadd.s32 s5, s13;
	s8 =	spop (v2sf)  }
0x188: {  	s1 =	sadd.s32 s1, s7;
	s5 =	spop (v2sf)  }
0x189: {  	s1 =	sadd.s32 s1, s5  }
0x18a: {  	v25 =	vshrl.u32 v25, $0x18;
	v24 =	vmov s1  }
0x18b: {  	vm0 =	vlt.s32 v25, v24  }
0x18c: {  	vm1 =	veq.s32 v25, v24;
	v25 =	vsel vm0, $0x1, v2;
	v26 =	vmpcnt.ones.xlane vm0  }
0x18d: {  	v27 =	vsel vm1, $0x1, v2;
	v61 =	vmpcnt.ones.xlane vm1;
	(xrf0) =	vadd.scan.msk.s32 $0xffff, v25  }
0x18e: {  	v25 =	vxor.u32 $0x80000000, v26;
	(xrf0) =	vadd.scan.msk.s32 $0xffff, v27  }
0x18f: {  	s9 =	simm.s32 $0x0;
	v26 =	vxor.u32 $0x80000000, v61;
	(xrf0) =	vmax.scan.msk.u32 $0xffff, v25  }
0x190: {  	v25 =	vmov s9;
	(xrf0) =	vmax.scan.msk.u32 $0xffff, v26  }
0x191: {  	v25 =	vadd.s32 $0xFFFFFFFF, v25  }
0x192: {  	v25 =	vbroadcast v25, $0x0  }
0x193: {  	v26, _, _ =	vpop (xrf0)  }
0x194: {  	v26 =	vadd.s32 v26, v25;
	v27, _, _ =	vpop (xrf0)  }
0x195: {  	v25 =	vadd.s32 v27, v25;
	v27, _, _ =	vpop (xrf0)  }
0x196: {  	(v2sf) =	vpush v27, $0xF;
	v27, _, _ =	vpop (xrf0)  }
0x197: {  	(v2sf) =	vpush v27, $0xF  }
0x198: {  	v27 =	vor.u32 s9, v0  }
0x199: {  	[tilespmem:v26+s22+$0x0] =	vst.idx.msk vm0, v27  }
0x19a: {  	[tilespmem:v25+s23+$0x0] =	vst.idx.msk vm1, v27  }
0x19b: {  	v25 =	vld [tilespmem:s10+$0x0];
	_ =	sdelay $0x4  }
0x19c: {  	v25 =	vshrl.u32 v25, $0x18  }
0x19d: {  	vm0 =	vlt.s32 v25, v24  }
0x19e: {  	vm1 =	veq.s32 v25, v24;
	v25 =	vsel vm0, $0x1, v2;
	v26 =	vmpcnt.ones.xlane vm0  }
0x19f: {  	v27 =	vmpcnt.ones.xlane vm1;
	v62 =	vsel vm1, $0x1, v2;
	(xrf0) =	vadd.scan.msk.s32 $0xffff, v25  }
0x1a0: {  	v25 =	vxor.u32 $0x80000000, v26;
	(xrf0) =	vadd.scan.msk.s32 $0xffff, v62  }
0x1a1: {  	v26 =	vxor.u32 $0x80000000, v27;
	s12 =	spop (v2sf);
	(xrf0) =	vmax.scan.msk.u32 $0xffff, v25  }
0x1a2: {  	s1 =	sadd.s32 $0x0, s12;
	s13 =	spop (v2sf);
	(xrf0) =	vmax.scan.msk.u32 $0xffff, v26  }
0x1a3: {  	s1 =	sadd.s32 $0x80000000, s1;
	s5 =	sadd.s32 $0x0, s13  }
0x1a4: {  	s8 =	sadd.s32 $0x80000000, s5;
	v25 =	vmov s1  }
0x1a5: {  	v25 =	vadd.s32 $0xFFFFFFFF, v25;
	v26 =	vmov s8;
	v27, _, _ =	vpop (xrf0)  }
0x1a6: {  	v25 =	vbroadcast v25, $0x0;
	v26 =	vadd.s32 $0xFFFFFFFF, v26;
	v28, _, _ =	vpop (xrf0)  }
0x1a7: {  	v26 =	vbroadcast v26, $0x0;
	v63, _, _ =	vpop (xrf0)  }
0x1a8: {  	v25 =	vadd.s32 v27, v25;
	(v2sf) =	vpush v63, $0xF;
	v27, _, _ =	vpop (xrf0)  }
0x1a9: {  	v26 =	vadd.s32 v28, v26;
	(v2sf) =	vpush v27, $0xF;
	_ =	sdelay $0x1  }
0x1aa: {  	s14 =	simm.s32 $0x10  }
0x1ab: {  	v27 =	vor.u32 s14, v0  }
0x1ac: {  	[tilespmem:v25+s22+$0x0] =	vst.idx.msk vm0, v27  }
0x1ad: {  	s6 =	simm.s32 $0xE1B0;
	[tilespmem:v26+s23+$0x0] =	vst.idx.msk vm1, v27  }
0x1ae: {  	v25 =	vld [tilespmem:s6+$0xFFFFFFF0];
	_ =	sdelay $0x4  }
0x1af: {  	v25 =	vshrl.u32 v25, $0x18  }
0x1b0: {  	vm1 =	vlt.s32 v25, v24  }
0x1b1: {  	vm0 =	veq.s32 v25, v24;
	v25 =	vsel vm1, $0x1, v2;
	v26 =	vmpcnt.ones.xlane vm1  }
0x1b2: {  	s7 =	simm.s32 $0x40;
	v27 =	vsel vm0, $0x1, v2;
	(xrf0) =	vadd.scan.msk.s32 $0xffff, v25;
	s9 =	spop (v2sf);
	v25 =	vmpcnt.ones.xlane vm0  }
0x1b3: {  	s5 =	simm.s32 $0x20;
	v26 =	vxor.u32 $0x80000000, v26;
	(xrf0) =	vadd.scan.msk.s32 $0xffff, v27;
	s1 =	sadd.s32 s9, s1;
	s9 =	spop (v2sf)  }
.LBB2_12:
0x1b4: {  	p0 =	sne.s32 s7, $0x1FE0;
	v25 =	vxor.u32 $0x80000000, v25;
	(xrf0) =	vmax.scan.msk.u32 $0xffff, v26;
	s1 =	sadd.s32 $0x80000000, s1;
	s8 =	sadd.s32 s9, s8  }
0x1b5: {  	s9 =	smov.u32 s7;
	s7 =	sadd.s32 $0x20, s7;
	v26 =	vmov s1;
	(xrf0) =	vmax.scan.msk.u32 $0xffff, v25;
	s8 =	sadd.s32 $0x80000000, s8  }
0x1b6: {  	v25 =	vadd.s32 $0xFFFFFFFF, v26;
	v26 =	vmov s8  }
0x1b7: {  	v25 =	vbroadcast v25, $0x0;
	v26 =	vadd.s32 $0xFFFFFFFF, v26  }
0x1b8: {  	v26 =	vbroadcast v26, $0x0;
	v27, _, _ =	vpop (xrf0)  }
0x1b9: {  	v25 =	vadd.s32 v27, v25;
	v27, _, _ =	vpop (xrf0)  }
0x1ba: {  	v26 =	vadd.s32 v27, v26;
	v27, _, _ =	vpop (xrf0)  }
0x1bb: {  	(v2sf) =	vpush v27, $0xF;
	v27, _, _ =	vpop (xrf0)  }
0x1bc: {  	(v2sf) =	vpush v27, $0xF  }
0x1bd: {  	v27 =	vor.u32 s5, v0  }
0x1be: {  	[tilespmem:v25+s22+$0x0] =	vst.idx.msk vm1, v27  }
0x1bf: {  	[tilespmem:v26+s23+$0x0] =	vst.idx.msk vm0, v27  }
0x1c0: {  	v25 =	vld [tilespmem:s6+$0x0];
	_ =	sdelay $0x4  }
0x1c1: {  	v25 =	vshrl.u32 v25, $0x18  }
0x1c2: {  	vm1 =	vlt.s32 v25, v24;
	vm0 =	veq.s32 v25, v24  }
0x1c3: {  	v25 =	vsel vm1, $0x1, v2;
	v26 =	vmpcnt.ones.xlane vm1;
	v27 =	vmpcnt.ones.xlane vm0  }
0x1c4: {  	v28 =	vsel vm0, $0x1, v2;
	(xrf0) =	vadd.scan.msk.s32 $0xffff, v25  }
0x1c5: {  	v25 =	vxor.u32 $0x80000000, v26;
	v26 =	vxor.u32 $0x80000000, v27;
	(xrf0) =	vadd.scan.msk.s32 $0xffff, v28  }
0x1c6: {  	s10 =	spop (v2sf);
	(xrf0) =	vmax.scan.msk.u32 $0xffff, v25  }
0x1c7: {  	s1 =	sadd.s32 s10, s1;
	s10 =	spop (v2sf);
	(xrf0) =	vmax.scan.msk.u32 $0xffff, v26  }
0x1c8: {  	s1 =	sadd.s32 $0x80000000, s1;
	s8 =	sadd.s32 s10, s8  }
0x1c9: {  	s8 =	sadd.s32 $0x80000000, s8;
	v25 =	vmov s1  }
0x1ca: {  	v25 =	vadd.s32 $0xFFFFFFFF, v25;
	v26 =	vmov s8;
	v27, _, _ =	vpop (xrf0)  }
0x1cb: {  	v25 =	vbroadcast v25, $0x0;
	v26 =	vadd.s32 $0xFFFFFFFF, v26;
	v28, _, _ =	vpop (xrf0)  }
0x1cc: {  	v26 =	vbroadcast v26, $0x0;
	v29, _, _ =	vpop (xrf0)  }
0x1cd: {  	v25 =	vadd.s32 v27, v25;
	(v2sf) =	vpush v29, $0xF;
	v27, _, _ =	vpop (xrf0)  }
0x1ce: {  	v26 =	vadd.s32 v28, v26;
	(v2sf) =	vpush v27, $0xF;
	_ =	sdelay $0x1  }
0x1cf: {  	s10 =	sadd.s32 $0x10, s5;
	s5 =	smov.u32 s9  }
0x1d0: {  	v27 =	vor.u32 s10, v0  }
0x1d1: {  	[tilespmem:v25+s22+$0x0] =	vst.idx.msk vm1, v27  }
0x1d2: {  	s6 =	sadd.s32 $0x20, s6;
	[tilespmem:v26+s23+$0x0] =	vst.idx.msk vm0, v27  }
0x1d3: {  	v25 =	vld [tilespmem:s6+$0xFFFFFFF0];
	_ =	sdelay $0x4  }
.Ltmp10:
0x1d4: {  	v25 =	vshrl.u32 v25, $0x18;
	(pc) =	sbr.rel @p0 .LBB2_12-.Ltmp10, $4  }
0x1d5: {  	vm1 =	vlt.s32 v25, v24  }
0x1d6: {  	vm0 =	veq.s32 v25, v24;
	v26 =	vsel vm1, $0x1, v2;
	v27 =	vmpcnt.ones.xlane vm1  }
0x1d7: {  	v28 =	vsel vm0, $0x1, v2;
	v25 =	vmpcnt.ones.xlane vm0;
	(xrf0) =	vadd.scan.msk.s32 $0xffff, v26;
	s9 =	spop (v2sf)  }
0x1d8: {  	v26 =	vxor.u32 $0x80000000, v27;
	(xrf0) =	vadd.scan.msk.s32 $0xffff, v28;
	s1 =	sadd.s32 s9, s1;
	s9 =	spop (v2sf)  }
0x1d9: {  	s1 =	sadd.s32 $0x80000000, s1  }
0x1da: {  	v27 =	vmov s1  }
0x1db: {  	s7 =	sadd.s32 s9, s8;
	v27 =	vadd.s32 $0xFFFFFFFF, v27  }
0x1dc: {  	s7 =	sadd.s32 $0x80000000, s7;
	v27 =	vbroadcast v27, $0x0  }
0x1dd: {  	v28 =	vmov s7  }
0x1de: {  	v28 =	vadd.s32 $0xFFFFFFFF, v28  }
0x1df: {  	v28 =	vbroadcast v28, $0x0;
	v29, _, _ =	vpop (xrf0)  }
0x1e0: {  	(xrf0) =	vmax.scan.msk.u32 $0xffff, v26;
	v25 =	vxor.u32 $0x80000000, v25;
	v26 =	vadd.s32 v29, v27;
	v27, _, _ =	vpop (xrf0)  }
0x1e1: {  	(xrf0) =	vmax.scan.msk.u32 $0xffff, v25;
	v25 =	vadd.s32 v27, v28;
	_ =	sdelay $0x2  }
0x1e2: {  	v27 =	vor.u32 s5, v0  }
0x1e3: {  	[tilespmem:v26+s22+$0x0] =	vst.idx.msk vm1, v27  }
0x1e4: {  	v26, _, _ =	vpop (xrf0);
	[tilespmem:v25+s23+$0x0] =	vst.idx.msk vm0, v27  }
0x1e5: {  	(v2sf) =	vpush v26, $0xF;
	v26 =	vld [tilespmem:s6+$0x0];
	_ =	sdelay $0x1  }
0x1e6: {  	v25, _, _ =	vpop (xrf0)  }
0x1e7: {  	(v2sf) =	vpush v25, $0xF;
	_ =	sdelay $0x1  }
0x1e8: {  	v25 =	vshrl.u32 v26, $0x18  }
0x1e9: {  	vm14 =	vlt.s32 v25, v24  }
0x1ea: {  	vm15 =	veq.s32 v25, v24;
	v24 =	vsel vm14, $0x1, v2;
	v25 =	vmpcnt.ones.xlane vm14  }
0x1eb: {  	v26 =	vmpcnt.ones.xlane vm15;
	v27 =	vsel vm15, $0x1, v2;
	(xrf0) =	vadd.scan.msk.s32 $0xffff, v24  }
0x1ec: {  	v24 =	vxor.u32 $0x80000000, v25;
	(xrf0) =	vadd.scan.msk.s32 $0xffff, v27  }
0x1ed: {  	v25 =	vxor.u32 $0x80000000, v26;
	(xrf0) =	vmax.scan.msk.u32 $0xffff, v24  }
0x1ee: {  	(xrf0) =	vmax.scan.msk.u32 $0xffff, v25;
	_ =	sdelay $0x2  }
0x1ef: {  	v24, _, _ =	vpop (xrf0)  }
0x1f0: {  	v25, _, _ =	vpop (xrf0)  }
0x1f1: {  	v26, _, _ =	vpop (xrf0)  }
0x1f2: {  	s14 =	spop (v2sf);
	(v2sf) =	vpush v26, $0xF;
	v26, _, _ =	vpop (xrf0)  }
0x1f3: {  	s8 =	spop (v2sf);
	(v2sf) =	vpush v26, $0xF;
	_ =	sdelay $0x1  }
0x1f4: {  	s1 =	sadd.s32 s14, s1  }
0x1f5: {  	s1 =	sadd.s32 $0x80000000, s1;
	s6 =	sadd.s32 s8, s7  }
0x1f6: {  	v27 =	vmov s1;
	s6 =	sadd.s32 $0x80000000, s6  }
0x1f7: {  	v26 =	vadd.s32 $0xFFFFFFFF, v27;
	v27 =	vmov s6  }
0x1f8: {  	v26 =	vbroadcast v26, $0x0;
	v27 =	vadd.s32 $0xFFFFFFFF, v27  }
0x1f9: {  	v27 =	vbroadcast v27, $0x0  }
0x1fa: {  	v24 =	vadd.s32 v24, v26  }
0x1fb: {  	v25 =	vadd.s32 v25, v27;
	_ =	sdelay $0x1  }
0x1fc: {  	s9 =	sadd.s32 $0x10, s5  }
0x1fd: {  	v26 =	vor.u32 s9, v0  }
0x1fe: {  	[tilespmem:v24+s22+$0x0] =	vst.idx.msk vm14, v26  }
0x1ff: {  	[tilespmem:v25+s23+$0x0] =	vst.idx.msk vm15, v26;
	s5 =	spop (v2sf)  }
0x200: {  	[tilespmem:$0x10180] =	vst v2;
	s10 =	spop (v2sf)  }
0x201: {  	[tilespmem:$0x10190] =	vst v2;
	s6 =	sadd.s32 s10, s6  }
0x202: {  	[tilespmem:$0x101A0] =	vst v2;
	s6 =	sadd.s32 $0x80000000, s6  }
0x203: {  	[tilespmem:$0x101B0] =	vst v2;
	s12 =	sadd.s32 $0xF, s6  }
0x204: {  	[tilespmem:$0x101C0] =	vst v2;
	s13 =	sand.u32 $0xF, s12  }
0x205: {  	[tilespmem:$0x101D0] =	vst v2;
	s14 =	sshra.s32 s12, $0x1F;
	p1 =	slt.s32 s12, $0x1;
	p0 =	sne.s32 s13, $0x0  }
0x206: {  	[tilespmem:$0x101E0] =	vst v2;
	s8 =	sshrl.u32 s14, $0x1C;
	p0 =	por !p1, !p0  }
0x207: {  	[tilespmem:$0x101F0] =	vst v2;
	s7 =	sadd.s32 s8, s12;
	s8 =	simm.s32 $0x1;
	p0 =	por !p0, !p0  }
0x208: {  	[tilespmem:$0x10200] =	vst v2;
	s7 =	sshra.s32 s7, $0x4;
	s8 =	simm.s32 @!p0 $0x0  }
0x209: {  	[tilespmem:$0x10210] =	vst v2;
	s9 =	ssub.s32 s7, s8  }
0x20a: {  	[tilespmem:$0x10220] =	vst v2;
	p0 =	slt.s32 s9, $0x1  }
.Ltmp11:
0x20b: {  	[tilespmem:$0x10230] =	vst v2;
	(pc) =	sbr.rel @p0 .LBB2_16-.Ltmp11, $4  }
0x20c: {  	[tilespmem:$0x10240] =	vst v2  }
0x20d: {  	[tilespmem:$0x10250] =	vst v2  }
0x20e: {  	[tilespmem:$0x10260] =	vst v2;
	s1 =	sadd.s32 s5, s1  }
0x20f: {  	[tilespmem:$0x10270] =	vst v2;
	s5 =	sadd.s32 $0x80000000, s1;
	v24 =	vmov s6  }
0x210: {  	s1 =	simm.s32 $0x11280;
	s6 =	simm.s32 $0x0;
	s7 =	smov.u32 s9  }
.LBB2_15:
0x211: {  	v25 =	vld [tilespmem:s1+$0x0];
	_ =	sdelay $0x2  }
0x212: {  	v26 =	vor.u32 s6, v0  }
0x213: {  	vm0 =	vlt.s32 v26, v24  }
0x214: {  	v25 =	vnsel vm0, $0x0, v25;
	_ =	sdelay $0x4  }
0x215: {  	v25 =	vld.idx.msk [tilespmem:v25+s25+$0x0], $0xffff;
	_ =	sdelay $0x4  }
0x216: {  	v25 =	vshrl.u32 v25, $0x10  }
0x217: {  	v25 =	vand.u32 $0xF0, v25  }
0x218: {  	p1 =	sne.s32 s7, $0x1;
	v25 =	vor.u32 v0, v25  }
.Ltmp12:
0x219: {  	_ = 	snop;
	(pc) =	sbr.rel @p1 .LBB2_15-.Ltmp12, $2  }
0x21a: {  	_ =	sdelay $0x2  }
0x21b: {  	s1 =	sadd.s32 $0x10, s1;
	s6 =	sadd.s32 $0x10, s6;
	s7 =	sadd.s32 $0xFFFFFFFF, s7;
	[tilespmem:v25+s21+$0x0] =	vst.idx.add.s32.msk vm0, v3  }
.LBB2_16:
0x21c: {  	_ =	sdelay $0x3  }
0x21d: {  	v25 =	vld.idx.msk [tilespmem:v1+s21+$0x0], $0xffff  }
0x21e: {  	v26 =	vld.idx.msk [tilespmem:v4+s21+$0x0], $0xffff  }
0x21f: {  	v27 =	vld.idx.msk [tilespmem:v5+s21+$0x0], $0xffff  }
0x220: {  	v28 =	vld.idx.msk [tilespmem:v6+s21+$0x0], $0xffff  }
0x221: {  	v29 =	vld.idx.msk [tilespmem:v7+s21+$0x0], $0xffff  }
0x222: {  	v30 =	vld.idx.msk [tilespmem:v8+s21+$0x0], $0xffff  }
0x223: {  	v25 =	vadd.s32 v25, v26;
	v26 =	vld.idx.msk [tilespmem:v9+s21+$0x0], $0xffff  }
0x224: {  	v25 =	vadd.s32 v27, v25;
	v27 =	vld.idx.msk [tilespmem:v10+s21+$0x0], $0xffff  }
0x225: {  	v58 =	vld.idx.msk [tilespmem:v11+s21+$0x0], $0xffff;
	v25 =	vadd.s32 v28, v25  }
0x226: {  	v59 =	vld.idx.msk [tilespmem:v12+s21+$0x0], $0xffff;
	v25 =	vadd.s32 v29, v25  }
0x227: {  	v60 =	vld.idx.msk [tilespmem:v13+s21+$0x0], $0xffff;
	v25 =	vadd.s32 v30, v25  }
0x228: {  	v25 =	vadd.s32 v26, v25;
	v26 =	vld.idx.msk [tilespmem:v14+s21+$0x0], $0xffff  }
0x229: {  	v25 =	vadd.s32 v27, v25;
	v27 =	vld.idx.msk [tilespmem:v15+s21+$0x0], $0xffff  }
0x22a: {  	v61 =	vld.idx.msk [tilespmem:v16+s21+$0x0], $0xffff;
	v25 =	vadd.s32 v58, v25  }
0x22b: {  	v62 =	vld.idx.msk [tilespmem:v17+s21+$0x0], $0xffff;
	v25 =	vadd.s32 v59, v25  }
0x22c: {  	v63 =	vld.idx.msk [tilespmem:v18+s21+$0x0], $0xffff;
	v25 =	vadd.s32 v60, v25  }
0x22d: {  	v25 =	vadd.s32 v26, v25  }
0x22e: {  	v25 =	vadd.s32 v27, v25  }
0x22f: {  	v25 =	vadd.s32 v61, v25  }
0x230: {  	v25 =	vadd.s32 v62, v25  }
0x231: {  	v25 =	vadd.s32 v63, v25  }
0x232: {  	(xrf0) =	vadd.scan.msk.s32 $0xffff, v25;
	_ =	sdelay $0x5  }
0x233: {  	s6 =	ssub.s32 $0x20, s5;
	v25, _, _ =	vpop (xrf0)  }
0x234: {  	vm0 =	vlt.s32 v25, s6;
	v26 =	vxor.u32 $0x80000000, v25  }
0x235: {  	v26 =	vnsel vm0, $0x80000000, v26  }
0x236: {  	(xrf0) =	vmax.scan.msk.u32 $0xffff, v26;
	_ =	sdelay $0x5  }
0x237: {  	v26, _, _ =	vpop (xrf0)  }
0x238: {  	(v2sf) =	vpush v26, $0xF;
	_ =	sdelay $0xa  }
.Ltmp13:
0x239: {  	_ = 	snop;
	(pc) =	sbr.rel @p0 .LBB2_17-.Ltmp13, $2  }
0x23a: {  	_ =	sdelay $0x2  }
0x23b: {  	s7 =	spop (v2sf)  }
0x23c: {  	s1 =	simm.s32 $0x11280  }
0x23d: {  	v26 =	vmov s6;
	v27 =	vld [tilespmem:s1+$0x0]  }
0x23e: {  	vm0 =	vlt.s32 v25, v26  }
0x23f: {  	s8 =	simm.s32 $0x0;
	v25 =	vsel vm0, $0x1, v2  }
0x240: {  	(xrf0) =	vadd.scan.msk.s32 $0xffff, v25;
	v25 =	vor.u32 s8, v0  }
0x241: {  	vm0 =	vlt.s32 v25, v24  }
0x242: {  	p1 =	sne.s32 s9, $0x1;
	v25 =	vnsel vm0, $0x0, v27  }
.Ltmp14:
0x243: {  	_ = 	snop;
	(pc) =	sbr.rel @!p1 .LBB2_19-.Ltmp14, $3  }
0x244: {  	_ =	sdelay $0x1  }
0x245: {  	v26, _, _ =	vpop (xrf0)  }
0x246: {  	s9 =	sadd.s32 $0xFFFFFFFF, s9;
	p0 =	por $0x0, $0x0;
	v26 =	vbroadcast v26, $0xF;
	v27 =	vld.idx.msk [tilespmem:v25+s25+$0x0], $0xffff  }
0x247: {  	_ =	sdelay $0x3  }
0x248: {  	v27 =	vshrl.u32 v27, $0x14  }
0x249: {  	v27 =	vand.u32 $0xF, v27  }
0x24a: {  	vm1 =	vlt.s32 v27, v26  }
0x24b: {  	vm2 =	veq.s32 v27, v26;
	vm1 =	vmand vm0, vm1  }
0x24c: {  	vm0 =	vmand vm0, vm2;
	v27 =	vsel vm1, $0x1, v2;
	v28 =	vmpcnt.ones.xlane vm1  }
0x24d: {  	v29 =	vsel vm0, $0x1, v2;
	(xrf0) =	vadd.scan.msk.s32 $0xffff, v27;
	v27 =	vmpcnt.ones.xlane vm0  }
0x24e: {  	v28 =	vxor.u32 $0x80000000, v28;
	(xrf0) =	vadd.scan.msk.s32 $0xffff, v29  }
0x24f: {  	(xrf0) =	vmax.scan.msk.u32 $0xffff, v28;
	v27 =	vxor.u32 $0x80000000, v27  }
0x250: {  	(xrf0) =	vmax.scan.msk.u32 $0xffff, v27  }
0x251: {  	v27 =	vmov s5  }
0x252: {  	v28 =	vmov s8;
	v27 =	vadd.s32 $0xFFFFFFFF, v27  }
0x253: {  	v28 =	vadd.s32 $0xFFFFFFFF, v28;
	v27 =	vbroadcast v27, $0x0;
	v29, _, _ =	vpop (xrf0)  }
0x254: {  	v28 =	vbroadcast v28, $0x0;
	v30, _, _ =	vpop (xrf0)  }
0x255: {  	v27 =	vadd.s32 v29, v27;
	v31, _, _ =	vpop (xrf0)  }
0x256: {  	v28 =	vadd.s32 v30, v28;
	(v2sf) =	vpush v31, $0xF;
	v29, _, _ =	vpop (xrf0)  }
0x257: {  	(v2sf) =	vpush v29, $0xF;
	_ =	sdelay $0x2  }
0x258: {  	[tilespmem:v27+s22+$0x0] =	vst.idx.msk vm1, v25  }
0x259: {  	s10 =	simm.s32 $0x11290;
	[tilespmem:v28+s26+$0x0] =	vst.idx.msk vm0, v25  }
0x25a: {  	v25 =	vld [tilespmem:s10+$0x0];
	_ =	sdelay $0x1  }
0x25b: {  	s12 =	simm.s32 $0x10  }
0x25c: {  	v27 =	vor.u32 s12, v0  }
0x25d: {  	vm0 =	vlt.s32 v27, v24  }
0x25e: {  	p1 =	sne.s32 s9, $0x1;
	v25 =	vnsel vm0, $0x0, v25  }
.Ltmp15:
0x25f: {  	_ = 	snop;
	(pc) =	sbr.rel @!p1 .LBB2_21-.Ltmp15, $3  }
0x260: {  	_ =	sdelay $0x1  }
0x261: {  	s13 =	sadd.s32 $0xFFFFFFFF, s9;
	p0 =	por $0x1, $0x1;
	s1 =	spop (v2sf)  }
0x262: {  	s9 =	simm.s32 $0x0;
	v27 =	vld.idx.msk [tilespmem:v25+s25+$0x0], $0xffff;
	s14 =	sadd.s32 s1, s5;
	s1 =	spop (v2sf)  }
.LBB2_22:
0x263: {  	p1 =	sne.s32 s13, $0x1;
	s14 =	sadd.s32 $0x80000000, s14;
	s1 =	sadd.s32 s1, s9  }
0x264: {  	s13 =	sadd.s32 $0xFFFFFFFF, s13;
	v28 =	vmov s14;
	s9 =	sadd.s32 $0x80000000, s1  }
0x265: {  	v28 =	vadd.s32 $0xFFFFFFFF, v28;
	v29 =	vmov s9  }
0x266: {  	v29 =	vadd.s32 $0xFFFFFFFF, v29  }
0x267: {  	v27 =	vshrl.u32 v27, $0x14  }
0x268: {  	v27 =	vand.u32 $0xF, v27  }
0x269: {  	vm1 =	vlt.s32 v27, v26;
	vm2 =	veq.s32 v27, v26  }
0x26a: {  	vm1 =	vmand vm0, vm1;
	vm0 =	vmand vm0, vm2  }
0x26b: {  	v27 =	vsel vm1, $0x1, v2;
	v30 =	vmpcnt.ones.xlane vm1;
	v31 =	vmpcnt.ones.xlane vm0  }
0x26c: {  	v32 =	vsel vm0, $0x1, v2;
	(xrf0) =	vadd.scan.msk.s32 $0xffff, v27  }
0x26d: {  	v27 =	vxor.u32 $0x80000000, v30;
	v30 =	vxor.u32 $0x80000000, v31;
	(xrf0) =	vadd.scan.msk.s32 $0xffff, v32  }
0x26e: {  	(xrf0) =	vmax.scan.msk.u32 $0xffff, v27  }
0x26f: {  	(xrf0) =	vmax.scan.msk.u32 $0xffff, v30;
	_ =	sdelay $0x1  }
0x270: {  	v27 =	vbroadcast v28, $0x0  }
0x271: {  	v28 =	vbroadcast v29, $0x0;
	v29, _, _ =	vpop (xrf0)  }
0x272: {  	v27 =	vadd.s32 v29, v27;
	v29, _, _ =	vpop (xrf0)  }
0x273: {  	v28 =	vadd.s32 v29, v28;
	v29, _, _ =	vpop (xrf0)  }
0x274: {  	(v2sf) =	vpush v29, $0xF;
	v29, _, _ =	vpop (xrf0)  }
0x275: {  	(v2sf) =	vpush v29, $0xF;
	_ =	sdelay $0x1  }
0x276: {  	[tilespmem:v27+s22+$0x0] =	vst.idx.msk vm1, v25  }
0x277: {  	s10 =	sadd.s32 $0x10, s10;
	[tilespmem:v28+s26+$0x0] =	vst.idx.msk vm0, v25  }
0x278: {  	v25 =	vld [tilespmem:s10+$0x0];
	_ =	sdelay $0x1  }
0x279: {  	s12 =	sadd.s32 $0x10, s12  }
0x27a: {  	v27 =	vor.u32 s12, v0  }
0x27b: {  	vm0 =	vlt.s32 v27, v24  }
0x27c: {  	v25 =	vnsel vm0, $0x0, v25;
	_ =	sdelay $0x1  }
.Ltmp16:
0x27d: {  	(pc) =	sbr.rel @p1 .LBB2_22-.Ltmp16, $3  }
0x27e: {  	_ =	sdelay $0x1  }
0x27f: {  	v27 =	vld.idx.msk [tilespmem:v25+s25+$0x0], $0xffff;
	s1 =	spop (v2sf)  }
0x280: {  	s14 =	sadd.s32 s1, s14;
	s1 =	spop (v2sf)  }
.LBB2_23:
0x281: {  	_ =	sdelay $0x2  }
0x282: {  	v24 =	vshrl.u32 v27, $0x14  }
0x283: {  	v24 =	vand.u32 $0xF, v24  }
0x284: {  	vm1 =	vlt.s32 v24, v26  }
0x285: {  	vm2 =	veq.s32 v24, v26;
	vm1 =	vmand vm0, vm1  }
0x286: {  	vm15 =	vmand vm0, vm2;
	v53 =	vsel vm1, $0x1, v2;
	v54 =	vmpcnt.ones.xlane vm1  }
0x287: {  	v55 =	vmpcnt.ones.xlane vm15;
	v28 =	vsel vm15, $0x1, v2;
	(xrf0) =	vadd.scan.msk.s32 $0xffff, v53  }
0x288: {  	v56 =	vxor.u32 $0x80000000, v54;
	(xrf0) =	vadd.scan.msk.s32 $0xffff, v28  }
0x289: {  	v57 =	vxor.u32 $0x80000000, v55;
	(xrf0) =	vmax.scan.msk.u32 $0xffff, v56  }
0x28a: {  	(xrf0) =	vmax.scan.msk.u32 $0xffff, v57;
	_ =	sdelay $0x2  }
0x28b: {  	v58, _, _ =	vpop (xrf0)  }
0x28c: {  	v59, _, _ =	vpop (xrf0)  }
0x28d: {  	v60, _, _ =	vpop (xrf0)  }
0x28e: {  	(v2sf) =	vpush v60, $0xF;
	v61, _, _ =	vpop (xrf0)  }
0x28f: {  	(v2sf) =	vpush v61, $0xF;
	_ =	sdelay $0x4  }
0x290: {  	s10 =	sadd.s32 @p0 $0x80000000, s14;
	s1 =	sadd.s32 @p0 s1, s9  }
0x291: {  	s5 =	smov.u32 @p0 s10;
	s1 =	sadd.s32 @p0 $0x80000000, s1  }
0x292: {  	v62 =	vmov s5;
	s8 =	smov.u32 @p0 s1  }
0x293: {  	v27 =	vadd.s32 $0xFFFFFFFF, v62;
	v63 =	vmov s8  }
0x294: {  	v27 =	vbroadcast v27, $0x0;
	v28 =	vadd.s32 $0xFFFFFFFF, v63  }
0x295: {  	v28 =	vbroadcast v28, $0x0  }
0x296: {  	v24 =	vadd.s32 v58, v27  }
0x297: {  	v26 =	vadd.s32 v59, v28  }
.Ltmp17:
0x298: {  	_ = 	snop;
	(pc) =	sbr.rel .LBB2_24-.Ltmp17, $4  }
0x299: {  	s13 =	spop (v2sf)  }
0x29a: {  	s14 =	spop (v2sf)  }
0x29b: {  	[tilespmem:v24+s22+$0x0] =	vst.idx.msk vm1, v25;
	s1 =	sadd.s32 s13, s5;
	s8 =	sadd.s32 s14, s8  }
0x29c: {  	[tilespmem:v26+s26+$0x0] =	vst.idx.msk vm15, v25;
	s5 =	sadd.s32 $0x80000000, s1;
	s1 =	sadd.s32 $0x80000000, s8  }
.LBB2_17:
0x29d: {  	s1 =	simm.s32 $0x0  }
.LBB2_24:
0x29e: {  	[tilespmem:$0x10180] =	vst v2  }
0x29f: {  	[tilespmem:$0x10190] =	vst v2  }
0x2a0: {  	[tilespmem:$0x101A0] =	vst v2  }
0x2a1: {  	[tilespmem:$0x101B0] =	vst v2;
	s8 =	sadd.s32 $0xF, s1  }
0x2a2: {  	[tilespmem:$0x101C0] =	vst v2;
	s9 =	sand.u32 $0xF, s8  }
0x2a3: {  	[tilespmem:$0x101D0] =	vst v2;
	s14 =	sshra.s32 s8, $0x1F;
	p1 =	slt.s32 s8, $0x1;
	p0 =	sne.s32 s9, $0x0  }
0x2a4: {  	[tilespmem:$0x101E0] =	vst v2;
	s9 =	sshrl.u32 s14, $0x1C;
	p0 =	por !p1, !p0  }
0x2a5: {  	[tilespmem:$0x101F0] =	vst v2;
	s8 =	sadd.s32 s9, s8;
	s9 =	simm.s32 $0x1;
	p0 =	por !p0, !p0  }
0x2a6: {  	[tilespmem:$0x10200] =	vst v2;
	s8 =	sshra.s32 s8, $0x4;
	s9 =	simm.s32 @!p0 $0x0  }
0x2a7: {  	[tilespmem:$0x10210] =	vst v2;
	s9 =	ssub.s32 s8, s9  }
0x2a8: {  	[tilespmem:$0x10220] =	vst v2;
	p0 =	slt.s32 s9, $0x1  }
.Ltmp18:
0x2a9: {  	[tilespmem:$0x10230] =	vst v2;
	(pc) =	sbr.rel @p0 .LBB2_27-.Ltmp18, $4  }
0x2aa: {  	[tilespmem:$0x10240] =	vst v2  }
0x2ab: {  	[tilespmem:$0x10250] =	vst v2  }
0x2ac: {  	[tilespmem:$0x10260] =	vst v2  }
0x2ad: {  	[tilespmem:$0x10270] =	vst v2;
	v24 =	vmov s1  }
0x2ae: {  	s1 =	simm.s32 $0x13300;
	s8 =	simm.s32 $0x0;
	s10 =	smov.u32 s9  }
.LBB2_26:
0x2af: {  	v25 =	vld [tilespmem:s1+$0x0];
	_ =	sdelay $0x2  }
0x2b0: {  	v26 =	vor.u32 s8, v0  }
0x2b1: {  	vm0 =	vlt.s32 v26, v24  }
0x2b2: {  	v25 =	vnsel vm0, $0x0, v25;
	_ =	sdelay $0x4  }
0x2b3: {  	v25 =	vld.idx.msk [tilespmem:v25+s25+$0x0], $0xffff;
	_ =	sdelay $0x4  }
0x2b4: {  	v25 =	vshrl.u32 v25, $0xC  }
0x2b5: {  	v25 =	vand.u32 $0xF0, v25  }
0x2b6: {  	p1 =	sne.s32 s10, $0x1;
	v25 =	vor.u32 v0, v25  }
.Ltmp19:
0x2b7: {  	_ = 	snop;
	(pc) =	sbr.rel @p1 .LBB2_26-.Ltmp19, $2  }
0x2b8: {  	_ =	sdelay $0x2  }
0x2b9: {  	s1 =	sadd.s32 $0x10, s1;
	s8 =	sadd.s32 $0x10, s8;
	s10 =	sadd.s32 $0xFFFFFFFF, s10;
	[tilespmem:v25+s21+$0x0] =	vst.idx.add.s32.msk vm0, v3  }
.LBB2_27:
0x2ba: {  	_ =	sdelay $0x3  }
0x2bb: {  	v25 =	vld.idx.msk [tilespmem:v1+s21+$0x0], $0xffff  }
0x2bc: {  	v26 =	vld.idx.msk [tilespmem:v4+s21+$0x0], $0xffff  }
0x2bd: {  	v27 =	vld.idx.msk [tilespmem:v5+s21+$0x0], $0xffff  }
0x2be: {  	v28 =	vld.idx.msk [tilespmem:v6+s21+$0x0], $0xffff  }
0x2bf: {  	v29 =	vld.idx.msk [tilespmem:v7+s21+$0x0], $0xffff  }
0x2c0: {  	v30 =	vld.idx.msk [tilespmem:v8+s21+$0x0], $0xffff  }
0x2c1: {  	v25 =	vadd.s32 v25, v26;
	v26 =	vld.idx.msk [tilespmem:v9+s21+$0x0], $0xffff  }
0x2c2: {  	v25 =	vadd.s32 v27, v25;
	v27 =	vld.idx.msk [tilespmem:v10+s21+$0x0], $0xffff  }
0x2c3: {  	v58 =	vld.idx.msk [tilespmem:v11+s21+$0x0], $0xffff;
	v25 =	vadd.s32 v28, v25  }
0x2c4: {  	v59 =	vld.idx.msk [tilespmem:v12+s21+$0x0], $0xffff;
	v25 =	vadd.s32 v29, v25  }
0x2c5: {  	v60 =	vld.idx.msk [tilespmem:v13+s21+$0x0], $0xffff;
	v25 =	vadd.s32 v30, v25  }
0x2c6: {  	v25 =	vadd.s32 v26, v25;
	v26 =	vld.idx.msk [tilespmem:v14+s21+$0x0], $0xffff  }
0x2c7: {  	v25 =	vadd.s32 v27, v25;
	v27 =	vld.idx.msk [tilespmem:v15+s21+$0x0], $0xffff  }
0x2c8: {  	v61 =	vld.idx.msk [tilespmem:v16+s21+$0x0], $0xffff;
	v25 =	vadd.s32 v58, v25  }
0x2c9: {  	v62 =	vld.idx.msk [tilespmem:v17+s21+$0x0], $0xffff;
	v25 =	vadd.s32 v59, v25  }
0x2ca: {  	v63 =	vld.idx.msk [tilespmem:v18+s21+$0x0], $0xffff;
	v25 =	vadd.s32 v60, v25  }
0x2cb: {  	v25 =	vadd.s32 v26, v25  }
0x2cc: {  	v25 =	vadd.s32 v27, v25  }
0x2cd: {  	v25 =	vadd.s32 v61, v25  }
0x2ce: {  	v25 =	vadd.s32 v62, v25  }
0x2cf: {  	v25 =	vadd.s32 v63, v25  }
0x2d0: {  	(xrf0) =	vadd.scan.msk.s32 $0xffff, v25;
	_ =	sdelay $0x4  }
0x2d1: {  	s1 =	sxor.u32 $0x80000000, s7  }
0x2d2: {  	s6 =	ssub.s32 s6, s1;
	v25, _, _ =	vpop (xrf0)  }
0x2d3: {  	vm0 =	vlt.s32 v25, s6;
	v26 =	vxor.u32 $0x80000000, v25  }
0x2d4: {  	v26 =	vnsel vm0, $0x80000000, v26  }
0x2d5: {  	(xrf0) =	vmax.scan.msk.u32 $0xffff, v26;
	_ =	sdelay $0x5  }
0x2d6: {  	v26, _, _ =	vpop (xrf0)  }
0x2d7: {  	(v2sf) =	vpush v26, $0xF;
	_ =	sdelay $0xa  }
.Ltmp20:
0x2d8: {  	_ = 	snop;
	(pc) =	sbr.rel @p0 .LBB2_28-.Ltmp20, $2  }
0x2d9: {  	_ =	sdelay $0x2  }
0x2da: {  	s7 =	spop (v2sf)  }
0x2db: {  	s1 =	simm.s32 $0x13300  }
0x2dc: {  	v26 =	vmov s6;
	v27 =	vld [tilespmem:s1+$0x0]  }
0x2dd: {  	vm0 =	vlt.s32 v25, v26  }
0x2de: {  	s8 =	simm.s32 $0x0;
	v25 =	vsel vm0, $0x1, v2  }
0x2df: {  	(xrf0) =	vadd.scan.msk.s32 $0xffff, v25;
	v25 =	vor.u32 s8, v0  }
0x2e0: {  	vm0 =	vlt.s32 v25, v24  }
0x2e1: {  	p1 =	sne.s32 s9, $0x1;
	v25 =	vnsel vm0, $0x0, v27  }
.Ltmp21:
0x2e2: {  	_ = 	snop;
	(pc) =	sbr.rel @!p1 .LBB2_30-.Ltmp21, $3  }
0x2e3: {  	_ =	sdelay $0x1  }
0x2e4: {  	v26, _, _ =	vpop (xrf0)  }
0x2e5: {  	s9 =	sadd.s32 $0xFFFFFFFF, s9;
	p0 =	por $0x0, $0x0;
	v26 =	vbroadcast v26, $0xF;
	v27 =	vld.idx.msk [tilespmem:v25+s25+$0x0], $0xffff  }
0x2e6: {  	_ =	sdelay $0x3  }
0x2e7: {  	v27 =	vshrl.u32 v27, $0x10  }
0x2e8: {  	v27 =	vand.u32 $0xF, v27  }
0x2e9: {  	vm1 =	vlt.s32 v27, v26  }
0x2ea: {  	vm2 =	veq.s32 v27, v26;
	vm1 =	vmand vm0, vm1  }
0x2eb: {  	vm0 =	vmand vm0, vm2;
	v27 =	vsel vm1, $0x1, v2;
	v28 =	vmpcnt.ones.xlane vm1  }
0x2ec: {  	v29 =	vsel vm0, $0x1, v2;
	(xrf0) =	vadd.scan.msk.s32 $0xffff, v27;
	v27 =	vmpcnt.ones.xlane vm0  }
0x2ed: {  	v28 =	vxor.u32 $0x80000000, v28;
	(xrf0) =	vadd.scan.msk.s32 $0xffff, v29  }
0x2ee: {  	(xrf0) =	vmax.scan.msk.u32 $0xffff, v28;
	v27 =	vxor.u32 $0x80000000, v27  }
0x2ef: {  	(xrf0) =	vmax.scan.msk.u32 $0xffff, v27  }
0x2f0: {  	v27 =	vmov s5  }
0x2f1: {  	v28 =	vmov s8;
	v27 =	vadd.s32 $0xFFFFFFFF, v27  }
0x2f2: {  	v28 =	vadd.s32 $0xFFFFFFFF, v28;
	v27 =	vbroadcast v27, $0x0;
	v29, _, _ =	vpop (xrf0)  }
0x2f3: {  	v28 =	vbroadcast v28, $0x0;
	v30, _, _ =	vpop (xrf0)  }
0x2f4: {  	v27 =	vadd.s32 v29, v27;
	v31, _, _ =	vpop (xrf0)  }
0x2f5: {  	v28 =	vadd.s32 v30, v28;
	(v2sf) =	vpush v31, $0xF;
	v29, _, _ =	vpop (xrf0)  }
0x2f6: {  	(v2sf) =	vpush v29, $0xF;
	_ =	sdelay $0x2  }
0x2f7: {  	[tilespmem:v27+s22+$0x0] =	vst.idx.msk vm1, v25  }
0x2f8: {  	s10 =	simm.s32 $0x13310;
	[tilespmem:v28+s23+$0x0] =	vst.idx.msk vm0, v25  }
0x2f9: {  	v25 =	vld [tilespmem:s10+$0x0];
	_ =	sdelay $0x1  }
0x2fa: {  	s12 =	simm.s32 $0x10  }
0x2fb: {  	v27 =	vor.u32 s12, v0  }
0x2fc: {  	vm0 =	vlt.s32 v27, v24  }
0x2fd: {  	p1 =	sne.s32 s9, $0x1;
	v25 =	vnsel vm0, $0x0, v25  }
.Ltmp22:
0x2fe: {  	_ = 	snop;
	(pc) =	sbr.rel @!p1 .LBB2_32-.Ltmp22, $3  }
0x2ff: {  	_ =	sdelay $0x1  }
0x300: {  	s13 =	sadd.s32 $0xFFFFFFFF, s9;
	p0 =	por $0x1, $0x1;
	s1 =	spop (v2sf)  }
0x301: {  	s9 =	simm.s32 $0x0;
	v27 =	vld.idx.msk [tilespmem:v25+s25+$0x0], $0xffff;
	s14 =	sadd.s32 s1, s5;
	s1 =	spop (v2sf)  }
.LBB2_33:
0x302: {  	p1 =	sne.s32 s13, $0x1;
	s14 =	sadd.s32 $0x80000000, s14;
	s1 =	sadd.s32 s1, s9  }
0x303: {  	s13 =	sadd.s32 $0xFFFFFFFF, s13;
	v28 =	vmov s14;
	s9 =	sadd.s32 $0x80000000, s1  }
0x304: {  	v28 =	vadd.s32 $0xFFFFFFFF, v28;
	v29 =	vmov s9  }
0x305: {  	v29 =	vadd.s32 $0xFFFFFFFF, v29  }
0x306: {  	v27 =	vshrl.u32 v27, $0x10  }
0x307: {  	v27 =	vand.u32 $0xF, v27  }
0x308: {  	vm1 =	vlt.s32 v27, v26;
	vm2 =	veq.s32 v27, v26  }
0x309: {  	vm1 =	vmand vm0, vm1;
	vm0 =	vmand vm0, vm2  }
0x30a: {  	v27 =	vsel vm1, $0x1, v2;
	v30 =	vmpcnt.ones.xlane vm1;
	v31 =	vmpcnt.ones.xlane vm0  }
0x30b: {  	v32 =	vsel vm0, $0x1, v2;
	(xrf0) =	vadd.scan.msk.s32 $0xffff, v27  }
0x30c: {  	v27 =	vxor.u32 $0x80000000, v30;
	v30 =	vxor.u32 $0x80000000, v31;
	(xrf0) =	vadd.scan.msk.s32 $0xffff, v32  }
0x30d: {  	(xrf0) =	vmax.scan.msk.u32 $0xffff, v27  }
0x30e: {  	(xrf0) =	vmax.scan.msk.u32 $0xffff, v30;
	_ =	sdelay $0x1  }
0x30f: {  	v27 =	vbroadcast v28, $0x0  }
0x310: {  	v28 =	vbroadcast v29, $0x0;
	v29, _, _ =	vpop (xrf0)  }
0x311: {  	v27 =	vadd.s32 v29, v27;
	v29, _, _ =	vpop (xrf0)  }
0x312: {  	v28 =	vadd.s32 v29, v28;
	v29, _, _ =	vpop (xrf0)  }
0x313: {  	(v2sf) =	vpush v29, $0xF;
	v29, _, _ =	vpop (xrf0)  }
0x314: {  	(v2sf) =	vpush v29, $0xF;
	_ =	sdelay $0x1  }
0x315: {  	[tilespmem:v27+s22+$0x0] =	vst.idx.msk vm1, v25  }
0x316: {  	s10 =	sadd.s32 $0x10, s10;
	[tilespmem:v28+s23+$0x0] =	vst.idx.msk vm0, v25  }
0x317: {  	v25 =	vld [tilespmem:s10+$0x0];
	_ =	sdelay $0x1  }
0x318: {  	s12 =	sadd.s32 $0x10, s12  }
0x319: {  	v27 =	vor.u32 s12, v0  }
0x31a: {  	vm0 =	vlt.s32 v27, v24  }
0x31b: {  	v25 =	vnsel vm0, $0x0, v25;
	_ =	sdelay $0x1  }
.Ltmp23:
0x31c: {  	(pc) =	sbr.rel @p1 .LBB2_33-.Ltmp23, $3  }
0x31d: {  	_ =	sdelay $0x1  }
0x31e: {  	v27 =	vld.idx.msk [tilespmem:v25+s25+$0x0], $0xffff;
	s1 =	spop (v2sf)  }
0x31f: {  	s14 =	sadd.s32 s1, s14;
	s1 =	spop (v2sf)  }
.LBB2_34:
0x320: {  	_ =	sdelay $0x2  }
0x321: {  	v24 =	vshrl.u32 v27, $0x10  }
0x322: {  	v24 =	vand.u32 $0xF, v24  }
0x323: {  	vm1 =	vlt.s32 v24, v26  }
0x324: {  	vm2 =	veq.s32 v24, v26;
	vm1 =	vmand vm0, vm1  }
0x325: {  	vm15 =	vmand vm0, vm2;
	v53 =	vsel vm1, $0x1, v2;
	v54 =	vmpcnt.ones.xlane vm1  }
0x326: {  	v55 =	vmpcnt.ones.xlane vm15;
	v28 =	vsel vm15, $0x1, v2;
	(xrf0) =	vadd.scan.msk.s32 $0xffff, v53  }
0x327: {  	v56 =	vxor.u32 $0x80000000, v54;
	(xrf0) =	vadd.scan.msk.s32 $0xffff, v28  }
0x328: {  	v57 =	vxor.u32 $0x80000000, v55;
	(xrf0) =	vmax.scan.msk.u32 $0xffff, v56  }
0x329: {  	(xrf0) =	vmax.scan.msk.u32 $0xffff, v57;
	_ =	sdelay $0x2  }
0x32a: {  	v58, _, _ =	vpop (xrf0)  }
0x32b: {  	v59, _, _ =	vpop (xrf0)  }
0x32c: {  	v60, _, _ =	vpop (xrf0)  }
0x32d: {  	(v2sf) =	vpush v60, $0xF;
	v61, _, _ =	vpop (xrf0)  }
0x32e: {  	(v2sf) =	vpush v61, $0xF;
	_ =	sdelay $0x4  }
0x32f: {  	s10 =	sadd.s32 @p0 $0x80000000, s14;
	s1 =	sadd.s32 @p0 s1, s9  }
0x330: {  	s5 =	smov.u32 @p0 s10;
	s1 =	sadd.s32 @p0 $0x80000000, s1  }
0x331: {  	v62 =	vmov s5;
	s8 =	smov.u32 @p0 s1  }
0x332: {  	v27 =	vadd.s32 $0xFFFFFFFF, v62;
	v63 =	vmov s8  }
0x333: {  	v27 =	vbroadcast v27, $0x0;
	v28 =	vadd.s32 $0xFFFFFFFF, v63  }
0x334: {  	v28 =	vbroadcast v28, $0x0  }
0x335: {  	v24 =	vadd.s32 v58, v27  }
0x336: {  	v26 =	vadd.s32 v59, v28  }
.Ltmp24:
0x337: {  	_ = 	snop;
	(pc) =	sbr.rel .LBB2_35-.Ltmp24, $4  }
0x338: {  	s13 =	spop (v2sf)  }
0x339: {  	s14 =	spop (v2sf)  }
0x33a: {  	[tilespmem:v24+s22+$0x0] =	vst.idx.msk vm1, v25;
	s1 =	sadd.s32 s13, s5;
	s8 =	sadd.s32 s14, s8  }
0x33b: {  	[tilespmem:v26+s23+$0x0] =	vst.idx.msk vm15, v25;
	s5 =	sadd.s32 $0x80000000, s1;
	s1 =	sadd.s32 $0x80000000, s8  }
.LBB2_28:
0x33c: {  	s1 =	simm.s32 $0x0  }
.LBB2_35:
0x33d: {  	[tilespmem:$0x10180] =	vst v2  }
0x33e: {  	[tilespmem:$0x10190] =	vst v2  }
0x33f: {  	[tilespmem:$0x101A0] =	vst v2  }
0x340: {  	[tilespmem:$0x101B0] =	vst v2;
	s8 =	sadd.s32 $0xF, s1  }
0x341: {  	[tilespmem:$0x101C0] =	vst v2;
	s9 =	sand.u32 $0xF, s8  }
0x342: {  	[tilespmem:$0x101D0] =	vst v2;
	s14 =	sshra.s32 s8, $0x1F;
	p1 =	slt.s32 s8, $0x1;
	p0 =	sne.s32 s9, $0x0  }
0x343: {  	[tilespmem:$0x101E0] =	vst v2;
	s9 =	sshrl.u32 s14, $0x1C;
	p0 =	por !p1, !p0  }
0x344: {  	[tilespmem:$0x101F0] =	vst v2;
	s8 =	sadd.s32 s9, s8;
	s9 =	simm.s32 $0x1;
	p0 =	por !p0, !p0  }
0x345: {  	[tilespmem:$0x10200] =	vst v2;
	s8 =	sshra.s32 s8, $0x4;
	s9 =	simm.s32 @!p0 $0x0  }
0x346: {  	[tilespmem:$0x10210] =	vst v2;
	s9 =	ssub.s32 s8, s9  }
0x347: {  	[tilespmem:$0x10220] =	vst v2;
	p0 =	slt.s32 s9, $0x1  }
.Ltmp25:
0x348: {  	[tilespmem:$0x10230] =	vst v2;
	(pc) =	sbr.rel @p0 .LBB2_38-.Ltmp25, $4  }
0x349: {  	[tilespmem:$0x10240] =	vst v2  }
0x34a: {  	[tilespmem:$0x10250] =	vst v2  }
0x34b: {  	[tilespmem:$0x10260] =	vst v2  }
0x34c: {  	[tilespmem:$0x10270] =	vst v2;
	v24 =	vmov s1  }
0x34d: {  	s1 =	simm.s32 $0x11280;
	s8 =	simm.s32 $0x0;
	s10 =	smov.u32 s9  }
.LBB2_37:
0x34e: {  	v25 =	vld [tilespmem:s1+$0x0];
	_ =	sdelay $0x2  }
0x34f: {  	v26 =	vor.u32 s8, v0  }
0x350: {  	vm0 =	vlt.s32 v26, v24  }
0x351: {  	v25 =	vnsel vm0, $0x0, v25;
	_ =	sdelay $0x4  }
0x352: {  	v25 =	vld.idx.msk [tilespmem:v25+s25+$0x0], $0xffff;
	_ =	sdelay $0x4  }
0x353: {  	v25 =	vshrl.u32 v25, $0x8  }
0x354: {  	v25 =	vand.u32 $0xF0, v25  }
0x355: {  	p1 =	sne.s32 s10, $0x1;
	v25 =	vor.u32 v0, v25  }
.Ltmp26:
0x356: {  	_ = 	snop;
	(pc) =	sbr.rel @p1 .LBB2_37-.Ltmp26, $2  }
0x357: {  	_ =	sdelay $0x2  }
0x358: {  	s1 =	sadd.s32 $0x10, s1;
	s8 =	sadd.s32 $0x10, s8;
	s10 =	sadd.s32 $0xFFFFFFFF, s10;
	[tilespmem:v25+s21+$0x0] =	vst.idx.add.s32.msk vm0, v3  }
.LBB2_38:
0x359: {  	_ =	sdelay $0x3  }
0x35a: {  	v25 =	vld.idx.msk [tilespmem:v1+s21+$0x0], $0xffff  }
0x35b: {  	v26 =	vld.idx.msk [tilespmem:v4+s21+$0x0], $0xffff  }
0x35c: {  	v27 =	vld.idx.msk [tilespmem:v5+s21+$0x0], $0xffff  }
0x35d: {  	v28 =	vld.idx.msk [tilespmem:v6+s21+$0x0], $0xffff  }
0x35e: {  	v29 =	vld.idx.msk [tilespmem:v7+s21+$0x0], $0xffff  }
0x35f: {  	v30 =	vld.idx.msk [tilespmem:v8+s21+$0x0], $0xffff  }
0x360: {  	v25 =	vadd.s32 v25, v26;
	v26 =	vld.idx.msk [tilespmem:v9+s21+$0x0], $0xffff  }
0x361: {  	v25 =	vadd.s32 v27, v25;
	v27 =	vld.idx.msk [tilespmem:v10+s21+$0x0], $0xffff  }
0x362: {  	v58 =	vld.idx.msk [tilespmem:v11+s21+$0x0], $0xffff;
	v25 =	vadd.s32 v28, v25  }
0x363: {  	v59 =	vld.idx.msk [tilespmem:v12+s21+$0x0], $0xffff;
	v25 =	vadd.s32 v29, v25  }
0x364: {  	v60 =	vld.idx.msk [tilespmem:v13+s21+$0x0], $0xffff;
	v25 =	vadd.s32 v30, v25  }
0x365: {  	v25 =	vadd.s32 v26, v25;
	v26 =	vld.idx.msk [tilespmem:v14+s21+$0x0], $0xffff  }
0x366: {  	v25 =	vadd.s32 v27, v25;
	v27 =	vld.idx.msk [tilespmem:v15+s21+$0x0], $0xffff  }
0x367: {  	v61 =	vld.idx.msk [tilespmem:v16+s21+$0x0], $0xffff;
	v25 =	vadd.s32 v58, v25  }
0x368: {  	v62 =	vld.idx.msk [tilespmem:v17+s21+$0x0], $0xffff;
	v25 =	vadd.s32 v59, v25  }
0x369: {  	v63 =	vld.idx.msk [tilespmem:v18+s21+$0x0], $0xffff;
	v25 =	vadd.s32 v60, v25  }
0x36a: {  	v25 =	vadd.s32 v26, v25  }
0x36b: {  	v25 =	vadd.s32 v27, v25  }
0x36c: {  	v25 =	vadd.s32 v61, v25  }
0x36d: {  	v25 =	vadd.s32 v62, v25  }
0x36e: {  	v25 =	vadd.s32 v63, v25  }
0x36f: {  	(xrf0) =	vadd.scan.msk.s32 $0xffff, v25;
	_ =	sdelay $0x4  }
0x370: {  	s1 =	sxor.u32 $0x80000000, s7  }
0x371: {  	s6 =	ssub.s32 s6, s1;
	v25, _, _ =	vpop (xrf0)  }
0x372: {  	vm0 =	vlt.s32 v25, s6;
	v26 =	vxor.u32 $0x80000000, v25  }
0x373: {  	v26 =	vnsel vm0, $0x80000000, v26  }
0x374: {  	(xrf0) =	vmax.scan.msk.u32 $0xffff, v26;
	_ =	sdelay $0x5  }
0x375: {  	v26, _, _ =	vpop (xrf0)  }
0x376: {  	(v2sf) =	vpush v26, $0xF;
	_ =	sdelay $0xa  }
.Ltmp27:
0x377: {  	_ = 	snop;
	(pc) =	sbr.rel @p0 .LBB2_39-.Ltmp27, $2  }
0x378: {  	_ =	sdelay $0x2  }
0x379: {  	s7 =	spop (v2sf)  }
0x37a: {  	s1 =	simm.s32 $0x11280  }
0x37b: {  	v26 =	vmov s6;
	v27 =	vld [tilespmem:s1+$0x0]  }
0x37c: {  	vm0 =	vlt.s32 v25, v26  }
0x37d: {  	s8 =	simm.s32 $0x0;
	v25 =	vsel vm0, $0x1, v2  }
0x37e: {  	(xrf0) =	vadd.scan.msk.s32 $0xffff, v25;
	v25 =	vor.u32 s8, v0  }
0x37f: {  	vm0 =	vlt.s32 v25, v24  }
0x380: {  	p1 =	sne.s32 s9, $0x1;
	v25 =	vnsel vm0, $0x0, v27  }
.Ltmp28:
0x381: {  	_ = 	snop;
	(pc) =	sbr.rel @!p1 .LBB2_41-.Ltmp28, $3  }
0x382: {  	_ =	sdelay $0x1  }
0x383: {  	v26, _, _ =	vpop (xrf0)  }
0x384: {  	s9 =	sadd.s32 $0xFFFFFFFF, s9;
	p0 =	por $0x0, $0x0;
	v26 =	vbroadcast v26, $0xF;
	v27 =	vld.idx.msk [tilespmem:v25+s25+$0x0], $0xffff  }
0x385: {  	_ =	sdelay $0x3  }
0x386: {  	v27 =	vshrl.u32 v27, $0xC  }
0x387: {  	v27 =	vand.u32 $0xF, v27  }
0x388: {  	vm1 =	vlt.s32 v27, v26  }
0x389: {  	vm2 =	veq.s32 v27, v26;
	vm1 =	vmand vm0, vm1  }
0x38a: {  	vm0 =	vmand vm0, vm2;
	v27 =	vsel vm1, $0x1, v2;
	v28 =	vmpcnt.ones.xlane vm1  }
0x38b: {  	v29 =	vsel vm0, $0x1, v2;
	(xrf0) =	vadd.scan.msk.s32 $0xffff, v27;
	v27 =	vmpcnt.ones.xlane vm0  }
0x38c: {  	v28 =	vxor.u32 $0x80000000, v28;
	(xrf0) =	vadd.scan.msk.s32 $0xffff, v29  }
0x38d: {  	(xrf0) =	vmax.scan.msk.u32 $0xffff, v28;
	v27 =	vxor.u32 $0x80000000, v27  }
0x38e: {  	(xrf0) =	vmax.scan.msk.u32 $0xffff, v27  }
0x38f: {  	v27 =	vmov s5  }
0x390: {  	v28 =	vmov s8;
	v27 =	vadd.s32 $0xFFFFFFFF, v27  }
0x391: {  	v28 =	vadd.s32 $0xFFFFFFFF, v28;
	v27 =	vbroadcast v27, $0x0;
	v29, _, _ =	vpop (xrf0)  }
0x392: {  	v28 =	vbroadcast v28, $0x0;
	v30, _, _ =	vpop (xrf0)  }
0x393: {  	v27 =	vadd.s32 v29, v27;
	v31, _, _ =	vpop (xrf0)  }
0x394: {  	v28 =	vadd.s32 v30, v28;
	(v2sf) =	vpush v31, $0xF;
	v29, _, _ =	vpop (xrf0)  }
0x395: {  	(v2sf) =	vpush v29, $0xF;
	_ =	sdelay $0x2  }
0x396: {  	[tilespmem:v27+s22+$0x0] =	vst.idx.msk vm1, v25  }
0x397: {  	s10 =	simm.s32 $0x11290;
	[tilespmem:v28+s26+$0x0] =	vst.idx.msk vm0, v25  }
0x398: {  	v25 =	vld [tilespmem:s10+$0x0];
	_ =	sdelay $0x1  }
0x399: {  	s12 =	simm.s32 $0x10  }
0x39a: {  	v27 =	vor.u32 s12, v0  }
0x39b: {  	vm0 =	vlt.s32 v27, v24  }
0x39c: {  	p1 =	sne.s32 s9, $0x1;
	v25 =	vnsel vm0, $0x0, v25  }
.Ltmp29:
0x39d: {  	_ = 	snop;
	(pc) =	sbr.rel @!p1 .LBB2_43-.Ltmp29, $3  }
0x39e: {  	_ =	sdelay $0x1  }
0x39f: {  	s13 =	sadd.s32 $0xFFFFFFFF, s9;
	p0 =	por $0x1, $0x1;
	s1 =	spop (v2sf)  }
0x3a0: {  	s9 =	simm.s32 $0x0;
	v27 =	vld.idx.msk [tilespmem:v25+s25+$0x0], $0xffff;
	s14 =	sadd.s32 s1, s5;
	s1 =	spop (v2sf)  }
.LBB2_44:
0x3a1: {  	p1 =	sne.s32 s13, $0x1;
	s14 =	sadd.s32 $0x80000000, s14;
	s1 =	sadd.s32 s1, s9  }
0x3a2: {  	s13 =	sadd.s32 $0xFFFFFFFF, s13;
	v28 =	vmov s14;
	s9 =	sadd.s32 $0x80000000, s1  }
0x3a3: {  	v28 =	vadd.s32 $0xFFFFFFFF, v28;
	v29 =	vmov s9  }
0x3a4: {  	v29 =	vadd.s32 $0xFFFFFFFF, v29  }
0x3a5: {  	v27 =	vshrl.u32 v27, $0xC  }
0x3a6: {  	v27 =	vand.u32 $0xF, v27  }
0x3a7: {  	vm1 =	vlt.s32 v27, v26;
	vm2 =	veq.s32 v27, v26  }
0x3a8: {  	vm1 =	vmand vm0, vm1;
	vm0 =	vmand vm0, vm2  }
0x3a9: {  	v27 =	vsel vm1, $0x1, v2;
	v30 =	vmpcnt.ones.xlane vm1;
	v31 =	vmpcnt.ones.xlane vm0  }
0x3aa: {  	v32 =	vsel vm0, $0x1, v2;
	(xrf0) =	vadd.scan.msk.s32 $0xffff, v27  }
0x3ab: {  	v27 =	vxor.u32 $0x80000000, v30;
	v30 =	vxor.u32 $0x80000000, v31;
	(xrf0) =	vadd.scan.msk.s32 $0xffff, v32  }
0x3ac: {  	(xrf0) =	vmax.scan.msk.u32 $0xffff, v27  }
0x3ad: {  	(xrf0) =	vmax.scan.msk.u32 $0xffff, v30;
	_ =	sdelay $0x1  }
0x3ae: {  	v27 =	vbroadcast v28, $0x0  }
0x3af: {  	v28 =	vbroadcast v29, $0x0;
	v29, _, _ =	vpop (xrf0)  }
0x3b0: {  	v27 =	vadd.s32 v29, v27;
	v29, _, _ =	vpop (xrf0)  }
0x3b1: {  	v28 =	vadd.s32 v29, v28;
	v29, _, _ =	vpop (xrf0)  }
0x3b2: {  	(v2sf) =	vpush v29, $0xF;
	v29, _, _ =	vpop (xrf0)  }
0x3b3: {  	(v2sf) =	vpush v29, $0xF;
	_ =	sdelay $0x1  }
0x3b4: {  	[tilespmem:v27+s22+$0x0] =	vst.idx.msk vm1, v25  }
0x3b5: {  	s10 =	sadd.s32 $0x10, s10;
	[tilespmem:v28+s26+$0x0] =	vst.idx.msk vm0, v25  }
0x3b6: {  	v25 =	vld [tilespmem:s10+$0x0];
	_ =	sdelay $0x1  }
0x3b7: {  	s12 =	sadd.s32 $0x10, s12  }
0x3b8: {  	v27 =	vor.u32 s12, v0  }
0x3b9: {  	vm0 =	vlt.s32 v27, v24  }
0x3ba: {  	v25 =	vnsel vm0, $0x0, v25;
	_ =	sdelay $0x1  }
.Ltmp30:
0x3bb: {  	(pc) =	sbr.rel @p1 .LBB2_44-.Ltmp30, $3  }
0x3bc: {  	_ =	sdelay $0x1  }
0x3bd: {  	v27 =	vld.idx.msk [tilespmem:v25+s25+$0x0], $0xffff;
	s1 =	spop (v2sf)  }
0x3be: {  	s14 =	sadd.s32 s1, s14;
	s1 =	spop (v2sf)  }
.LBB2_45:
0x3bf: {  	_ =	sdelay $0x2  }
0x3c0: {  	v24 =	vshrl.u32 v27, $0xC  }
0x3c1: {  	v24 =	vand.u32 $0xF, v24  }
0x3c2: {  	vm1 =	vlt.s32 v24, v26  }
0x3c3: {  	vm2 =	veq.s32 v24, v26;
	vm1 =	vmand vm0, vm1  }
0x3c4: {  	vm15 =	vmand vm0, vm2;
	v53 =	vsel vm1, $0x1, v2;
	v54 =	vmpcnt.ones.xlane vm1  }
0x3c5: {  	v55 =	vmpcnt.ones.xlane vm15;
	v28 =	vsel vm15, $0x1, v2;
	(xrf0) =	vadd.scan.msk.s32 $0xffff, v53  }
0x3c6: {  	v56 =	vxor.u32 $0x80000000, v54;
	(xrf0) =	vadd.scan.msk.s32 $0xffff, v28  }
0x3c7: {  	v57 =	vxor.u32 $0x80000000, v55;
	(xrf0) =	vmax.scan.msk.u32 $0xffff, v56  }
0x3c8: {  	(xrf0) =	vmax.scan.msk.u32 $0xffff, v57;
	_ =	sdelay $0x2  }
0x3c9: {  	v58, _, _ =	vpop (xrf0)  }
0x3ca: {  	v59, _, _ =	vpop (xrf0)  }
0x3cb: {  	v60, _, _ =	vpop (xrf0)  }
0x3cc: {  	(v2sf) =	vpush v60, $0xF;
	v61, _, _ =	vpop (xrf0)  }
0x3cd: {  	(v2sf) =	vpush v61, $0xF;
	_ =	sdelay $0x4  }
0x3ce: {  	s10 =	sadd.s32 @p0 $0x80000000, s14;
	s1 =	sadd.s32 @p0 s1, s9  }
0x3cf: {  	s5 =	smov.u32 @p0 s10;
	s1 =	sadd.s32 @p0 $0x80000000, s1  }
0x3d0: {  	v62 =	vmov s5;
	s8 =	smov.u32 @p0 s1  }
0x3d1: {  	v27 =	vadd.s32 $0xFFFFFFFF, v62;
	v63 =	vmov s8  }
0x3d2: {  	v27 =	vbroadcast v27, $0x0;
	v28 =	vadd.s32 $0xFFFFFFFF, v63  }
0x3d3: {  	v28 =	vbroadcast v28, $0x0  }
0x3d4: {  	v24 =	vadd.s32 v58, v27  }
0x3d5: {  	v26 =	vadd.s32 v59, v28  }
.Ltmp31:
0x3d6: {  	_ = 	snop;
	(pc) =	sbr.rel .LBB2_46-.Ltmp31, $4  }
0x3d7: {  	s13 =	spop (v2sf)  }
0x3d8: {  	s14 =	spop (v2sf)  }
0x3d9: {  	[tilespmem:v24+s22+$0x0] =	vst.idx.msk vm1, v25;
	s1 =	sadd.s32 s13, s5;
	s8 =	sadd.s32 s14, s8  }
0x3da: {  	[tilespmem:v26+s26+$0x0] =	vst.idx.msk vm15, v25;
	s5 =	sadd.s32 $0x80000000, s1;
	s1 =	sadd.s32 $0x80000000, s8  }
.LBB2_39:
0x3db: {  	s1 =	simm.s32 $0x0  }
.LBB2_46:
0x3dc: {  	[tilespmem:$0x10180] =	vst v2  }
0x3dd: {  	[tilespmem:$0x10190] =	vst v2  }
0x3de: {  	[tilespmem:$0x101A0] =	vst v2  }
0x3df: {  	[tilespmem:$0x101B0] =	vst v2;
	s8 =	sadd.s32 $0xF, s1  }
0x3e0: {  	[tilespmem:$0x101C0] =	vst v2;
	s9 =	sand.u32 $0xF, s8  }
0x3e1: {  	[tilespmem:$0x101D0] =	vst v2;
	s14 =	sshra.s32 s8, $0x1F;
	p1 =	slt.s32 s8, $0x1;
	p0 =	sne.s32 s9, $0x0  }
0x3e2: {  	[tilespmem:$0x101E0] =	vst v2;
	s9 =	sshrl.u32 s14, $0x1C;
	p0 =	por !p1, !p0  }
0x3e3: {  	[tilespmem:$0x101F0] =	vst v2;
	s8 =	sadd.s32 s9, s8;
	s9 =	simm.s32 $0x1;
	p0 =	por !p0, !p0  }
0x3e4: {  	[tilespmem:$0x10200] =	vst v2;
	s8 =	sshra.s32 s8, $0x4;
	s9 =	simm.s32 @!p0 $0x0  }
0x3e5: {  	[tilespmem:$0x10210] =	vst v2;
	s9 =	ssub.s32 s8, s9  }
0x3e6: {  	[tilespmem:$0x10220] =	vst v2;
	p0 =	slt.s32 s9, $0x1  }
.Ltmp32:
0x3e7: {  	[tilespmem:$0x10230] =	vst v2;
	(pc) =	sbr.rel @p0 .LBB2_49-.Ltmp32, $4  }
0x3e8: {  	[tilespmem:$0x10240] =	vst v2  }
0x3e9: {  	[tilespmem:$0x10250] =	vst v2  }
0x3ea: {  	[tilespmem:$0x10260] =	vst v2  }
0x3eb: {  	[tilespmem:$0x10270] =	vst v2;
	v24 =	vmov s1  }
0x3ec: {  	s1 =	simm.s32 $0x13300;
	s8 =	simm.s32 $0x0;
	s10 =	smov.u32 s9  }
.LBB2_48:
0x3ed: {  	v25 =	vld [tilespmem:s1+$0x0];
	_ =	sdelay $0x2  }
0x3ee: {  	v26 =	vor.u32 s8, v0  }
0x3ef: {  	vm0 =	vlt.s32 v26, v24  }
0x3f0: {  	v25 =	vnsel vm0, $0x0, v25;
	_ =	sdelay $0x4  }
0x3f1: {  	v25 =	vld.idx.msk [tilespmem:v25+s25+$0x0], $0xffff;
	_ =	sdelay $0x4  }
0x3f2: {  	v25 =	vshrl.u32 v25, $0x4  }
0x3f3: {  	v25 =	vand.u32 $0xF0, v25  }
0x3f4: {  	p1 =	sne.s32 s10, $0x1;
	v25 =	vor.u32 v0, v25  }
.Ltmp33:
0x3f5: {  	_ = 	snop;
	(pc) =	sbr.rel @p1 .LBB2_48-.Ltmp33, $2  }
0x3f6: {  	_ =	sdelay $0x2  }
0x3f7: {  	s1 =	sadd.s32 $0x10, s1;
	s8 =	sadd.s32 $0x10, s8;
	s10 =	sadd.s32 $0xFFFFFFFF, s10;
	[tilespmem:v25+s21+$0x0] =	vst.idx.add.s32.msk vm0, v3  }
.LBB2_49:
0x3f8: {  	_ =	sdelay $0x3  }
0x3f9: {  	v25 =	vld.idx.msk [tilespmem:v1+s21+$0x0], $0xffff  }
0x3fa: {  	v26 =	vld.idx.msk [tilespmem:v4+s21+$0x0], $0xffff  }
0x3fb: {  	v27 =	vld.idx.msk [tilespmem:v5+s21+$0x0], $0xffff  }
0x3fc: {  	v28 =	vld.idx.msk [tilespmem:v6+s21+$0x0], $0xffff  }
0x3fd: {  	v29 =	vld.idx.msk [tilespmem:v7+s21+$0x0], $0xffff  }
0x3fe: {  	v30 =	vld.idx.msk [tilespmem:v8+s21+$0x0], $0xffff  }
0x3ff: {  	v25 =	vadd.s32 v25, v26;
	v26 =	vld.idx.msk [tilespmem:v9+s21+$0x0], $0xffff  }
0x400: {  	v25 =	vadd.s32 v27, v25;
	v27 =	vld.idx.msk [tilespmem:v10+s21+$0x0], $0xffff  }
0x401: {  	v58 =	vld.idx.msk [tilespmem:v11+s21+$0x0], $0xffff;
	v25 =	vadd.s32 v28, v25  }
0x402: {  	v59 =	vld.idx.msk [tilespmem:v12+s21+$0x0], $0xffff;
	v25 =	vadd.s32 v29, v25  }
0x403: {  	v60 =	vld.idx.msk [tilespmem:v13+s21+$0x0], $0xffff;
	v25 =	vadd.s32 v30, v25  }
0x404: {  	v25 =	vadd.s32 v26, v25;
	v26 =	vld.idx.msk [tilespmem:v14+s21+$0x0], $0xffff  }
0x405: {  	v25 =	vadd.s32 v27, v25;
	v27 =	vld.idx.msk [tilespmem:v15+s21+$0x0], $0xffff  }
0x406: {  	v61 =	vld.idx.msk [tilespmem:v16+s21+$0x0], $0xffff;
	v25 =	vadd.s32 v58, v25  }
0x407: {  	v62 =	vld.idx.msk [tilespmem:v17+s21+$0x0], $0xffff;
	v25 =	vadd.s32 v59, v25  }
0x408: {  	v63 =	vld.idx.msk [tilespmem:v18+s21+$0x0], $0xffff;
	v25 =	vadd.s32 v60, v25  }
0x409: {  	v25 =	vadd.s32 v26, v25  }
0x40a: {  	v25 =	vadd.s32 v27, v25  }
0x40b: {  	v25 =	vadd.s32 v61, v25  }
0x40c: {  	v25 =	vadd.s32 v62, v25  }
0x40d: {  	v25 =	vadd.s32 v63, v25  }
0x40e: {  	(xrf0) =	vadd.scan.msk.s32 $0xffff, v25;
	_ =	sdelay $0x4  }
0x40f: {  	s1 =	sxor.u32 $0x80000000, s7  }
0x410: {  	s6 =	ssub.s32 s6, s1;
	v25, _, _ =	vpop (xrf0)  }
0x411: {  	vm0 =	vlt.s32 v25, s6;
	v26 =	vxor.u32 $0x80000000, v25  }
0x412: {  	v26 =	vnsel vm0, $0x80000000, v26  }
0x413: {  	(xrf0) =	vmax.scan.msk.u32 $0xffff, v26;
	_ =	sdelay $0x5  }
0x414: {  	v26, _, _ =	vpop (xrf0)  }
0x415: {  	(v2sf) =	vpush v26, $0xF;
	_ =	sdelay $0xa  }
.Ltmp34:
0x416: {  	_ = 	snop;
	(pc) =	sbr.rel @p0 .LBB2_50-.Ltmp34, $2  }
0x417: {  	_ =	sdelay $0x2  }
0x418: {  	s7 =	spop (v2sf)  }
0x419: {  	s1 =	simm.s32 $0x13300  }
0x41a: {  	v26 =	vmov s6;
	v27 =	vld [tilespmem:s1+$0x0]  }
0x41b: {  	vm0 =	vlt.s32 v25, v26  }
0x41c: {  	s8 =	simm.s32 $0x0;
	v25 =	vsel vm0, $0x1, v2  }
0x41d: {  	(xrf0) =	vadd.scan.msk.s32 $0xffff, v25;
	v25 =	vor.u32 s8, v0  }
0x41e: {  	vm0 =	vlt.s32 v25, v24  }
0x41f: {  	p1 =	sne.s32 s9, $0x1;
	v25 =	vnsel vm0, $0x0, v27  }
.Ltmp35:
0x420: {  	_ = 	snop;
	(pc) =	sbr.rel @!p1 .LBB2_52-.Ltmp35, $3  }
0x421: {  	_ =	sdelay $0x1  }
0x422: {  	v26, _, _ =	vpop (xrf0)  }
0x423: {  	s9 =	sadd.s32 $0xFFFFFFFF, s9;
	p0 =	por $0x0, $0x0;
	v26 =	vbroadcast v26, $0xF;
	v27 =	vld.idx.msk [tilespmem:v25+s25+$0x0], $0xffff  }
0x424: {  	_ =	sdelay $0x3  }
0x425: {  	v27 =	vshrl.u32 v27, $0x8  }
0x426: {  	v27 =	vand.u32 $0xF, v27  }
0x427: {  	vm1 =	vlt.s32 v27, v26  }
0x428: {  	vm2 =	veq.s32 v27, v26;
	vm1 =	vmand vm0, vm1  }
0x429: {  	vm0 =	vmand vm0, vm2;
	v27 =	vsel vm1, $0x1, v2;
	v28 =	vmpcnt.ones.xlane vm1  }
0x42a: {  	v29 =	vsel vm0, $0x1, v2;
	(xrf0) =	vadd.scan.msk.s32 $0xffff, v27;
	v27 =	vmpcnt.ones.xlane vm0  }
0x42b: {  	v28 =	vxor.u32 $0x80000000, v28;
	(xrf0) =	vadd.scan.msk.s32 $0xffff, v29  }
0x42c: {  	(xrf0) =	vmax.scan.msk.u32 $0xffff, v28;
	v27 =	vxor.u32 $0x80000000, v27  }
0x42d: {  	(xrf0) =	vmax.scan.msk.u32 $0xffff, v27  }
0x42e: {  	v27 =	vmov s5  }
0x42f: {  	v28 =	vmov s8;
	v27 =	vadd.s32 $0xFFFFFFFF, v27  }
0x430: {  	v28 =	vadd.s32 $0xFFFFFFFF, v28;
	v27 =	vbroadcast v27, $0x0;
	v29, _, _ =	vpop (xrf0)  }
0x431: {  	v28 =	vbroadcast v28, $0x0;
	v30, _, _ =	vpop (xrf0)  }
0x432: {  	v27 =	vadd.s32 v29, v27;
	v31, _, _ =	vpop (xrf0)  }
0x433: {  	v28 =	vadd.s32 v30, v28;
	(v2sf) =	vpush v31, $0xF;
	v29, _, _ =	vpop (xrf0)  }
0x434: {  	(v2sf) =	vpush v29, $0xF;
	_ =	sdelay $0x2  }
0x435: {  	[tilespmem:v27+s22+$0x0] =	vst.idx.msk vm1, v25  }
0x436: {  	s10 =	simm.s32 $0x13310;
	[tilespmem:v28+s23+$0x0] =	vst.idx.msk vm0, v25  }
0x437: {  	v25 =	vld [tilespmem:s10+$0x0];
	_ =	sdelay $0x1  }
0x438: {  	s12 =	simm.s32 $0x10  }
0x439: {  	v27 =	vor.u32 s12, v0  }
0x43a: {  	vm0 =	vlt.s32 v27, v24  }
0x43b: {  	p1 =	sne.s32 s9, $0x1;
	v25 =	vnsel vm0, $0x0, v25  }
.Ltmp36:
0x43c: {  	_ = 	snop;
	(pc) =	sbr.rel @!p1 .LBB2_54-.Ltmp36, $3  }
0x43d: {  	_ =	sdelay $0x1  }
0x43e: {  	s13 =	sadd.s32 $0xFFFFFFFF, s9;
	p0 =	por $0x1, $0x1;
	s1 =	spop (v2sf)  }
0x43f: {  	s9 =	simm.s32 $0x0;
	v27 =	vld.idx.msk [tilespmem:v25+s25+$0x0], $0xffff;
	s14 =	sadd.s32 s1, s5;
	s1 =	spop (v2sf)  }
.LBB2_55:
0x440: {  	p1 =	sne.s32 s13, $0x1;
	s14 =	sadd.s32 $0x80000000, s14;
	s1 =	sadd.s32 s1, s9  }
0x441: {  	s13 =	sadd.s32 $0xFFFFFFFF, s13;
	v28 =	vmov s14;
	s9 =	sadd.s32 $0x80000000, s1  }
0x442: {  	v28 =	vadd.s32 $0xFFFFFFFF, v28;
	v29 =	vmov s9  }
0x443: {  	v29 =	vadd.s32 $0xFFFFFFFF, v29  }
0x444: {  	v27 =	vshrl.u32 v27, $0x8  }
0x445: {  	v27 =	vand.u32 $0xF, v27  }
0x446: {  	vm1 =	vlt.s32 v27, v26;
	vm2 =	veq.s32 v27, v26  }
0x447: {  	vm1 =	vmand vm0, vm1;
	vm0 =	vmand vm0, vm2  }
0x448: {  	v27 =	vsel vm1, $0x1, v2;
	v30 =	vmpcnt.ones.xlane vm1;
	v31 =	vmpcnt.ones.xlane vm0  }
0x449: {  	v32 =	vsel vm0, $0x1, v2;
	(xrf0) =	vadd.scan.msk.s32 $0xffff, v27  }
0x44a: {  	v27 =	vxor.u32 $0x80000000, v30;
	v30 =	vxor.u32 $0x80000000, v31;
	(xrf0) =	vadd.scan.msk.s32 $0xffff, v32  }
0x44b: {  	(xrf0) =	vmax.scan.msk.u32 $0xffff, v27  }
0x44c: {  	(xrf0) =	vmax.scan.msk.u32 $0xffff, v30;
	_ =	sdelay $0x1  }
0x44d: {  	v27 =	vbroadcast v28, $0x0  }
0x44e: {  	v28 =	vbroadcast v29, $0x0;
	v29, _, _ =	vpop (xrf0)  }
0x44f: {  	v27 =	vadd.s32 v29, v27;
	v29, _, _ =	vpop (xrf0)  }
0x450: {  	v28 =	vadd.s32 v29, v28;
	v29, _, _ =	vpop (xrf0)  }
0x451: {  	(v2sf) =	vpush v29, $0xF;
	v29, _, _ =	vpop (xrf0)  }
0x452: {  	(v2sf) =	vpush v29, $0xF;
	_ =	sdelay $0x1  }
0x453: {  	[tilespmem:v27+s22+$0x0] =	vst.idx.msk vm1, v25  }
0x454: {  	s10 =	sadd.s32 $0x10, s10;
	[tilespmem:v28+s23+$0x0] =	vst.idx.msk vm0, v25  }
0x455: {  	v25 =	vld [tilespmem:s10+$0x0];
	_ =	sdelay $0x1  }
0x456: {  	s12 =	sadd.s32 $0x10, s12  }
0x457: {  	v27 =	vor.u32 s12, v0  }
0x458: {  	vm0 =	vlt.s32 v27, v24  }
0x459: {  	v25 =	vnsel vm0, $0x0, v25;
	_ =	sdelay $0x1  }
.Ltmp37:
0x45a: {  	(pc) =	sbr.rel @p1 .LBB2_55-.Ltmp37, $3  }
0x45b: {  	_ =	sdelay $0x1  }
0x45c: {  	v27 =	vld.idx.msk [tilespmem:v25+s25+$0x0], $0xffff;
	s1 =	spop (v2sf)  }
0x45d: {  	s14 =	sadd.s32 s1, s14;
	s1 =	spop (v2sf)  }
.LBB2_56:
0x45e: {  	_ =	sdelay $0x2  }
0x45f: {  	v24 =	vshrl.u32 v27, $0x8  }
0x460: {  	v24 =	vand.u32 $0xF, v24  }
0x461: {  	vm1 =	vlt.s32 v24, v26  }
0x462: {  	vm2 =	veq.s32 v24, v26;
	vm1 =	vmand vm0, vm1  }
0x463: {  	vm15 =	vmand vm0, vm2;
	v53 =	vsel vm1, $0x1, v2;
	v54 =	vmpcnt.ones.xlane vm1  }
0x464: {  	v55 =	vmpcnt.ones.xlane vm15;
	v28 =	vsel vm15, $0x1, v2;
	(xrf0) =	vadd.scan.msk.s32 $0xffff, v53  }
0x465: {  	v56 =	vxor.u32 $0x80000000, v54;
	(xrf0) =	vadd.scan.msk.s32 $0xffff, v28  }
0x466: {  	v57 =	vxor.u32 $0x80000000, v55;
	(xrf0) =	vmax.scan.msk.u32 $0xffff, v56  }
0x467: {  	(xrf0) =	vmax.scan.msk.u32 $0xffff, v57;
	_ =	sdelay $0x2  }
0x468: {  	v58, _, _ =	vpop (xrf0)  }
0x469: {  	v59, _, _ =	vpop (xrf0)  }
0x46a: {  	v60, _, _ =	vpop (xrf0)  }
0x46b: {  	(v2sf) =	vpush v60, $0xF;
	v61, _, _ =	vpop (xrf0)  }
0x46c: {  	(v2sf) =	vpush v61, $0xF;
	_ =	sdelay $0x4  }
0x46d: {  	s10 =	sadd.s32 @p0 $0x80000000, s14;
	s1 =	sadd.s32 @p0 s1, s9  }
0x46e: {  	s5 =	smov.u32 @p0 s10;
	s1 =	sadd.s32 @p0 $0x80000000, s1  }
0x46f: {  	v62 =	vmov s5;
	s8 =	smov.u32 @p0 s1  }
0x470: {  	v27 =	vadd.s32 $0xFFFFFFFF, v62;
	v63 =	vmov s8  }
0x471: {  	v27 =	vbroadcast v27, $0x0;
	v28 =	vadd.s32 $0xFFFFFFFF, v63  }
0x472: {  	v28 =	vbroadcast v28, $0x0  }
0x473: {  	v24 =	vadd.s32 v58, v27  }
0x474: {  	v26 =	vadd.s32 v59, v28  }
.Ltmp38:
0x475: {  	_ = 	snop;
	(pc) =	sbr.rel .LBB2_57-.Ltmp38, $4  }
0x476: {  	s13 =	spop (v2sf)  }
0x477: {  	s14 =	spop (v2sf)  }
0x478: {  	[tilespmem:v24+s22+$0x0] =	vst.idx.msk vm1, v25;
	s1 =	sadd.s32 s13, s5;
	s8 =	sadd.s32 s14, s8  }
0x479: {  	[tilespmem:v26+s23+$0x0] =	vst.idx.msk vm15, v25;
	s5 =	sadd.s32 $0x80000000, s1;
	s1 =	sadd.s32 $0x80000000, s8  }
.LBB2_50:
0x47a: {  	s1 =	simm.s32 $0x0  }
.LBB2_57:
0x47b: {  	[tilespmem:$0x10180] =	vst v2  }
0x47c: {  	[tilespmem:$0x10190] =	vst v2  }
0x47d: {  	[tilespmem:$0x101A0] =	vst v2  }
0x47e: {  	[tilespmem:$0x101B0] =	vst v2;
	s8 =	sadd.s32 $0xF, s1  }
0x47f: {  	[tilespmem:$0x101C0] =	vst v2;
	s9 =	sand.u32 $0xF, s8  }
0x480: {  	[tilespmem:$0x101D0] =	vst v2;
	s14 =	sshra.s32 s8, $0x1F;
	p1 =	slt.s32 s8, $0x1;
	p0 =	sne.s32 s9, $0x0  }
0x481: {  	[tilespmem:$0x101E0] =	vst v2;
	s9 =	sshrl.u32 s14, $0x1C;
	p0 =	por !p1, !p0  }
0x482: {  	[tilespmem:$0x101F0] =	vst v2;
	s8 =	sadd.s32 s9, s8;
	s9 =	simm.s32 $0x1;
	p0 =	por !p0, !p0  }
0x483: {  	[tilespmem:$0x10200] =	vst v2;
	s8 =	sshra.s32 s8, $0x4;
	s9 =	simm.s32 @!p0 $0x0  }
0x484: {  	[tilespmem:$0x10210] =	vst v2;
	s9 =	ssub.s32 s8, s9  }
0x485: {  	[tilespmem:$0x10220] =	vst v2;
	p0 =	slt.s32 s9, $0x1  }
.Ltmp39:
0x486: {  	[tilespmem:$0x10230] =	vst v2;
	(pc) =	sbr.rel @p0 .LBB2_60-.Ltmp39, $4  }
0x487: {  	[tilespmem:$0x10240] =	vst v2  }
0x488: {  	[tilespmem:$0x10250] =	vst v2  }
0x489: {  	[tilespmem:$0x10260] =	vst v2  }
0x48a: {  	[tilespmem:$0x10270] =	vst v2;
	v24 =	vmov s1  }
0x48b: {  	s1 =	simm.s32 $0x11280;
	s8 =	simm.s32 $0x0;
	s10 =	smov.u32 s9  }
.LBB2_59:
0x48c: {  	v25 =	vld [tilespmem:s1+$0x0];
	_ =	sdelay $0x2  }
0x48d: {  	v26 =	vor.u32 s8, v0  }
0x48e: {  	vm0 =	vlt.s32 v26, v24  }
0x48f: {  	v25 =	vnsel vm0, $0x0, v25;
	_ =	sdelay $0x4  }
0x490: {  	v25 =	vld.idx.msk [tilespmem:v25+s25+$0x0], $0xffff;
	_ =	sdelay $0x4  }
0x491: {  	v25 =	vand.u32 $0xF0, v25  }
0x492: {  	p1 =	sne.s32 s10, $0x1;
	v25 =	vor.u32 v0, v25  }
.Ltmp40:
0x493: {  	_ = 	snop;
	(pc) =	sbr.rel @p1 .LBB2_59-.Ltmp40, $2  }
0x494: {  	_ =	sdelay $0x2  }
0x495: {  	s1 =	sadd.s32 $0x10, s1;
	s8 =	sadd.s32 $0x10, s8;
	s10 =	sadd.s32 $0xFFFFFFFF, s10;
	[tilespmem:v25+s21+$0x0] =	vst.idx.add.s32.msk vm0, v3  }
.LBB2_60:
0x496: {  	_ =	sdelay $0x3  }
0x497: {  	v25 =	vld.idx.msk [tilespmem:v1+s21+$0x0], $0xffff  }
0x498: {  	v26 =	vld.idx.msk [tilespmem:v4+s21+$0x0], $0xffff  }
0x499: {  	v27 =	vld.idx.msk [tilespmem:v5+s21+$0x0], $0xffff  }
0x49a: {  	v28 =	vld.idx.msk [tilespmem:v6+s21+$0x0], $0xffff  }
0x49b: {  	v29 =	vld.idx.msk [tilespmem:v7+s21+$0x0], $0xffff  }
0x49c: {  	v30 =	vld.idx.msk [tilespmem:v8+s21+$0x0], $0xffff  }
0x49d: {  	v25 =	vadd.s32 v25, v26;
	v26 =	vld.idx.msk [tilespmem:v9+s21+$0x0], $0xffff  }
0x49e: {  	v25 =	vadd.s32 v27, v25;
	v27 =	vld.idx.msk [tilespmem:v10+s21+$0x0], $0xffff  }
0x49f: {  	v58 =	vld.idx.msk [tilespmem:v11+s21+$0x0], $0xffff;
	v25 =	vadd.s32 v28, v25  }
0x4a0: {  	v59 =	vld.idx.msk [tilespmem:v12+s21+$0x0], $0xffff;
	v25 =	vadd.s32 v29, v25  }
0x4a1: {  	v60 =	vld.idx.msk [tilespmem:v13+s21+$0x0], $0xffff;
	v25 =	vadd.s32 v30, v25  }
0x4a2: {  	v25 =	vadd.s32 v26, v25;
	v26 =	vld.idx.msk [tilespmem:v14+s21+$0x0], $0xffff  }
0x4a3: {  	v25 =	vadd.s32 v27, v25;
	v27 =	vld.idx.msk [tilespmem:v15+s21+$0x0], $0xffff  }
0x4a4: {  	v61 =	vld.idx.msk [tilespmem:v16+s21+$0x0], $0xffff;
	v25 =	vadd.s32 v58, v25  }
0x4a5: {  	v62 =	vld.idx.msk [tilespmem:v17+s21+$0x0], $0xffff;
	v25 =	vadd.s32 v59, v25  }
0x4a6: {  	v63 =	vld.idx.msk [tilespmem:v18+s21+$0x0], $0xffff;
	v25 =	vadd.s32 v60, v25  }
0x4a7: {  	v25 =	vadd.s32 v26, v25  }
0x4a8: {  	v25 =	vadd.s32 v27, v25  }
0x4a9: {  	v25 =	vadd.s32 v61, v25  }
0x4aa: {  	v25 =	vadd.s32 v62, v25  }
0x4ab: {  	v25 =	vadd.s32 v63, v25  }
0x4ac: {  	(xrf0) =	vadd.scan.msk.s32 $0xffff, v25;
	_ =	sdelay $0x4  }
0x4ad: {  	s1 =	sxor.u32 $0x80000000, s7  }
0x4ae: {  	s6 =	ssub.s32 s6, s1;
	v25, _, _ =	vpop (xrf0)  }
0x4af: {  	vm0 =	vlt.s32 v25, s6;
	v26 =	vxor.u32 $0x80000000, v25  }
0x4b0: {  	v26 =	vnsel vm0, $0x80000000, v26  }
0x4b1: {  	(xrf0) =	vmax.scan.msk.u32 $0xffff, v26;
	_ =	sdelay $0x5  }
0x4b2: {  	v26, _, _ =	vpop (xrf0)  }
0x4b3: {  	(v2sf) =	vpush v26, $0xF;
	_ =	sdelay $0xa  }
.Ltmp41:
0x4b4: {  	_ = 	snop;
	(pc) =	sbr.rel @p0 .LBB2_61-.Ltmp41, $2  }
0x4b5: {  	_ =	sdelay $0x2  }
0x4b6: {  	s7 =	spop (v2sf)  }
0x4b7: {  	s1 =	simm.s32 $0x11280  }
0x4b8: {  	v26 =	vmov s6;
	v27 =	vld [tilespmem:s1+$0x0]  }
0x4b9: {  	vm0 =	vlt.s32 v25, v26  }
0x4ba: {  	s8 =	simm.s32 $0x0;
	v25 =	vsel vm0, $0x1, v2  }
0x4bb: {  	(xrf0) =	vadd.scan.msk.s32 $0xffff, v25;
	v25 =	vor.u32 s8, v0  }
0x4bc: {  	vm0 =	vlt.s32 v25, v24  }
0x4bd: {  	p1 =	sne.s32 s9, $0x1;
	v25 =	vnsel vm0, $0x0, v27  }
.Ltmp42:
0x4be: {  	_ = 	snop;
	(pc) =	sbr.rel @!p1 .LBB2_63-.Ltmp42, $3  }
0x4bf: {  	_ =	sdelay $0x1  }
0x4c0: {  	v26, _, _ =	vpop (xrf0)  }
0x4c1: {  	s9 =	sadd.s32 $0xFFFFFFFF, s9;
	p0 =	por $0x0, $0x0;
	v26 =	vbroadcast v26, $0xF;
	v27 =	vld.idx.msk [tilespmem:v25+s25+$0x0], $0xffff  }
0x4c2: {  	_ =	sdelay $0x3  }
0x4c3: {  	v27 =	vshrl.u32 v27, $0x4  }
0x4c4: {  	v27 =	vand.u32 $0xF, v27  }
0x4c5: {  	vm1 =	vlt.s32 v27, v26  }
0x4c6: {  	vm2 =	veq.s32 v27, v26;
	vm1 =	vmand vm0, vm1  }
0x4c7: {  	vm0 =	vmand vm0, vm2;
	v27 =	vsel vm1, $0x1, v2;
	v28 =	vmpcnt.ones.xlane vm1  }
0x4c8: {  	v29 =	vsel vm0, $0x1, v2;
	(xrf0) =	vadd.scan.msk.s32 $0xffff, v27;
	v27 =	vmpcnt.ones.xlane vm0  }
0x4c9: {  	v28 =	vxor.u32 $0x80000000, v28;
	(xrf0) =	vadd.scan.msk.s32 $0xffff, v29  }
0x4ca: {  	(xrf0) =	vmax.scan.msk.u32 $0xffff, v28;
	v27 =	vxor.u32 $0x80000000, v27  }
0x4cb: {  	(xrf0) =	vmax.scan.msk.u32 $0xffff, v27  }
0x4cc: {  	v27 =	vmov s5  }
0x4cd: {  	v28 =	vmov s8;
	v27 =	vadd.s32 $0xFFFFFFFF, v27  }
0x4ce: {  	v28 =	vadd.s32 $0xFFFFFFFF, v28;
	v27 =	vbroadcast v27, $0x0;
	v29, _, _ =	vpop (xrf0)  }
0x4cf: {  	v28 =	vbroadcast v28, $0x0;
	v30, _, _ =	vpop (xrf0)  }
0x4d0: {  	v27 =	vadd.s32 v29, v27;
	v31, _, _ =	vpop (xrf0)  }
0x4d1: {  	v28 =	vadd.s32 v30, v28;
	(v2sf) =	vpush v31, $0xF;
	v29, _, _ =	vpop (xrf0)  }
0x4d2: {  	(v2sf) =	vpush v29, $0xF;
	_ =	sdelay $0x2  }
0x4d3: {  	[tilespmem:v27+s22+$0x0] =	vst.idx.msk vm1, v25  }
0x4d4: {  	s10 =	simm.s32 $0x11290;
	[tilespmem:v28+s26+$0x0] =	vst.idx.msk vm0, v25  }
0x4d5: {  	v25 =	vld [tilespmem:s10+$0x0];
	_ =	sdelay $0x1  }
0x4d6: {  	s12 =	simm.s32 $0x10  }
0x4d7: {  	v27 =	vor.u32 s12, v0  }
0x4d8: {  	vm0 =	vlt.s32 v27, v24  }
0x4d9: {  	p1 =	sne.s32 s9, $0x1;
	v25 =	vnsel vm0, $0x0, v25  }
.Ltmp43:
0x4da: {  	_ = 	snop;
	(pc) =	sbr.rel @!p1 .LBB2_65-.Ltmp43, $3  }
0x4db: {  	_ =	sdelay $0x1  }
0x4dc: {  	s13 =	sadd.s32 $0xFFFFFFFF, s9;
	p0 =	por $0x1, $0x1;
	s1 =	spop (v2sf)  }
0x4dd: {  	s9 =	simm.s32 $0x0;
	v27 =	vld.idx.msk [tilespmem:v25+s25+$0x0], $0xffff;
	s14 =	sadd.s32 s1, s5;
	s1 =	spop (v2sf)  }
.LBB2_66:
0x4de: {  	p1 =	sne.s32 s13, $0x1;
	s14 =	sadd.s32 $0x80000000, s14;
	s1 =	sadd.s32 s1, s9  }
0x4df: {  	s13 =	sadd.s32 $0xFFFFFFFF, s13;
	v28 =	vmov s14;
	s9 =	sadd.s32 $0x80000000, s1  }
0x4e0: {  	v28 =	vadd.s32 $0xFFFFFFFF, v28;
	v29 =	vmov s9  }
0x4e1: {  	v29 =	vadd.s32 $0xFFFFFFFF, v29  }
0x4e2: {  	v27 =	vshrl.u32 v27, $0x4  }
0x4e3: {  	v27 =	vand.u32 $0xF, v27  }
0x4e4: {  	vm1 =	vlt.s32 v27, v26;
	vm2 =	veq.s32 v27, v26  }
0x4e5: {  	vm1 =	vmand vm0, vm1;
	vm0 =	vmand vm0, vm2  }
0x4e6: {  	v27 =	vsel vm1, $0x1, v2;
	v30 =	vmpcnt.ones.xlane vm1;
	v31 =	vmpcnt.ones.xlane vm0  }
0x4e7: {  	v32 =	vsel vm0, $0x1, v2;
	(xrf0) =	vadd.scan.msk.s32 $0xffff, v27  }
0x4e8: {  	v27 =	vxor.u32 $0x80000000, v30;
	v30 =	vxor.u32 $0x80000000, v31;
	(xrf0) =	vadd.scan.msk.s32 $0xffff, v32  }
0x4e9: {  	(xrf0) =	vmax.scan.msk.u32 $0xffff, v27  }
0x4ea: {  	(xrf0) =	vmax.scan.msk.u32 $0xffff, v30;
	_ =	sdelay $0x1  }
0x4eb: {  	v27 =	vbroadcast v28, $0x0  }
0x4ec: {  	v28 =	vbroadcast v29, $0x0;
	v29, _, _ =	vpop (xrf0)  }
0x4ed: {  	v27 =	vadd.s32 v29, v27;
	v29, _, _ =	vpop (xrf0)  }
0x4ee: {  	v28 =	vadd.s32 v29, v28;
	v29, _, _ =	vpop (xrf0)  }
0x4ef: {  	(v2sf) =	vpush v29, $0xF;
	v29, _, _ =	vpop (xrf0)  }
0x4f0: {  	(v2sf) =	vpush v29, $0xF;
	_ =	sdelay $0x1  }
0x4f1: {  	[tilespmem:v27+s22+$0x0] =	vst.idx.msk vm1, v25  }
0x4f2: {  	s10 =	sadd.s32 $0x10, s10;
	[tilespmem:v28+s26+$0x0] =	vst.idx.msk vm0, v25  }
0x4f3: {  	v25 =	vld [tilespmem:s10+$0x0];
	_ =	sdelay $0x1  }
0x4f4: {  	s12 =	sadd.s32 $0x10, s12  }
0x4f5: {  	v27 =	vor.u32 s12, v0  }
0x4f6: {  	vm0 =	vlt.s32 v27, v24  }
0x4f7: {  	v25 =	vnsel vm0, $0x0, v25;
	_ =	sdelay $0x1  }
.Ltmp44:
0x4f8: {  	(pc) =	sbr.rel @p1 .LBB2_66-.Ltmp44, $3  }
0x4f9: {  	_ =	sdelay $0x1  }
0x4fa: {  	v27 =	vld.idx.msk [tilespmem:v25+s25+$0x0], $0xffff;
	s1 =	spop (v2sf)  }
0x4fb: {  	s14 =	sadd.s32 s1, s14;
	s1 =	spop (v2sf)  }
.LBB2_67:
0x4fc: {  	_ =	sdelay $0x2  }
0x4fd: {  	v24 =	vshrl.u32 v27, $0x4  }
0x4fe: {  	v24 =	vand.u32 $0xF, v24  }
0x4ff: {  	vm1 =	vlt.s32 v24, v26  }
0x500: {  	vm2 =	veq.s32 v24, v26;
	vm1 =	vmand vm0, vm1  }
0x501: {  	vm15 =	vmand vm0, vm2;
	v53 =	vsel vm1, $0x1, v2;
	v54 =	vmpcnt.ones.xlane vm1  }
0x502: {  	v55 =	vmpcnt.ones.xlane vm15;
	v28 =	vsel vm15, $0x1, v2;
	(xrf0) =	vadd.scan.msk.s32 $0xffff, v53  }
0x503: {  	v56 =	vxor.u32 $0x80000000, v54;
	(xrf0) =	vadd.scan.msk.s32 $0xffff, v28  }
0x504: {  	v57 =	vxor.u32 $0x80000000, v55;
	(xrf0) =	vmax.scan.msk.u32 $0xffff, v56  }
0x505: {  	(xrf0) =	vmax.scan.msk.u32 $0xffff, v57;
	_ =	sdelay $0x2  }
0x506: {  	v58, _, _ =	vpop (xrf0)  }
0x507: {  	v59, _, _ =	vpop (xrf0)  }
0x508: {  	v60, _, _ =	vpop (xrf0)  }
0x509: {  	(v2sf) =	vpush v60, $0xF;
	v61, _, _ =	vpop (xrf0)  }
0x50a: {  	(v2sf) =	vpush v61, $0xF;
	_ =	sdelay $0x4  }
0x50b: {  	s10 =	sadd.s32 @p0 $0x80000000, s14;
	s1 =	sadd.s32 @p0 s1, s9  }
0x50c: {  	s5 =	smov.u32 @p0 s10;
	s1 =	sadd.s32 @p0 $0x80000000, s1  }
0x50d: {  	v62 =	vmov s5;
	s8 =	smov.u32 @p0 s1  }
0x50e: {  	v27 =	vadd.s32 $0xFFFFFFFF, v62;
	v63 =	vmov s8  }
0x50f: {  	v27 =	vbroadcast v27, $0x0;
	v28 =	vadd.s32 $0xFFFFFFFF, v63  }
0x510: {  	v28 =	vbroadcast v28, $0x0  }
0x511: {  	v24 =	vadd.s32 v58, v27  }
0x512: {  	v26 =	vadd.s32 v59, v28  }
.Ltmp45:
0x513: {  	_ = 	snop;
	(pc) =	sbr.rel .LBB2_68-.Ltmp45, $4  }
0x514: {  	s13 =	spop (v2sf)  }
0x515: {  	s14 =	spop (v2sf)  }
0x516: {  	[tilespmem:v24+s22+$0x0] =	vst.idx.msk vm1, v25;
	s1 =	sadd.s32 s13, s5;
	s8 =	sadd.s32 s14, s8  }
0x517: {  	[tilespmem:v26+s26+$0x0] =	vst.idx.msk vm15, v25;
	s5 =	sadd.s32 $0x80000000, s1;
	s1 =	sadd.s32 $0x80000000, s8  }
.LBB2_61:
0x518: {  	s1 =	simm.s32 $0x0  }
.LBB2_68:
0x519: {  	[tilespmem:$0x10180] =	vst v2  }
0x51a: {  	[tilespmem:$0x10190] =	vst v2  }
0x51b: {  	[tilespmem:$0x101A0] =	vst v2  }
0x51c: {  	[tilespmem:$0x101B0] =	vst v2;
	s8 =	sadd.s32 $0xF, s1  }
0x51d: {  	[tilespmem:$0x101C0] =	vst v2;
	s9 =	sand.u32 $0xF, s8  }
0x51e: {  	[tilespmem:$0x101D0] =	vst v2;
	s14 =	sshra.s32 s8, $0x1F;
	p1 =	slt.s32 s8, $0x1;
	p0 =	sne.s32 s9, $0x0  }
0x51f: {  	[tilespmem:$0x101E0] =	vst v2;
	s9 =	sshrl.u32 s14, $0x1C;
	p0 =	por !p1, !p0  }
0x520: {  	[tilespmem:$0x101F0] =	vst v2;
	s8 =	sadd.s32 s9, s8;
	s9 =	simm.s32 $0x1;
	p0 =	por !p0, !p0  }
0x521: {  	[tilespmem:$0x10200] =	vst v2;
	s8 =	sshra.s32 s8, $0x4;
	s9 =	simm.s32 @!p0 $0x0  }
0x522: {  	[tilespmem:$0x10210] =	vst v2;
	s9 =	ssub.s32 s8, s9  }
0x523: {  	[tilespmem:$0x10220] =	vst v2;
	p0 =	slt.s32 s9, $0x1  }
.Ltmp46:
0x524: {  	[tilespmem:$0x10230] =	vst v2;
	(pc) =	sbr.rel @p0 .LBB2_71-.Ltmp46, $4  }
0x525: {  	[tilespmem:$0x10240] =	vst v2  }
0x526: {  	[tilespmem:$0x10250] =	vst v2  }
0x527: {  	[tilespmem:$0x10260] =	vst v2  }
0x528: {  	[tilespmem:$0x10270] =	vst v2;
	v24 =	vmov s1  }
0x529: {  	s1 =	simm.s32 $0x13300;
	s8 =	simm.s32 $0x0;
	s10 =	smov.u32 s9  }
.LBB2_70:
0x52a: {  	v25 =	vld [tilespmem:s1+$0x0];
	_ =	sdelay $0x2  }
0x52b: {  	v26 =	vor.u32 s8, v0  }
0x52c: {  	vm0 =	vlt.s32 v26, v24  }
0x52d: {  	v25 =	vnsel vm0, $0x0, v25;
	_ =	sdelay $0x4  }
0x52e: {  	v25 =	vld.idx.msk [tilespmem:v25+s25+$0x0], $0xffff;
	_ =	sdelay $0x4  }
0x52f: {  	v25 =	vshll.u32 v25, $0x4  }
0x530: {  	v25 =	vor.u32 v0, v25  }
0x531: {  	p1 =	sne.s32 s10, $0x1;
	v25 =	vand.u32 $0xFF, v25  }
.Ltmp47:
0x532: {  	_ = 	snop;
	(pc) =	sbr.rel @p1 .LBB2_70-.Ltmp47, $2  }
0x533: {  	_ =	sdelay $0x2  }
0x534: {  	s1 =	sadd.s32 $0x10, s1;
	s8 =	sadd.s32 $0x10, s8;
	s10 =	sadd.s32 $0xFFFFFFFF, s10;
	[tilespmem:v25+s21+$0x0] =	vst.idx.add.s32.msk vm0, v3  }
.LBB2_71:
0x535: {  	_ =	sdelay $0x3  }
0x536: {  	v25 =	vld.idx.msk [tilespmem:v1+s21+$0x0], $0xffff  }
0x537: {  	v26 =	vld.idx.msk [tilespmem:v4+s21+$0x0], $0xffff  }
0x538: {  	v27 =	vld.idx.msk [tilespmem:v5+s21+$0x0], $0xffff  }
0x539: {  	v28 =	vld.idx.msk [tilespmem:v6+s21+$0x0], $0xffff  }
0x53a: {  	v29 =	vld.idx.msk [tilespmem:v7+s21+$0x0], $0xffff  }
0x53b: {  	v30 =	vld.idx.msk [tilespmem:v8+s21+$0x0], $0xffff  }
0x53c: {  	v25 =	vadd.s32 v25, v26;
	v26 =	vld.idx.msk [tilespmem:v9+s21+$0x0], $0xffff  }
0x53d: {  	v25 =	vadd.s32 v27, v25;
	v27 =	vld.idx.msk [tilespmem:v10+s21+$0x0], $0xffff  }
0x53e: {  	v58 =	vld.idx.msk [tilespmem:v11+s21+$0x0], $0xffff;
	v25 =	vadd.s32 v28, v25  }
0x53f: {  	v59 =	vld.idx.msk [tilespmem:v12+s21+$0x0], $0xffff;
	v25 =	vadd.s32 v29, v25  }
0x540: {  	v60 =	vld.idx.msk [tilespmem:v13+s21+$0x0], $0xffff;
	v25 =	vadd.s32 v30, v25  }
0x541: {  	v25 =	vadd.s32 v26, v25;
	v26 =	vld.idx.msk [tilespmem:v14+s21+$0x0], $0xffff  }
0x542: {  	v25 =	vadd.s32 v27, v25;
	v27 =	vld.idx.msk [tilespmem:v15+s21+$0x0], $0xffff  }
0x543: {  	v61 =	vld.idx.msk [tilespmem:v16+s21+$0x0], $0xffff;
	v25 =	vadd.s32 v58, v25  }
0x544: {  	v62 =	vld.idx.msk [tilespmem:v17+s21+$0x0], $0xffff;
	v25 =	vadd.s32 v59, v25  }
0x545: {  	v63 =	vld.idx.msk [tilespmem:v18+s21+$0x0], $0xffff;
	v25 =	vadd.s32 v60, v25  }
0x546: {  	v25 =	vadd.s32 v26, v25  }
0x547: {  	v25 =	vadd.s32 v27, v25  }
0x548: {  	v25 =	vadd.s32 v61, v25  }
0x549: {  	v25 =	vadd.s32 v62, v25  }
0x54a: {  	v25 =	vadd.s32 v63, v25  }
0x54b: {  	(xrf0) =	vadd.scan.msk.s32 $0xffff, v25;
	_ =	sdelay $0x4  }
0x54c: {  	s1 =	sxor.u32 $0x80000000, s7  }
0x54d: {  	s6 =	ssub.s32 s6, s1;
	v25, _, _ =	vpop (xrf0)  }
0x54e: {  	vm0 =	vlt.s32 v25, s6;
	v26 =	vxor.u32 $0x80000000, v25  }
0x54f: {  	v26 =	vnsel vm0, $0x80000000, v26  }
0x550: {  	(xrf0) =	vmax.scan.msk.u32 $0xffff, v26;
	_ =	sdelay $0x5  }
0x551: {  	v26, _, _ =	vpop (xrf0)  }
0x552: {  	(v2sf) =	vpush v26, $0xF;
	_ =	sdelay $0xa  }
.Ltmp48:
0x553: {  	_ = 	snop;
	(pc) =	sbr.rel @p0 .LBB2_78-.Ltmp48, $2  }
0x554: {  	_ =	sdelay $0x2  }
0x555: {  	s7 =	spop (v2sf)  }
0x556: {  	s1 =	simm.s32 $0x13300  }
0x557: {  	v26 =	vmov s6;
	v27 =	vld [tilespmem:s1+$0x0]  }
0x558: {  	vm0 =	vlt.s32 v25, v26  }
0x559: {  	s8 =	simm.s32 $0x0;
	v25 =	vsel vm0, $0x1, v2  }
0x55a: {  	(xrf0) =	vadd.scan.msk.s32 $0xffff, v25;
	v25 =	vor.u32 s8, v0  }
0x55b: {  	vm0 =	vlt.s32 v25, v24  }
0x55c: {  	p1 =	sne.s32 s9, $0x1;
	v25 =	vnsel vm0, $0x0, v27  }
.Ltmp49:
0x55d: {  	_ = 	snop;
	(pc) =	sbr.rel @!p1 .LBB2_73-.Ltmp49, $3  }
0x55e: {  	_ =	sdelay $0x1  }
0x55f: {  	v26, _, _ =	vpop (xrf0)  }
0x560: {  	s9 =	sadd.s32 $0xFFFFFFFF, s9;
	p0 =	por $0x0, $0x0;
	v26 =	vbroadcast v26, $0xF;
	v27 =	vld.idx.msk [tilespmem:v25+s25+$0x0], $0xffff  }
0x561: {  	_ =	sdelay $0x3  }
0x562: {  	v27 =	vand.u32 $0xF, v27  }
0x563: {  	vm1 =	vlt.s32 v27, v26  }
0x564: {  	vm2 =	veq.s32 v27, v26;
	vm1 =	vmand vm0, vm1  }
0x565: {  	vm0 =	vmand vm0, vm2;
	v27 =	vsel vm1, $0x1, v2;
	v28 =	vmpcnt.ones.xlane vm1  }
0x566: {  	v29 =	vsel vm0, $0x1, v2;
	(xrf0) =	vadd.scan.msk.s32 $0xffff, v27;
	v27 =	vmpcnt.ones.xlane vm0  }
0x567: {  	v28 =	vxor.u32 $0x80000000, v28;
	(xrf0) =	vadd.scan.msk.s32 $0xffff, v29  }
0x568: {  	(xrf0) =	vmax.scan.msk.u32 $0xffff, v28;
	v27 =	vxor.u32 $0x80000000, v27  }
0x569: {  	(xrf0) =	vmax.scan.msk.u32 $0xffff, v27  }
0x56a: {  	v27 =	vmov s5  }
0x56b: {  	v28 =	vmov s8;
	v27 =	vadd.s32 $0xFFFFFFFF, v27  }
0x56c: {  	v28 =	vadd.s32 $0xFFFFFFFF, v28;
	v27 =	vbroadcast v27, $0x0;
	v29, _, _ =	vpop (xrf0)  }
0x56d: {  	v28 =	vbroadcast v28, $0x0;
	v30, _, _ =	vpop (xrf0)  }
0x56e: {  	v27 =	vadd.s32 v29, v27;
	v31, _, _ =	vpop (xrf0)  }
0x56f: {  	v28 =	vadd.s32 v30, v28;
	(v2sf) =	vpush v31, $0xF;
	v29, _, _ =	vpop (xrf0)  }
0x570: {  	(v2sf) =	vpush v29, $0xF;
	_ =	sdelay $0x2  }
0x571: {  	[tilespmem:v27+s22+$0x0] =	vst.idx.msk vm1, v25  }
0x572: {  	s10 =	simm.s32 $0x13310;
	[tilespmem:v28+s23+$0x0] =	vst.idx.msk vm0, v25  }
0x573: {  	v25 =	vld [tilespmem:s10+$0x0];
	_ =	sdelay $0x1  }
0x574: {  	s12 =	simm.s32 $0x10  }
0x575: {  	v27 =	vor.u32 s12, v0  }
0x576: {  	vm0 =	vlt.s32 v27, v24  }
0x577: {  	p1 =	sne.s32 s9, $0x1;
	v25 =	vnsel vm0, $0x0, v25  }
.Ltmp50:
0x578: {  	_ = 	snop;
	(pc) =	sbr.rel @!p1 .LBB2_75-.Ltmp50, $3  }
0x579: {  	_ =	sdelay $0x1  }
0x57a: {  	s13 =	sadd.s32 $0xFFFFFFFF, s9;
	p0 =	por $0x1, $0x1;
	s1 =	spop (v2sf)  }
0x57b: {  	s9 =	simm.s32 $0x0;
	v27 =	vld.idx.msk [tilespmem:v25+s25+$0x0], $0xffff;
	s14 =	sadd.s32 s1, s5;
	s1 =	spop (v2sf)  }
.LBB2_76:
0x57c: {  	p1 =	sne.s32 s13, $0x1;
	s14 =	sadd.s32 $0x80000000, s14;
	s1 =	sadd.s32 s1, s9  }
0x57d: {  	s13 =	sadd.s32 $0xFFFFFFFF, s13;
	v28 =	vmov s14;
	s9 =	sadd.s32 $0x80000000, s1  }
0x57e: {  	v28 =	vadd.s32 $0xFFFFFFFF, v28;
	v29 =	vmov s9  }
0x57f: {  	v29 =	vadd.s32 $0xFFFFFFFF, v29  }
0x580: {  	v27 =	vand.u32 $0xF, v27  }
0x581: {  	vm1 =	vlt.s32 v27, v26;
	vm2 =	veq.s32 v27, v26  }
0x582: {  	vm1 =	vmand vm0, vm1;
	vm0 =	vmand vm0, vm2  }
0x583: {  	v27 =	vsel vm1, $0x1, v2;
	v30 =	vmpcnt.ones.xlane vm1;
	v31 =	vmpcnt.ones.xlane vm0  }
0x584: {  	v32 =	vsel vm0, $0x1, v2;
	(xrf0) =	vadd.scan.msk.s32 $0xffff, v27  }
0x585: {  	v27 =	vxor.u32 $0x80000000, v30;
	v30 =	vxor.u32 $0x80000000, v31;
	(xrf0) =	vadd.scan.msk.s32 $0xffff, v32  }
0x586: {  	(xrf0) =	vmax.scan.msk.u32 $0xffff, v27  }
0x587: {  	(xrf0) =	vmax.scan.msk.u32 $0xffff, v30;
	_ =	sdelay $0x1  }
0x588: {  	v27 =	vbroadcast v28, $0x0  }
0x589: {  	v28 =	vbroadcast v29, $0x0;
	v29, _, _ =	vpop (xrf0)  }
0x58a: {  	v27 =	vadd.s32 v29, v27;
	v29, _, _ =	vpop (xrf0)  }
0x58b: {  	v28 =	vadd.s32 v29, v28;
	v29, _, _ =	vpop (xrf0)  }
0x58c: {  	(v2sf) =	vpush v29, $0xF;
	v29, _, _ =	vpop (xrf0)  }
0x58d: {  	(v2sf) =	vpush v29, $0xF;
	_ =	sdelay $0x1  }
0x58e: {  	[tilespmem:v27+s22+$0x0] =	vst.idx.msk vm1, v25  }
0x58f: {  	s10 =	sadd.s32 $0x10, s10;
	[tilespmem:v28+s23+$0x0] =	vst.idx.msk vm0, v25  }
0x590: {  	v25 =	vld [tilespmem:s10+$0x0];
	_ =	sdelay $0x1  }
0x591: {  	s12 =	sadd.s32 $0x10, s12  }
0x592: {  	v27 =	vor.u32 s12, v0  }
0x593: {  	vm0 =	vlt.s32 v27, v24  }
0x594: {  	v25 =	vnsel vm0, $0x0, v25;
	_ =	sdelay $0x1  }
.Ltmp51:
0x595: {  	(pc) =	sbr.rel @p1 .LBB2_76-.Ltmp51, $3  }
0x596: {  	_ =	sdelay $0x1  }
0x597: {  	v27 =	vld.idx.msk [tilespmem:v25+s25+$0x0], $0xffff;
	s1 =	spop (v2sf)  }
0x598: {  	s14 =	sadd.s32 s1, s14;
	s1 =	spop (v2sf)  }
.LBB2_77:
0x599: {  	_ =	sdelay $0x2  }
0x59a: {  	v24 =	vand.u32 $0xF, v27  }
0x59b: {  	vm1 =	vlt.s32 v24, v26  }
0x59c: {  	vm2 =	veq.s32 v24, v26;
	vm1 =	vmand vm0, vm1  }
0x59d: {  	vm15 =	vmand vm0, vm2;
	v55 =	vsel vm1, $0x1, v2;
	v56 =	vmpcnt.ones.xlane vm1  }
0x59e: {  	v57 =	vsel vm15, $0x1, v2;
	(xrf0) =	vadd.scan.msk.s32 $0xffff, v55  }
0x59f: {  	v58 =	vmpcnt.ones.xlane vm15;
	v26 =	vxor.u32 $0x80000000, v56;
	(xrf0) =	vadd.scan.msk.s32 $0xffff, v57  }
0x5a0: {  	(xrf0) =	vmax.scan.msk.u32 $0xffff, v26  }
0x5a1: {  	v24 =	vxor.u32 $0x80000000, v58  }
0x5a2: {  	(xrf0) =	vmax.scan.msk.u32 $0xffff, v24;
	_ =	sdelay $0x1  }
0x5a3: {  	v59, _, _ =	vpop (xrf0)  }
0x5a4: {  	v60, _, _ =	vpop (xrf0)  }
0x5a5: {  	v61, _, _ =	vpop (xrf0)  }
0x5a6: {  	(v2sf) =	vpush v61, $0xF  }
0x5a7: {  	v62, _, _ =	vpop (xrf0)  }
0x5a8: {  	(v2sf) =	vpush v62, $0xF;
	_ =	sdelay $0x2  }
0x5a9: {  	s10 =	sadd.s32 @p0 $0x80000000, s14;
	s1 =	sadd.s32 @p0 s1, s9  }
0x5aa: {  	s5 =	smov.u32 @p0 s10;
	s1 =	sadd.s32 @p0 $0x80000000, s1  }
0x5ab: {  	v63 =	vmov s5;
	s8 =	smov.u32 @p0 s1  }
0x5ac: {  	v27 =	vadd.s32 $0xFFFFFFFF, v63;
	v28 =	vmov s8  }
0x5ad: {  	v28 =	vadd.s32 $0xFFFFFFFF, v28;
	v27 =	vbroadcast v27, $0x0  }
0x5ae: {  	v28 =	vbroadcast v28, $0x0  }
0x5af: {  	v24 =	vadd.s32 v59, v27  }
0x5b0: {  	v26 =	vadd.s32 v60, v28;
	_ =	sdelay $0x2  }
0x5b1: {  	s13 =	spop (v2sf)  }
0x5b2: {  	[tilespmem:v24+s22+$0x0] =	vst.idx.msk vm1, v25;
	s1 =	sadd.s32 s13, s5  }
0x5b3: {  	[tilespmem:v26+s23+$0x0] =	vst.idx.msk vm15, v25;
	s14 =	spop (v2sf);
	s5 =	sadd.s32 $0x80000000, s1  }
.LBB2_78:
0x5b4: {  	s1 =	sxor.u32 $0x80000000, s7  }
0x5b5: {  	s1 =	ssub.s32 s6, s1  }
0x5b6: {  	s6 =	sadd.s32 $0xF, s1  }
0x5b7: {  	s13 =	sand.u32 $0xF, s6  }
0x5b8: {  	s14 =	sshra.s32 s6, $0x1F;
	p1 =	slt.s32 s6, $0x1;
	p0 =	sne.s32 s13, $0x0  }
0x5b9: {  	s7 =	sshrl.u32 s14, $0x1C;
	p0 =	por !p1, !p0  }
0x5ba: {  	s6 =	sadd.s32 s7, s6;
	s7 =	simm.s32 $0x1;
	p0 =	por !p0, !p0  }
0x5bb: {  	s6 =	sshra.s32 s6, $0x4;
	s7 =	simm.s32 @!p0 $0x0  }
0x5bc: {  	s7 =	ssub.s32 s6, s7  }
0x5bd: {  	p0 =	slt.s32 s7, $0x1  }
.Ltmp52:
0x5be: {  	_ = 	snop;
	(pc) =	sbr.rel @p0 .LBB2_94-.Ltmp52, $1  }
0x5bf: {  	_ =	sdelay $0x3  }
0x5c0: {  	p5 =	sne.s32 s7, $0x1  }
.Ltmp53:
0x5c1: {  	_ = 	snop;
	(pc) =	sbr.rel @!p5 .LBB2_80-.Ltmp53, $4  }
0x5c2: {  	s8 =	simm.s32 $0x0  }
0x5c3: {  	v30 =	vmov s1;
	s6 =	simm.s32 $0x11280;
	v24 =	vor.u32 s8, v0  }
0x5c4: {  	s1 =	sadd.s32 $0xFFFFFFFF, s7;
	p0 =	por $0x0, $0x0;
	p1 =	por $0x0, $0x0;
	vm0 =	vlt.s32 v24, v30  }
0x5c5: {  	p2 =	por $0x0, $0x0;
	p3 =	por $0x0, $0x0;
	p4 =	por $0x0, $0x0;
	v25 =	vsel vm0, $0x1, v2;
	v26 =	vmpcnt.ones.xlane vm0  }
0x5c6: {  	p5 =	sne.s32 s1, $0x1  }
.Ltmp54:
0x5c7: {  	_ = 	snop;
	(pc) =	sbr.rel @!p5 .LBB2_82-.Ltmp54, $4  }
0x5c8: {  	s7 =	simm.s32 $0x10  }
0x5c9: {  	v24 =	vor.u32 s7, v0  }
0x5ca: {  	vm1 =	vmmov vm0;
	(xrf0) =	vadd.scan.msk.s32 $0xffff, v25;
	v25 =	vxor.u32 $0x80000000, v26;
	vm0 =	vlt.s32 v24, v30  }
0x5cb: {  	s1 =	sadd.s32 $0xFFFFFFFF, s1;
	p0 =	por $0x1, $0x1;
	(xrf0) =	vmax.scan.msk.u32 $0xffff, v25;
	v25 =	vsel vm0, $0x1, v2;
	v26 =	vmpcnt.ones.xlane vm0  }
0x5cc: {  	_ =	sdelay $0x3  }
0x5cd: {  	v24, _, _ =	vpop (xrf0)  }
0x5ce: {  	(xrf0) =	vadd.scan.msk.s32 $0xffff, v25;
	v25 =	vxor.u32 $0x80000000, v26;
	v26, _, _ =	vpop (xrf0)  }
0x5cf: {  	(v2sf) =	vpush v26, $0xF;
	_ =	sdelay $0x4  }
0x5d0: {  	p5 =	sne.s32 s1, $0x1  }
.Ltmp55:
0x5d1: {  	_ = 	snop;
	(pc) =	sbr.rel @!p5 .LBB2_84-.Ltmp55, $4  }
0x5d2: {  	s7 =	simm.s32 $0x20  }
0x5d3: {  	v27 =	vor.u32 s7, v0  }
0x5d4: {  	vm3 =	vmmov vm1;
	vm1 =	vmmov vm0;
	vm0 =	vlt.s32 v27, v30  }
0x5d5: {  	s1 =	sadd.s32 $0xFFFFFFFF, s1;
	p1 =	por $0x1, $0x1;
	(xrf0) =	vmax.scan.msk.u32 $0xffff, v25;
	v25 =	vsel vm0, $0x1, v2;
	v26 =	vmpcnt.ones.xlane vm0  }
0x5d6: {  	_ =	sdelay $0x3  }
0x5d7: {  	v28, _, _ =	vpop (xrf0)  }
0x5d8: {  	(xrf0) =	vadd.scan.msk.s32 $0xffff, v25;
	v25 =	vxor.u32 $0x80000000, v26;
	v26, _, _ =	vpop (xrf0)  }
0x5d9: {  	(v2sf) =	vpush v26, $0xF;
	_ =	sdelay $0x8  }
0x5da: {  	p5 =	sne.s32 s1, $0x1  }
.Ltmp56:
0x5db: {  	_ = 	snop;
	(pc) =	sbr.rel @!p5 .LBB2_86-.Ltmp56, $4  }
0x5dc: {  	s7 =	simm.s32 $0x30  }
0x5dd: {  	vm2 =	vmmov vm3;
	v27 =	vor.u32 s7, v0  }
0x5de: {  	vm3 =	vmmov vm1;
	vm1 =	vmmov vm0;
	vm0 =	vlt.s32 v27, v30  }
0x5df: {  	s1 =	sadd.s32 $0xFFFFFFFF, s1;
	p2 =	por $0x1, $0x1;
	(xrf0) =	vmax.scan.msk.u32 $0xffff, v25;
	v25 =	vsel vm0, $0x1, v2;
	v26 =	vmpcnt.ones.xlane vm0  }
0x5e0: {  	_ =	sdelay $0x3  }
0x5e1: {  	v27, _, _ =	vpop (xrf0)  }
0x5e2: {  	v29, _, _ =	vpop (xrf0)  }
0x5e3: {  	(v2sf) =	vpush v29, $0xF;
	_ =	sdelay $0x3  }
0x5e4: {  	p5 =	sne.s32 s1, $0x1  }
.Ltmp57:
0x5e5: {  	_ = 	snop;
	(pc) =	sbr.rel @!p5 .LBB2_88-.Ltmp57, $4  }
0x5e6: {  	vm4 =	vmmov vm1;
	vm6 =	vmmov vm2;
	s7 =	simm.s32 $0x40;
	vm1 =	vmmov vm0  }
0x5e7: {  	vm5 =	vmmov vm3;
	v31 =	vor.u32 s7, v0;
	v29 =	vmov s5  }
0x5e8: {  	(xrf0) =	vadd.scan.msk.s32 $0xffff, v25;
	v26 =	vxor.u32 $0x80000000, v26;
	vm0 =	vlt.s32 v31, v30;
	v29 =	vadd.s32 $0xFFFFFFFF, v29  }
0x5e9: {  	s1 =	sadd.s32 $0xFFFFFFFF, s1;
	p3 =	por $0x1, $0x1;
	v25 =	vsel vm0, $0x1, v2;
	(xrf0) =	vmax.scan.msk.u32 $0xffff, v26;
	v26 =	vmpcnt.ones.xlane vm0;
	v31 =	vbroadcast v29, $0x0  }
0x5ea: {  	_ =	sdelay $0x3  }
0x5eb: {  	v29, _, _ =	vpop (xrf0)  }
0x5ec: {  	v33, _, _ =	vpop (xrf0)  }
0x5ed: {  	(v2sf) =	vpush v33, $0xF;
	_ =	sdelay $0x2  }
0x5ee: {  	s7 =	spop (v2sf)  }
0x5ef: {  	vm7 =	vmmov vm6;
	p5 =	sne.s32 s1, $0x1;
	s7 =	sadd.s32 s7, s5;
	(xrf0) =	vadd.scan.msk.s32 $0xffff, v25  }
.Ltmp58:
0x5f0: {  	s9 =	simm.s32 $0x50;
	v26 =	vxor.u32 $0x80000000, v26;
	v32 =	vadd.s32 v24, v31;
	s8 =	sadd.s32 $0x80000000, s7;
	v33 =	vld [tilespmem:s6+$0x0];
	(pc) =	sbr.rel @!p5 .LBB2_90-.Ltmp58, $4  }
0x5f1: {  	v34 =	vor.u32 s9, v0;
	v35 =	vmov s8;
	(xrf0) =	vmax.scan.msk.u32 $0xffff, v26  }
0x5f2: {  	vm8 =	vmmov vm5;
	vm9 =	vmmov vm4;
	vm3 =	vmmov vm1  }
0x5f3: {  	vm1 =	vmmov vm0;
	vm0 =	vlt.s32 v34, v30;
	v63 =	vadd.s32 $0xFFFFFFFF, v35  }
0x5f4: {  	s10 =	sadd.s32 $0xFFFFFFFF, s1;
	p4 =	por $0x1, $0x1;
	s7 =	simm.s32 $0x11280;
	v25 =	vsel vm0, $0x1, v2;
	v34 =	vmovc v27;
	v26 =	vmpcnt.ones.xlane vm0;
	v36 =	vbroadcast v63, $0x0;
	v35 =	vmovc v28  }
.LBB2_91:
0x5f5: {  	p5 =	sne.s32 s10, $0x1;
	(xrf0) =	vadd.scan.msk.s32 $0xffff, v25;
	v25, _, _ =	vpop (xrf0);
	s1 =	spop (v2sf);
	[tilespmem:v32+s22+$0x0] =	vst.idx.msk vm7, v33;
	s7 =	sadd.s32 $0x10, s7;
	vm7 =	vmmov vm8;
	vm8 =	vmmov vm9  }
.Ltmp59:
0x5f6: {  	s10 =	sadd.s32 $0xFFFFFFFF, s10;
	v26 =	vxor.u32 $0x80000000, v26;
	v33 =	vld [tilespmem:s7+$0x0];
	v32 =	vadd.s32 v35, v36;
	s1 =	sadd.s32 s1, s8;
	v35 =	vmovc v34;
	v34 =	vmovc v29;
	v29 =	vmov v25;
	(pc) =	sbr.rel @p5 .LBB2_91-.Ltmp59, $4  }
0x5f7: {  	s9 =	sadd.s32 $0x10, s9;
	vm9 =	vmmov vm3;
	vm3 =	vmmov vm1;
	vm1 =	vmmov vm0;
	(xrf0) =	vmax.scan.msk.u32 $0xffff, v26;
	v25, _, _ =	vpop (xrf0);
	s8 =	sadd.s32 $0x80000000, s1  }
0x5f8: {  	v26 =	vor.u32 s9, v0;
	(v2sf) =	vpush v25, $0xF;
	v25 =	vmov s8  }
0x5f9: {  	vm0 =	vlt.s32 v26, v30;
	v36 =	vadd.s32 $0xFFFFFFFF, v25  }
0x5fa: {  	v25 =	vsel vm0, $0x1, v2;
	v26 =	vmpcnt.ones.xlane vm0;
	v36 =	vbroadcast v36, $0x0  }
.Ltmp60:
0x5fb: {  	(pc) =	sbr.rel .LBB2_93-.Ltmp60, $1  }
0x5fc: {  	_ =	sdelay $0x3  }
.LBB2_19:
.Ltmp61:
0x5fd: {  	(pc) =	sbr.rel .LBB2_23-.Ltmp61, $2  }
0x5fe: {  	_ =	sdelay $0x2  }
0x5ff: {  	s9 =	simm.s32 $0x0  }
.LBB2_30:
.Ltmp62:
0x600: {  	(pc) =	sbr.rel .LBB2_34-.Ltmp62, $2  }
0x601: {  	_ =	sdelay $0x2  }
0x602: {  	s9 =	simm.s32 $0x0  }
.LBB2_41:
.Ltmp63:
0x603: {  	(pc) =	sbr.rel .LBB2_45-.Ltmp63, $2  }
0x604: {  	_ =	sdelay $0x2  }
0x605: {  	s9 =	simm.s32 $0x0  }
.LBB2_52:
.Ltmp64:
0x606: {  	(pc) =	sbr.rel .LBB2_56-.Ltmp64, $2  }
0x607: {  	_ =	sdelay $0x2  }
0x608: {  	s9 =	simm.s32 $0x0  }
.LBB2_63:
.Ltmp65:
0x609: {  	(pc) =	sbr.rel .LBB2_67-.Ltmp65, $2  }
0x60a: {  	_ =	sdelay $0x2  }
0x60b: {  	s9 =	simm.s32 $0x0  }
.LBB2_73:
.Ltmp66:
0x60c: {  	(pc) =	sbr.rel .LBB2_77-.Ltmp66, $2  }
0x60d: {  	_ =	sdelay $0x2  }
0x60e: {  	s9 =	simm.s32 $0x0  }
.LBB2_21:
.Ltmp67:
0x60f: {  	(pc) =	sbr.rel .LBB2_23-.Ltmp67, $2  }
0x610: {  	_ =	sdelay $0x2  }
0x611: {  	s9 =	simm.s32 $0x0  }
.LBB2_32:
.Ltmp68:
0x612: {  	(pc) =	sbr.rel .LBB2_34-.Ltmp68, $2  }
0x613: {  	_ =	sdelay $0x2  }
0x614: {  	s9 =	simm.s32 $0x0  }
.LBB2_43:
.Ltmp69:
0x615: {  	(pc) =	sbr.rel .LBB2_45-.Ltmp69, $2  }
0x616: {  	_ =	sdelay $0x2  }
0x617: {  	s9 =	simm.s32 $0x0  }
.LBB2_54:
.Ltmp70:
0x618: {  	(pc) =	sbr.rel .LBB2_56-.Ltmp70, $2  }
0x619: {  	_ =	sdelay $0x2  }
0x61a: {  	s9 =	simm.s32 $0x0  }
.LBB2_65:
.Ltmp71:
0x61b: {  	(pc) =	sbr.rel .LBB2_67-.Ltmp71, $2  }
0x61c: {  	_ =	sdelay $0x2  }
0x61d: {  	s9 =	simm.s32 $0x0  }
.LBB2_75:
.Ltmp72:
0x61e: {  	(pc) =	sbr.rel .LBB2_77-.Ltmp72, $2  }
0x61f: {  	_ =	sdelay $0x2  }
0x620: {  	s9 =	simm.s32 $0x0  }
.LBB2_82:
.Ltmp73:
0x621: {  	(pc) =	sbr.rel .LBB2_93-.Ltmp73, $2  }
0x622: {  	_ =	sdelay $0x2  }
0x623: {  	s7 =	simm.s32 $0x11280;
	s8 =	smov.u32 s5  }
.LBB2_84:
.Ltmp74:
0x624: {  	(pc) =	sbr.rel .LBB2_93-.Ltmp74, $2  }
0x625: {  	_ =	sdelay $0x2  }
0x626: {  	v29 =	vmov v24;
	s7 =	simm.s32 $0x11280;
	s8 =	smov.u32 s5  }
.LBB2_86:
.Ltmp75:
0x627: {  	(pc) =	sbr.rel .LBB2_93-.Ltmp75, $2  }
0x628: {  	_ =	sdelay $0x2  }
0x629: {  	v29 =	vmov v28;
	s7 =	simm.s32 $0x11280;
	vm9 =	vmmov vm2;
	s8 =	smov.u32 s5;
	v34 =	vmov v24  }
.LBB2_88:
.Ltmp76:
0x62a: {  	(pc) =	sbr.rel .LBB2_93-.Ltmp76, $3  }
0x62b: {  	_ =	sdelay $0x1  }
0x62c: {  	vm8 =	vmmov vm6;
	vm9 =	vmmov vm5;
	_ =	sdelay $0x1  }
0x62d: {  	s7 =	simm.s32 $0x11280;
	v35 =	vmovc v24;
	s8 =	smov.u32 s5;
	v34 =	vmovc v28;
	v29 =	vmov v27;
	vm3 =	vmmov vm4;
	v36 =	vmov v31  }
.LBB2_90:
.Ltmp77:
0x62e: {  	(pc) =	sbr.rel .LBB2_93-.Ltmp77, $2  }
0x62f: {  	_ =	sdelay $0x2  }
0x630: {  	s7 =	simm.s32 $0x11280;
	v35 =	vmov v28;
	v34 =	vmov v27  }
.LBB2_97:
0x631: {  	_ =	sfence.sel $0x180000  }
0x632: {  	[bflag:$0x0] =	sbarrier.arrive $0xFFFF  }
0x633: {  	_ =	strace $0x90000047  }
0x634: {  	s0 =	stileid.u32;
	[bflag:$0x2] =	sbarrier.arrive $0xFFFF  }
0x635: {  	p0 =	sne.s32 s0, $0x0;
	s0 =	rddreg [dreg:$0x3]  }
0x636: {  	s0 =	sadd.s32 @!p0 $0x100000, s0  }
0x637: {  	[sflag:s0] =	ssyncadd.tile.s32 @!p0 $0x1;
	_ =	shalt  }
.Lfunc_end2:
_tile_overlayer_lowered:
.L_overlay_start_2:
0x638: {  	(tag) =	ssettag $0x2  }
0x639: {  	s0 =	rddreg [dreg:$0x0];
	s2 =	stileid.u32  }
0x63a: {  	s1 =	rddreg [dreg:$0x1];
	p0 =	sne.s32 s2, $0x0  }
0x63b: {  	s3 =	rddreg [dreg:$0x2];
	[bflag:$0x3] =	sbarrier.arrive $0xFFFF;
	s2 =	simm.s32 @!p0 $0x1C02  }
0x63c: {  	[timem:s3], [sflag:s2] =	dma.local @!p0 [hbm:s0], s1  }
0x63d: {  	s0 =	simm.s32 @!p0 $0x2  }
0x63e: {  	_ =	swait.ge @!p0 [sflag:s0], s1  }
0x63f: {  	s1 =	ssub.s32 @!p0 $0x0, s1;
	[sflag:s0] =	ssyncset.done @!p0 $0x0  }
0x640: {  	[sflag:s0] =	ssyncadd.s32 @!p0 s1  }
0x641: {  	[bflag:$0x3] =	sbarrier.arrive $0xFFFF  }
0x642: {  	_ =	shalt  }

</sc_bundles>
